<compile_context>
chip_gen: v7x
topology: tpu7x:2x2x1
jax: 0.10.2.dev20260603
libtpu: 0.0.44.dev20260713+nightly
codegen_flags: <defaults>
</compile_context>

<pallas_src>
import functools

import jax
import jax.numpy as jnp
from jax import lax
from jax.experimental import pallas as pl
from jax.experimental.pallas import tpu as pltpu
from jax.experimental.pallas import tpu_sc as plsc

D = 32
L = 50
B = 16384
N = B * L
NC = 2
NS = 16
NW = NC * NS
CH1 = 1024
NCH1 = N // NW // CH1
CH2 = 1024
UNITS = L * (B // CH2)
UPW = UNITS // NW

_mesh = plsc.VectorSubcoreMesh(core_axis_name="c", subcore_axis_name="s")


@jax.jit
def _sc_pipeline(xt_flat, wr, wi):
    @functools.partial(
        pl.kernel,
        mesh=_mesh,
        out_type=[
            jax.ShapeDtypeStruct((N, D), jnp.float32),
            jax.ShapeDtypeStruct((N, D), jnp.float32),
        ],
        scratch_types=[
            pltpu.VMEM((CH1,), jnp.int32),
            pltpu.VMEM((CH1, D), jnp.float32),
            pltpu.VMEM((CH1, D), jnp.float32),
            pltpu.SemaphoreType.DMA,
            pltpu.SemaphoreType.DMA,
        ],
        compiler_params=pltpu.CompilerParams(use_tc_tiling_on_sc=False),
    )
    def k1(x_hbm, wr_hbm, wi_hbm, outr_hbm, outi_hbm, idx_v, rr_v, ri_v, sem_r, sem_i):
        wid = lax.axis_index("s") * NC + lax.axis_index("c")
        base = wid * (N // NW)

        def body(ci, _):
            off = base + ci * CH1
            pltpu.sync_copy(x_hbm.at[pl.ds(off, CH1)], idx_v)
            cp_r = pltpu.async_copy(wr_hbm.at[idx_v], rr_v, sem_r)
            cp_i = pltpu.async_copy(wi_hbm.at[idx_v], ri_v, sem_i)
            cp_r.wait()
            cp_i.wait()
            pltpu.sync_copy(rr_v, outr_hbm.at[pl.ds(off, CH1)])
            pltpu.sync_copy(ri_v, outi_hbm.at[pl.ds(off, CH1)])
            return ()

        lax.fori_loop(0, NCH1, body, (), unroll=False)

    r_lin, i_lin = k1(xt_flat, wr, wi)
    r_flat = r_lin.reshape(-1)
    i_flat = i_lin.reshape(-1)

    @functools.partial(
        pl.kernel,
        mesh=_mesh,
        out_type=[
            jax.ShapeDtypeStruct((L, D, B), jnp.float32),
            jax.ShapeDtypeStruct((L, D, B), jnp.float32),
        ],
        scratch_types=[
            pltpu.VMEM((CH2 * D,), jnp.float32),
            pltpu.VMEM((D, CH2), jnp.float32),
        ],
        compiler_params=pltpu.CompilerParams(use_tc_tiling_on_sc=True, needs_layout_passes=False),
    )
    def k2(rf_hbm, if_hbm, outr_hbm, outi_hbm, rows_v, t_v):
        wid = lax.axis_index("s") * NC + lax.axis_index("c")
        iota32 = lax.iota(jnp.int32, 16) * D

        def transpose_plane(src_hbm, dst_hbm, l, b0):
            base = (l * B + b0) * D
            pltpu.sync_copy(src_hbm.at[pl.ds(base, CH2 * D)], rows_v)

            def grp_body(g, _):
                colbase = iota32 + g * (16 * D)
                for d in range(D):
                    vals = plsc.load_gather(rows_v, [colbase + d])
                    t_v[d, pl.ds(g * 16, 16)] = vals
                return ()

            lax.fori_loop(0, CH2 // 16, grp_body, (), unroll=4)
            pltpu.sync_copy(t_v, dst_hbm.at[l, :, pl.ds(b0, CH2)])

        def body(ui, _):
            u = wid * UPW + ui
            l = u // (B // CH2)
            b0 = (u % (B // CH2)) * CH2
            transpose_plane(rf_hbm, outr_hbm, l, b0)
            transpose_plane(if_hbm, outi_hbm, l, b0)
            return ()

        lax.fori_loop(0, UPW, body, (), unroll=False)

    return k2(r_flat, i_flat)


def kernel(x, W_real, W_imag):
    xt_flat = x.T.reshape(-1)
    r_t, i_t = _sc_pipeline(xt_flat, W_real, W_imag)
    return lax.complex(r_t, i_t).transpose(2, 0, 1)

# --- scband reference (transcript-rebuilt; emitter-appended) ---
"""Pipeline reference for scband-agcomplex-embedding-62105227100472 (READ-ONLY COPY).

The authoritative reference and input builder live on the scoring server;
editing this copy changes nothing except your own understanding.
"""

import jax, jax.numpy as jnp
import numpy as np

NUM_EMBEDDINGS = 1000000
EMBEDDING_DIM = 32
B = 16384
L = 50


def setup_inputs(seed: int = 0) -> dict:
    key = jax.random.key(seed)
    k1, k2, k3 = jax.random.split(key, 3)
    # Complex weight initialized near the unit circle, stored as real/imag parts
    wr = jax.random.normal(k1, (NUM_EMBEDDINGS, EMBEDDING_DIM), dtype=jnp.float32)
    wi = jax.random.normal(k2, (NUM_EMBEDDINGS, EMBEDDING_DIM), dtype=jnp.float32)
    mag = jnp.sqrt(wr * wr + wi * wi) + 1e-09
    wr = wr / mag
    wi = wi / mag
    x = jax.random.randint(k3, (B, L), 0, NUM_EMBEDDINGS, dtype=jnp.int32)
    return {"x": x, "W_real": wr, "W_imag": wi}


def reference(x, W_real, W_imag):
    # weight is a complex64 table; forward is a plain embedding gather
    weight = jax.lax.complex(W_real, W_imag)
    return jnp.take(weight, x, axis=0)

if __name__ == "__main__":
    import jax
    _d = setup_inputs()
    print(jax.jit(kernel)(*tuple(_d.values())))

</pallas_src>

<mosaic_0001>
#map = affine_map<(d0, d1) -> (0)>
#map1 = affine_map<(d0, d1) -> (0, 0)>
module attributes {stable_mosaic.version = 14 : i64} {
  func.func @k1(%arg0: i32, %arg1: i32, %arg2: memref<819200xi32, #tpu.memory_space<hbm>>, %arg3: memref<1000000x32xf32, #tpu.memory_space<hbm>>, %arg4: memref<1000000x32xf32, #tpu.memory_space<hbm>>, %arg5: memref<819200x32xf32, #tpu.memory_space<hbm>>, %arg6: memref<819200x32xf32, #tpu.memory_space<hbm>>, %arg7: memref<1024xi32, #tpu.memory_space<vmem>>, %arg8: memref<1024x32xf32, #tpu.memory_space<vmem>>, %arg9: memref<1024x32xf32, #tpu.memory_space<vmem>>, %arg10: memref<!tpu.dma_semaphore, #tpu.memory_space<semaphore_mem>>, %arg11: memref<!tpu.dma_semaphore, #tpu.memory_space<semaphore_mem>>) attributes {dimension_semantics = [#tpu.dimension_semantics<core_parallel>, #tpu.dimension_semantics<subcore_parallel>], iteration_bounds = array<i64: 2, 16>, scalar_prefetch = 0 : i64, scratch_operands = 5 : i64, tpu.core_type = #tpu.core_type<sc_vector_subcore>, window_params = [{transform_indices = #map}, {transform_indices = #map1}, {transform_indices = #map1}, {transform_indices = #map1}, {transform_indices = #map1}]} {
    %mul3A = arith.constant 2 : i32
    %mul3A_0 = arith.muli %arg1, %mul3A : i32
    %add3A = arith.addi %mul3A_0, %arg0 : i32
    %mul3A_1 = arith.constant 25600 : i32
    %mul3A_2 = arith.muli %add3A, %mul3A_1 : i32
    %scan3A = arith.constant 0 : i32
    %scan3A_3 = arith.constant 25 : i32
    %scan3A_4 = arith.addi %scan3A, %scan3A_3 : i32
    %scan3A_5 = arith.constant 1 : i32
    scf.for %scan3A_7 = %scan3A to %scan3A_4 step %scan3A_5  : i32 {
      %mul3A_8 = arith.constant 1024 : i32
      %mul3A_9 = arith.muli %scan3A_7, %mul3A_8 : i32
      %add3A_10 = arith.addi %mul3A_2, %mul3A_9 : i32
      "tpu.region"() ({
        %run_scoped3A = tpu.sem_alloc : memref<!tpu.dma_semaphore, #tpu.memory_space<semaphore_mem>>
        %dma_start3A_21 = tpu.memref_slice %arg2[%add3A_10] : memref<819200xi32, #tpu.memory_space<hbm>> -> memref<1024xi32, #tpu.memory_space<hbm>>
        %dma_start3A_22 = tpu.memref_slice %arg2[%add3A_10] : memref<819200xi32, #tpu.memory_space<hbm>> -> memref<1024xi32, #tpu.memory_space<hbm>>
        tpu.enqueue_dma source(%dma_start3A_22 : memref<1024xi32, #tpu.memory_space<hbm>>) target(%arg7 : memref<1024xi32, #tpu.memory_space<vmem>>) target_semaphore(%run_scoped3A : memref<!tpu.dma_semaphore, #tpu.memory_space<semaphore_mem>>)
        %dma_wait3A_23 = tpu.memref_slice %arg2[%add3A_10] : memref<819200xi32, #tpu.memory_space<hbm>> -> memref<1024xi32, #tpu.memory_space<hbm>>
        %dma_wait3A_24 = tpu.memref_slice %arg2[%add3A_10] : memref<819200xi32, #tpu.memory_space<hbm>> -> memref<1024xi32, #tpu.memory_space<hbm>>
        tpu.wait_dma2 semaphore(%run_scoped3A : memref<!tpu.dma_semaphore, #tpu.memory_space<semaphore_mem>>) src(%dma_wait3A_24 : memref<1024xi32, #tpu.memory_space<hbm>>) dst(%arg7 : memref<1024xi32, #tpu.memory_space<vmem>>)
        tpu.yield
      }) : () -> ()
      %dma_start3A = arith.constant 0 : i32
      %dma_start3A_11 = arith.constant 0 : i32
      %dma_start3A_12 = tpu.memref_slice %arg3[%dma_start3A, %dma_start3A_11] : memref<1000000x32xf32, #tpu.memory_space<hbm>> -> memref<1000000x32xf32, #tpu.memory_space<hbm>>
      tpu.enqueue_indirect_dma source(%dma_start3A_12 : memref<1000000x32xf32, #tpu.memory_space<hbm>>) target(%arg8 : memref<1024x32xf32, #tpu.memory_space<vmem>>) offsets(%arg7 : memref<1024xi32, #tpu.memory_space<vmem>>) semaphore(%arg10 : memref<!tpu.dma_semaphore, #tpu.memory_space<semaphore_mem>>)
      %dma_start3A_13 = arith.constant 0 : i32
      %dma_start3A_14 = arith.constant 0 : i32
      %dma_start3A_15 = tpu.memref_slice %arg4[%dma_start3A_13, %dma_start3A_14] : memref<1000000x32xf32, #tpu.memory_space<hbm>> -> memref<1000000x32xf32, #tpu.memory_space<hbm>>
      tpu.enqueue_indirect_dma source(%dma_start3A_15 : memref<1000000x32xf32, #tpu.memory_space<hbm>>) target(%arg9 : memref<1024x32xf32, #tpu.memory_space<vmem>>) offsets(%arg7 : memref<1024xi32, #tpu.memory_space<vmem>>) semaphore(%arg11 : memref<!tpu.dma_semaphore, #tpu.memory_space<semaphore_mem>>)
      %dma_wait3A = arith.constant 0 : i32
      %dma_wait3A_16 = arith.constant 0 : i32
      %dma_wait3A_17 = tpu.memref_slice %arg3[%dma_wait3A, %dma_wait3A_16] : memref<1000000x32xf32, #tpu.memory_space<hbm>> -> memref<1000000x32xf32, #tpu.memory_space<hbm>>
      tpu.wait_indirect_dma semaphore(%arg10 : memref<!tpu.dma_semaphore, #tpu.memory_space<semaphore_mem>>) src(%dma_wait3A_17 : memref<1000000x32xf32, #tpu.memory_space<hbm>>) dst(%arg8 : memref<1024x32xf32, #tpu.memory_space<vmem>>)
      %dma_wait3A_18 = arith.constant 0 : i32
      %dma_wait3A_19 = arith.constant 0 : i32
      %dma_wait3A_20 = tpu.memref_slice %arg4[%dma_wait3A_18, %dma_wait3A_19] : memref<1000000x32xf32, #tpu.memory_space<hbm>> -> memref<1000000x32xf32, #tpu.memory_space<hbm>>
      tpu.wait_indirect_dma semaphore(%arg11 : memref<!tpu.dma_semaphore, #tpu.memory_space<semaphore_mem>>) src(%dma_wait3A_20 : memref<1000000x32xf32, #tpu.memory_space<hbm>>) dst(%arg9 : memref<1024x32xf32, #tpu.memory_space<vmem>>)
      "tpu.region"() ({
        %run_scoped3A = tpu.sem_alloc : memref<!tpu.dma_semaphore, #tpu.memory_space<semaphore_mem>>
        %dma_start3A_21 = arith.constant 0 : i32
        %dma_start3A_22 = tpu.memref_slice %arg5[%add3A_10, %dma_start3A_21] : memref<819200x32xf32, #tpu.memory_space<hbm>> -> memref<1024x32xf32, #tpu.memory_space<hbm>>
        %dma_start3A_23 = arith.constant 0 : i32
        %dma_start3A_24 = tpu.memref_slice %arg5[%add3A_10, %dma_start3A_23] : memref<819200x32xf32, #tpu.memory_space<hbm>> -> memref<1024x32xf32, #tpu.memory_space<hbm>>
        tpu.enqueue_dma source(%arg8 : memref<1024x32xf32, #tpu.memory_space<vmem>>) target(%dma_start3A_24 : memref<1024x32xf32, #tpu.memory_space<hbm>>) target_semaphore(%run_scoped3A : memref<!tpu.dma_semaphore, #tpu.memory_space<semaphore_mem>>)
        %dma_wait3A_25 = arith.constant 0 : i32
        %dma_wait3A_26 = tpu.memref_slice %arg5[%add3A_10, %dma_wait3A_25] : memref<819200x32xf32, #tpu.memory_space<hbm>> -> memref<1024x32xf32, #tpu.memory_space<hbm>>
        %dma_wait3A_27 = arith.constant 0 : i32
        %dma_wait3A_28 = tpu.memref_slice %arg5[%add3A_10, %dma_wait3A_27] : memref<819200x32xf32, #tpu.memory_space<hbm>> -> memref<1024x32xf32, #tpu.memory_space<hbm>>
        tpu.wait_dma2 semaphore(%run_scoped3A : memref<!tpu.dma_semaphore, #tpu.memory_space<semaphore_mem>>) src(%arg8 : memref<1024x32xf32, #tpu.memory_space<vmem>>) dst(%dma_wait3A_28 : memref<1024x32xf32, #tpu.memory_space<hbm>>)
        tpu.yield
      }) : () -> ()
      "tpu.region"() ({
        %run_scoped3A = tpu.sem_alloc : memref<!tpu.dma_semaphore, #tpu.memory_space<semaphore_mem>>
        %dma_start3A_21 = arith.constant 0 : i32
        %dma_start3A_22 = tpu.memref_slice %arg6[%add3A_10, %dma_start3A_21] : memref<819200x32xf32, #tpu.memory_space<hbm>> -> memref<1024x32xf32, #tpu.memory_space<hbm>>
        %dma_start3A_23 = arith.constant 0 : i32
        %dma_start3A_24 = tpu.memref_slice %arg6[%add3A_10, %dma_start3A_23] : memref<819200x32xf32, #tpu.memory_space<hbm>> -> memref<1024x32xf32, #tpu.memory_space<hbm>>
        tpu.enqueue_dma source(%arg9 : memref<1024x32xf32, #tpu.memory_space<vmem>>) target(%dma_start3A_24 : memref<1024x32xf32, #tpu.memory_space<hbm>>) target_semaphore(%run_scoped3A : memref<!tpu.dma_semaphore, #tpu.memory_space<semaphore_mem>>)
        %dma_wait3A_25 = arith.constant 0 : i32
        %dma_wait3A_26 = tpu.memref_slice %arg6[%add3A_10, %dma_wait3A_25] : memref<819200x32xf32, #tpu.memory_space<hbm>> -> memref<1024x32xf32, #tpu.memory_space<hbm>>
        %dma_wait3A_27 = arith.constant 0 : i32
        %dma_wait3A_28 = tpu.memref_slice %arg6[%add3A_10, %dma_wait3A_27] : memref<819200x32xf32, #tpu.memory_space<hbm>> -> memref<1024x32xf32, #tpu.memory_space<hbm>>
        tpu.wait_dma2 semaphore(%run_scoped3A : memref<!tpu.dma_semaphore, #tpu.memory_space<semaphore_mem>>) src(%arg9 : memref<1024x32xf32, #tpu.memory_space<vmem>>) dst(%dma_wait3A_28 : memref<1024x32xf32, #tpu.memory_space<hbm>>)
        tpu.yield
      }) : () -> ()
    }
    %scan3A_6 = arith.constant 25 : i32
    return
  }
}

#map = affine_map<(d0, d1) -> (0)>
#map1 = affine_map<(d0, d1) -> (0, 0, 0)>
module attributes {stable_mosaic.version = 14 : i64} {
  func.func @k2(%arg0: i32, %arg1: i32, %arg2: memref<26214400xf32, #tpu.memory_space<hbm>>, %arg3: memref<26214400xf32, #tpu.memory_space<hbm>>, %arg4: memref<50x32x16384xf32, #tpu.memory_space<hbm>>, %arg5: memref<50x32x16384xf32, #tpu.memory_space<hbm>>, %arg6: memref<32768xf32, #tpu.memory_space<vmem>>, %arg7: memref<32x1024xf32, #tpu.memory_space<vmem>>) attributes {dimension_semantics = [#tpu.dimension_semantics<core_parallel>, #tpu.dimension_semantics<subcore_parallel>], iteration_bounds = array<i64: 2, 16>, scalar_prefetch = 0 : i64, scratch_operands = 2 : i64, tpu.core_type = #tpu.core_type<sc_vector_subcore>, window_params = [{transform_indices = #map}, {transform_indices = #map}, {transform_indices = #map1}, {transform_indices = #map1}]} {
    %mul3A = arith.constant 2 : i32
    %mul3A_0 = arith.muli %arg1, %mul3A : i32
    %add3A = arith.addi %mul3A_0, %arg0 : i32
    %iota3A = tpu.iota {dimensions = array<i32: 0>} : vector<16xi32>
    %mul3A_1 = arith.constant 32 : i32
    %mul3A_2 = vector.broadcast %mul3A_1 : i32 to vector<16xi32>
    %mul3A_3 = arith.muli %iota3A, %mul3A_2 : vector<16xi32>
    %scan3A = arith.constant 0 : i32
    %scan3A_4 = arith.constant 25 : i32
    %scan3A_5 = arith.addi %scan3A, %scan3A_4 : i32
    %scan3A_6 = arith.constant 1 : i32
    scf.for %scan3A_8 = %scan3A to %scan3A_5 step %scan3A_6  : i32 {
      %mul3A_9 = arith.constant 25 : i32
      %mul3A_10 = arith.muli %add3A, %mul3A_9 : i32
      %add3A_11 = arith.addi %mul3A_10, %scan3A_8 : i32
      %jit3A = arith.constant 16 : i32
      %div3A = arith.divsi %add3A_11, %jit3A : i32
      %sign3A = arith.constant 0 : i32
      %sign3A_12 = arith.cmpi sgt, %add3A_11, %sign3A : i32
      %sign3A_13 = arith.extui %sign3A_12 : i1 to i32
      %sign3A_14 = arith.constant 0 : i32
      %sign3A_15 = arith.cmpi slt, %add3A_11, %sign3A_14 : i32
      %sign3A_16 = arith.extui %sign3A_15 : i1 to i32
      %sign3A_17 = arith.subi %sign3A_13, %sign3A_16 : i32
      %sign3A_18 = arith.constant 0 : i32
      %sign3A_19 = arith.cmpi sgt, %jit3A, %sign3A_18 : i32
      %sign3A_20 = arith.extui %sign3A_19 : i1 to i32
      %sign3A_21 = arith.constant 0 : i32
      %sign3A_22 = arith.cmpi slt, %jit3A, %sign3A_21 : i32
      %sign3A_23 = arith.extui %sign3A_22 : i1 to i32
      %sign3A_24 = arith.subi %sign3A_20, %sign3A_23 : i32
      %ne3A = arith.cmpi ne, %sign3A_17, %sign3A_24 : i32
      %rem3A = arith.remsi %add3A_11, %jit3A : i32
      %ne3A_25 = arith.constant 0 : i32
      %ne3A_26 = arith.cmpi ne, %rem3A, %ne3A_25 : i32
      %and3A = arith.andi %ne3A, %ne3A_26 : i1
      %sub3A = arith.constant 1 : i32
      %sub3A_27 = arith.subi %div3A, %sub3A : i32
      %select_n3A = arith.select %and3A, %sub3A_27, %div3A : i32
      %jit3A_28 = arith.constant 16 : i32
      %eq3A = arith.constant 0 : i32
      %eq3A_29 = arith.cmpi eq, %jit3A_28, %eq3A : i32
      %jit3A_30 = arith.constant 1 : i32
      %select_n3A_31 = arith.select %eq3A_29, %jit3A_30, %jit3A_28 : i32
      %rem3A_32 = arith.remsi %add3A_11, %select_n3A_31 : i32
      %ne3A_33 = arith.constant 0 : i32
      %ne3A_34 = arith.cmpi ne, %rem3A_32, %ne3A_33 : i32
      %lt3A = arith.constant 0 : i32
      %lt3A_35 = arith.cmpi slt, %rem3A_32, %lt3A : i32
      %lt3A_36 = arith.constant 0 : i32
      %lt3A_37 = arith.cmpi slt, %select_n3A_31, %lt3A_36 : i32
      %ne3A_38 = arith.xori %lt3A_35, %lt3A_37 : i1
      %and3A_39 = arith.andi %ne3A_38, %ne3A_34 : i1
      %add3A_40 = arith.addi %rem3A_32, %select_n3A_31 : i32
      %select_n3A_41 = arith.select %and3A_39, %add3A_40, %rem3A_32 : i32
      %mul3A_42 = arith.constant 1024 : i32
      %mul3A_43 = arith.muli %select_n3A_41, %mul3A_42 : i32
      %mul3A_44 = arith.constant 16384 : i32
      %mul3A_45 = arith.muli %select_n3A, %mul3A_44 : i32
      %add3A_46 = arith.addi %mul3A_45, %mul3A_43 : i32
      %mul3A_47 = arith.constant 32 : i32
      %mul3A_48 = arith.muli %add3A_46, %mul3A_47 : i32
      "tpu.region"() ({
        %run_scoped3A = tpu.sem_alloc : memref<!tpu.dma_semaphore, #tpu.memory_space<semaphore_mem>>
        %dma_start3A = tpu.memref_slice %arg2[%mul3A_48] : memref<26214400xf32, #tpu.memory_space<hbm>> -> memref<32768xf32, #tpu.memory_space<hbm>>
        %dma_start3A_64 = tpu.memref_slice %arg2[%mul3A_48] : memref<26214400xf32, #tpu.memory_space<hbm>> -> memref<32768xf32, #tpu.memory_space<hbm>>
        tpu.enqueue_dma source(%dma_start3A_64 : memref<32768xf32, #tpu.memory_space<hbm>>) target(%arg6 : memref<32768xf32, #tpu.memory_space<vmem>>) target_semaphore(%run_scoped3A : memref<!tpu.dma_semaphore, #tpu.memory_space<semaphore_mem>>)
        %dma_wait3A = tpu.memref_slice %arg2[%mul3A_48] : memref<26214400xf32, #tpu.memory_space<hbm>> -> memref<32768xf32, #tpu.memory_space<hbm>>
        %dma_wait3A_65 = tpu.memref_slice %arg2[%mul3A_48] : memref<26214400xf32, #tpu.memory_space<hbm>> -> memref<32768xf32, #tpu.memory_space<hbm>>
        tpu.wait_dma2 semaphore(%run_scoped3A : memref<!tpu.dma_semaphore, #tpu.memory_space<semaphore_mem>>) src(%dma_wait3A_65 : memref<32768xf32, #tpu.memory_space<hbm>>) dst(%arg6 : memref<32768xf32, #tpu.memory_space<vmem>>)
        tpu.yield
      }) : () -> ()
      %scan3A_49 = arith.constant 0 : i32
      %scan3A_50 = arith.constant 64 : i32
      %scan3A_51 = arith.addi %scan3A_49, %scan3A_50 : i32
      %scan3A_52 = arith.constant 4 : i32
      scf.for %scan3A_64 = %scan3A_49 to %scan3A_51 step %scan3A_52  : i32 {
        %mul3A_65 = arith.constant 512 : i32
        %mul3A_66 = arith.muli %scan3A_64, %mul3A_65 : i32
        %add3A_67 = vector.broadcast %mul3A_66 : i32 to vector<16xi32>
        %add3A_68 = arith.addi %mul3A_3, %add3A_67 : vector<16xi32>
        %add3A_69 = arith.constant 0 : i32
        %add3A_70 = vector.broadcast %add3A_69 : i32 to vector<16xi32>
        %add3A_71 = arith.addi %add3A_68, %add3A_70 : vector<16xi32>
        %gather3A = tpu.vector_load_idx %arg6[%add3A_71] : memref<32768xf32, #tpu.memory_space<vmem>>[vector<16xi32>], vector<16xf32>,
        %mul3A_72 = arith.constant 16 : i32
        %mul3A_73 = arith.muli %scan3A_64, %mul3A_72 : i32
        %swap3A = arith.constant 0 : i32
        %swap3A_74 = arith.index_cast %swap3A : i32 to index
        %swap3A_75 = arith.index_cast %mul3A_73 : i32 to index
        %swap3A_76 = tpu.vector_load %arg7[%swap3A_74, %swap3A_75] {strides = array<i32>} : memref<32x1024xf32, #tpu.memory_space<vmem>>, vector<16xf32>,
        tpu.vector_store %arg7[%swap3A_74, %swap3A_75], %gather3A {strides = array<i32>} : memref<32x1024xf32, #tpu.memory_space<vmem>>, vector<16xf32>,
        %add3A_77 = arith.constant 1 : i32
        %add3A_78 = vector.broadcast %add3A_77 : i32 to vector<16xi32>
        %add3A_79 = arith.addi %add3A_68, %add3A_78 : vector<16xi32>
        %gather3A_80 = tpu.vector_load_idx %arg6[%add3A_79] : memref<32768xf32, #tpu.memory_space<vmem>>[vector<16xi32>], vector<16xf32>,
        %mul3A_81 = arith.constant 16 : i32
        %mul3A_82 = arith.muli %scan3A_64, %mul3A_81 : i32
        %swap3A_83 = arith.constant 1 : i32
        %swap3A_84 = arith.index_cast %swap3A_83 : i32 to index
        %swap3A_85 = arith.index_cast %mul3A_82 : i32 to index
        %swap3A_86 = tpu.vector_load %arg7[%swap3A_84, %swap3A_85] {strides = array<i32>} : memref<32x1024xf32, #tpu.memory_space<vmem>>, vector<16xf32>,
        tpu.vector_store %arg7[%swap3A_84, %swap3A_85], %gather3A_80 {strides = array<i32>} : memref<32x1024xf32, #tpu.memory_space<vmem>>, vector<16xf32>,
        %add3A_87 = arith.constant 2 : i32
        %add3A_88 = vector.broadcast %add3A_87 : i32 to vector<16xi32>
        %add3A_89 = arith.addi %add3A_68, %add3A_88 : vector<16xi32>
        %gather3A_90 = tpu.vector_load_idx %arg6[%add3A_89] : memref<32768xf32, #tpu.memory_space<vmem>>[vector<16xi32>], vector<16xf32>,
        %mul3A_91 = arith.constant 16 : i32
        %mul3A_92 = arith.muli %scan3A_64, %mul3A_91 : i32
        %swap3A_93 = arith.constant 2 : i32
        %swap3A_94 = arith.index_cast %swap3A_93 : i32 to index
        %swap3A_95 = arith.index_cast %mul3A_92 : i32 to index
        %swap3A_96 = tpu.vector_load %arg7[%swap3A_94, %swap3A_95] {strides = array<i32>} : memref<32x1024xf32, #tpu.memory_space<vmem>>, vector<16xf32>,
        tpu.vector_store %arg7[%swap3A_94, %swap3A_95], %gather3A_90 {strides = array<i32>} : memref<32x1024xf32, #tpu.memory_space<vmem>>, vector<16xf32>,
        %add3A_97 = arith.constant 3 : i32
        %add3A_98 = vector.broadcast %add3A_97 : i32 to vector<16xi32>
        %add3A_99 = arith.addi %add3A_68, %add3A_98 : vector<16xi32>
        %gather3A_100 = tpu.vector_load_idx %arg6[%add3A_99] : memref<32768xf32, #tpu.memory_space<vmem>>[vector<16xi32>], vector<16xf32>,
        %mul3A_101 = arith.constant 16 : i32
        %mul3A_102 = arith.muli %scan3A_64, %mul3A_101 : i32
        %swap3A_103 = arith.constant 3 : i32
        %swap3A_104 = arith.index_cast %swap3A_103 : i32 to index
        %swap3A_105 = arith.index_cast %mul3A_102 : i32 to index
        %swap3A_106 = tpu.vector_load %arg7[%swap3A_104, %swap3A_105] {strides = array<i32>} : memref<32x1024xf32, #tpu.memory_space<vmem>>, vector<16xf32>,
        tpu.vector_store %arg7[%swap3A_104, %swap3A_105], %gather3A_100 {strides = array<i32>} : memref<32x1024xf32, #tpu.memory_space<vmem>>, vector<16xf32>,
        %add3A_107 = arith.constant 4 : i32
        %add3A_108 = vector.broadcast %add3A_107 : i32 to vector<16xi32>
        %add3A_109 = arith.addi %add3A_68, %add3A_108 : vector<16xi32>
        %gather3A_110 = tpu.vector_load_idx %arg6[%add3A_109] : memref<32768xf32, #tpu.memory_space<vmem>>[vector<16xi32>], vector<16xf32>,
        %mul3A_111 = arith.constant 16 : i32
        %mul3A_112 = arith.muli %scan3A_64, %mul3A_111 : i32
        %swap3A_113 = arith.constant 4 : i32
        %swap3A_114 = arith.index_cast %swap3A_113 : i32 to index
        %swap3A_115 = arith.index_cast %mul3A_112 : i32 to index
        %swap3A_116 = tpu.vector_load %arg7[%swap3A_114, %swap3A_115] {strides = array<i32>} : memref<32x1024xf32, #tpu.memory_space<vmem>>, vector<16xf32>,
        tpu.vector_store %arg7[%swap3A_114, %swap3A_115], %gather3A_110 {strides = array<i32>} : memref<32x1024xf32, #tpu.memory_space<vmem>>, vector<16xf32>,
        %add3A_117 = arith.constant 5 : i32
        %add3A_118 = vector.broadcast %add3A_117 : i32 to vector<16xi32>
        %add3A_119 = arith.addi %add3A_68, %add3A_118 : vector<16xi32>
        %gather3A_120 = tpu.vector_load_idx %arg6[%add3A_119] : memref<32768xf32, #tpu.memory_space<vmem>>[vector<16xi32>], vector<16xf32>,
        %mul3A_121 = arith.constant 16 : i32
        %mul3A_122 = arith.muli %scan3A_64, %mul3A_121 : i32
        %swap3A_123 = arith.constant 5 : i32
        %swap3A_124 = arith.index_cast %swap3A_123 : i32 to index
        %swap3A_125 = arith.index_cast %mul3A_122 : i32 to index
        %swap3A_126 = tpu.vector_load %arg7[%swap3A_124, %swap3A_125] {strides = array<i32>} : memref<32x1024xf32, #tpu.memory_space<vmem>>, vector<16xf32>,
        tpu.vector_store %arg7[%swap3A_124, %swap3A_125], %gather3A_120 {strides = array<i32>} : memref<32x1024xf32, #tpu.memory_space<vmem>>, vector<16xf32>,
        %add3A_127 = arith.constant 6 : i32
        %add3A_128 = vector.broadcast %add3A_127 : i32 to vector<16xi32>
        %add3A_129 = arith.addi %add3A_68, %add3A_128 : vector<16xi32>
        %gather3A_130 = tpu.vector_load_idx %arg6[%add3A_129] : memref<32768xf32, #tpu.memory_space<vmem>>[vector<16xi32>], vector<16xf32>,
        %mul3A_131 = arith.constant 16 : i32
        %mul3A_132 = arith.muli %scan3A_64, %mul3A_131 : i32
        %swap3A_133 = arith.constant 6 : i32
        %swap3A_134 = arith.index_cast %swap3A_133 : i32 to index
        %swap3A_135 = arith.index_cast %mul3A_132 : i32 to index
        %swap3A_136 = tpu.vector_load %arg7[%swap3A_134, %swap3A_135] {strides = array<i32>} : memref<32x1024xf32, #tpu.memory_space<vmem>>, vector<16xf32>,
        tpu.vector_store %arg7[%swap3A_134, %swap3A_135], %gather3A_130 {strides = array<i32>} : memref<32x1024xf32, #tpu.memory_space<vmem>>, vector<16xf32>,
        %add3A_137 = arith.constant 7 : i32
        %add3A_138 = vector.broadcast %add3A_137 : i32 to vector<16xi32>
        %add3A_139 = arith.addi %add3A_68, %add3A_138 : vector<16xi32>
        %gather3A_140 = tpu.vector_load_idx %arg6[%add3A_139] : memref<32768xf32, #tpu.memory_space<vmem>>[vector<16xi32>], vector<16xf32>,
        %mul3A_141 = arith.constant 16 : i32
        %mul3A_142 = arith.muli %scan3A_64, %mul3A_141 : i32
        %swap3A_143 = arith.constant 7 : i32
        %swap3A_144 = arith.index_cast %swap3A_143 : i32 to index
        %swap3A_145 = arith.index_cast %mul3A_142 : i32 to index
        %swap3A_146 = tpu.vector_load %arg7[%swap3A_144, %swap3A_145] {strides = array<i32>} : memref<32x1024xf32, #tpu.memory_space<vmem>>, vector<16xf32>,
        tpu.vector_store %arg7[%swap3A_144, %swap3A_145], %gather3A_140 {strides = array<i32>} : memref<32x1024xf32, #tpu.memory_space<vmem>>, vector<16xf32>,
        %add3A_147 = arith.constant 8 : i32
        %add3A_148 = vector.broadcast %add3A_147 : i32 to vector<16xi32>
        %add3A_149 = arith.addi %add3A_68, %add3A_148 : vector<16xi32>
        %gather3A_150 = tpu.vector_load_idx %arg6[%add3A_149] : memref<32768xf32, #tpu.memory_space<vmem>>[vector<16xi32>], vector<16xf32>,
        %mul3A_151 = arith.constant 16 : i32
        %mul3A_152 = arith.muli %scan3A_64, %mul3A_151 : i32
        %swap3A_153 = arith.constant 8 : i32
        %swap3A_154 = arith.index_cast %swap3A_153 : i32 to index
        %swap3A_155 = arith.index_cast %mul3A_152 : i32 to index
        %swap3A_156 = tpu.vector_load %arg7[%swap3A_154, %swap3A_155] {strides = array<i32>} : memref<32x1024xf32, #tpu.memory_space<vmem>>, vector<16xf32>,
        tpu.vector_store %arg7[%swap3A_154, %swap3A_155], %gather3A_150 {strides = array<i32>} : memref<32x1024xf32, #tpu.memory_space<vmem>>, vector<16xf32>,
        %add3A_157 = arith.constant 9 : i32
        %add3A_158 = vector.broadcast %add3A_157 : i32 to vector<16xi32>
        %add3A_159 = arith.addi %add3A_68, %add3A_158 : vector<16xi32>
        %gather3A_160 = tpu.vector_load_idx %arg6[%add3A_159] : memref<32768xf32, #tpu.memory_space<vmem>>[vector<16xi32>], vector<16xf32>,
        %mul3A_161 = arith.constant 16 : i32
        %mul3A_162 = arith.muli %scan3A_64, %mul3A_161 : i32
        %swap3A_163 = arith.constant 9 : i32
        %swap3A_164 = arith.index_cast %swap3A_163 : i32 to index
        %swap3A_165 = arith.index_cast %mul3A_162 : i32 to index
        %swap3A_166 = tpu.vector_load %arg7[%swap3A_164, %swap3A_165] {strides = array<i32>} : memref<32x1024xf32, #tpu.memory_space<vmem>>, vector<16xf32>,
        tpu.vector_store %arg7[%swap3A_164, %swap3A_165], %gather3A_160 {strides = array<i32>} : memref<32x1024xf32, #tpu.memory_space<vmem>>, vector<16xf32>,
        %add3A_167 = arith.constant 10 : i32
        %add3A_168 = vector.broadcast %add3A_167 : i32 to vector<16xi32>
        %add3A_169 = arith.addi %add3A_68, %add3A_168 : vector<16xi32>
        %gather3A_170 = tpu.vector_load_idx %arg6[%add3A_169] : memref<32768xf32, #tpu.memory_space<vmem>>[vector<16xi32>], vector<16xf32>,
        %mul3A_171 = arith.constant 16 : i32
        %mul3A_172 = arith.muli %scan3A_64, %mul3A_171 : i32
        %swap3A_173 = arith.constant 10 : i32
        %swap3A_174 = arith.index_cast %swap3A_173 : i32 to index
        %swap3A_175 = arith.index_cast %mul3A_172 : i32 to index
        %swap3A_176 = tpu.vector_load %arg7[%swap3A_174, %swap3A_175] {strides = array<i32>} : memref<32x1024xf32, #tpu.memory_space<vmem>>, vector<16xf32>,
        tpu.vector_store %arg7[%swap3A_174, %swap3A_175], %gather3A_170 {strides = array<i32>} : memref<32x1024xf32, #tpu.memory_space<vmem>>, vector<16xf32>,
        %add3A_177 = arith.constant 11 : i32
        %add3A_178 = vector.broadcast %add3A_177 : i32 to vector<16xi32>
        %add3A_179 = arith.addi %add3A_68, %add3A_178 : vector<16xi32>
        %gather3A_180 = tpu.vector_load_idx %arg6[%add3A_179] : memref<32768xf32, #tpu.memory_space<vmem>>[vector<16xi32>], vector<16xf32>,
        %mul3A_181 = arith.constant 16 : i32
        %mul3A_182 = arith.muli %scan3A_64, %mul3A_181 : i32
        %swap3A_183 = arith.constant 11 : i32
        %swap3A_184 = arith.index_cast %swap3A_183 : i32 to index
        %swap3A_185 = arith.index_cast %mul3A_182 : i32 to index
        %swap3A_186 = tpu.vector_load %arg7[%swap3A_184, %swap3A_185] {strides = array<i32>} : memref<32x1024xf32, #tpu.memory_space<vmem>>, vector<16xf32>,
        tpu.vector_store %arg7[%swap3A_184, %swap3A_185], %gather3A_180 {strides = array<i32>} : memref<32x1024xf32, #tpu.memory_space<vmem>>, vector<16xf32>,
        %add3A_187 = arith.constant 12 : i32
        %add3A_188 = vector.broadcast %add3A_187 : i32 to vector<16xi32>
        %add3A_189 = arith.addi %add3A_68, %add3A_188 : vector<16xi32>
        %gather3A_190 = tpu.vector_load_idx %arg6[%add3A_189] : memref<32768xf32, #tpu.memory_space<vmem>>[vector<16xi32>], vector<16xf32>,
        %mul3A_191 = arith.constant 16 : i32
        %mul3A_192 = arith.muli %scan3A_64, %mul3A_191 : i32
        %swap3A_193 = arith.constant 12 : i32
        %swap3A_194 = arith.index_cast %swap3A_193 : i32 to index
        %swap3A_195 = arith.index_cast %mul3A_192 : i32 to index
        %swap3A_196 = tpu.vector_load %arg7[%swap3A_194, %swap3A_195] {strides = array<i32>} : memref<32x1024xf32, #tpu.memory_space<vmem>>, vector<16xf32>,
        tpu.vector_store %arg7[%swap3A_194, %swap3A_195], %gather3A_190 {strides = array<i32>} : memref<32x1024xf32, #tpu.memory_space<vmem>>, vector<16xf32>,
        %add3A_197 = arith.constant 13 : i32
        %add3A_198 = vector.broadcast %add3A_197 : i32 to vector<16xi32>
        %add3A_199 = arith.addi %add3A_68, %add3A_198 : vector<16xi32>
        %gather3A_200 = tpu.vector_load_idx %arg6[%add3A_199] : memref<32768xf32, #tpu.memory_space<vmem>>[vector<16xi32>], vector<16xf32>,
        %mul3A_201 = arith.constant 16 : i32
        %mul3A_202 = arith.muli %scan3A_64, %mul3A_201 : i32
        %swap3A_203 = arith.constant 13 : i32
        %swap3A_204 = arith.index_cast %swap3A_203 : i32 to index
        %swap3A_205 = arith.index_cast %mul3A_202 : i32 to index
        %swap3A_206 = tpu.vector_load %arg7[%swap3A_204, %swap3A_205] {strides = array<i32>} : memref<32x1024xf32, #tpu.memory_space<vmem>>, vector<16xf32>,
        tpu.vector_store %arg7[%swap3A_204, %swap3A_205], %gather3A_200 {strides = array<i32>} : memref<32x1024xf32, #tpu.memory_space<vmem>>, vector<16xf32>,
        %add3A_207 = arith.constant 14 : i32
        %add3A_208 = vector.broadcast %add3A_207 : i32 to vector<16xi32>
        %add3A_209 = arith.addi %add3A_68, %add3A_208 : vector<16xi32>
        %gather3A_210 = tpu.vector_load_idx %arg6[%add3A_209] : memref<32768xf32, #tpu.memory_space<vmem>>[vector<16xi32>], vector<16xf32>,
        %mul3A_211 = arith.constant 16 : i32
        %mul3A_212 = arith.muli %scan3A_64, %mul3A_211 : i32
        %swap3A_213 = arith.constant 14 : i32
        %swap3A_214 = arith.index_cast %swap3A_213 : i32 to index
        %swap3A_215 = arith.index_cast %mul3A_212 : i32 to index
        %swap3A_216 = tpu.vector_load %arg7[%swap3A_214, %swap3A_215] {strides = array<i32>} : memref<32x1024xf32, #tpu.memory_space<vmem>>, vector<16xf32>,
        tpu.vector_store %arg7[%swap3A_214, %swap3A_215], %gather3A_210 {strides = array<i32>} : memref<32x1024xf32, #tpu.memory_space<vmem>>, vector<16xf32>,
        %add3A_217 = arith.constant 15 : i32
        %add3A_218 = vector.broadcast %add3A_217 : i32 to vector<16xi32>
        %add3A_219 = arith.addi %add3A_68, %add3A_218 : vector<16xi32>
        %gather3A_220 = tpu.vector_load_idx %arg6[%add3A_219] : memref<32768xf32, #tpu.memory_space<vmem>>[vector<16xi32>], vector<16xf32>,
        %mul3A_221 = arith.constant 16 : i32
        %mul3A_222 = arith.muli %scan3A_64, %mul3A_221 : i32
        %swap3A_223 = arith.constant 15 : i32
        %swap3A_224 = arith.index_cast %swap3A_223 : i32 to index
        %swap3A_225 = arith.index_cast %mul3A_222 : i32 to index
        %swap3A_226 = tpu.vector_load %arg7[%swap3A_224, %swap3A_225] {strides = array<i32>} : memref<32x1024xf32, #tpu.memory_space<vmem>>, vector<16xf32>,
        tpu.vector_store %arg7[%swap3A_224, %swap3A_225], %gather3A_220 {strides = array<i32>} : memref<32x1024xf32, #tpu.memory_space<vmem>>, vector<16xf32>,
        %add3A_227 = arith.constant 16 : i32
        %add3A_228 = vector.broadcast %add3A_227 : i32 to vector<16xi32>
        %add3A_229 = arith.addi %add3A_68, %add3A_228 : vector<16xi32>
        %gather3A_230 = tpu.vector_load_idx %arg6[%add3A_229] : memref<32768xf32, #tpu.memory_space<vmem>>[vector<16xi32>], vector<16xf32>,
        %mul3A_231 = arith.constant 16 : i32
        %mul3A_232 = arith.muli %scan3A_64, %mul3A_231 : i32
        %swap3A_233 = arith.constant 16 : i32
        %swap3A_234 = arith.index_cast %swap3A_233 : i32 to index
        %swap3A_235 = arith.index_cast %mul3A_232 : i32 to index
        %swap3A_236 = tpu.vector_load %arg7[%swap3A_234, %swap3A_235] {strides = array<i32>} : memref<32x1024xf32, #tpu.memory_space<vmem>>, vector<16xf32>,
        tpu.vector_store %arg7[%swap3A_234, %swap3A_235], %gather3A_230 {strides = array<i32>} : memref<32x1024xf32, #tpu.memory_space<vmem>>, vector<16xf32>,
        %add3A_237 = arith.constant 17 : i32
        %add3A_238 = vector.broadcast %add3A_237 : i32 to vector<16xi32>
        %add3A_239 = arith.addi %add3A_68, %add3A_238 : vector<16xi32>
        %gather3A_240 = tpu.vector_load_idx %arg6[%add3A_239] : memref<32768xf32, #tpu.memory_space<vmem>>[vector<16xi32>], vector<16xf32>,
        %mul3A_241 = arith.constant 16 : i32
        %mul3A_242 = arith.muli %scan3A_64, %mul3A_241 : i32
        %swap3A_243 = arith.constant 17 : i32
        %swap3A_244 = arith.index_cast %swap3A_243 : i32 to index
        %swap3A_245 = arith.index_cast %mul3A_242 : i32 to index
        %swap3A_246 = tpu.vector_load %arg7[%swap3A_244, %swap3A_245] {strides = array<i32>} : memref<32x1024xf32, #tpu.memory_space<vmem>>, vector<16xf32>,
        tpu.vector_store %arg7[%swap3A_244, %swap3A_245], %gather3A_240 {strides = array<i32>} : memref<32x1024xf32, #tpu.memory_space<vmem>>, vector<16xf32>,
        %add3A_247 = arith.constant 18 : i32
        %add3A_248 = vector.broadcast %add3A_247 : i32 to vector<16xi32>
        %add3A_249 = arith.addi %add3A_68, %add3A_248 : vector<16xi32>
        %gather3A_250 = tpu.vector_load_idx %arg6[%add3A_249] : memref<32768xf32, #tpu.memory_space<vmem>>[vector<16xi32>], vector<16xf32>,
        %mul3A_251 = arith.constant 16 : i32
        %mul3A_252 = arith.muli %scan3A_64, %mul3A_251 : i32
        %swap3A_253 = arith.constant 18 : i32
        %swap3A_254 = arith.index_cast %swap3A_253 : i32 to index
        %swap3A_255 = arith.index_cast %mul3A_252 : i32 to index
        %swap3A_256 = tpu.vector_load %arg7[%swap3A_254, %swap3A_255] {strides = array<i32>} : memref<32x1024xf32, #tpu.memory_space<vmem>>, vector<16xf32>,
        tpu.vector_store %arg7[%swap3A_254, %swap3A_255], %gather3A_250 {strides = array<i32>} : memref<32x1024xf32, #tpu.memory_space<vmem>>, vector<16xf32>,
        %add3A_257 = arith.constant 19 : i32
        %add3A_258 = vector.broadcast %add3A_257 : i32 to vector<16xi32>
        %add3A_259 = arith.addi %add3A_68, %add3A_258 : vector<16xi32>
        %gather3A_260 = tpu.vector_load_idx %arg6[%add3A_259] : memref<32768xf32, #tpu.memory_space<vmem>>[vector<16xi32>], vector<16xf32>,
        %mul3A_261 = arith.constant 16 : i32
        %mul3A_262 = arith.muli %scan3A_64, %mul3A_261 : i32
        %swap3A_263 = arith.constant 19 : i32
        %swap3A_264 = arith.index_cast %swap3A_263 : i32 to index
        %swap3A_265 = arith.index_cast %mul3A_262 : i32 to index
        %swap3A_266 = tpu.vector_load %arg7[%swap3A_264, %swap3A_265] {strides = array<i32>} : memref<32x1024xf32, #tpu.memory_space<vmem>>, vector<16xf32>,
        tpu.vector_store %arg7[%swap3A_264, %swap3A_265], %gather3A_260 {strides = array<i32>} : memref<32x1024xf32, #tpu.memory_space<vmem>>, vector<16xf32>,
        %add3A_267 = arith.constant 20 : i32
        %add3A_268 = vector.broadcast %add3A_267 : i32 to vector<16xi32>
        %add3A_269 = arith.addi %add3A_68, %add3A_268 : vector<16xi32>
        %gather3A_270 = tpu.vector_load_idx %arg6[%add3A_269] : memref<32768xf32, #tpu.memory_space<vmem>>[vector<16xi32>], vector<16xf32>,
        %mul3A_271 = arith.constant 16 : i32
        %mul3A_272 = arith.muli %scan3A_64, %mul3A_271 : i32
        %swap3A_273 = arith.constant 20 : i32
        %swap3A_274 = arith.index_cast %swap3A_273 : i32 to index
        %swap3A_275 = arith.index_cast %mul3A_272 : i32 to index
        %swap3A_276 = tpu.vector_load %arg7[%swap3A_274, %swap3A_275] {strides = array<i32>} : memref<32x1024xf32, #tpu.memory_space<vmem>>, vector<16xf32>,
        tpu.vector_store %arg7[%swap3A_274, %swap3A_275], %gather3A_270 {strides = array<i32>} : memref<32x1024xf32, #tpu.memory_space<vmem>>, vector<16xf32>,
        %add3A_277 = arith.constant 21 : i32
        %add3A_278 = vector.broadcast %add3A_277 : i32 to vector<16xi32>
        %add3A_279 = arith.addi %add3A_68, %add3A_278 : vector<16xi32>
        %gather3A_280 = tpu.vector_load_idx %arg6[%add3A_279] : memref<32768xf32, #tpu.memory_space<vmem>>[vector<16xi32>], vector<16xf32>,
        %mul3A_281 = arith.constant 16 : i32
        %mul3A_282 = arith.muli %scan3A_64, %mul3A_281 : i32
        %swap3A_283 = arith.constant 21 : i32
        %swap3A_284 = arith.index_cast %swap3A_283 : i32 to index
        %swap3A_285 = arith.index_cast %mul3A_282 : i32 to index
        %swap3A_286 = tpu.vector_load %arg7[%swap3A_284, %swap3A_285] {strides = array<i32>} : memref<32x1024xf32, #tpu.memory_space<vmem>>, vector<16xf32>,
        tpu.vector_store %arg7[%swap3A_284, %swap3A_285], %gather3A_280 {strides = array<i32>} : memref<32x1024xf32, #tpu.memory_space<vmem>>, vector<16xf32>,
        %add3A_287 = arith.constant 22 : i32
        %add3A_288 = vector.broadcast %add3A_287 : i32 to vector<16xi32>
        %add3A_289 = arith.addi %add3A_68, %add3A_288 : vector<16xi32>
        %gather3A_290 = tpu.vector_load_idx %arg6[%add3A_289] : memref<32768xf32, #tpu.memory_space<vmem>>[vector<16xi32>], vector<16xf32>,
        %mul3A_291 = arith.constant 16 : i32
        %mul3A_292 = arith.muli %scan3A_64, %mul3A_291 : i32
        %swap3A_293 = arith.constant 22 : i32
        %swap3A_294 = arith.index_cast %swap3A_293 : i32 to index
        %swap3A_295 = arith.index_cast %mul3A_292 : i32 to index
        %swap3A_296 = tpu.vector_load %arg7[%swap3A_294, %swap3A_295] {strides = array<i32>} : memref<32x1024xf32, #tpu.memory_space<vmem>>, vector<16xf32>,
        tpu.vector_store %arg7[%swap3A_294, %swap3A_295], %gather3A_290 {strides = array<i32>} : memref<32x1024xf32, #tpu.memory_space<vmem>>, vector<16xf32>,
        %add3A_297 = arith.constant 23 : i32
        %add3A_298 = vector.broadcast %add3A_297 : i32 to vector<16xi32>
        %add3A_299 = arith.addi %add3A_68, %add3A_298 : vector<16xi32>
        %gather3A_300 = tpu.vector_load_idx %arg6[%add3A_299] : memref<32768xf32, #tpu.memory_space<vmem>>[vector<16xi32>], vector<16xf32>,
        %mul3A_301 = arith.constant 16 : i32
        %mul3A_302 = arith.muli %scan3A_64, %mul3A_301 : i32
        %swap3A_303 = arith.constant 23 : i32
        %swap3A_304 = arith.index_cast %swap3A_303 : i32 to index
        %swap3A_305 = arith.index_cast %mul3A_302 : i32 to index
        %swap3A_306 = tpu.vector_load %arg7[%swap3A_304, %swap3A_305] {strides = array<i32>} : memref<32x1024xf32, #tpu.memory_space<vmem>>, vector<16xf32>,
        tpu.vector_store %arg7[%swap3A_304, %swap3A_305], %gather3A_300 {strides = array<i32>} : memref<32x1024xf32, #tpu.memory_space<vmem>>, vector<16xf32>,
        %add3A_307 = arith.constant 24 : i32
        %add3A_308 = vector.broadcast %add3A_307 : i32 to vector<16xi32>
        %add3A_309 = arith.addi %add3A_68, %add3A_308 : vector<16xi32>
        %gather3A_310 = tpu.vector_load_idx %arg6[%add3A_309] : memref<32768xf32, #tpu.memory_space<vmem>>[vector<16xi32>], vector<16xf32>,
        %mul3A_311 = arith.constant 16 : i32
        %mul3A_312 = arith.muli %scan3A_64, %mul3A_311 : i32
        %swap3A_313 = arith.constant 24 : i32
        %swap3A_314 = arith.index_cast %swap3A_313 : i32 to index
        %swap3A_315 = arith.index_cast %mul3A_312 : i32 to index
        %swap3A_316 = tpu.vector_load %arg7[%swap3A_314, %swap3A_315] {strides = array<i32>} : memref<32x1024xf32, #tpu.memory_space<vmem>>, vector<16xf32>,
        tpu.vector_store %arg7[%swap3A_314, %swap3A_315], %gather3A_310 {strides = array<i32>} : memref<32x1024xf32, #tpu.memory_space<vmem>>, vector<16xf32>,
        %add3A_317 = arith.constant 25 : i32
        %add3A_318 = vector.broadcast %add3A_317 : i32 to vector<16xi32>
        %add3A_319 = arith.addi %add3A_68, %add3A_318 : vector<16xi32>
        %gather3A_320 = tpu.vector_load_idx %arg6[%add3A_319] : memref<32768xf32, #tpu.memory_space<vmem>>[vector<16xi32>], vector<16xf32>,
        %mul3A_321 = arith.constant 16 : i32
        %mul3A_322 = arith.muli %scan3A_64, %mul3A_321 : i32
        %swap3A_323 = arith.constant 25 : i32
        %swap3A_324 = arith.index_cast %swap3A_323 : i32 to index
        %swap3A_325 = arith.index_cast %mul3A_322 : i32 to index
        %swap3A_326 = tpu.vector_load %arg7[%swap3A_324, %swap3A_325] {strides = array<i32>} : memref<32x1024xf32, #tpu.memory_space<vmem>>, vector<16xf32>,
        tpu.vector_store %arg7[%swap3A_324, %swap3A_325], %gather3A_320 {strides = array<i32>} : memref<32x1024xf32, #tpu.memory_space<vmem>>, vector<16xf32>,
        %add3A_327 = arith.constant 26 : i32
        %add3A_328 = vector.broadcast %add3A_327 : i32 to vector<16xi32>
        %add3A_329 = arith.addi %add3A_68, %add3A_328 : vector<16xi32>
        %gather3A_330 = tpu.vector_load_idx %arg6[%add3A_329] : memref<32768xf32, #tpu.memory_space<vmem>>[vector<16xi32>], vector<16xf32>,
        %mul3A_331 = arith.constant 16 : i32
        %mul3A_332 = arith.muli %scan3A_64, %mul3A_331 : i32
        %swap3A_333 = arith.constant 26 : i32
        %swap3A_334 = arith.index_cast %swap3A_333 : i32 to index
        %swap3A_335 = arith.index_cast %mul3A_332 : i32 to index
        %swap3A_336 = tpu.vector_load %arg7[%swap3A_334, %swap3A_335] {strides = array<i32>} : memref<32x1024xf32, #tpu.memory_space<vmem>>, vector<16xf32>,
        tpu.vector_store %arg7[%swap3A_334, %swap3A_335], %gather3A_330 {strides = array<i32>} : memref<32x1024xf32, #tpu.memory_space<vmem>>, vector<16xf32>,
        %add3A_337 = arith.constant 27 : i32
        %add3A_338 = vector.broadcast %add3A_337 : i32 to vector<16xi32>
        %add3A_339 = arith.addi %add3A_68, %add3A_338 : vector<16xi32>
        %gather3A_340 = tpu.vector_load_idx %arg6[%add3A_339] : memref<32768xf32, #tpu.memory_space<vmem>>[vector<16xi32>], vector<16xf32>,
        %mul3A_341 = arith.constant 16 : i32
        %mul3A_342 = arith.muli %scan3A_64, %mul3A_341 : i32
        %swap3A_343 = arith.constant 27 : i32
        %swap3A_344 = arith.index_cast %swap3A_343 : i32 to index
        %swap3A_345 = arith.index_cast %mul3A_342 : i32 to index
        %swap3A_346 = tpu.vector_load %arg7[%swap3A_344, %swap3A_345] {strides = array<i32>} : memref<32x1024xf32, #tpu.memory_space<vmem>>, vector<16xf32>,
        tpu.vector_store %arg7[%swap3A_344, %swap3A_345], %gather3A_340 {strides = array<i32>} : memref<32x1024xf32, #tpu.memory_space<vmem>>, vector<16xf32>,
        %add3A_347 = arith.constant 28 : i32
        %add3A_348 = vector.broadcast %add3A_347 : i32 to vector<16xi32>
        %add3A_349 = arith.addi %add3A_68, %add3A_348 : vector<16xi32>
        %gather3A_350 = tpu.vector_load_idx %arg6[%add3A_349] : memref<32768xf32, #tpu.memory_space<vmem>>[vector<16xi32>], vector<16xf32>,
        %mul3A_351 = arith.constant 16 : i32
        %mul3A_352 = arith.muli %scan3A_64, %mul3A_351 : i32
        %swap3A_353 = arith.constant 28 : i32
        %swap3A_354 = arith.index_cast %swap3A_353 : i32 to index
        %swap3A_355 = arith.index_cast %mul3A_352 : i32 to index
        %swap3A_356 = tpu.vector_load %arg7[%swap3A_354, %swap3A_355] {strides = array<i32>} : memref<32x1024xf32, #tpu.memory_space<vmem>>, vector<16xf32>,
        tpu.vector_store %arg7[%swap3A_354, %swap3A_355], %gather3A_350 {strides = array<i32>} : memref<32x1024xf32, #tpu.memory_space<vmem>>, vector<16xf32>,
        %add3A_357 = arith.constant 29 : i32
        %add3A_358 = vector.broadcast %add3A_357 : i32 to vector<16xi32>
        %add3A_359 = arith.addi %add3A_68, %add3A_358 : vector<16xi32>
        %gather3A_360 = tpu.vector_load_idx %arg6[%add3A_359] : memref<32768xf32, #tpu.memory_space<vmem>>[vector<16xi32>], vector<16xf32>,
        %mul3A_361 = arith.constant 16 : i32
        %mul3A_362 = arith.muli %scan3A_64, %mul3A_361 : i32
        %swap3A_363 = arith.constant 29 : i32
        %swap3A_364 = arith.index_cast %swap3A_363 : i32 to index
        %swap3A_365 = arith.index_cast %mul3A_362 : i32 to index
        %swap3A_366 = tpu.vector_load %arg7[%swap3A_364, %swap3A_365] {strides = array<i32>} : memref<32x1024xf32, #tpu.memory_space<vmem>>, vector<16xf32>,
        tpu.vector_store %arg7[%swap3A_364, %swap3A_365], %gather3A_360 {strides = array<i32>} : memref<32x1024xf32, #tpu.memory_space<vmem>>, vector<16xf32>,
        %add3A_367 = arith.constant 30 : i32
        %add3A_368 = vector.broadcast %add3A_367 : i32 to vector<16xi32>
        %add3A_369 = arith.addi %add3A_68, %add3A_368 : vector<16xi32>
        %gather3A_370 = tpu.vector_load_idx %arg6[%add3A_369] : memref<32768xf32, #tpu.memory_space<vmem>>[vector<16xi32>], vector<16xf32>,
        %mul3A_371 = arith.constant 16 : i32
        %mul3A_372 = arith.muli %scan3A_64, %mul3A_371 : i32
        %swap3A_373 = arith.constant 30 : i32
        %swap3A_374 = arith.index_cast %swap3A_373 : i32 to index
        %swap3A_375 = arith.index_cast %mul3A_372 : i32 to index
        %swap3A_376 = tpu.vector_load %arg7[%swap3A_374, %swap3A_375] {strides = array<i32>} : memref<32x1024xf32, #tpu.memory_space<vmem>>, vector<16xf32>,
        tpu.vector_store %arg7[%swap3A_374, %swap3A_375], %gather3A_370 {strides = array<i32>} : memref<32x1024xf32, #tpu.memory_space<vmem>>, vector<16xf32>,
        %add3A_377 = arith.constant 31 : i32
        %add3A_378 = vector.broadcast %add3A_377 : i32 to vector<16xi32>
        %add3A_379 = arith.addi %add3A_68, %add3A_378 : vector<16xi32>
        %gather3A_380 = tpu.vector_load_idx %arg6[%add3A_379] : memref<32768xf32, #tpu.memory_space<vmem>>[vector<16xi32>], vector<16xf32>,
        %mul3A_381 = arith.constant 16 : i32
        %mul3A_382 = arith.muli %scan3A_64, %mul3A_381 : i32
        %swap3A_383 = arith.constant 31 : i32
        %swap3A_384 = arith.index_cast %swap3A_383 : i32 to index
        %swap3A_385 = arith.index_cast %mul3A_382 : i32 to index
        %swap3A_386 = tpu.vector_load %arg7[%swap3A_384, %swap3A_385] {strides = array<i32>} : memref<32x1024xf32, #tpu.memory_space<vmem>>, vector<16xf32>,
        tpu.vector_store %arg7[%swap3A_384, %swap3A_385], %gather3A_380 {strides = array<i32>} : memref<32x1024xf32, #tpu.memory_space<vmem>>, vector<16xf32>,
        %scan3A_387 = arith.constant 1 : i32
        %scan3A_388 = arith.addi %scan3A_64, %scan3A_387 : i32
        %mul3A_389 = arith.constant 512 : i32
        %mul3A_390 = arith.muli %scan3A_388, %mul3A_389 : i32
        %add3A_391 = vector.broadcast %mul3A_390 : i32 to vector<16xi32>
        %add3A_392 = arith.addi %mul3A_3, %add3A_391 : vector<16xi32>
        %add3A_393 = arith.constant 0 : i32
        %add3A_394 = vector.broadcast %add3A_393 : i32 to vector<16xi32>
        %add3A_395 = arith.addi %add3A_392, %add3A_394 : vector<16xi32>
        %gather3A_396 = tpu.vector_load_idx %arg6[%add3A_395] : memref<32768xf32, #tpu.memory_space<vmem>>[vector<16xi32>], vector<16xf32>,
        %mul3A_397 = arith.constant 16 : i32
        %mul3A_398 = arith.muli %scan3A_388, %mul3A_397 : i32
        %swap3A_399 = arith.constant 0 : i32
        %swap3A_400 = arith.index_cast %swap3A_399 : i32 to index
        %swap3A_401 = arith.index_cast %mul3A_398 : i32 to index
        %swap3A_402 = tpu.vector_load %arg7[%swap3A_400, %swap3A_401] {strides = array<i32>} : memref<32x1024xf32, #tpu.memory_space<vmem>>, vector<16xf32>,
        tpu.vector_store %arg7[%swap3A_400, %swap3A_401], %gather3A_396 {strides = array<i32>} : memref<32x1024xf32, #tpu.memory_space<vmem>>, vector<16xf32>,
        %add3A_403 = arith.constant 1 : i32
        %add3A_404 = vector.broadcast %add3A_403 : i32 to vector<16xi32>
        %add3A_405 = arith.addi %add3A_392, %add3A_404 : vector<16xi32>
        %gather3A_406 = tpu.vector_load_idx %arg6[%add3A_405] : memref<32768xf32, #tpu.memory_space<vmem>>[vector<16xi32>], vector<16xf32>,
        %mul3A_407 = arith.constant 16 : i32
        %mul3A_408 = arith.muli %scan3A_388, %mul3A_407 : i32
        %swap3A_409 = arith.constant 1 : i32
        %swap3A_410 = arith.index_cast %swap3A_409 : i32 to index
        %swap3A_411 = arith.index_cast %mul3A_408 : i32 to index
        %swap3A_412 = tpu.vector_load %arg7[%swap3A_410, %swap3A_411] {strides = array<i32>} : memref<32x1024xf32, #tpu.memory_space<vmem>>, vector<16xf32>,
        tpu.vector_store %arg7[%swap3A_410, %swap3A_411], %gather3A_406 {strides = array<i32>} : memref<32x1024xf32, #tpu.memory_space<vmem>>, vector<16xf32>,
        %add3A_413 = arith.constant 2 : i32
        %add3A_414 = vector.broadcast %add3A_413 : i32 to vector<16xi32>
        %add3A_415 = arith.addi %add3A_392, %add3A_414 : vector<16xi32>
        %gather3A_416 = tpu.vector_load_idx %arg6[%add3A_415] : memref<32768xf32, #tpu.memory_space<vmem>>[vector<16xi32>], vector<16xf32>,
        %mul3A_417 = arith.constant 16 : i32
        %mul3A_418 = arith.muli %scan3A_388, %mul3A_417 : i32
        %swap3A_419 = arith.constant 2 : i32
        %swap3A_420 = arith.index_cast %swap3A_419 : i32 to index
        %swap3A_421 = arith.index_cast %mul3A_418 : i32 to index
        %swap3A_422 = tpu.vector_load %arg7[%swap3A_420, %swap3A_421] {strides = array<i32>} : memref<32x1024xf32, #tpu.memory_space<vmem>>, vector<16xf32>,
        tpu.vector_store %arg7[%swap3A_420, %swap3A_421], %gather3A_416 {strides = array<i32>} : memref<32x1024xf32, #tpu.memory_space<vmem>>, vector<16xf32>,
        %add3A_423 = arith.constant 3 : i32
        %add3A_424 = vector.broadcast %add3A_423 : i32 to vector<16xi32>
        %add3A_425 = arith.addi %add3A_392, %add3A_424 : vector<16xi32>
        %gather3A_426 = tpu.vector_load_idx %arg6[%add3A_425] : memref<32768xf32, #tpu.memory_space<vmem>>[vector<16xi32>], vector<16xf32>,
        %mul3A_427 = arith.constant 16 : i32
        %mul3A_428 = arith.muli %scan3A_388, %mul3A_427 : i32
        %swap3A_429 = arith.constant 3 : i32
        %swap3A_430 = arith.index_cast %swap3A_429 : i32 to index
        %swap3A_431 = arith.index_cast %mul3A_428 : i32 to index
        %swap3A_432 = tpu.vector_load %arg7[%swap3A_430, %swap3A_431] {strides = array<i32>} : memref<32x1024xf32, #tpu.memory_space<vmem>>, vector<16xf32>,
        tpu.vector_store %arg7[%swap3A_430, %swap3A_431], %gather3A_426 {strides = array<i32>} : memref<32x1024xf32, #tpu.memory_space<vmem>>, vector<16xf32>,
        %add3A_433 = arith.constant 4 : i32
        %add3A_434 = vector.broadcast %add3A_433 : i32 to vector<16xi32>
        %add3A_435 = arith.addi %add3A_392, %add3A_434 : vector<16xi32>
        %gather3A_436 = tpu.vector_load_idx %arg6[%add3A_435] : memref<32768xf32, #tpu.memory_space<vmem>>[vector<16xi32>], vector<16xf32>,
        %mul3A_437 = arith.constant 16 : i32
        %mul3A_438 = arith.muli %scan3A_388, %mul3A_437 : i32
        %swap3A_439 = arith.constant 4 : i32
        %swap3A_440 = arith.index_cast %swap3A_439 : i32 to index
        %swap3A_441 = arith.index_cast %mul3A_438 : i32 to index
        %swap3A_442 = tpu.vector_load %arg7[%swap3A_440, %swap3A_441] {strides = array<i32>} : memref<32x1024xf32, #tpu.memory_space<vmem>>, vector<16xf32>,
        tpu.vector_store %arg7[%swap3A_440, %swap3A_441], %gather3A_436 {strides = array<i32>} : memref<32x1024xf32, #tpu.memory_space<vmem>>, vector<16xf32>,
        %add3A_443 = arith.constant 5 : i32
        %add3A_444 = vector.broadcast %add3A_443 : i32 to vector<16xi32>
        %add3A_445 = arith.addi %add3A_392, %add3A_444 : vector<16xi32>
        %gather3A_446 = tpu.vector_load_idx %arg6[%add3A_445] : memref<32768xf32, #tpu.memory_space<vmem>>[vector<16xi32>], vector<16xf32>,
        %mul3A_447 = arith.constant 16 : i32
        %mul3A_448 = arith.muli %scan3A_388, %mul3A_447 : i32
        %swap3A_449 = arith.constant 5 : i32
        %swap3A_450 = arith.index_cast %swap3A_449 : i32 to index
        %swap3A_451 = arith.index_cast %mul3A_448 : i32 to index
        %swap3A_452 = tpu.vector_load %arg7[%swap3A_450, %swap3A_451] {strides = array<i32>} : memref<32x1024xf32, #tpu.memory_space<vmem>>, vector<16xf32>,
        tpu.vector_store %arg7[%swap3A_450, %swap3A_451], %gather3A_446 {strides = array<i32>} : memref<32x1024xf32, #tpu.memory_space<vmem>>, vector<16xf32>,
        %add3A_453 = arith.constant 6 : i32
        %add3A_454 = vector.broadcast %add3A_453 : i32 to vector<16xi32>
        %add3A_455 = arith.addi %add3A_392, %add3A_454 : vector<16xi32>
        %gather3A_456 = tpu.vector_load_idx %arg6[%add3A_455] : memref<32768xf32, #tpu.memory_space<vmem>>[vector<16xi32>], vector<16xf32>,
        %mul3A_457 = arith.constant 16 : i32
        %mul3A_458 = arith.muli %scan3A_388, %mul3A_457 : i32
        %swap3A_459 = arith.constant 6 : i32
        %swap3A_460 = arith.index_cast %swap3A_459 : i32 to index
        %swap3A_461 = arith.index_cast %mul3A_458 : i32 to index
        %swap3A_462 = tpu.vector_load %arg7[%swap3A_460, %swap3A_461] {strides = array<i32>} : memref<32x1024xf32, #tpu.memory_space<vmem>>, vector<16xf32>,
        tpu.vector_store %arg7[%swap3A_460, %swap3A_461], %gather3A_456 {strides = array<i32>} : memref<32x1024xf32, #tpu.memory_space<vmem>>, vector<16xf32>,
        %add3A_463 = arith.constant 7 : i32
        %add3A_464 = vector.broadcast %add3A_463 : i32 to vector<16xi32>
        %add3A_465 = arith.addi %add3A_392, %add3A_464 : vector<16xi32>
        %gather3A_466 = tpu.vector_load_idx %arg6[%add3A_465] : memref<32768xf32, #tpu.memory_space<vmem>>[vector<16xi32>], vector<16xf32>,
        %mul3A_467 = arith.constant 16 : i32
        %mul3A_468 = arith.muli %scan3A_388, %mul3A_467 : i32
        %swap3A_469 = arith.constant 7 : i32
        %swap3A_470 = arith.index_cast %swap3A_469 : i32 to index
        %swap3A_471 = arith.index_cast %mul3A_468 : i32 to index
        %swap3A_472 = tpu.vector_load %arg7[%swap3A_470, %swap3A_471] {strides = array<i32>} : memref<32x1024xf32, #tpu.memory_space<vmem>>, vector<16xf32>,
        tpu.vector_store %arg7[%swap3A_470, %swap3A_471], %gather3A_466 {strides = array<i32>} : memref<32x1024xf32, #tpu.memory_space<vmem>>, vector<16xf32>,
        %add3A_473 = arith.constant 8 : i32
        %add3A_474 = vector.broadcast %add3A_473 : i32 to vector<16xi32>
        %add3A_475 = arith.addi %add3A_392, %add3A_474 : vector<16xi32>
        %gather3A_476 = tpu.vector_load_idx %arg6[%add3A_475] : memref<32768xf32, #tpu.memory_space<vmem>>[vector<16xi32>], vector<16xf32>,
        %mul3A_477 = arith.constant 16 : i32
        %mul3A_478 = arith.muli %scan3A_388, %mul3A_477 : i32
        %swap3A_479 = arith.constant 8 : i32
        %swap3A_480 = arith.index_cast %swap3A_479 : i32 to index
        %swap3A_481 = arith.index_cast %mul3A_478 : i32 to index
        %swap3A_482 = tpu.vector_load %arg7[%swap3A_480, %swap3A_481] {strides = array<i32>} : memref<32x1024xf32, #tpu.memory_space<vmem>>, vector<16xf32>,
        tpu.vector_store %arg7[%swap3A_480, %swap3A_481], %gather3A_476 {strides = array<i32>} : memref<32x1024xf32, #tpu.memory_space<vmem>>, vector<16xf32>,
        %add3A_483 = arith.constant 9 : i32
        %add3A_484 = vector.broadcast %add3A_483 : i32 to vector<16xi32>
        %add3A_485 = arith.addi %add3A_392, %add3A_484 : vector<16xi32>
        %gather3A_486 = tpu.vector_load_idx %arg6[%add3A_485] : memref<32768xf32, #tpu.memory_space<vmem>>[vector<16xi32>], vector<16xf32>,
        %mul3A_487 = arith.constant 16 : i32
        %mul3A_488 = arith.muli %scan3A_388, %mul3A_487 : i32
        %swap3A_489 = arith.constant 9 : i32
        %swap3A_490 = arith.index_cast %swap3A_489 : i32 to index
        %swap3A_491 = arith.index_cast %mul3A_488 : i32 to index
        %swap3A_492 = tpu.vector_load %arg7[%swap3A_490, %swap3A_491] {strides = array<i32>} : memref<32x1024xf32, #tpu.memory_space<vmem>>, vector<16xf32>,
        tpu.vector_store %arg7[%swap3A_490, %swap3A_491], %gather3A_486 {strides = array<i32>} : memref<32x1024xf32, #tpu.memory_space<vmem>>, vector<16xf32>,
        %add3A_493 = arith.constant 10 : i32
        %add3A_494 = vector.broadcast %add3A_493 : i32 to vector<16xi32>
        %add3A_495 = arith.addi %add3A_392, %add3A_494 : vector<16xi32>
        %gather3A_496 = tpu.vector_load_idx %arg6[%add3A_495] : memref<32768xf32, #tpu.memory_space<vmem>>[vector<16xi32>], vector<16xf32>,
        %mul3A_497 = arith.constant 16 : i32
        %mul3A_498 = arith.muli %scan3A_388, %mul3A_497 : i32
        %swap3A_499 = arith.constant 10 : i32
        %swap3A_500 = arith.index_cast %swap3A_499 : i32 to index
        %swap3A_501 = arith.index_cast %mul3A_498 : i32 to index
        %swap3A_502 = tpu.vector_load %arg7[%swap3A_500, %swap3A_501] {strides = array<i32>} : memref<32x1024xf32, #tpu.memory_space<vmem>>, vector<16xf32>,
        tpu.vector_store %arg7[%swap3A_500, %swap3A_501], %gather3A_496 {strides = array<i32>} : memref<32x1024xf32, #tpu.memory_space<vmem>>, vector<16xf32>,
        %add3A_503 = arith.constant 11 : i32
        %add3A_504 = vector.broadcast %add3A_503 : i32 to vector<16xi32>
        %add3A_505 = arith.addi %add3A_392, %add3A_504 : vector<16xi32>
        %gather3A_506 = tpu.vector_load_idx %arg6[%add3A_505] : memref<32768xf32, #tpu.memory_space<vmem>>[vector<16xi32>], vector<16xf32>,
        %mul3A_507 = arith.constant 16 : i32
        %mul3A_508 = arith.muli %scan3A_388, %mul3A_507 : i32
        %swap3A_509 = arith.constant 11 : i32
        %swap3A_510 = arith.index_cast %swap3A_509 : i32 to index
        %swap3A_511 = arith.index_cast %mul3A_508 : i32 to index
        %swap3A_512 = tpu.vector_load %arg7[%swap3A_510, %swap3A_511] {strides = array<i32>} : memref<32x1024xf32, #tpu.memory_space<vmem>>, vector<16xf32>,
        tpu.vector_store %arg7[%swap3A_510, %swap3A_511], %gather3A_506 {strides = array<i32>} : memref<32x1024xf32, #tpu.memory_space<vmem>>, vector<16xf32>,
        %add3A_513 = arith.constant 12 : i32
        %add3A_514 = vector.broadcast %add3A_513 : i32 to vector<16xi32>
        %add3A_515 = arith.addi %add3A_392, %add3A_514 : vector<16xi32>
        %gather3A_516 = tpu.vector_load_idx %arg6[%add3A_515] : memref<32768xf32, #tpu.memory_space<vmem>>[vector<16xi32>], vector<16xf32>,
        %mul3A_517 = arith.constant 16 : i32
        %mul3A_518 = arith.muli %scan3A_388, %mul3A_517 : i32
        %swap3A_519 = arith.constant 12 : i32
        %swap3A_520 = arith.index_cast %swap3A_519 : i32 to index
        %swap3A_521 = arith.index_cast %mul3A_518 : i32 to index
        %swap3A_522 = tpu.vector_load %arg7[%swap3A_520, %swap3A_521] {strides = array<i32>} : memref<32x1024xf32, #tpu.memory_space<vmem>>, vector<16xf32>,
        tpu.vector_store %arg7[%swap3A_520, %swap3A_521], %gather3A_516 {strides = array<i32>} : memref<32x1024xf32, #tpu.memory_space<vmem>>, vector<16xf32>,
        %add3A_523 = arith.constant 13 : i32
        %add3A_524 = vector.broadcast %add3A_523 : i32 to vector<16xi32>
        %add3A_525 = arith.addi %add3A_392, %add3A_524 : vector<16xi32>
        %gather3A_526 = tpu.vector_load_idx %arg6[%add3A_525] : memref<32768xf32, #tpu.memory_space<vmem>>[vector<16xi32>], vector<16xf32>,
        %mul3A_527 = arith.constant 16 : i32
        %mul3A_528 = arith.muli %scan3A_388, %mul3A_527 : i32
        %swap3A_529 = arith.constant 13 : i32
        %swap3A_530 = arith.index_cast %swap3A_529 : i32 to index
        %swap3A_531 = arith.index_cast %mul3A_528 : i32 to index
        %swap3A_532 = tpu.vector_load %arg7[%swap3A_530, %swap3A_531] {strides = array<i32>} : memref<32x1024xf32, #tpu.memory_space<vmem>>, vector<16xf32>,
        tpu.vector_store %arg7[%swap3A_530, %swap3A_531], %gather3A_526 {strides = array<i32>} : memref<32x1024xf32, #tpu.memory_space<vmem>>, vector<16xf32>,
        %add3A_533 = arith.constant 14 : i32
        %add3A_534 = vector.broadcast %add3A_533 : i32 to vector<16xi32>
        %add3A_535 = arith.addi %add3A_392, %add3A_534 : vector<16xi32>
        %gather3A_536 = tpu.vector_load_idx %arg6[%add3A_535] : memref<32768xf32, #tpu.memory_space<vmem>>[vector<16xi32>], vector<16xf32>,
        %mul3A_537 = arith.constant 16 : i32
        %mul3A_538 = arith.muli %scan3A_388, %mul3A_537 : i32
        %swap3A_539 = arith.constant 14 : i32
        %swap3A_540 = arith.index_cast %swap3A_539 : i32 to index
        %swap3A_541 = arith.index_cast %mul3A_538 : i32 to index
        %swap3A_542 = tpu.vector_load %arg7[%swap3A_540, %swap3A_541] {strides = array<i32>} : memref<32x1024xf32, #tpu.memory_space<vmem>>, vector<16xf32>,
        tpu.vector_store %arg7[%swap3A_540, %swap3A_541], %gather3A_536 {strides = array<i32>} : memref<32x1024xf32, #tpu.memory_space<vmem>>, vector<16xf32>,
        %add3A_543 = arith.constant 15 : i32
        %add3A_544 = vector.broadcast %add3A_543 : i32 to vector<16xi32>
        %add3A_545 = arith.addi %add3A_392, %add3A_544 : vector<16xi32>
        %gather3A_546 = tpu.vector_load_idx %arg6[%add3A_545] : memref<32768xf32, #tpu.memory_space<vmem>>[vector<16xi32>], vector<16xf32>,
        %mul3A_547 = arith.constant 16 : i32
        %mul3A_548 = arith.muli %scan3A_388, %mul3A_547 : i32
        %swap3A_549 = arith.constant 15 : i32
        %swap3A_550 = arith.index_cast %swap3A_549 : i32 to index
        %swap3A_551 = arith.index_cast %mul3A_548 : i32 to index
        %swap3A_552 = tpu.vector_load %arg7[%swap3A_550, %swap3A_551] {strides = array<i32>} : memref<32x1024xf32, #tpu.memory_space<vmem>>, vector<16xf32>,
        tpu.vector_store %arg7[%swap3A_550, %swap3A_551], %gather3A_546 {strides = array<i32>} : memref<32x1024xf32, #tpu.memory_space<vmem>>, vector<16xf32>,
        %add3A_553 = arith.constant 16 : i32
        %add3A_554 = vector.broadcast %add3A_553 : i32 to vector<16xi32>
        %add3A_555 = arith.addi %add3A_392, %add3A_554 : vector<16xi32>
        %gather3A_556 = tpu.vector_load_idx %arg6[%add3A_555] : memref<32768xf32, #tpu.memory_space<vmem>>[vector<16xi32>], vector<16xf32>,
        %mul3A_557 = arith.constant 16 : i32
        %mul3A_558 = arith.muli %scan3A_388, %mul3A_557 : i32
        %swap3A_559 = arith.constant 16 : i32
        %swap3A_560 = arith.index_cast %swap3A_559 : i32 to index
        %swap3A_561 = arith.index_cast %mul3A_558 : i32 to index
        %swap3A_562 = tpu.vector_load %arg7[%swap3A_560, %swap3A_561] {strides = array<i32>} : memref<32x1024xf32, #tpu.memory_space<vmem>>, vector<16xf32>,
        tpu.vector_store %arg7[%swap3A_560, %swap3A_561], %gather3A_556 {strides = array<i32>} : memref<32x1024xf32, #tpu.memory_space<vmem>>, vector<16xf32>,
        %add3A_563 = arith.constant 17 : i32
        %add3A_564 = vector.broadcast %add3A_563 : i32 to vector<16xi32>
        %add3A_565 = arith.addi %add3A_392, %add3A_564 : vector<16xi32>
        %gather3A_566 = tpu.vector_load_idx %arg6[%add3A_565] : memref<32768xf32, #tpu.memory_space<vmem>>[vector<16xi32>], vector<16xf32>,
        %mul3A_567 = arith.constant 16 : i32
        %mul3A_568 = arith.muli %scan3A_388, %mul3A_567 : i32
        %swap3A_569 = arith.constant 17 : i32
        %swap3A_570 = arith.index_cast %swap3A_569 : i32 to index
        %swap3A_571 = arith.index_cast %mul3A_568 : i32 to index
        %swap3A_572 = tpu.vector_load %arg7[%swap3A_570, %swap3A_571] {strides = array<i32>} : memref<32x1024xf32, #tpu.memory_space<vmem>>, vector<16xf32>,
        tpu.vector_store %arg7[%swap3A_570, %swap3A_571], %gather3A_566 {strides = array<i32>} : memref<32x1024xf32, #tpu.memory_space<vmem>>, vector<16xf32>,
        %add3A_573 = arith.constant 18 : i32
        %add3A_574 = vector.broadcast %add3A_573 : i32 to vector<16xi32>
        %add3A_575 = arith.addi %add3A_392, %add3A_574 : vector<16xi32>
        %gather3A_576 = tpu.vector_load_idx %arg6[%add3A_575] : memref<32768xf32, #tpu.memory_space<vmem>>[vector<16xi32>], vector<16xf32>,
        %mul3A_577 = arith.constant 16 : i32
        %mul3A_578 = arith.muli %scan3A_388, %mul3A_577 : i32
        %swap3A_579 = arith.constant 18 : i32
        %swap3A_580 = arith.index_cast %swap3A_579 : i32 to index
        %swap3A_581 = arith.index_cast %mul3A_578 : i32 to index
        %swap3A_582 = tpu.vector_load %arg7[%swap3A_580, %swap3A_581] {strides = array<i32>} : memref<32x1024xf32, #tpu.memory_space<vmem>>, vector<16xf32>,
        tpu.vector_store %arg7[%swap3A_580, %swap3A_581], %gather3A_576 {strides = array<i32>} : memref<32x1024xf32, #tpu.memory_space<vmem>>, vector<16xf32>,
        %add3A_583 = arith.constant 19 : i32
        %add3A_584 = vector.broadcast %add3A_583 : i32 to vector<16xi32>
        %add3A_585 = arith.addi %add3A_392, %add3A_584 : vector<16xi32>
        %gather3A_586 = tpu.vector_load_idx %arg6[%add3A_585] : memref<32768xf32, #tpu.memory_space<vmem>>[vector<16xi32>], vector<16xf32>,
        %mul3A_587 = arith.constant 16 : i32
        %mul3A_588 = arith.muli %scan3A_388, %mul3A_587 : i32
        %swap3A_589 = arith.constant 19 : i32
        %swap3A_590 = arith.index_cast %swap3A_589 : i32 to index
        %swap3A_591 = arith.index_cast %mul3A_588 : i32 to index
        %swap3A_592 = tpu.vector_load %arg7[%swap3A_590, %swap3A_591] {strides = array<i32>} : memref<32x1024xf32, #tpu.memory_space<vmem>>, vector<16xf32>,
        tpu.vector_store %arg7[%swap3A_590, %swap3A_591], %gather3A_586 {strides = array<i32>} : memref<32x1024xf32, #tpu.memory_space<vmem>>, vector<16xf32>,
        %add3A_593 = arith.constant 20 : i32
        %add3A_594 = vector.broadcast %add3A_593 : i32 to vector<16xi32>
        %add3A_595 = arith.addi %add3A_392, %add3A_594 : vector<16xi32>
        %gather3A_596 = tpu.vector_load_idx %arg6[%add3A_595] : memref<32768xf32, #tpu.memory_space<vmem>>[vector<16xi32>], vector<16xf32>,
        %mul3A_597 = arith.constant 16 : i32
        %mul3A_598 = arith.muli %scan3A_388, %mul3A_597 : i32
        %swap3A_599 = arith.constant 20 : i32
        %swap3A_600 = arith.index_cast %swap3A_599 : i32 to index
        %swap3A_601 = arith.index_cast %mul3A_598 : i32 to index
        %swap3A_602 = tpu.vector_load %arg7[%swap3A_600, %swap3A_601] {strides = array<i32>} : memref<32x1024xf32, #tpu.memory_space<vmem>>, vector<16xf32>,
        tpu.vector_store %arg7[%swap3A_600, %swap3A_601], %gather3A_596 {strides = array<i32>} : memref<32x1024xf32, #tpu.memory_space<vmem>>, vector<16xf32>,
        %add3A_603 = arith.constant 21 : i32
        %add3A_604 = vector.broadcast %add3A_603 : i32 to vector<16xi32>
        %add3A_605 = arith.addi %add3A_392, %add3A_604 : vector<16xi32>
        %gather3A_606 = tpu.vector_load_idx %arg6[%add3A_605] : memref<32768xf32, #tpu.memory_space<vmem>>[vector<16xi32>], vector<16xf32>,
        %mul3A_607 = arith.constant 16 : i32
        %mul3A_608 = arith.muli %scan3A_388, %mul3A_607 : i32
        %swap3A_609 = arith.constant 21 : i32
        %swap3A_610 = arith.index_cast %swap3A_609 : i32 to index
        %swap3A_611 = arith.index_cast %mul3A_608 : i32 to index
        %swap3A_612 = tpu.vector_load %arg7[%swap3A_610, %swap3A_611] {strides = array<i32>} : memref<32x1024xf32, #tpu.memory_space<vmem>>, vector<16xf32>,
        tpu.vector_store %arg7[%swap3A_610, %swap3A_611], %gather3A_606 {strides = array<i32>} : memref<32x1024xf32, #tpu.memory_space<vmem>>, vector<16xf32>,
        %add3A_613 = arith.constant 22 : i32
        %add3A_614 = vector.broadcast %add3A_613 : i32 to vector<16xi32>
        %add3A_615 = arith.addi %add3A_392, %add3A_614 : vector<16xi32>
        %gather3A_616 = tpu.vector_load_idx %arg6[%add3A_615] : memref<32768xf32, #tpu.memory_space<vmem>>[vector<16xi32>], vector<16xf32>,
        %mul3A_617 = arith.constant 16 : i32
        %mul3A_618 = arith.muli %scan3A_388, %mul3A_617 : i32
        %swap3A_619 = arith.constant 22 : i32
        %swap3A_620 = arith.index_cast %swap3A_619 : i32 to index
        %swap3A_621 = arith.index_cast %mul3A_618 : i32 to index
        %swap3A_622 = tpu.vector_load %arg7[%swap3A_620, %swap3A_621] {strides = array<i32>} : memref<32x1024xf32, #tpu.memory_space<vmem>>, vector<16xf32>,
        tpu.vector_store %arg7[%swap3A_620, %swap3A_621], %gather3A_616 {strides = array<i32>} : memref<32x1024xf32, #tpu.memory_space<vmem>>, vector<16xf32>,
        %add3A_623 = arith.constant 23 : i32
        %add3A_624 = vector.broadcast %add3A_623 : i32 to vector<16xi32>
        %add3A_625 = arith.addi %add3A_392, %add3A_624 : vector<16xi32>
        %gather3A_626 = tpu.vector_load_idx %arg6[%add3A_625] : memref<32768xf32, #tpu.memory_space<vmem>>[vector<16xi32>], vector<16xf32>,
        %mul3A_627 = arith.constant 16 : i32
        %mul3A_628 = arith.muli %scan3A_388, %mul3A_627 : i32
        %swap3A_629 = arith.constant 23 : i32
        %swap3A_630 = arith.index_cast %swap3A_629 : i32 to index
        %swap3A_631 = arith.index_cast %mul3A_628 : i32 to index
        %swap3A_632 = tpu.vector_load %arg7[%swap3A_630, %swap3A_631] {strides = array<i32>} : memref<32x1024xf32, #tpu.memory_space<vmem>>, vector<16xf32>,
        tpu.vector_store %arg7[%swap3A_630, %swap3A_631], %gather3A_626 {strides = array<i32>} : memref<32x1024xf32, #tpu.memory_space<vmem>>, vector<16xf32>,
        %add3A_633 = arith.constant 24 : i32
        %add3A_634 = vector.broadcast %add3A_633 : i32 to vector<16xi32>
        %add3A_635 = arith.addi %add3A_392, %add3A_634 : vector<16xi32>
        %gather3A_636 = tpu.vector_load_idx %arg6[%add3A_635] : memref<32768xf32, #tpu.memory_space<vmem>>[vector<16xi32>], vector<16xf32>,
        %mul3A_637 = arith.constant 16 : i32
        %mul3A_638 = arith.muli %scan3A_388, %mul3A_637 : i32
        %swap3A_639 = arith.constant 24 : i32
        %swap3A_640 = arith.index_cast %swap3A_639 : i32 to index
        %swap3A_641 = arith.index_cast %mul3A_638 : i32 to index
        %swap3A_642 = tpu.vector_load %arg7[%swap3A_640, %swap3A_641] {strides = array<i32>} : memref<32x1024xf32, #tpu.memory_space<vmem>>, vector<16xf32>,
        tpu.vector_store %arg7[%swap3A_640, %swap3A_641], %gather3A_636 {strides = array<i32>} : memref<32x1024xf32, #tpu.memory_space<vmem>>, vector<16xf32>,
        %add3A_643 = arith.constant 25 : i32
        %add3A_644 = vector.broadcast %add3A_643 : i32 to vector<16xi32>
        %add3A_645 = arith.addi %add3A_392, %add3A_644 : vector<16xi32>
        %gather3A_646 = tpu.vector_load_idx %arg6[%add3A_645] : memref<32768xf32, #tpu.memory_space<vmem>>[vector<16xi32>], vector<16xf32>,
        %mul3A_647 = arith.constant 16 : i32
        %mul3A_648 = arith.muli %scan3A_388, %mul3A_647 : i32
        %swap3A_649 = arith.constant 25 : i32
        %swap3A_650 = arith.index_cast %swap3A_649 : i32 to index
        %swap3A_651 = arith.index_cast %mul3A_648 : i32 to index
        %swap3A_652 = tpu.vector_load %arg7[%swap3A_650, %swap3A_651] {strides = array<i32>} : memref<32x1024xf32, #tpu.memory_space<vmem>>, vector<16xf32>,
        tpu.vector_store %arg7[%swap3A_650, %swap3A_651], %gather3A_646 {strides = array<i32>} : memref<32x1024xf32, #tpu.memory_space<vmem>>, vector<16xf32>,
        %add3A_653 = arith.constant 26 : i32
        %add3A_654 = vector.broadcast %add3A_653 : i32 to vector<16xi32>
        %add3A_655 = arith.addi %add3A_392, %add3A_654 : vector<16xi32>
        %gather3A_656 = tpu.vector_load_idx %arg6[%add3A_655] : memref<32768xf32, #tpu.memory_space<vmem>>[vector<16xi32>], vector<16xf32>,
        %mul3A_657 = arith.constant 16 : i32
        %mul3A_658 = arith.muli %scan3A_388, %mul3A_657 : i32
        %swap3A_659 = arith.constant 26 : i32
        %swap3A_660 = arith.index_cast %swap3A_659 : i32 to index
        %swap3A_661 = arith.index_cast %mul3A_658 : i32 to index
        %swap3A_662 = tpu.vector_load %arg7[%swap3A_660, %swap3A_661] {strides = array<i32>} : memref<32x1024xf32, #tpu.memory_space<vmem>>, vector<16xf32>,
        tpu.vector_store %arg7[%swap3A_660, %swap3A_661], %gather3A_656 {strides = array<i32>} : memref<32x1024xf32, #tpu.memory_space<vmem>>, vector<16xf32>,
        %add3A_663 = arith.constant 27 : i32
        %add3A_664 = vector.broadcast %add3A_663 : i32 to vector<16xi32>
        %add3A_665 = arith.addi %add3A_392, %add3A_664 : vector<16xi32>
        %gather3A_666 = tpu.vector_load_idx %arg6[%add3A_665] : memref<32768xf32, #tpu.memory_space<vmem>>[vector<16xi32>], vector<16xf32>,
        %mul3A_667 = arith.constant 16 : i32
        %mul3A_668 = arith.muli %scan3A_388, %mul3A_667 : i32
        %swap3A_669 = arith.constant 27 : i32
        %swap3A_670 = arith.index_cast %swap3A_669 : i32 to index
        %swap3A_671 = arith.index_cast %mul3A_668 : i32 to index
        %swap3A_672 = tpu.vector_load %arg7[%swap3A_670, %swap3A_671] {strides = array<i32>} : memref<32x1024xf32, #tpu.memory_space<vmem>>, vector<16xf32>,
        tpu.vector_store %arg7[%swap3A_670, %swap3A_671], %gather3A_666 {strides = array<i32>} : memref<32x1024xf32, #tpu.memory_space<vmem>>, vector<16xf32>,
        %add3A_673 = arith.constant 28 : i32
        %add3A_674 = vector.broadcast %add3A_673 : i32 to vector<16xi32>
        %add3A_675 = arith.addi %add3A_392, %add3A_674 : vector<16xi32>
        %gather3A_676 = tpu.vector_load_idx %arg6[%add3A_675] : memref<32768xf32, #tpu.memory_space<vmem>>[vector<16xi32>], vector<16xf32>,
        %mul3A_677 = arith.constant 16 : i32
        %mul3A_678 = arith.muli %scan3A_388, %mul3A_677 : i32
        %swap3A_679 = arith.constant 28 : i32
        %swap3A_680 = arith.index_cast %swap3A_679 : i32 to index
        %swap3A_681 = arith.index_cast %mul3A_678 : i32 to index
        %swap3A_682 = tpu.vector_load %arg7[%swap3A_680, %swap3A_681] {strides = array<i32>} : memref<32x1024xf32, #tpu.memory_space<vmem>>, vector<16xf32>,
        tpu.vector_store %arg7[%swap3A_680, %swap3A_681], %gather3A_676 {strides = array<i32>} : memref<32x1024xf32, #tpu.memory_space<vmem>>, vector<16xf32>,
        %add3A_683 = arith.constant 29 : i32
        %add3A_684 = vector.broadcast %add3A_683 : i32 to vector<16xi32>
        %add3A_685 = arith.addi %add3A_392, %add3A_684 : vector<16xi32>
        %gather3A_686 = tpu.vector_load_idx %arg6[%add3A_685] : memref<32768xf32, #tpu.memory_space<vmem>>[vector<16xi32>], vector<16xf32>,
        %mul3A_687 = arith.constant 16 : i32
        %mul3A_688 = arith.muli %scan3A_388, %mul3A_687 : i32
        %swap3A_689 = arith.constant 29 : i32
        %swap3A_690 = arith.index_cast %swap3A_689 : i32 to index
        %swap3A_691 = arith.index_cast %mul3A_688 : i32 to index
        %swap3A_692 = tpu.vector_load %arg7[%swap3A_690, %swap3A_691] {strides = array<i32>} : memref<32x1024xf32, #tpu.memory_space<vmem>>, vector<16xf32>,
        tpu.vector_store %arg7[%swap3A_690, %swap3A_691], %gather3A_686 {strides = array<i32>} : memref<32x1024xf32, #tpu.memory_space<vmem>>, vector<16xf32>,
        %add3A_693 = arith.constant 30 : i32
        %add3A_694 = vector.broadcast %add3A_693 : i32 to vector<16xi32>
        %add3A_695 = arith.addi %add3A_392, %add3A_694 : vector<16xi32>
        %gather3A_696 = tpu.vector_load_idx %arg6[%add3A_695] : memref<32768xf32, #tpu.memory_space<vmem>>[vector<16xi32>], vector<16xf32>,
        %mul3A_697 = arith.constant 16 : i32
        %mul3A_698 = arith.muli %scan3A_388, %mul3A_697 : i32
        %swap3A_699 = arith.constant 30 : i32
        %swap3A_700 = arith.index_cast %swap3A_699 : i32 to index
        %swap3A_701 = arith.index_cast %mul3A_698 : i32 to index
        %swap3A_702 = tpu.vector_load %arg7[%swap3A_700, %swap3A_701] {strides = array<i32>} : memref<32x1024xf32, #tpu.memory_space<vmem>>, vector<16xf32>,
        tpu.vector_store %arg7[%swap3A_700, %swap3A_701], %gather3A_696 {strides = array<i32>} : memref<32x1024xf32, #tpu.memory_space<vmem>>, vector<16xf32>,
        %add3A_703 = arith.constant 31 : i32
        %add3A_704 = vector.broadcast %add3A_703 : i32 to vector<16xi32>
        %add3A_705 = arith.addi %add3A_392, %add3A_704 : vector<16xi32>
        %gather3A_706 = tpu.vector_load_idx %arg6[%add3A_705] : memref<32768xf32, #tpu.memory_space<vmem>>[vector<16xi32>], vector<16xf32>,
        %mul3A_707 = arith.constant 16 : i32
        %mul3A_708 = arith.muli %scan3A_388, %mul3A_707 : i32
        %swap3A_709 = arith.constant 31 : i32
        %swap3A_710 = arith.index_cast %swap3A_709 : i32 to index
        %swap3A_711 = arith.index_cast %mul3A_708 : i32 to index
        %swap3A_712 = tpu.vector_load %arg7[%swap3A_710, %swap3A_711] {strides = array<i32>} : memref<32x1024xf32, #tpu.memory_space<vmem>>, vector<16xf32>,
        tpu.vector_store %arg7[%swap3A_710, %swap3A_711], %gather3A_706 {strides = array<i32>} : memref<32x1024xf32, #tpu.memory_space<vmem>>, vector<16xf32>,
        %scan3A_713 = arith.constant 2 : i32
        %scan3A_714 = arith.addi %scan3A_64, %scan3A_713 : i32
        %mul3A_715 = arith.constant 512 : i32
        %mul3A_716 = arith.muli %scan3A_714, %mul3A_715 : i32
        %add3A_717 = vector.broadcast %mul3A_716 : i32 to vector<16xi32>
        %add3A_718 = arith.addi %mul3A_3, %add3A_717 : vector<16xi32>
        %add3A_719 = arith.constant 0 : i32
        %add3A_720 = vector.broadcast %add3A_719 : i32 to vector<16xi32>
        %add3A_721 = arith.addi %add3A_718, %add3A_720 : vector<16xi32>
        %gather3A_722 = tpu.vector_load_idx %arg6[%add3A_721] : memref<32768xf32, #tpu.memory_space<vmem>>[vector<16xi32>], vector<16xf32>,
        %mul3A_723 = arith.constant 16 : i32
        %mul3A_724 = arith.muli %scan3A_714, %mul3A_723 : i32
        %swap3A_725 = arith.constant 0 : i32
        %swap3A_726 = arith.index_cast %swap3A_725 : i32 to index
        %swap3A_727 = arith.index_cast %mul3A_724 : i32 to index
        %swap3A_728 = tpu.vector_load %arg7[%swap3A_726, %swap3A_727] {strides = array<i32>} : memref<32x1024xf32, #tpu.memory_space<vmem>>, vector<16xf32>,
        tpu.vector_store %arg7[%swap3A_726, %swap3A_727], %gather3A_722 {strides = array<i32>} : memref<32x1024xf32, #tpu.memory_space<vmem>>, vector<16xf32>,
        %add3A_729 = arith.constant 1 : i32
        %add3A_730 = vector.broadcast %add3A_729 : i32 to vector<16xi32>
        %add3A_731 = arith.addi %add3A_718, %add3A_730 : vector<16xi32>
        %gather3A_732 = tpu.vector_load_idx %arg6[%add3A_731] : memref<32768xf32, #tpu.memory_space<vmem>>[vector<16xi32>], vector<16xf32>,
        %mul3A_733 = arith.constant 16 : i32
        %mul3A_734 = arith.muli %scan3A_714, %mul3A_733 : i32
        %swap3A_735 = arith.constant 1 : i32
        %swap3A_736 = arith.index_cast %swap3A_735 : i32 to index
        %swap3A_737 = arith.index_cast %mul3A_734 : i32 to index
        %swap3A_738 = tpu.vector_load %arg7[%swap3A_736, %swap3A_737] {strides = array<i32>} : memref<32x1024xf32, #tpu.memory_space<vmem>>, vector<16xf32>,
        tpu.vector_store %arg7[%swap3A_736, %swap3A_737], %gather3A_732 {strides = array<i32>} : memref<32x1024xf32, #tpu.memory_space<vmem>>, vector<16xf32>,
        %add3A_739 = arith.constant 2 : i32
        %add3A_740 = vector.broadcast %add3A_739 : i32 to vector<16xi32>
        %add3A_741 = arith.addi %add3A_718, %add3A_740 : vector<16xi32>
        %gather3A_742 = tpu.vector_load_idx %arg6[%add3A_741] : memref<32768xf32, #tpu.memory_space<vmem>>[vector<16xi32>], vector<16xf32>,
        %mul3A_743 = arith.constant 16 : i32
        %mul3A_744 = arith.muli %scan3A_714, %mul3A_743 : i32
        %swap3A_745 = arith.constant 2 : i32
        %swap3A_746 = arith.index_cast %swap3A_745 : i32 to index
        %swap3A_747 = arith.index_cast %mul3A_744 : i32 to index
        %swap3A_748 = tpu.vector_load %arg7[%swap3A_746, %swap3A_747] {strides = array<i32>} : memref<32x1024xf32, #tpu.memory_space<vmem>>, vector<16xf32>,
        tpu.vector_store %arg7[%swap3A_746, %swap3A_747], %gather3A_742 {strides = array<i32>} : memref<32x1024xf32, #tpu.memory_space<vmem>>, vector<16xf32>,
        %add3A_749 = arith.constant 3 : i32
        %add3A_750 = vector.broadcast %add3A_749 : i32 to vector<16xi32>
        %add3A_751 = arith.addi %add3A_718, %add3A_750 : vector<16xi32>
        %gather3A_752 = tpu.vector_load_idx %arg6[%add3A_751] : memref<32768xf32, #tpu.memory_space<vmem>>[vector<16xi32>], vector<16xf32>,
        %mul3A_753 = arith.constant 16 : i32
        %mul3A_754 = arith.muli %scan3A_714, %mul3A_753 : i32
        %swap3A_755 = arith.constant 3 : i32
        %swap3A_756 = arith.index_cast %swap3A_755 : i32 to index
        %swap3A_757 = arith.index_cast %mul3A_754 : i32 to index
        %swap3A_758 = tpu.vector_load %arg7[%swap3A_756, %swap3A_757] {strides = array<i32>} : memref<32x1024xf32, #tpu.memory_space<vmem>>, vector<16xf32>,
        tpu.vector_store %arg7[%swap3A_756, %swap3A_757], %gather3A_752 {strides = array<i32>} : memref<32x1024xf32, #tpu.memory_space<vmem>>, vector<16xf32>,
        %add3A_759 = arith.constant 4 : i32
        %add3A_760 = vector.broadcast %add3A_759 : i32 to vector<16xi32>
        %add3A_761 = arith.addi %add3A_718, %add3A_760 : vector<16xi32>
        %gather3A_762 = tpu.vector_load_idx %arg6[%add3A_761] : memref<32768xf32, #tpu.memory_space<vmem>>[vector<16xi32>], vector<16xf32>,
        %mul3A_763 = arith.constant 16 : i32
        %mul3A_764 = arith.muli %scan3A_714, %mul3A_763 : i32
        %swap3A_765 = arith.constant 4 : i32
        %swap3A_766 = arith.index_cast %swap3A_765 : i32 to index
        %swap3A_767 = arith.index_cast %mul3A_764 : i32 to index
        %swap3A_768 = tpu.vector_load %arg7[%swap3A_766, %swap3A_767] {strides = array<i32>} : memref<32x1024xf32, #tpu.memory_space<vmem>>, vector<16xf32>,
        tpu.vector_store %arg7[%swap3A_766, %swap3A_767], %gather3A_762 {strides = array<i32>} : memref<32x1024xf32, #tpu.memory_space<vmem>>, vector<16xf32>,
        %add3A_769 = arith.constant 5 : i32
        %add3A_770 = vector.broadcast %add3A_769 : i32 to vector<16xi32>
        %add3A_771 = arith.addi %add3A_718, %add3A_770 : vector<16xi32>
        %gather3A_772 = tpu.vector_load_idx %arg6[%add3A_771] : memref<32768xf32, #tpu.memory_space<vmem>>[vector<16xi32>], vector<16xf32>,
        %mul3A_773 = arith.constant 16 : i32
        %mul3A_774 = arith.muli %scan3A_714, %mul3A_773 : i32
        %swap3A_775 = arith.constant 5 : i32
        %swap3A_776 = arith.index_cast %swap3A_775 : i32 to index
        %swap3A_777 = arith.index_cast %mul3A_774 : i32 to index
        %swap3A_778 = tpu.vector_load %arg7[%swap3A_776, %swap3A_777] {strides = array<i32>} : memref<32x1024xf32, #tpu.memory_space<vmem>>, vector<16xf32>,
        tpu.vector_store %arg7[%swap3A_776, %swap3A_777], %gather3A_772 {strides = array<i32>} : memref<32x1024xf32, #tpu.memory_space<vmem>>, vector<16xf32>,
        %add3A_779 = arith.constant 6 : i32
        %add3A_780 = vector.broadcast %add3A_779 : i32 to vector<16xi32>
        %add3A_781 = arith.addi %add3A_718, %add3A_780 : vector<16xi32>
        %gather3A_782 = tpu.vector_load_idx %arg6[%add3A_781] : memref<32768xf32, #tpu.memory_space<vmem>>[vector<16xi32>], vector<16xf32>,
        %mul3A_783 = arith.constant 16 : i32
        %mul3A_784 = arith.muli %scan3A_714, %mul3A_783 : i32
        %swap3A_785 = arith.constant 6 : i32
        %swap3A_786 = arith.index_cast %swap3A_785 : i32 to index
        %swap3A_787 = arith.index_cast %mul3A_784 : i32 to index
        %swap3A_788 = tpu.vector_load %arg7[%swap3A_786, %swap3A_787] {strides = array<i32>} : memref<32x1024xf32, #tpu.memory_space<vmem>>, vector<16xf32>,
        tpu.vector_store %arg7[%swap3A_786, %swap3A_787], %gather3A_782 {strides = array<i32>} : memref<32x1024xf32, #tpu.memory_space<vmem>>, vector<16xf32>,
        %add3A_789 = arith.constant 7 : i32
        %add3A_790 = vector.broadcast %add3A_789 : i32 to vector<16xi32>
        %add3A_791 = arith.addi %add3A_718, %add3A_790 : vector<16xi32>
        %gather3A_792 = tpu.vector_load_idx %arg6[%add3A_791] : memref<32768xf32, #tpu.memory_space<vmem>>[vector<16xi32>], vector<16xf32>,
        %mul3A_793 = arith.constant 16 : i32
        %mul3A_794 = arith.muli %scan3A_714, %mul3A_793 : i32
        %swap3A_795 = arith.constant 7 : i32
        %swap3A_796 = arith.index_cast %swap3A_795 : i32 to index
        %swap3A_797 = arith.index_cast %mul3A_794 : i32 to index
        %swap3A_798 = tpu.vector_load %arg7[%swap3A_796, %swap3A_797] {strides = array<i32>} : memref<32x1024xf32, #tpu.memory_space<vmem>>, vector<16xf32>,
        tpu.vector_store %arg7[%swap3A_796, %swap3A_797], %gather3A_792 {strides = array<i32>} : memref<32x1024xf32, #tpu.memory_space<vmem>>, vector<16xf32>,
        %add3A_799 = arith.constant 8 : i32
        %add3A_800 = vector.broadcast %add3A_799 : i32 to vector<16xi32>
        %add3A_801 = arith.addi %add3A_718, %add3A_800 : vector<16xi32>
        %gather3A_802 = tpu.vector_load_idx %arg6[%add3A_801] : memref<32768xf32, #tpu.memory_space<vmem>>[vector<16xi32>], vector<16xf32>,
        %mul3A_803 = arith.constant 16 : i32
        %mul3A_804 = arith.muli %scan3A_714, %mul3A_803 : i32
        %swap3A_805 = arith.constant 8 : i32
        %swap3A_806 = arith.index_cast %swap3A_805 : i32 to index
        %swap3A_807 = arith.index_cast %mul3A_804 : i32 to index
        %swap3A_808 = tpu.vector_load %arg7[%swap3A_806, %swap3A_807] {strides = array<i32>} : memref<32x1024xf32, #tpu.memory_space<vmem>>, vector<16xf32>,
        tpu.vector_store %arg7[%swap3A_806, %swap3A_807], %gather3A_802 {strides = array<i32>} : memref<32x1024xf32, #tpu.memory_space<vmem>>, vector<16xf32>,
        %add3A_809 = arith.constant 9 : i32
        %add3A_810 = vector.broadcast %add3A_809 : i32 to vector<16xi32>
        %add3A_811 = arith.addi %add3A_718, %add3A_810 : vector<16xi32>
        %gather3A_812 = tpu.vector_load_idx %arg6[%add3A_811] : memref<32768xf32, #tpu.memory_space<vmem>>[vector<16xi32>], vector<16xf32>,
        %mul3A_813 = arith.constant 16 : i32
        %mul3A_814 = arith.muli %scan3A_714, %mul3A_813 : i32
        %swap3A_815 = arith.constant 9 : i32
        %swap3A_816 = arith.index_cast %swap3A_815 : i32 to index
        %swap3A_817 = arith.index_cast %mul3A_814 : i32 to index
        %swap3A_818 = tpu.vector_load %arg7[%swap3A_816, %swap3A_817] {strides = array<i32>} : memref<32x1024xf32, #tpu.memory_space<vmem>>, vector<16xf32>,
        tpu.vector_store %arg7[%swap3A_816, %swap3A_817], %gather3A_812 {strides = array<i32>} : memref<32x1024xf32, #tpu.memory_space<vmem>>, vector<16xf32>,
        %add3A_819 = arith.constant 10 : i32
        %add3A_820 = vector.broadcast %add3A_819 : i32 to vector<16xi32>
        %add3A_821 = arith.addi %add3A_718, %add3A_820 : vector<16xi32>
        %gather3A_822 = tpu.vector_load_idx %arg6[%add3A_821] : memref<32768xf32, #tpu.memory_space<vmem>>[vector<16xi32>], vector<16xf32>,
        %mul3A_823 = arith.constant 16 : i32
        %mul3A_824 = arith.muli %scan3A_714, %mul3A_823 : i32
        %swap3A_825 = arith.constant 10 : i32
        %swap3A_826 = arith.index_cast %swap3A_825 : i32 to index
        %swap3A_827 = arith.index_cast %mul3A_824 : i32 to index
        %swap3A_828 = tpu.vector_load %arg7[%swap3A_826, %swap3A_827] {strides = array<i32>} : memref<32x1024xf32, #tpu.memory_space<vmem>>, vector<16xf32>,
        tpu.vector_store %arg7[%swap3A_826, %swap3A_827], %gather3A_822 {strides = array<i32>} : memref<32x1024xf32, #tpu.memory_space<vmem>>, vector<16xf32>,
        %add3A_829 = arith.constant 11 : i32
        %add3A_830 = vector.broadcast %add3A_829 : i32 to vector<16xi32>
        %add3A_831 = arith.addi %add3A_718, %add3A_830 : vector<16xi32>
        %gather3A_832 = tpu.vector_load_idx %arg6[%add3A_831] : memref<32768xf32, #tpu.memory_space<vmem>>[vector<16xi32>], vector<16xf32>,
        %mul3A_833 = arith.constant 16 : i32
        %mul3A_834 = arith.muli %scan3A_714, %mul3A_833 : i32
        %swap3A_835 = arith.constant 11 : i32
        %swap3A_836 = arith.index_cast %swap3A_835 : i32 to index
        %swap3A_837 = arith.index_cast %mul3A_834 : i32 to index
        %swap3A_838 = tpu.vector_load %arg7[%swap3A_836, %swap3A_837] {strides = array<i32>} : memref<32x1024xf32, #tpu.memory_space<vmem>>, vector<16xf32>,
        tpu.vector_store %arg7[%swap3A_836, %swap3A_837], %gather3A_832 {strides = array<i32>} : memref<32x1024xf32, #tpu.memory_space<vmem>>, vector<16xf32>,
        %add3A_839 = arith.constant 12 : i32
        %add3A_840 = vector.broadcast %add3A_839 : i32 to vector<16xi32>
        %add3A_841 = arith.addi %add3A_718, %add3A_840 : vector<16xi32>
        %gather3A_842 = tpu.vector_load_idx %arg6[%add3A_841] : memref<32768xf32, #tpu.memory_space<vmem>>[vector<16xi32>], vector<16xf32>,
        %mul3A_843 = arith.constant 16 : i32
        %mul3A_844 = arith.muli %scan3A_714, %mul3A_843 : i32
        %swap3A_845 = arith.constant 12 : i32
        %swap3A_846 = arith.index_cast %swap3A_845 : i32 to index
        %swap3A_847 = arith.index_cast %mul3A_844 : i32 to index
        %swap3A_848 = tpu.vector_load %arg7[%swap3A_846, %swap3A_847] {strides = array<i32>} : memref<32x1024xf32, #tpu.memory_space<vmem>>, vector<16xf32>,
        tpu.vector_store %arg7[%swap3A_846, %swap3A_847], %gather3A_842 {strides = array<i32>} : memref<32x1024xf32, #tpu.memory_space<vmem>>, vector<16xf32>,
        %add3A_849 = arith.constant 13 : i32
        %add3A_850 = vector.broadcast %add3A_849 : i32 to vector<16xi32>
        %add3A_851 = arith.addi %add3A_718, %add3A_850 : vector<16xi32>
        %gather3A_852 = tpu.vector_load_idx %arg6[%add3A_851] : memref<32768xf32, #tpu.memory_space<vmem>>[vector<16xi32>], vector<16xf32>,
        %mul3A_853 = arith.constant 16 : i32
        %mul3A_854 = arith.muli %scan3A_714, %mul3A_853 : i32
        %swap3A_855 = arith.constant 13 : i32
        %swap3A_856 = arith.index_cast %swap3A_855 : i32 to index
        %swap3A_857 = arith.index_cast %mul3A_854 : i32 to index
        %swap3A_858 = tpu.vector_load %arg7[%swap3A_856, %swap3A_857] {strides = array<i32>} : memref<32x1024xf32, #tpu.memory_space<vmem>>, vector<16xf32>,
        tpu.vector_store %arg7[%swap3A_856, %swap3A_857], %gather3A_852 {strides = array<i32>} : memref<32x1024xf32, #tpu.memory_space<vmem>>, vector<16xf32>,
        %add3A_859 = arith.constant 14 : i32
        %add3A_860 = vector.broadcast %add3A_859 : i32 to vector<16xi32>
        %add3A_861 = arith.addi %add3A_718, %add3A_860 : vector<16xi32>
        %gather3A_862 = tpu.vector_load_idx %arg6[%add3A_861] : memref<32768xf32, #tpu.memory_space<vmem>>[vector<16xi32>], vector<16xf32>,
        %mul3A_863 = arith.constant 16 : i32
        %mul3A_864 = arith.muli %scan3A_714, %mul3A_863 : i32
        %swap3A_865 = arith.constant 14 : i32
        %swap3A_866 = arith.index_cast %swap3A_865 : i32 to index
        %swap3A_867 = arith.index_cast %mul3A_864 : i32 to index
        %swap3A_868 = tpu.vector_load %arg7[%swap3A_866, %swap3A_867] {strides = array<i32>} : memref<32x1024xf32, #tpu.memory_space<vmem>>, vector<16xf32>,
        tpu.vector_store %arg7[%swap3A_866, %swap3A_867], %gather3A_862 {strides = array<i32>} : memref<32x1024xf32, #tpu.memory_space<vmem>>, vector<16xf32>,
        %add3A_869 = arith.constant 15 : i32
        %add3A_870 = vector.broadcast %add3A_869 : i32 to vector<16xi32>
        %add3A_871 = arith.addi %add3A_718, %add3A_870 : vector<16xi32>
        %gather3A_872 = tpu.vector_load_idx %arg6[%add3A_871] : memref<32768xf32, #tpu.memory_space<vmem>>[vector<16xi32>], vector<16xf32>,
        %mul3A_873 = arith.constant 16 : i32
        %mul3A_874 = arith.muli %scan3A_714, %mul3A_873 : i32
        %swap3A_875 = arith.constant 15 : i32
        %swap3A_876 = arith.index_cast %swap3A_875 : i32 to index
        %swap3A_877 = arith.index_cast %mul3A_874 : i32 to index
        %swap3A_878 = tpu.vector_load %arg7[%swap3A_876, %swap3A_877] {strides = array<i32>} : memref<32x1024xf32, #tpu.memory_space<vmem>>, vector<16xf32>,
        tpu.vector_store %arg7[%swap3A_876, %swap3A_877], %gather3A_872 {strides = array<i32>} : memref<32x1024xf32, #tpu.memory_space<vmem>>, vector<16xf32>,
        %add3A_879 = arith.constant 16 : i32
        %add3A_880 = vector.broadcast %add3A_879 : i32 to vector<16xi32>
        %add3A_881 = arith.addi %add3A_718, %add3A_880 : vector<16xi32>
        %gather3A_882 = tpu.vector_load_idx %arg6[%add3A_881] : memref<32768xf32, #tpu.memory_space<vmem>>[vector<16xi32>], vector<16xf32>,
        %mul3A_883 = arith.constant 16 : i32
        %mul3A_884 = arith.muli %scan3A_714, %mul3A_883 : i32
        %swap3A_885 = arith.constant 16 : i32
        %swap3A_886 = arith.index_cast %swap3A_885 : i32 to index
        %swap3A_887 = arith.index_cast %mul3A_884 : i32 to index
        %swap3A_888 = tpu.vector_load %arg7[%swap3A_886, %swap3A_887] {strides = array<i32>} : memref<32x1024xf32, #tpu.memory_space<vmem>>, vector<16xf32>,
        tpu.vector_store %arg7[%swap3A_886, %swap3A_887], %gather3A_882 {strides = array<i32>} : memref<32x1024xf32, #tpu.memory_space<vmem>>, vector<16xf32>,
        %add3A_889 = arith.constant 17 : i32
        %add3A_890 = vector.broadcast %add3A_889 : i32 to vector<16xi32>
        %add3A_891 = arith.addi %add3A_718, %add3A_890 : vector<16xi32>
        %gather3A_892 = tpu.vector_load_idx %arg6[%add3A_891] : memref<32768xf32, #tpu.memory_space<vmem>>[vector<16xi32>], vector<16xf32>,
        %mul3A_893 = arith.constant 16 : i32
        %mul3A_894 = arith.muli %scan3A_714, %mul3A_893 : i32
        %swap3A_895 = arith.constant 17 : i32
        %swap3A_896 = arith.index_cast %swap3A_895 : i32 to index
        %swap3A_897 = arith.index_cast %mul3A_894 : i32 to index
        %swap3A_898 = tpu.vector_load %arg7[%swap3A_896, %swap3A_897] {strides = array<i32>} : memref<32x1024xf32, #tpu.memory_space<vmem>>, vector<16xf32>,
        tpu.vector_store %arg7[%swap3A_896, %swap3A_897], %gather3A_892 {strides = array<i32>} : memref<32x1024xf32, #tpu.memory_space<vmem>>, vector<16xf32>,
        %add3A_899 = arith.constant 18 : i32
        %add3A_900 = vector.broadcast %add3A_899 : i32 to vector<16xi32>
        %add3A_901 = arith.addi %add3A_718, %add3A_900 : vector<16xi32>
        %gather3A_902 = tpu.vector_load_idx %arg6[%add3A_901] : memref<32768xf32, #tpu.memory_space<vmem>>[vector<16xi32>], vector<16xf32>,
        %mul3A_903 = arith.constant 16 : i32
        %mul3A_904 = arith.muli %scan3A_714, %mul3A_903 : i32
        %swap3A_905 = arith.constant 18 : i32
        %swap3A_906 = arith.index_cast %swap3A_905 : i32 to index
        %swap3A_907 = arith.index_cast %mul3A_904 : i32 to index
        %swap3A_908 = tpu.vector_load %arg7[%swap3A_906, %swap3A_907] {strides = array<i32>} : memref<32x1024xf32, #tpu.memory_space<vmem>>, vector<16xf32>,
        tpu.vector_store %arg7[%swap3A_906, %swap3A_907], %gather3A_902 {strides = array<i32>} : memref<32x1024xf32, #tpu.memory_space<vmem>>, vector<16xf32>,
        %add3A_909 = arith.constant 19 : i32
        %add3A_910 = vector.broadcast %add3A_909 : i32 to vector<16xi32>
        %add3A_911 = arith.addi %add3A_718, %add3A_910 : vector<16xi32>
        %gather3A_912 = tpu.vector_load_idx %arg6[%add3A_911] : memref<32768xf32, #tpu.memory_space<vmem>>[vector<16xi32>], vector<16xf32>,
        %mul3A_913 = arith.constant 16 : i32
        %mul3A_914 = arith.muli %scan3A_714, %mul3A_913 : i32
        %swap3A_915 = arith.constant 19 : i32
        %swap3A_916 = arith.index_cast %swap3A_915 : i32 to index
        %swap3A_917 = arith.index_cast %mul3A_914 : i32 to index
        %swap3A_918 = tpu.vector_load %arg7[%swap3A_916, %swap3A_917] {strides = array<i32>} : memref<32x1024xf32, #tpu.memory_space<vmem>>, vector<16xf32>,
        tpu.vector_store %arg7[%swap3A_916, %swap3A_917], %gather3A_912 {strides = array<i32>} : memref<32x1024xf32, #tpu.memory_space<vmem>>, vector<16xf32>,
        %add3A_919 = arith.constant 20 : i32
        %add3A_920 = vector.broadcast %add3A_919 : i32 to vector<16xi32>
        %add3A_921 = arith.addi %add3A_718, %add3A_920 : vector<16xi32>
        %gather3A_922 = tpu.vector_load_idx %arg6[%add3A_921] : memref<32768xf32, #tpu.memory_space<vmem>>[vector<16xi32>], vector<16xf32>,
        %mul3A_923 = arith.constant 16 : i32
        %mul3A_924 = arith.muli %scan3A_714, %mul3A_923 : i32
        %swap3A_925 = arith.constant 20 : i32
        %swap3A_926 = arith.index_cast %swap3A_925 : i32 to index
        %swap3A_927 = arith.index_cast %mul3A_924 : i32 to index
        %swap3A_928 = tpu.vector_load %arg7[%swap3A_926, %swap3A_927] {strides = array<i32>} : memref<32x1024xf32, #tpu.memory_space<vmem>>, vector<16xf32>,
        tpu.vector_store %arg7[%swap3A_926, %swap3A_927], %gather3A_922 {strides = array<i32>} : memref<32x1024xf32, #tpu.memory_space<vmem>>, vector<16xf32>,
        %add3A_929 = arith.constant 21 : i32
        %add3A_930 = vector.broadcast %add3A_929 : i32 to vector<16xi32>
        %add3A_931 = arith.addi %add3A_718, %add3A_930 : vector<16xi32>
        %gather3A_932 = tpu.vector_load_idx %arg6[%add3A_931] : memref<32768xf32, #tpu.memory_space<vmem>>[vector<16xi32>], vector<16xf32>,
        %mul3A_933 = arith.constant 16 : i32
        %mul3A_934 = arith.muli %scan3A_714, %mul3A_933 : i32
        %swap3A_935 = arith.constant 21 : i32
        %swap3A_936 = arith.index_cast %swap3A_935 : i32 to index
        %swap3A_937 = arith.index_cast %mul3A_934 : i32 to index
        %swap3A_938 = tpu.vector_load %arg7[%swap3A_936, %swap3A_937] {strides = array<i32>} : memref<32x1024xf32, #tpu.memory_space<vmem>>, vector<16xf32>,
        tpu.vector_store %arg7[%swap3A_936, %swap3A_937], %gather3A_932 {strides = array<i32>} : memref<32x1024xf32, #tpu.memory_space<vmem>>, vector<16xf32>,
        %add3A_939 = arith.constant 22 : i32
        %add3A_940 = vector.broadcast %add3A_939 : i32 to vector<16xi32>
        %add3A_941 = arith.addi %add3A_718, %add3A_940 : vector<16xi32>
        %gather3A_942 = tpu.vector_load_idx %arg6[%add3A_941] : memref<32768xf32, #tpu.memory_space<vmem>>[vector<16xi32>], vector<16xf32>,
        %mul3A_943 = arith.constant 16 : i32
        %mul3A_944 = arith.muli %scan3A_714, %mul3A_943 : i32
        %swap3A_945 = arith.constant 22 : i32
        %swap3A_946 = arith.index_cast %swap3A_945 : i32 to index
        %swap3A_947 = arith.index_cast %mul3A_944 : i32 to index
        %swap3A_948 = tpu.vector_load %arg7[%swap3A_946, %swap3A_947] {strides = array<i32>} : memref<32x1024xf32, #tpu.memory_space<vmem>>, vector<16xf32>,
        tpu.vector_store %arg7[%swap3A_946, %swap3A_947], %gather3A_942 {strides = array<i32>} : memref<32x1024xf32, #tpu.memory_space<vmem>>, vector<16xf32>,
        %add3A_949 = arith.constant 23 : i32
        %add3A_950 = vector.broadcast %add3A_949 : i32 to vector<16xi32>
        %add3A_951 = arith.addi %add3A_718, %add3A_950 : vector<16xi32>
        %gather3A_952 = tpu.vector_load_idx %arg6[%add3A_951] : memref<32768xf32, #tpu.memory_space<vmem>>[vector<16xi32>], vector<16xf32>,
        %mul3A_953 = arith.constant 16 : i32
        %mul3A_954 = arith.muli %scan3A_714, %mul3A_953 : i32
        %swap3A_955 = arith.constant 23 : i32
        %swap3A_956 = arith.index_cast %swap3A_955 : i32 to index
        %swap3A_957 = arith.index_cast %mul3A_954 : i32 to index
        %swap3A_958 = tpu.vector_load %arg7[%swap3A_956, %swap3A_957] {strides = array<i32>} : memref<32x1024xf32, #tpu.memory_space<vmem>>, vector<16xf32>,
        tpu.vector_store %arg7[%swap3A_956, %swap3A_957], %gather3A_952 {strides = array<i32>} : memref<32x1024xf32, #tpu.memory_space<vmem>>, vector<16xf32>,
        %add3A_959 = arith.constant 24 : i32
        %add3A_960 = vector.broadcast %add3A_959 : i32 to vector<16xi32>
        %add3A_961 = arith.addi %add3A_718, %add3A_960 : vector<16xi32>
        %gather3A_962 = tpu.vector_load_idx %arg6[%add3A_961] : memref<32768xf32, #tpu.memory_space<vmem>>[vector<16xi32>], vector<16xf32>,
        %mul3A_963 = arith.constant 16 : i32
        %mul3A_964 = arith.muli %scan3A_714, %mul3A_963 : i32
        %swap3A_965 = arith.constant 24 : i32
        %swap3A_966 = arith.index_cast %swap3A_965 : i32 to index
        %swap3A_967 = arith.index_cast %mul3A_964 : i32 to index
        %swap3A_968 = tpu.vector_load %arg7[%swap3A_966, %swap3A_967] {strides = array<i32>} : memref<32x1024xf32, #tpu.memory_space<vmem>>, vector<16xf32>,
        tpu.vector_store %arg7[%swap3A_966, %swap3A_967], %gather3A_962 {strides = array<i32>} : memref<32x1024xf32, #tpu.memory_space<vmem>>, vector<16xf32>,
        %add3A_969 = arith.constant 25 : i32
        %add3A_970 = vector.broadcast %add3A_969 : i32 to vector<16xi32>
        %add3A_971 = arith.addi %add3A_718, %add3A_970 : vector<16xi32>
        %gather3A_972 = tpu.vector_load_idx %arg6[%add3A_971] : memref<32768xf32, #tpu.memory_space<vmem>>[vector<16xi32>], vector<16xf32>,
        %mul3A_973 = arith.constant 16 : i32
        %mul3A_974 = arith.muli %scan3A_714, %mul3A_973 : i32
        %swap3A_975 = arith.constant 25 : i32
        %swap3A_976 = arith.index_cast %swap3A_975 : i32 to index
        %swap3A_977 = arith.index_cast %mul3A_974 : i32 to index
        %swap3A_978 = tpu.vector_load %arg7[%swap3A_976, %swap3A_977] {strides = array<i32>} : memref<32x1024xf32, #tpu.memory_space<vmem>>, vector<16xf32>,
        tpu.vector_store %arg7[%swap3A_976, %swap3A_977], %gather3A_972 {strides = array<i32>} : memref<32x1024xf32, #tpu.memory_space<vmem>>, vector<16xf32>,
        %add3A_979 = arith.constant 26 : i32
        %add3A_980 = vector.broadcast %add3A_979 : i32 to vector<16xi32>
        %add3A_981 = arith.addi %add3A_718, %add3A_980 : vector<16xi32>
        %gather3A_982 = tpu.vector_load_idx %arg6[%add3A_981] : memref<32768xf32, #tpu.memory_space<vmem>>[vector<16xi32>], vector<16xf32>,
        %mul3A_983 = arith.constant 16 : i32
        %mul3A_984 = arith.muli %scan3A_714, %mul3A_983 : i32
        %swap3A_985 = arith.constant 26 : i32
        %swap3A_986 = arith.index_cast %swap3A_985 : i32 to index
        %swap3A_987 = arith.index_cast %mul3A_984 : i32 to index
        %swap3A_988 = tpu.vector_load %arg7[%swap3A_986, %swap3A_987] {strides = array<i32>} : memref<32x1024xf32, #tpu.memory_space<vmem>>, vector<16xf32>,
        tpu.vector_store %arg7[%swap3A_986, %swap3A_987], %gather3A_982 {strides = array<i32>} : memref<32x1024xf32, #tpu.memory_space<vmem>>, vector<16xf32>,
        %add3A_989 = arith.constant 27 : i32
        %add3A_990 = vector.broadcast %add3A_989 : i32 to vector<16xi32>
        %add3A_991 = arith.addi %add3A_718, %add3A_990 : vector<16xi32>
        %gather3A_992 = tpu.vector_load_idx %arg6[%add3A_991] : memref<32768xf32, #tpu.memory_space<vmem>>[vector<16xi32>], vector<16xf32>,
        %mul3A_993 = arith.constant 16 : i32
        %mul3A_994 = arith.muli %scan3A_714, %mul3A_993 : i32
        %swap3A_995 = arith.constant 27 : i32
        %swap3A_996 = arith.index_cast %swap3A_995 : i32 to index
        %swap3A_997 = arith.index_cast %mul3A_994 : i32 to index
        %swap3A_998 = tpu.vector_load %arg7[%swap3A_996, %swap3A_997] {strides = array<i32>} : memref<32x1024xf32, #tpu.memory_space<vmem>>, vector<16xf32>,
        tpu.vector_store %arg7[%swap3A_996, %swap3A_997], %gather3A_992 {strides = array<i32>} : memref<32x1024xf32, #tpu.memory_space<vmem>>, vector<16xf32>,
        %add3A_999 = arith.constant 28 : i32
        %add3A_1000 = vector.broadcast %add3A_999 : i32 to vector<16xi32>
        %add3A_1001 = arith.addi %add3A_718, %add3A_1000 : vector<16xi32>
        %gather3A_1002 = tpu.vector_load_idx %arg6[%add3A_1001] : memref<32768xf32, #tpu.memory_space<vmem>>[vector<16xi32>], vector<16xf32>,
        %mul3A_1003 = arith.constant 16 : i32
        %mul3A_1004 = arith.muli %scan3A_714, %mul3A_1003 : i32
        %swap3A_1005 = arith.constant 28 : i32
        %swap3A_1006 = arith.index_cast %swap3A_1005 : i32 to index
        %swap3A_1007 = arith.index_cast %mul3A_1004 : i32 to index
        %swap3A_1008 = tpu.vector_load %arg7[%swap3A_1006, %swap3A_1007] {strides = array<i32>} : memref<32x1024xf32, #tpu.memory_space<vmem>>, vector<16xf32>,
        tpu.vector_store %arg7[%swap3A_1006, %swap3A_1007], %gather3A_1002 {strides = array<i32>} : memref<32x1024xf32, #tpu.memory_space<vmem>>, vector<16xf32>,
        %add3A_1009 = arith.constant 29 : i32
        %add3A_1010 = vector.broadcast %add3A_1009 : i32 to vector<16xi32>
        %add3A_1011 = arith.addi %add3A_718, %add3A_1010 : vector<16xi32>
        %gather3A_1012 = tpu.vector_load_idx %arg6[%add3A_1011] : memref<32768xf32, #tpu.memory_space<vmem>>[vector<16xi32>], vector<16xf32>,
        %mul3A_1013 = arith.constant 16 : i32
        %mul3A_1014 = arith.muli %scan3A_714, %mul3A_1013 : i32
        %swap3A_1015 = arith.constant 29 : i32
        %swap3A_1016 = arith.index_cast %swap3A_1015 : i32 to index
        %swap3A_1017 = arith.index_cast %mul3A_1014 : i32 to index
        %swap3A_1018 = tpu.vector_load %arg7[%swap3A_1016, %swap3A_1017] {strides = array<i32>} : memref<32x1024xf32, #tpu.memory_space<vmem>>, vector<16xf32>,
        tpu.vector_store %arg7[%swap3A_1016, %swap3A_1017], %gather3A_1012 {strides = array<i32>} : memref<32x1024xf32, #tpu.memory_space<vmem>>, vector<16xf32>,
        %add3A_1019 = arith.constant 30 : i32
        %add3A_1020 = vector.broadcast %add3A_1019 : i32 to vector<16xi32>
        %add3A_1021 = arith.addi %add3A_718, %add3A_1020 : vector<16xi32>
        %gather3A_1022 = tpu.vector_load_idx %arg6[%add3A_1021] : memref<32768xf32, #tpu.memory_space<vmem>>[vector<16xi32>], vector<16xf32>,
        %mul3A_1023 = arith.constant 16 : i32
        %mul3A_1024 = arith.muli %scan3A_714, %mul3A_1023 : i32
        %swap3A_1025 = arith.constant 30 : i32
        %swap3A_1026 = arith.index_cast %swap3A_1025 : i32 to index
        %swap3A_1027 = arith.index_cast %mul3A_1024 : i32 to index
        %swap3A_1028 = tpu.vector_load %arg7[%swap3A_1026, %swap3A_1027] {strides = array<i32>} : memref<32x1024xf32, #tpu.memory_space<vmem>>, vector<16xf32>,
        tpu.vector_store %arg7[%swap3A_1026, %swap3A_1027], %gather3A_1022 {strides = array<i32>} : memref<32x1024xf32, #tpu.memory_space<vmem>>, vector<16xf32>,
        %add3A_1029 = arith.constant 31 : i32
        %add3A_1030 = vector.broadcast %add3A_1029 : i32 to vector<16xi32>
        %add3A_1031 = arith.addi %add3A_718, %add3A_1030 : vector<16xi32>
        %gather3A_1032 = tpu.vector_load_idx %arg6[%add3A_1031] : memref<32768xf32, #tpu.memory_space<vmem>>[vector<16xi32>], vector<16xf32>,
        %mul3A_1033 = arith.constant 16 : i32
        %mul3A_1034 = arith.muli %scan3A_714, %mul3A_1033 : i32
        %swap3A_1035 = arith.constant 31 : i32
        %swap3A_1036 = arith.index_cast %swap3A_1035 : i32 to index
        %swap3A_1037 = arith.index_cast %mul3A_1034 : i32 to index
        %swap3A_1038 = tpu.vector_load %arg7[%swap3A_1036, %swap3A_1037] {strides = array<i32>} : memref<32x1024xf32, #tpu.memory_space<vmem>>, vector<16xf32>,
        tpu.vector_store %arg7[%swap3A_1036, %swap3A_1037], %gather3A_1032 {strides = array<i32>} : memref<32x1024xf32, #tpu.memory_space<vmem>>, vector<16xf32>,
        %scan3A_1039 = arith.constant 3 : i32
        %scan3A_1040 = arith.addi %scan3A_64, %scan3A_1039 : i32
        %mul3A_1041 = arith.constant 512 : i32
        %mul3A_1042 = arith.muli %scan3A_1040, %mul3A_1041 : i32
        %add3A_1043 = vector.broadcast %mul3A_1042 : i32 to vector<16xi32>
        %add3A_1044 = arith.addi %mul3A_3, %add3A_1043 : vector<16xi32>
        %add3A_1045 = arith.constant 0 : i32
        %add3A_1046 = vector.broadcast %add3A_1045 : i32 to vector<16xi32>
        %add3A_1047 = arith.addi %add3A_1044, %add3A_1046 : vector<16xi32>
        %gather3A_1048 = tpu.vector_load_idx %arg6[%add3A_1047] : memref<32768xf32, #tpu.memory_space<vmem>>[vector<16xi32>], vector<16xf32>,
        %mul3A_1049 = arith.constant 16 : i32
        %mul3A_1050 = arith.muli %scan3A_1040, %mul3A_1049 : i32
        %swap3A_1051 = arith.constant 0 : i32
        %swap3A_1052 = arith.index_cast %swap3A_1051 : i32 to index
        %swap3A_1053 = arith.index_cast %mul3A_1050 : i32 to index
        %swap3A_1054 = tpu.vector_load %arg7[%swap3A_1052, %swap3A_1053] {strides = array<i32>} : memref<32x1024xf32, #tpu.memory_space<vmem>>, vector<16xf32>,
        tpu.vector_store %arg7[%swap3A_1052, %swap3A_1053], %gather3A_1048 {strides = array<i32>} : memref<32x1024xf32, #tpu.memory_space<vmem>>, vector<16xf32>,
        %add3A_1055 = arith.constant 1 : i32
        %add3A_1056 = vector.broadcast %add3A_1055 : i32 to vector<16xi32>
        %add3A_1057 = arith.addi %add3A_1044, %add3A_1056 : vector<16xi32>
        %gather3A_1058 = tpu.vector_load_idx %arg6[%add3A_1057] : memref<32768xf32, #tpu.memory_space<vmem>>[vector<16xi32>], vector<16xf32>,
        %mul3A_1059 = arith.constant 16 : i32
        %mul3A_1060 = arith.muli %scan3A_1040, %mul3A_1059 : i32
        %swap3A_1061 = arith.constant 1 : i32
        %swap3A_1062 = arith.index_cast %swap3A_1061 : i32 to index
        %swap3A_1063 = arith.index_cast %mul3A_1060 : i32 to index
        %swap3A_1064 = tpu.vector_load %arg7[%swap3A_1062, %swap3A_1063] {strides = array<i32>} : memref<32x1024xf32, #tpu.memory_space<vmem>>, vector<16xf32>,
        tpu.vector_store %arg7[%swap3A_1062, %swap3A_1063], %gather3A_1058 {strides = array<i32>} : memref<32x1024xf32, #tpu.memory_space<vmem>>, vector<16xf32>,
        %add3A_1065 = arith.constant 2 : i32
        %add3A_1066 = vector.broadcast %add3A_1065 : i32 to vector<16xi32>
        %add3A_1067 = arith.addi %add3A_1044, %add3A_1066 : vector<16xi32>
        %gather3A_1068 = tpu.vector_load_idx %arg6[%add3A_1067] : memref<32768xf32, #tpu.memory_space<vmem>>[vector<16xi32>], vector<16xf32>,
        %mul3A_1069 = arith.constant 16 : i32
        %mul3A_1070 = arith.muli %scan3A_1040, %mul3A_1069 : i32
        %swap3A_1071 = arith.constant 2 : i32
        %swap3A_1072 = arith.index_cast %swap3A_1071 : i32 to index
        %swap3A_1073 = arith.index_cast %mul3A_1070 : i32 to index
        %swap3A_1074 = tpu.vector_load %arg7[%swap3A_1072, %swap3A_1073] {strides = array<i32>} : memref<32x1024xf32, #tpu.memory_space<vmem>>, vector<16xf32>,
        tpu.vector_store %arg7[%swap3A_1072, %swap3A_1073], %gather3A_1068 {strides = array<i32>} : memref<32x1024xf32, #tpu.memory_space<vmem>>, vector<16xf32>,
        %add3A_1075 = arith.constant 3 : i32
        %add3A_1076 = vector.broadcast %add3A_1075 : i32 to vector<16xi32>
        %add3A_1077 = arith.addi %add3A_1044, %add3A_1076 : vector<16xi32>
        %gather3A_1078 = tpu.vector_load_idx %arg6[%add3A_1077] : memref<32768xf32, #tpu.memory_space<vmem>>[vector<16xi32>], vector<16xf32>,
        %mul3A_1079 = arith.constant 16 : i32
        %mul3A_1080 = arith.muli %scan3A_1040, %mul3A_1079 : i32
        %swap3A_1081 = arith.constant 3 : i32
        %swap3A_1082 = arith.index_cast %swap3A_1081 : i32 to index
        %swap3A_1083 = arith.index_cast %mul3A_1080 : i32 to index
        %swap3A_1084 = tpu.vector_load %arg7[%swap3A_1082, %swap3A_1083] {strides = array<i32>} : memref<32x1024xf32, #tpu.memory_space<vmem>>, vector<16xf32>,
        tpu.vector_store %arg7[%swap3A_1082, %swap3A_1083], %gather3A_1078 {strides = array<i32>} : memref<32x1024xf32, #tpu.memory_space<vmem>>, vector<16xf32>,
        %add3A_1085 = arith.constant 4 : i32
        %add3A_1086 = vector.broadcast %add3A_1085 : i32 to vector<16xi32>
        %add3A_1087 = arith.addi %add3A_1044, %add3A_1086 : vector<16xi32>
        %gather3A_1088 = tpu.vector_load_idx %arg6[%add3A_1087] : memref<32768xf32, #tpu.memory_space<vmem>>[vector<16xi32>], vector<16xf32>,
        %mul3A_1089 = arith.constant 16 : i32
        %mul3A_1090 = arith.muli %scan3A_1040, %mul3A_1089 : i32
        %swap3A_1091 = arith.constant 4 : i32
        %swap3A_1092 = arith.index_cast %swap3A_1091 : i32 to index
        %swap3A_1093 = arith.index_cast %mul3A_1090 : i32 to index
        %swap3A_1094 = tpu.vector_load %arg7[%swap3A_1092, %swap3A_1093] {strides = array<i32>} : memref<32x1024xf32, #tpu.memory_space<vmem>>, vector<16xf32>,
        tpu.vector_store %arg7[%swap3A_1092, %swap3A_1093], %gather3A_1088 {strides = array<i32>} : memref<32x1024xf32, #tpu.memory_space<vmem>>, vector<16xf32>,
        %add3A_1095 = arith.constant 5 : i32
        %add3A_1096 = vector.broadcast %add3A_1095 : i32 to vector<16xi32>
        %add3A_1097 = arith.addi %add3A_1044, %add3A_1096 : vector<16xi32>
        %gather3A_1098 = tpu.vector_load_idx %arg6[%add3A_1097] : memref<32768xf32, #tpu.memory_space<vmem>>[vector<16xi32>], vector<16xf32>,
        %mul3A_1099 = arith.constant 16 : i32
        %mul3A_1100 = arith.muli %scan3A_1040, %mul3A_1099 : i32
        %swap3A_1101 = arith.constant 5 : i32
        %swap3A_1102 = arith.index_cast %swap3A_1101 : i32 to index
        %swap3A_1103 = arith.index_cast %mul3A_1100 : i32 to index
        %swap3A_1104 = tpu.vector_load %arg7[%swap3A_1102, %swap3A_1103] {strides = array<i32>} : memref<32x1024xf32, #tpu.memory_space<vmem>>, vector<16xf32>,
        tpu.vector_store %arg7[%swap3A_1102, %swap3A_1103], %gather3A_1098 {strides = array<i32>} : memref<32x1024xf32, #tpu.memory_space<vmem>>, vector<16xf32>,
        %add3A_1105 = arith.constant 6 : i32
        %add3A_1106 = vector.broadcast %add3A_1105 : i32 to vector<16xi32>
        %add3A_1107 = arith.addi %add3A_1044, %add3A_1106 : vector<16xi32>
        %gather3A_1108 = tpu.vector_load_idx %arg6[%add3A_1107] : memref<32768xf32, #tpu.memory_space<vmem>>[vector<16xi32>], vector<16xf32>,
        %mul3A_1109 = arith.constant 16 : i32
        %mul3A_1110 = arith.muli %scan3A_1040, %mul3A_1109 : i32
        %swap3A_1111 = arith.constant 6 : i32
        %swap3A_1112 = arith.index_cast %swap3A_1111 : i32 to index
        %swap3A_1113 = arith.index_cast %mul3A_1110 : i32 to index
        %swap3A_1114 = tpu.vector_load %arg7[%swap3A_1112, %swap3A_1113] {strides = array<i32>} : memref<32x1024xf32, #tpu.memory_space<vmem>>, vector<16xf32>,
        tpu.vector_store %arg7[%swap3A_1112, %swap3A_1113], %gather3A_1108 {strides = array<i32>} : memref<32x1024xf32, #tpu.memory_space<vmem>>, vector<16xf32>,
        %add3A_1115 = arith.constant 7 : i32
        %add3A_1116 = vector.broadcast %add3A_1115 : i32 to vector<16xi32>
        %add3A_1117 = arith.addi %add3A_1044, %add3A_1116 : vector<16xi32>
        %gather3A_1118 = tpu.vector_load_idx %arg6[%add3A_1117] : memref<32768xf32, #tpu.memory_space<vmem>>[vector<16xi32>], vector<16xf32>,
        %mul3A_1119 = arith.constant 16 : i32
        %mul3A_1120 = arith.muli %scan3A_1040, %mul3A_1119 : i32
        %swap3A_1121 = arith.constant 7 : i32
        %swap3A_1122 = arith.index_cast %swap3A_1121 : i32 to index
        %swap3A_1123 = arith.index_cast %mul3A_1120 : i32 to index
        %swap3A_1124 = tpu.vector_load %arg7[%swap3A_1122, %swap3A_1123] {strides = array<i32>} : memref<32x1024xf32, #tpu.memory_space<vmem>>, vector<16xf32>,
        tpu.vector_store %arg7[%swap3A_1122, %swap3A_1123], %gather3A_1118 {strides = array<i32>} : memref<32x1024xf32, #tpu.memory_space<vmem>>, vector<16xf32>,
        %add3A_1125 = arith.constant 8 : i32
        %add3A_1126 = vector.broadcast %add3A_1125 : i32 to vector<16xi32>
        %add3A_1127 = arith.addi %add3A_1044, %add3A_1126 : vector<16xi32>
        %gather3A_1128 = tpu.vector_load_idx %arg6[%add3A_1127] : memref<32768xf32, #tpu.memory_space<vmem>>[vector<16xi32>], vector<16xf32>,
        %mul3A_1129 = arith.constant 16 : i32
        %mul3A_1130 = arith.muli %scan3A_1040, %mul3A_1129 : i32
        %swap3A_1131 = arith.constant 8 : i32
        %swap3A_1132 = arith.index_cast %swap3A_1131 : i32 to index
        %swap3A_1133 = arith.index_cast %mul3A_1130 : i32 to index
        %swap3A_1134 = tpu.vector_load %arg7[%swap3A_1132, %swap3A_1133] {strides = array<i32>} : memref<32x1024xf32, #tpu.memory_space<vmem>>, vector<16xf32>,
        tpu.vector_store %arg7[%swap3A_1132, %swap3A_1133], %gather3A_1128 {strides = array<i32>} : memref<32x1024xf32, #tpu.memory_space<vmem>>, vector<16xf32>,
        %add3A_1135 = arith.constant 9 : i32
        %add3A_1136 = vector.broadcast %add3A_1135 : i32 to vector<16xi32>
        %add3A_1137 = arith.addi %add3A_1044, %add3A_1136 : vector<16xi32>
        %gather3A_1138 = tpu.vector_load_idx %arg6[%add3A_1137] : memref<32768xf32, #tpu.memory_space<vmem>>[vector<16xi32>], vector<16xf32>,
        %mul3A_1139 = arith.constant 16 : i32
        %mul3A_1140 = arith.muli %scan3A_1040, %mul3A_1139 : i32
        %swap3A_1141 = arith.constant 9 : i32
        %swap3A_1142 = arith.index_cast %swap3A_1141 : i32 to index
        %swap3A_1143 = arith.index_cast %mul3A_1140 : i32 to index
        %swap3A_1144 = tpu.vector_load %arg7[%swap3A_1142, %swap3A_1143] {strides = array<i32>} : memref<32x1024xf32, #tpu.memory_space<vmem>>, vector<16xf32>,
        tpu.vector_store %arg7[%swap3A_1142, %swap3A_1143], %gather3A_1138 {strides = array<i32>} : memref<32x1024xf32, #tpu.memory_space<vmem>>, vector<16xf32>,
        %add3A_1145 = arith.constant 10 : i32
        %add3A_1146 = vector.broadcast %add3A_1145 : i32 to vector<16xi32>
        %add3A_1147 = arith.addi %add3A_1044, %add3A_1146 : vector<16xi32>
        %gather3A_1148 = tpu.vector_load_idx %arg6[%add3A_1147] : memref<32768xf32, #tpu.memory_space<vmem>>[vector<16xi32>], vector<16xf32>,
        %mul3A_1149 = arith.constant 16 : i32
        %mul3A_1150 = arith.muli %scan3A_1040, %mul3A_1149 : i32
        %swap3A_1151 = arith.constant 10 : i32
        %swap3A_1152 = arith.index_cast %swap3A_1151 : i32 to index
        %swap3A_1153 = arith.index_cast %mul3A_1150 : i32 to index
        %swap3A_1154 = tpu.vector_load %arg7[%swap3A_1152, %swap3A_1153] {strides = array<i32>} : memref<32x1024xf32, #tpu.memory_space<vmem>>, vector<16xf32>,
        tpu.vector_store %arg7[%swap3A_1152, %swap3A_1153], %gather3A_1148 {strides = array<i32>} : memref<32x1024xf32, #tpu.memory_space<vmem>>, vector<16xf32>,
        %add3A_1155 = arith.constant 11 : i32
        %add3A_1156 = vector.broadcast %add3A_1155 : i32 to vector<16xi32>
        %add3A_1157 = arith.addi %add3A_1044, %add3A_1156 : vector<16xi32>
        %gather3A_1158 = tpu.vector_load_idx %arg6[%add3A_1157] : memref<32768xf32, #tpu.memory_space<vmem>>[vector<16xi32>], vector<16xf32>,
        %mul3A_1159 = arith.constant 16 : i32
        %mul3A_1160 = arith.muli %scan3A_1040, %mul3A_1159 : i32
        %swap3A_1161 = arith.constant 11 : i32
        %swap3A_1162 = arith.index_cast %swap3A_1161 : i32 to index
        %swap3A_1163 = arith.index_cast %mul3A_1160 : i32 to index
        %swap3A_1164 = tpu.vector_load %arg7[%swap3A_1162, %swap3A_1163] {strides = array<i32>} : memref<32x1024xf32, #tpu.memory_space<vmem>>, vector<16xf32>,
        tpu.vector_store %arg7[%swap3A_1162, %swap3A_1163], %gather3A_1158 {strides = array<i32>} : memref<32x1024xf32, #tpu.memory_space<vmem>>, vector<16xf32>,
        %add3A_1165 = arith.constant 12 : i32
        %add3A_1166 = vector.broadcast %add3A_1165 : i32 to vector<16xi32>
        %add3A_1167 = arith.addi %add3A_1044, %add3A_1166 : vector<16xi32>
        %gather3A_1168 = tpu.vector_load_idx %arg6[%add3A_1167] : memref<32768xf32, #tpu.memory_space<vmem>>[vector<16xi32>], vector<16xf32>,
        %mul3A_1169 = arith.constant 16 : i32
        %mul3A_1170 = arith.muli %scan3A_1040, %mul3A_1169 : i32
        %swap3A_1171 = arith.constant 12 : i32
        %swap3A_1172 = arith.index_cast %swap3A_1171 : i32 to index
        %swap3A_1173 = arith.index_cast %mul3A_1170 : i32 to index
        %swap3A_1174 = tpu.vector_load %arg7[%swap3A_1172, %swap3A_1173] {strides = array<i32>} : memref<32x1024xf32, #tpu.memory_space<vmem>>, vector<16xf32>,
        tpu.vector_store %arg7[%swap3A_1172, %swap3A_1173], %gather3A_1168 {strides = array<i32>} : memref<32x1024xf32, #tpu.memory_space<vmem>>, vector<16xf32>,
        %add3A_1175 = arith.constant 13 : i32
        %add3A_1176 = vector.broadcast %add3A_1175 : i32 to vector<16xi32>
        %add3A_1177 = arith.addi %add3A_1044, %add3A_1176 : vector<16xi32>
        %gather3A_1178 = tpu.vector_load_idx %arg6[%add3A_1177] : memref<32768xf32, #tpu.memory_space<vmem>>[vector<16xi32>], vector<16xf32>,
        %mul3A_1179 = arith.constant 16 : i32
        %mul3A_1180 = arith.muli %scan3A_1040, %mul3A_1179 : i32
        %swap3A_1181 = arith.constant 13 : i32
        %swap3A_1182 = arith.index_cast %swap3A_1181 : i32 to index
        %swap3A_1183 = arith.index_cast %mul3A_1180 : i32 to index
        %swap3A_1184 = tpu.vector_load %arg7[%swap3A_1182, %swap3A_1183] {strides = array<i32>} : memref<32x1024xf32, #tpu.memory_space<vmem>>, vector<16xf32>,
        tpu.vector_store %arg7[%swap3A_1182, %swap3A_1183], %gather3A_1178 {strides = array<i32>} : memref<32x1024xf32, #tpu.memory_space<vmem>>, vector<16xf32>,
        %add3A_1185 = arith.constant 14 : i32
        %add3A_1186 = vector.broadcast %add3A_1185 : i32 to vector<16xi32>
        %add3A_1187 = arith.addi %add3A_1044, %add3A_1186 : vector<16xi32>
        %gather3A_1188 = tpu.vector_load_idx %arg6[%add3A_1187] : memref<32768xf32, #tpu.memory_space<vmem>>[vector<16xi32>], vector<16xf32>,
        %mul3A_1189 = arith.constant 16 : i32
        %mul3A_1190 = arith.muli %scan3A_1040, %mul3A_1189 : i32
        %swap3A_1191 = arith.constant 14 : i32
        %swap3A_1192 = arith.index_cast %swap3A_1191 : i32 to index
        %swap3A_1193 = arith.index_cast %mul3A_1190 : i32 to index
        %swap3A_1194 = tpu.vector_load %arg7[%swap3A_1192, %swap3A_1193] {strides = array<i32>} : memref<32x1024xf32, #tpu.memory_space<vmem>>, vector<16xf32>,
        tpu.vector_store %arg7[%swap3A_1192, %swap3A_1193], %gather3A_1188 {strides = array<i32>} : memref<32x1024xf32, #tpu.memory_space<vmem>>, vector<16xf32>,
        %add3A_1195 = arith.constant 15 : i32
        %add3A_1196 = vector.broadcast %add3A_1195 : i32 to vector<16xi32>
        %add3A_1197 = arith.addi %add3A_1044, %add3A_1196 : vector<16xi32>
        %gather3A_1198 = tpu.vector_load_idx %arg6[%add3A_1197] : memref<32768xf32, #tpu.memory_space<vmem>>[vector<16xi32>], vector<16xf32>,
        %mul3A_1199 = arith.constant 16 : i32
        %mul3A_1200 = arith.muli %scan3A_1040, %mul3A_1199 : i32
        %swap3A_1201 = arith.constant 15 : i32
        %swap3A_1202 = arith.index_cast %swap3A_1201 : i32 to index
        %swap3A_1203 = arith.index_cast %mul3A_1200 : i32 to index
        %swap3A_1204 = tpu.vector_load %arg7[%swap3A_1202, %swap3A_1203] {strides = array<i32>} : memref<32x1024xf32, #tpu.memory_space<vmem>>, vector<16xf32>,
        tpu.vector_store %arg7[%swap3A_1202, %swap3A_1203], %gather3A_1198 {strides = array<i32>} : memref<32x1024xf32, #tpu.memory_space<vmem>>, vector<16xf32>,
        %add3A_1205 = arith.constant 16 : i32
        %add3A_1206 = vector.broadcast %add3A_1205 : i32 to vector<16xi32>
        %add3A_1207 = arith.addi %add3A_1044, %add3A_1206 : vector<16xi32>
        %gather3A_1208 = tpu.vector_load_idx %arg6[%add3A_1207] : memref<32768xf32, #tpu.memory_space<vmem>>[vector<16xi32>], vector<16xf32>,
        %mul3A_1209 = arith.constant 16 : i32
        %mul3A_1210 = arith.muli %scan3A_1040, %mul3A_1209 : i32
        %swap3A_1211 = arith.constant 16 : i32
        %swap3A_1212 = arith.index_cast %swap3A_1211 : i32 to index
        %swap3A_1213 = arith.index_cast %mul3A_1210 : i32 to index
        %swap3A_1214 = tpu.vector_load %arg7[%swap3A_1212, %swap3A_1213] {strides = array<i32>} : memref<32x1024xf32, #tpu.memory_space<vmem>>, vector<16xf32>,
        tpu.vector_store %arg7[%swap3A_1212, %swap3A_1213], %gather3A_1208 {strides = array<i32>} : memref<32x1024xf32, #tpu.memory_space<vmem>>, vector<16xf32>,
        %add3A_1215 = arith.constant 17 : i32
        %add3A_1216 = vector.broadcast %add3A_1215 : i32 to vector<16xi32>
        %add3A_1217 = arith.addi %add3A_1044, %add3A_1216 : vector<16xi32>
        %gather3A_1218 = tpu.vector_load_idx %arg6[%add3A_1217] : memref<32768xf32, #tpu.memory_space<vmem>>[vector<16xi32>], vector<16xf32>,
        %mul3A_1219 = arith.constant 16 : i32
        %mul3A_1220 = arith.muli %scan3A_1040, %mul3A_1219 : i32
        %swap3A_1221 = arith.constant 17 : i32
        %swap3A_1222 = arith.index_cast %swap3A_1221 : i32 to index
        %swap3A_1223 = arith.index_cast %mul3A_1220 : i32 to index
        %swap3A_1224 = tpu.vector_load %arg7[%swap3A_1222, %swap3A_1223] {strides = array<i32>} : memref<32x1024xf32, #tpu.memory_space<vmem>>, vector<16xf32>,
        tpu.vector_store %arg7[%swap3A_1222, %swap3A_1223], %gather3A_1218 {strides = array<i32>} : memref<32x1024xf32, #tpu.memory_space<vmem>>, vector<16xf32>,
        %add3A_1225 = arith.constant 18 : i32
        %add3A_1226 = vector.broadcast %add3A_1225 : i32 to vector<16xi32>
        %add3A_1227 = arith.addi %add3A_1044, %add3A_1226 : vector<16xi32>
        %gather3A_1228 = tpu.vector_load_idx %arg6[%add3A_1227] : memref<32768xf32, #tpu.memory_space<vmem>>[vector<16xi32>], vector<16xf32>,
        %mul3A_1229 = arith.constant 16 : i32
        %mul3A_1230 = arith.muli %scan3A_1040, %mul3A_1229 : i32
        %swap3A_1231 = arith.constant 18 : i32
        %swap3A_1232 = arith.index_cast %swap3A_1231 : i32 to index
        %swap3A_1233 = arith.index_cast %mul3A_1230 : i32 to index
        %swap3A_1234 = tpu.vector_load %arg7[%swap3A_1232, %swap3A_1233] {strides = array<i32>} : memref<32x1024xf32, #tpu.memory_space<vmem>>, vector<16xf32>,
        tpu.vector_store %arg7[%swap3A_1232, %swap3A_1233], %gather3A_1228 {strides = array<i32>} : memref<32x1024xf32, #tpu.memory_space<vmem>>, vector<16xf32>,
        %add3A_1235 = arith.constant 19 : i32
        %add3A_1236 = vector.broadcast %add3A_1235 : i32 to vector<16xi32>
        %add3A_1237 = arith.addi %add3A_1044, %add3A_1236 : vector<16xi32>
        %gather3A_1238 = tpu.vector_load_idx %arg6[%add3A_1237] : memref<32768xf32, #tpu.memory_space<vmem>>[vector<16xi32>], vector<16xf32>,
        %mul3A_1239 = arith.constant 16 : i32
        %mul3A_1240 = arith.muli %scan3A_1040, %mul3A_1239 : i32
        %swap3A_1241 = arith.constant 19 : i32
        %swap3A_1242 = arith.index_cast %swap3A_1241 : i32 to index
        %swap3A_1243 = arith.index_cast %mul3A_1240 : i32 to index
        %swap3A_1244 = tpu.vector_load %arg7[%swap3A_1242, %swap3A_1243] {strides = array<i32>} : memref<32x1024xf32, #tpu.memory_space<vmem>>, vector<16xf32>,
        tpu.vector_store %arg7[%swap3A_1242, %swap3A_1243], %gather3A_1238 {strides = array<i32>} : memref<32x1024xf32, #tpu.memory_space<vmem>>, vector<16xf32>,
        %add3A_1245 = arith.constant 20 : i32
        %add3A_1246 = vector.broadcast %add3A_1245 : i32 to vector<16xi32>
        %add3A_1247 = arith.addi %add3A_1044, %add3A_1246 : vector<16xi32>
        %gather3A_1248 = tpu.vector_load_idx %arg6[%add3A_1247] : memref<32768xf32, #tpu.memory_space<vmem>>[vector<16xi32>], vector<16xf32>,
        %mul3A_1249 = arith.constant 16 : i32
        %mul3A_1250 = arith.muli %scan3A_1040, %mul3A_1249 : i32
        %swap3A_1251 = arith.constant 20 : i32
        %swap3A_1252 = arith.index_cast %swap3A_1251 : i32 to index
        %swap3A_1253 = arith.index_cast %mul3A_1250 : i32 to index
        %swap3A_1254 = tpu.vector_load %arg7[%swap3A_1252, %swap3A_1253] {strides = array<i32>} : memref<32x1024xf32, #tpu.memory_space<vmem>>, vector<16xf32>,
        tpu.vector_store %arg7[%swap3A_1252, %swap3A_1253], %gather3A_1248 {strides = array<i32>} : memref<32x1024xf32, #tpu.memory_space<vmem>>, vector<16xf32>,
        %add3A_1255 = arith.constant 21 : i32
        %add3A_1256 = vector.broadcast %add3A_1255 : i32 to vector<16xi32>
        %add3A_1257 = arith.addi %add3A_1044, %add3A_1256 : vector<16xi32>
        %gather3A_1258 = tpu.vector_load_idx %arg6[%add3A_1257] : memref<32768xf32, #tpu.memory_space<vmem>>[vector<16xi32>], vector<16xf32>,
        %mul3A_1259 = arith.constant 16 : i32
        %mul3A_1260 = arith.muli %scan3A_1040, %mul3A_1259 : i32
        %swap3A_1261 = arith.constant 21 : i32
        %swap3A_1262 = arith.index_cast %swap3A_1261 : i32 to index
        %swap3A_1263 = arith.index_cast %mul3A_1260 : i32 to index
        %swap3A_1264 = tpu.vector_load %arg7[%swap3A_1262, %swap3A_1263] {strides = array<i32>} : memref<32x1024xf32, #tpu.memory_space<vmem>>, vector<16xf32>,
        tpu.vector_store %arg7[%swap3A_1262, %swap3A_1263], %gather3A_1258 {strides = array<i32>} : memref<32x1024xf32, #tpu.memory_space<vmem>>, vector<16xf32>,
        %add3A_1265 = arith.constant 22 : i32
        %add3A_1266 = vector.broadcast %add3A_1265 : i32 to vector<16xi32>
        %add3A_1267 = arith.addi %add3A_1044, %add3A_1266 : vector<16xi32>
        %gather3A_1268 = tpu.vector_load_idx %arg6[%add3A_1267] : memref<32768xf32, #tpu.memory_space<vmem>>[vector<16xi32>], vector<16xf32>,
        %mul3A_1269 = arith.constant 16 : i32
        %mul3A_1270 = arith.muli %scan3A_1040, %mul3A_1269 : i32
        %swap3A_1271 = arith.constant 22 : i32
        %swap3A_1272 = arith.index_cast %swap3A_1271 : i32 to index
        %swap3A_1273 = arith.index_cast %mul3A_1270 : i32 to index
        %swap3A_1274 = tpu.vector_load %arg7[%swap3A_1272, %swap3A_1273] {strides = array<i32>} : memref<32x1024xf32, #tpu.memory_space<vmem>>, vector<16xf32>,
        tpu.vector_store %arg7[%swap3A_1272, %swap3A_1273], %gather3A_1268 {strides = array<i32>} : memref<32x1024xf32, #tpu.memory_space<vmem>>, vector<16xf32>,
        %add3A_1275 = arith.constant 23 : i32
        %add3A_1276 = vector.broadcast %add3A_1275 : i32 to vector<16xi32>
        %add3A_1277 = arith.addi %add3A_1044, %add3A_1276 : vector<16xi32>
        %gather3A_1278 = tpu.vector_load_idx %arg6[%add3A_1277] : memref<32768xf32, #tpu.memory_space<vmem>>[vector<16xi32>], vector<16xf32>,
        %mul3A_1279 = arith.constant 16 : i32
        %mul3A_1280 = arith.muli %scan3A_1040, %mul3A_1279 : i32
        %swap3A_1281 = arith.constant 23 : i32
        %swap3A_1282 = arith.index_cast %swap3A_1281 : i32 to index
        %swap3A_1283 = arith.index_cast %mul3A_1280 : i32 to index
        %swap3A_1284 = tpu.vector_load %arg7[%swap3A_1282, %swap3A_1283] {strides = array<i32>} : memref<32x1024xf32, #tpu.memory_space<vmem>>, vector<16xf32>,
        tpu.vector_store %arg7[%swap3A_1282, %swap3A_1283], %gather3A_1278 {strides = array<i32>} : memref<32x1024xf32, #tpu.memory_space<vmem>>, vector<16xf32>,
        %add3A_1285 = arith.constant 24 : i32
        %add3A_1286 = vector.broadcast %add3A_1285 : i32 to vector<16xi32>
        %add3A_1287 = arith.addi %add3A_1044, %add3A_1286 : vector<16xi32>
        %gather3A_1288 = tpu.vector_load_idx %arg6[%add3A_1287] : memref<32768xf32, #tpu.memory_space<vmem>>[vector<16xi32>], vector<16xf32>,
        %mul3A_1289 = arith.constant 16 : i32
        %mul3A_1290 = arith.muli %scan3A_1040, %mul3A_1289 : i32
        %swap3A_1291 = arith.constant 24 : i32
        %swap3A_1292 = arith.index_cast %swap3A_1291 : i32 to index
        %swap3A_1293 = arith.index_cast %mul3A_1290 : i32 to index
        %swap3A_1294 = tpu.vector_load %arg7[%swap3A_1292, %swap3A_1293] {strides = array<i32>} : memref<32x1024xf32, #tpu.memory_space<vmem>>, vector<16xf32>,
        tpu.vector_store %arg7[%swap3A_1292, %swap3A_1293], %gather3A_1288 {strides = array<i32>} : memref<32x1024xf32, #tpu.memory_space<vmem>>, vector<16xf32>,
        %add3A_1295 = arith.constant 25 : i32
        %add3A_1296 = vector.broadcast %add3A_1295 : i32 to vector<16xi32>
        %add3A_1297 = arith.addi %add3A_1044, %add3A_1296 : vector<16xi32>
        %gather3A_1298 = tpu.vector_load_idx %arg6[%add3A_1297] : memref<32768xf32, #tpu.memory_space<vmem>>[vector<16xi32>], vector<16xf32>,
        %mul3A_1299 = arith.constant 16 : i32
        %mul3A_1300 = arith.muli %scan3A_1040, %mul3A_1299 : i32
        %swap3A_1301 = arith.constant 25 : i32
        %swap3A_1302 = arith.index_cast %swap3A_1301 : i32 to index
        %swap3A_1303 = arith.index_cast %mul3A_1300 : i32 to index
        %swap3A_1304 = tpu.vector_load %arg7[%swap3A_1302, %swap3A_1303] {strides = array<i32>} : memref<32x1024xf32, #tpu.memory_space<vmem>>, vector<16xf32>,
        tpu.vector_store %arg7[%swap3A_1302, %swap3A_1303], %gather3A_1298 {strides = array<i32>} : memref<32x1024xf32, #tpu.memory_space<vmem>>, vector<16xf32>,
        %add3A_1305 = arith.constant 26 : i32
        %add3A_1306 = vector.broadcast %add3A_1305 : i32 to vector<16xi32>
        %add3A_1307 = arith.addi %add3A_1044, %add3A_1306 : vector<16xi32>
        %gather3A_1308 = tpu.vector_load_idx %arg6[%add3A_1307] : memref<32768xf32, #tpu.memory_space<vmem>>[vector<16xi32>], vector<16xf32>,
        %mul3A_1309 = arith.constant 16 : i32
        %mul3A_1310 = arith.muli %scan3A_1040, %mul3A_1309 : i32
        %swap3A_1311 = arith.constant 26 : i32
        %swap3A_1312 = arith.index_cast %swap3A_1311 : i32 to index
        %swap3A_1313 = arith.index_cast %mul3A_1310 : i32 to index
        %swap3A_1314 = tpu.vector_load %arg7[%swap3A_1312, %swap3A_1313] {strides = array<i32>} : memref<32x1024xf32, #tpu.memory_space<vmem>>, vector<16xf32>,
        tpu.vector_store %arg7[%swap3A_1312, %swap3A_1313], %gather3A_1308 {strides = array<i32>} : memref<32x1024xf32, #tpu.memory_space<vmem>>, vector<16xf32>,
        %add3A_1315 = arith.constant 27 : i32
        %add3A_1316 = vector.broadcast %add3A_1315 : i32 to vector<16xi32>
        %add3A_1317 = arith.addi %add3A_1044, %add3A_1316 : vector<16xi32>
        %gather3A_1318 = tpu.vector_load_idx %arg6[%add3A_1317] : memref<32768xf32, #tpu.memory_space<vmem>>[vector<16xi32>], vector<16xf32>,
        %mul3A_1319 = arith.constant 16 : i32
        %mul3A_1320 = arith.muli %scan3A_1040, %mul3A_1319 : i32
        %swap3A_1321 = arith.constant 27 : i32
        %swap3A_1322 = arith.index_cast %swap3A_1321 : i32 to index
        %swap3A_1323 = arith.index_cast %mul3A_1320 : i32 to index
        %swap3A_1324 = tpu.vector_load %arg7[%swap3A_1322, %swap3A_1323] {strides = array<i32>} : memref<32x1024xf32, #tpu.memory_space<vmem>>, vector<16xf32>,
        tpu.vector_store %arg7[%swap3A_1322, %swap3A_1323], %gather3A_1318 {strides = array<i32>} : memref<32x1024xf32, #tpu.memory_space<vmem>>, vector<16xf32>,
        %add3A_1325 = arith.constant 28 : i32
        %add3A_1326 = vector.broadcast %add3A_1325 : i32 to vector<16xi32>
        %add3A_1327 = arith.addi %add3A_1044, %add3A_1326 : vector<16xi32>
        %gather3A_1328 = tpu.vector_load_idx %arg6[%add3A_1327] : memref<32768xf32, #tpu.memory_space<vmem>>[vector<16xi32>], vector<16xf32>,
        %mul3A_1329 = arith.constant 16 : i32
        %mul3A_1330 = arith.muli %scan3A_1040, %mul3A_1329 : i32
        %swap3A_1331 = arith.constant 28 : i32
        %swap3A_1332 = arith.index_cast %swap3A_1331 : i32 to index
        %swap3A_1333 = arith.index_cast %mul3A_1330 : i32 to index
        %swap3A_1334 = tpu.vector_load %arg7[%swap3A_1332, %swap3A_1333] {strides = array<i32>} : memref<32x1024xf32, #tpu.memory_space<vmem>>, vector<16xf32>,
        tpu.vector_store %arg7[%swap3A_1332, %swap3A_1333], %gather3A_1328 {strides = array<i32>} : memref<32x1024xf32, #tpu.memory_space<vmem>>, vector<16xf32>,
        %add3A_1335 = arith.constant 29 : i32
        %add3A_1336 = vector.broadcast %add3A_1335 : i32 to vector<16xi32>
        %add3A_1337 = arith.addi %add3A_1044, %add3A_1336 : vector<16xi32>
        %gather3A_1338 = tpu.vector_load_idx %arg6[%add3A_1337] : memref<32768xf32, #tpu.memory_space<vmem>>[vector<16xi32>], vector<16xf32>,
        %mul3A_1339 = arith.constant 16 : i32
        %mul3A_1340 = arith.muli %scan3A_1040, %mul3A_1339 : i32
        %swap3A_1341 = arith.constant 29 : i32
        %swap3A_1342 = arith.index_cast %swap3A_1341 : i32 to index
        %swap3A_1343 = arith.index_cast %mul3A_1340 : i32 to index
        %swap3A_1344 = tpu.vector_load %arg7[%swap3A_1342, %swap3A_1343] {strides = array<i32>} : memref<32x1024xf32, #tpu.memory_space<vmem>>, vector<16xf32>,
        tpu.vector_store %arg7[%swap3A_1342, %swap3A_1343], %gather3A_1338 {strides = array<i32>} : memref<32x1024xf32, #tpu.memory_space<vmem>>, vector<16xf32>,
        %add3A_1345 = arith.constant 30 : i32
        %add3A_1346 = vector.broadcast %add3A_1345 : i32 to vector<16xi32>
        %add3A_1347 = arith.addi %add3A_1044, %add3A_1346 : vector<16xi32>
        %gather3A_1348 = tpu.vector_load_idx %arg6[%add3A_1347] : memref<32768xf32, #tpu.memory_space<vmem>>[vector<16xi32>], vector<16xf32>,
        %mul3A_1349 = arith.constant 16 : i32
        %mul3A_1350 = arith.muli %scan3A_1040, %mul3A_1349 : i32
        %swap3A_1351 = arith.constant 30 : i32
        %swap3A_1352 = arith.index_cast %swap3A_1351 : i32 to index
        %swap3A_1353 = arith.index_cast %mul3A_1350 : i32 to index
        %swap3A_1354 = tpu.vector_load %arg7[%swap3A_1352, %swap3A_1353] {strides = array<i32>} : memref<32x1024xf32, #tpu.memory_space<vmem>>, vector<16xf32>,
        tpu.vector_store %arg7[%swap3A_1352, %swap3A_1353], %gather3A_1348 {strides = array<i32>} : memref<32x1024xf32, #tpu.memory_space<vmem>>, vector<16xf32>,
        %add3A_1355 = arith.constant 31 : i32
        %add3A_1356 = vector.broadcast %add3A_1355 : i32 to vector<16xi32>
        %add3A_1357 = arith.addi %add3A_1044, %add3A_1356 : vector<16xi32>
        %gather3A_1358 = tpu.vector_load_idx %arg6[%add3A_1357] : memref<32768xf32, #tpu.memory_space<vmem>>[vector<16xi32>], vector<16xf32>,
        %mul3A_1359 = arith.constant 16 : i32
        %mul3A_1360 = arith.muli %scan3A_1040, %mul3A_1359 : i32
        %swap3A_1361 = arith.constant 31 : i32
        %swap3A_1362 = arith.index_cast %swap3A_1361 : i32 to index
        %swap3A_1363 = arith.index_cast %mul3A_1360 : i32 to index
        %swap3A_1364 = tpu.vector_load %arg7[%swap3A_1362, %swap3A_1363] {strides = array<i32>} : memref<32x1024xf32, #tpu.memory_space<vmem>>, vector<16xf32>,
        tpu.vector_store %arg7[%swap3A_1362, %swap3A_1363], %gather3A_1358 {strides = array<i32>} : memref<32x1024xf32, #tpu.memory_space<vmem>>, vector<16xf32>,
      }
      %scan3A_53 = arith.constant 64 : i32
      "tpu.region"() ({
        %run_scoped3A = tpu.sem_alloc : memref<!tpu.dma_semaphore, #tpu.memory_space<semaphore_mem>>
        %dma_start3A = arith.constant 0 : i32
        %dma_start3A_64 = tpu.memref_slice %arg4[%select_n3A, %dma_start3A, %mul3A_43] : memref<50x32x16384xf32, #tpu.memory_space<hbm>> -> memref<1x32x1024xf32, #tpu.memory_space<hbm>>
        %dma_start3A_65 = tpu.memref_squeeze %dma_start3A_64 : memref<1x32x1024xf32, #tpu.memory_space<hbm>> -> memref<32x1024xf32, #tpu.memory_space<hbm>>
        %dma_start3A_66 = arith.constant 0 : i32
        %dma_start3A_67 = tpu.memref_slice %arg4[%select_n3A, %dma_start3A_66, %mul3A_43] : memref<50x32x16384xf32, #tpu.memory_space<hbm>> -> memref<1x32x1024xf32, #tpu.memory_space<hbm>>
        %dma_start3A_68 = tpu.memref_squeeze %dma_start3A_67 : memref<1x32x1024xf32, #tpu.memory_space<hbm>> -> memref<32x1024xf32, #tpu.memory_space<hbm>>
        tpu.enqueue_dma source(%arg7 : memref<32x1024xf32, #tpu.memory_space<vmem>>) target(%dma_start3A_68 : memref<32x1024xf32, #tpu.memory_space<hbm>>) target_semaphore(%run_scoped3A : memref<!tpu.dma_semaphore, #tpu.memory_space<semaphore_mem>>)
        %dma_wait3A = arith.constant 0 : i32
        %dma_wait3A_69 = tpu.memref_slice %arg4[%select_n3A, %dma_wait3A, %mul3A_43] : memref<50x32x16384xf32, #tpu.memory_space<hbm>> -> memref<1x32x1024xf32, #tpu.memory_space<hbm>>
        %dma_wait3A_70 = tpu.memref_squeeze %dma_wait3A_69 : memref<1x32x1024xf32, #tpu.memory_space<hbm>> -> memref<32x1024xf32, #tpu.memory_space<hbm>>
        %dma_wait3A_71 = arith.constant 0 : i32
        %dma_wait3A_72 = tpu.memref_slice %arg4[%select_n3A, %dma_wait3A_71, %mul3A_43] : memref<50x32x16384xf32, #tpu.memory_space<hbm>> -> memref<1x32x1024xf32, #tpu.memory_space<hbm>>
        %dma_wait3A_73 = tpu.memref_squeeze %dma_wait3A_72 : memref<1x32x1024xf32, #tpu.memory_space<hbm>> -> memref<32x1024xf32, #tpu.memory_space<hbm>>
        tpu.wait_dma2 semaphore(%run_scoped3A : memref<!tpu.dma_semaphore, #tpu.memory_space<semaphore_mem>>) src(%arg7 : memref<32x1024xf32, #tpu.memory_space<vmem>>) dst(%dma_wait3A_73 : memref<32x1024xf32, #tpu.memory_space<hbm>>)
        tpu.yield
      }) : () -> ()
      %mul3A_54 = arith.constant 16384 : i32
      %mul3A_55 = arith.muli %select_n3A, %mul3A_54 : i32
      %add3A_56 = arith.addi %mul3A_55, %mul3A_43 : i32
      %mul3A_57 = arith.constant 32 : i32
      %mul3A_58 = arith.muli %add3A_56, %mul3A_57 : i32
      "tpu.region"() ({
        %run_scoped3A = tpu.sem_alloc : memref<!tpu.dma_semaphore, #tpu.memory_space<semaphore_mem>>
        %dma_start3A = tpu.memref_slice %arg3[%mul3A_58] : memref<26214400xf32, #tpu.memory_space<hbm>> -> memref<32768xf32, #tpu.memory_space<hbm>>
        %dma_start3A_64 = tpu.memref_slice %arg3[%mul3A_58] : memref<26214400xf32, #tpu.memory_space<hbm>> -> memref<32768xf32, #tpu.memory_space<hbm>>
        tpu.enqueue_dma source(%dma_start3A_64 : memref<32768xf32, #tpu.memory_space<hbm>>) target(%arg6 : memref<32768xf32, #tpu.memory_space<vmem>>) target_semaphore(%run_scoped3A : memref<!tpu.dma_semaphore, #tpu.memory_space<semaphore_mem>>)
        %dma_wait3A = tpu.memref_slice %arg3[%mul3A_58] : memref<26214400xf32, #tpu.memory_space<hbm>> -> memref<32768xf32, #tpu.memory_space<hbm>>
        %dma_wait3A_65 = tpu.memref_slice %arg3[%mul3A_58] : memref<26214400xf32, #tpu.memory_space<hbm>> -> memref<32768xf32, #tpu.memory_space<hbm>>
        tpu.wait_dma2 semaphore(%run_scoped3A : memref<!tpu.dma_semaphore, #tpu.memory_space<semaphore_mem>>) src(%dma_wait3A_65 : memref<32768xf32, #tpu.memory_space<hbm>>) dst(%arg6 : memref<32768xf32, #tpu.memory_space<vmem>>)
        tpu.yield
      }) : () -> ()
      %scan3A_59 = arith.constant 0 : i32
      %scan3A_60 = arith.constant 64 : i32
      %scan3A_61 = arith.addi %scan3A_59, %scan3A_60 : i32
      %scan3A_62 = arith.constant 4 : i32
      scf.for %scan3A_64 = %scan3A_59 to %scan3A_61 step %scan3A_62  : i32 {
        %mul3A_65 = arith.constant 512 : i32
        %mul3A_66 = arith.muli %scan3A_64, %mul3A_65 : i32
        %add3A_67 = vector.broadcast %mul3A_66 : i32 to vector<16xi32>
        %add3A_68 = arith.addi %mul3A_3, %add3A_67 : vector<16xi32>
        %add3A_69 = arith.constant 0 : i32
        %add3A_70 = vector.broadcast %add3A_69 : i32 to vector<16xi32>
        %add3A_71 = arith.addi %add3A_68, %add3A_70 : vector<16xi32>
        %gather3A = tpu.vector_load_idx %arg6[%add3A_71] : memref<32768xf32, #tpu.memory_space<vmem>>[vector<16xi32>], vector<16xf32>,
        %mul3A_72 = arith.constant 16 : i32
        %mul3A_73 = arith.muli %scan3A_64, %mul3A_72 : i32
        %swap3A = arith.constant 0 : i32
        %swap3A_74 = arith.index_cast %swap3A : i32 to index
        %swap3A_75 = arith.index_cast %mul3A_73 : i32 to index
        %swap3A_76 = tpu.vector_load %arg7[%swap3A_74, %swap3A_75] {strides = array<i32>} : memref<32x1024xf32, #tpu.memory_space<vmem>>, vector<16xf32>,
        tpu.vector_store %arg7[%swap3A_74, %swap3A_75], %gather3A {strides = array<i32>} : memref<32x1024xf32, #tpu.memory_space<vmem>>, vector<16xf32>,
        %add3A_77 = arith.constant 1 : i32
        %add3A_78 = vector.broadcast %add3A_77 : i32 to vector<16xi32>
        %add3A_79 = arith.addi %add3A_68, %add3A_78 : vector<16xi32>
        %gather3A_80 = tpu.vector_load_idx %arg6[%add3A_79] : memref<32768xf32, #tpu.memory_space<vmem>>[vector<16xi32>], vector<16xf32>,
        %mul3A_81 = arith.constant 16 : i32
        %mul3A_82 = arith.muli %scan3A_64, %mul3A_81 : i32
        %swap3A_83 = arith.constant 1 : i32
        %swap3A_84 = arith.index_cast %swap3A_83 : i32 to index
        %swap3A_85 = arith.index_cast %mul3A_82 : i32 to index
        %swap3A_86 = tpu.vector_load %arg7[%swap3A_84, %swap3A_85] {strides = array<i32>} : memref<32x1024xf32, #tpu.memory_space<vmem>>, vector<16xf32>,
        tpu.vector_store %arg7[%swap3A_84, %swap3A_85], %gather3A_80 {strides = array<i32>} : memref<32x1024xf32, #tpu.memory_space<vmem>>, vector<16xf32>,
        %add3A_87 = arith.constant 2 : i32
        %add3A_88 = vector.broadcast %add3A_87 : i32 to vector<16xi32>
        %add3A_89 = arith.addi %add3A_68, %add3A_88 : vector<16xi32>
        %gather3A_90 = tpu.vector_load_idx %arg6[%add3A_89] : memref<32768xf32, #tpu.memory_space<vmem>>[vector<16xi32>], vector<16xf32>,
        %mul3A_91 = arith.constant 16 : i32
        %mul3A_92 = arith.muli %scan3A_64, %mul3A_91 : i32
        %swap3A_93 = arith.constant 2 : i32
        %swap3A_94 = arith.index_cast %swap3A_93 : i32 to index
        %swap3A_95 = arith.index_cast %mul3A_92 : i32 to index
        %swap3A_96 = tpu.vector_load %arg7[%swap3A_94, %swap3A_95] {strides = array<i32>} : memref<32x1024xf32, #tpu.memory_space<vmem>>, vector<16xf32>,
        tpu.vector_store %arg7[%swap3A_94, %swap3A_95], %gather3A_90 {strides = array<i32>} : memref<32x1024xf32, #tpu.memory_space<vmem>>, vector<16xf32>,
        %add3A_97 = arith.constant 3 : i32
        %add3A_98 = vector.broadcast %add3A_97 : i32 to vector<16xi32>
        %add3A_99 = arith.addi %add3A_68, %add3A_98 : vector<16xi32>
        %gather3A_100 = tpu.vector_load_idx %arg6[%add3A_99] : memref<32768xf32, #tpu.memory_space<vmem>>[vector<16xi32>], vector<16xf32>,
        %mul3A_101 = arith.constant 16 : i32
        %mul3A_102 = arith.muli %scan3A_64, %mul3A_101 : i32
        %swap3A_103 = arith.constant 3 : i32
        %swap3A_104 = arith.index_cast %swap3A_103 : i32 to index
        %swap3A_105 = arith.index_cast %mul3A_102 : i32 to index
        %swap3A_106 = tpu.vector_load %arg7[%swap3A_104, %swap3A_105] {strides = array<i32>} : memref<32x1024xf32, #tpu.memory_space<vmem>>, vector<16xf32>,
        tpu.vector_store %arg7[%swap3A_104, %swap3A_105], %gather3A_100 {strides = array<i32>} : memref<32x1024xf32, #tpu.memory_space<vmem>>, vector<16xf32>,
        %add3A_107 = arith.constant 4 : i32
        %add3A_108 = vector.broadcast %add3A_107 : i32 to vector<16xi32>
        %add3A_109 = arith.addi %add3A_68, %add3A_108 : vector<16xi32>
        %gather3A_110 = tpu.vector_load_idx %arg6[%add3A_109] : memref<32768xf32, #tpu.memory_space<vmem>>[vector<16xi32>], vector<16xf32>,
        %mul3A_111 = arith.constant 16 : i32
        %mul3A_112 = arith.muli %scan3A_64, %mul3A_111 : i32
        %swap3A_113 = arith.constant 4 : i32
        %swap3A_114 = arith.index_cast %swap3A_113 : i32 to index
        %swap3A_115 = arith.index_cast %mul3A_112 : i32 to index
        %swap3A_116 = tpu.vector_load %arg7[%swap3A_114, %swap3A_115] {strides = array<i32>} : memref<32x1024xf32, #tpu.memory_space<vmem>>, vector<16xf32>,
        tpu.vector_store %arg7[%swap3A_114, %swap3A_115], %gather3A_110 {strides = array<i32>} : memref<32x1024xf32, #tpu.memory_space<vmem>>, vector<16xf32>,
        %add3A_117 = arith.constant 5 : i32
        %add3A_118 = vector.broadcast %add3A_117 : i32 to vector<16xi32>
        %add3A_119 = arith.addi %add3A_68, %add3A_118 : vector<16xi32>
        %gather3A_120 = tpu.vector_load_idx %arg6[%add3A_119] : memref<32768xf32, #tpu.memory_space<vmem>>[vector<16xi32>], vector<16xf32>,
        %mul3A_121 = arith.constant 16 : i32
        %mul3A_122 = arith.muli %scan3A_64, %mul3A_121 : i32
        %swap3A_123 = arith.constant 5 : i32
        %swap3A_124 = arith.index_cast %swap3A_123 : i32 to index
        %swap3A_125 = arith.index_cast %mul3A_122 : i32 to index
        %swap3A_126 = tpu.vector_load %arg7[%swap3A_124, %swap3A_125] {strides = array<i32>} : memref<32x1024xf32, #tpu.memory_space<vmem>>, vector<16xf32>,
        tpu.vector_store %arg7[%swap3A_124, %swap3A_125], %gather3A_120 {strides = array<i32>} : memref<32x1024xf32, #tpu.memory_space<vmem>>, vector<16xf32>,
        %add3A_127 = arith.constant 6 : i32
        %add3A_128 = vector.broadcast %add3A_127 : i32 to vector<16xi32>
        %add3A_129 = arith.addi %add3A_68, %add3A_128 : vector<16xi32>
        %gather3A_130 = tpu.vector_load_idx %arg6[%add3A_129] : memref<32768xf32, #tpu.memory_space<vmem>>[vector<16xi32>], vector<16xf32>,
        %mul3A_131 = arith.constant 16 : i32
        %mul3A_132 = arith.muli %scan3A_64, %mul3A_131 : i32
        %swap3A_133 = arith.constant 6 : i32
        %swap3A_134 = arith.index_cast %swap3A_133 : i32 to index
        %swap3A_135 = arith.index_cast %mul3A_132 : i32 to index
        %swap3A_136 = tpu.vector_load %arg7[%swap3A_134, %swap3A_135] {strides = array<i32>} : memref<32x1024xf32, #tpu.memory_space<vmem>>, vector<16xf32>,
        tpu.vector_store %arg7[%swap3A_134, %swap3A_135], %gather3A_130 {strides = array<i32>} : memref<32x1024xf32, #tpu.memory_space<vmem>>, vector<16xf32>,
        %add3A_137 = arith.constant 7 : i32
        %add3A_138 = vector.broadcast %add3A_137 : i32 to vector<16xi32>
        %add3A_139 = arith.addi %add3A_68, %add3A_138 : vector<16xi32>
        %gather3A_140 = tpu.vector_load_idx %arg6[%add3A_139] : memref<32768xf32, #tpu.memory_space<vmem>>[vector<16xi32>], vector<16xf32>,
        %mul3A_141 = arith.constant 16 : i32
        %mul3A_142 = arith.muli %scan3A_64, %mul3A_141 : i32
        %swap3A_143 = arith.constant 7 : i32
        %swap3A_144 = arith.index_cast %swap3A_143 : i32 to index
        %swap3A_145 = arith.index_cast %mul3A_142 : i32 to index
        %swap3A_146 = tpu.vector_load %arg7[%swap3A_144, %swap3A_145] {strides = array<i32>} : memref<32x1024xf32, #tpu.memory_space<vmem>>, vector<16xf32>,
        tpu.vector_store %arg7[%swap3A_144, %swap3A_145], %gather3A_140 {strides = array<i32>} : memref<32x1024xf32, #tpu.memory_space<vmem>>, vector<16xf32>,
        %add3A_147 = arith.constant 8 : i32
        %add3A_148 = vector.broadcast %add3A_147 : i32 to vector<16xi32>
        %add3A_149 = arith.addi %add3A_68, %add3A_148 : vector<16xi32>
        %gather3A_150 = tpu.vector_load_idx %arg6[%add3A_149] : memref<32768xf32, #tpu.memory_space<vmem>>[vector<16xi32>], vector<16xf32>,
        %mul3A_151 = arith.constant 16 : i32
        %mul3A_152 = arith.muli %scan3A_64, %mul3A_151 : i32
        %swap3A_153 = arith.constant 8 : i32
        %swap3A_154 = arith.index_cast %swap3A_153 : i32 to index
        %swap3A_155 = arith.index_cast %mul3A_152 : i32 to index
        %swap3A_156 = tpu.vector_load %arg7[%swap3A_154, %swap3A_155] {strides = array<i32>} : memref<32x1024xf32, #tpu.memory_space<vmem>>, vector<16xf32>,
        tpu.vector_store %arg7[%swap3A_154, %swap3A_155], %gather3A_150 {strides = array<i32>} : memref<32x1024xf32, #tpu.memory_space<vmem>>, vector<16xf32>,
        %add3A_157 = arith.constant 9 : i32
        %add3A_158 = vector.broadcast %add3A_157 : i32 to vector<16xi32>
        %add3A_159 = arith.addi %add3A_68, %add3A_158 : vector<16xi32>
        %gather3A_160 = tpu.vector_load_idx %arg6[%add3A_159] : memref<32768xf32, #tpu.memory_space<vmem>>[vector<16xi32>], vector<16xf32>,
        %mul3A_161 = arith.constant 16 : i32
        %mul3A_162 = arith.muli %scan3A_64, %mul3A_161 : i32
        %swap3A_163 = arith.constant 9 : i32
        %swap3A_164 = arith.index_cast %swap3A_163 : i32 to index
        %swap3A_165 = arith.index_cast %mul3A_162 : i32 to index
        %swap3A_166 = tpu.vector_load %arg7[%swap3A_164, %swap3A_165] {strides = array<i32>} : memref<32x1024xf32, #tpu.memory_space<vmem>>, vector<16xf32>,
        tpu.vector_store %arg7[%swap3A_164, %swap3A_165], %gather3A_160 {strides = array<i32>} : memref<32x1024xf32, #tpu.memory_space<vmem>>, vector<16xf32>,
        %add3A_167 = arith.constant 10 : i32
        %add3A_168 = vector.broadcast %add3A_167 : i32 to vector<16xi32>
        %add3A_169 = arith.addi %add3A_68, %add3A_168 : vector<16xi32>
        %gather3A_170 = tpu.vector_load_idx %arg6[%add3A_169] : memref<32768xf32, #tpu.memory_space<vmem>>[vector<16xi32>], vector<16xf32>,
        %mul3A_171 = arith.constant 16 : i32
        %mul3A_172 = arith.muli %scan3A_64, %mul3A_171 : i32
        %swap3A_173 = arith.constant 10 : i32
        %swap3A_174 = arith.index_cast %swap3A_173 : i32 to index
        %swap3A_175 = arith.index_cast %mul3A_172 : i32 to index
        %swap3A_176 = tpu.vector_load %arg7[%swap3A_174, %swap3A_175] {strides = array<i32>} : memref<32x1024xf32, #tpu.memory_space<vmem>>, vector<16xf32>,
        tpu.vector_store %arg7[%swap3A_174, %swap3A_175], %gather3A_170 {strides = array<i32>} : memref<32x1024xf32, #tpu.memory_space<vmem>>, vector<16xf32>,
        %add3A_177 = arith.constant 11 : i32
        %add3A_178 = vector.broadcast %add3A_177 : i32 to vector<16xi32>
        %add3A_179 = arith.addi %add3A_68, %add3A_178 : vector<16xi32>
        %gather3A_180 = tpu.vector_load_idx %arg6[%add3A_179] : memref<32768xf32, #tpu.memory_space<vmem>>[vector<16xi32>], vector<16xf32>,
        %mul3A_181 = arith.constant 16 : i32
        %mul3A_182 = arith.muli %scan3A_64, %mul3A_181 : i32
        %swap3A_183 = arith.constant 11 : i32
        %swap3A_184 = arith.index_cast %swap3A_183 : i32 to index
        %swap3A_185 = arith.index_cast %mul3A_182 : i32 to index
        %swap3A_186 = tpu.vector_load %arg7[%swap3A_184, %swap3A_185] {strides = array<i32>} : memref<32x1024xf32, #tpu.memory_space<vmem>>, vector<16xf32>,
        tpu.vector_store %arg7[%swap3A_184, %swap3A_185], %gather3A_180 {strides = array<i32>} : memref<32x1024xf32, #tpu.memory_space<vmem>>, vector<16xf32>,
        %add3A_187 = arith.constant 12 : i32
        %add3A_188 = vector.broadcast %add3A_187 : i32 to vector<16xi32>
        %add3A_189 = arith.addi %add3A_68, %add3A_188 : vector<16xi32>
        %gather3A_190 = tpu.vector_load_idx %arg6[%add3A_189] : memref<32768xf32, #tpu.memory_space<vmem>>[vector<16xi32>], vector<16xf32>,
        %mul3A_191 = arith.constant 16 : i32
        %mul3A_192 = arith.muli %scan3A_64, %mul3A_191 : i32
        %swap3A_193 = arith.constant 12 : i32
        %swap3A_194 = arith.index_cast %swap3A_193 : i32 to index
        %swap3A_195 = arith.index_cast %mul3A_192 : i32 to index
        %swap3A_196 = tpu.vector_load %arg7[%swap3A_194, %swap3A_195] {strides = array<i32>} : memref<32x1024xf32, #tpu.memory_space<vmem>>, vector<16xf32>,
        tpu.vector_store %arg7[%swap3A_194, %swap3A_195], %gather3A_190 {strides = array<i32>} : memref<32x1024xf32, #tpu.memory_space<vmem>>, vector<16xf32>,
        %add3A_197 = arith.constant 13 : i32
        %add3A_198 = vector.broadcast %add3A_197 : i32 to vector<16xi32>
        %add3A_199 = arith.addi %add3A_68, %add3A_198 : vector<16xi32>
        %gather3A_200 = tpu.vector_load_idx %arg6[%add3A_199] : memref<32768xf32, #tpu.memory_space<vmem>>[vector<16xi32>], vector<16xf32>,
        %mul3A_201 = arith.constant 16 : i32
        %mul3A_202 = arith.muli %scan3A_64, %mul3A_201 : i32
        %swap3A_203 = arith.constant 13 : i32
        %swap3A_204 = arith.index_cast %swap3A_203 : i32 to index
        %swap3A_205 = arith.index_cast %mul3A_202 : i32 to index
        %swap3A_206 = tpu.vector_load %arg7[%swap3A_204, %swap3A_205] {strides = array<i32>} : memref<32x1024xf32, #tpu.memory_space<vmem>>, vector<16xf32>,
        tpu.vector_store %arg7[%swap3A_204, %swap3A_205], %gather3A_200 {strides = array<i32>} : memref<32x1024xf32, #tpu.memory_space<vmem>>, vector<16xf32>,
        %add3A_207 = arith.constant 14 : i32
        %add3A_208 = vector.broadcast %add3A_207 : i32 to vector<16xi32>
        %add3A_209 = arith.addi %add3A_68, %add3A_208 : vector<16xi32>
        %gather3A_210 = tpu.vector_load_idx %arg6[%add3A_209] : memref<32768xf32, #tpu.memory_space<vmem>>[vector<16xi32>], vector<16xf32>,
        %mul3A_211 = arith.constant 16 : i32
        %mul3A_212 = arith.muli %scan3A_64, %mul3A_211 : i32
        %swap3A_213 = arith.constant 14 : i32
        %swap3A_214 = arith.index_cast %swap3A_213 : i32 to index
        %swap3A_215 = arith.index_cast %mul3A_212 : i32 to index
        %swap3A_216 = tpu.vector_load %arg7[%swap3A_214, %swap3A_215] {strides = array<i32>} : memref<32x1024xf32, #tpu.memory_space<vmem>>, vector<16xf32>,
        tpu.vector_store %arg7[%swap3A_214, %swap3A_215], %gather3A_210 {strides = array<i32>} : memref<32x1024xf32, #tpu.memory_space<vmem>>, vector<16xf32>,
        %add3A_217 = arith.constant 15 : i32
        %add3A_218 = vector.broadcast %add3A_217 : i32 to vector<16xi32>
        %add3A_219 = arith.addi %add3A_68, %add3A_218 : vector<16xi32>
        %gather3A_220 = tpu.vector_load_idx %arg6[%add3A_219] : memref<32768xf32, #tpu.memory_space<vmem>>[vector<16xi32>], vector<16xf32>,
        %mul3A_221 = arith.constant 16 : i32
        %mul3A_222 = arith.muli %scan3A_64, %mul3A_221 : i32
        %swap3A_223 = arith.constant 15 : i32
        %swap3A_224 = arith.index_cast %swap3A_223 : i32 to index
        %swap3A_225 = arith.index_cast %mul3A_222 : i32 to index
        %swap3A_226 = tpu.vector_load %arg7[%swap3A_224, %swap3A_225] {strides = array<i32>} : memref<32x1024xf32, #tpu.memory_space<vmem>>, vector<16xf32>,
        tpu.vector_store %arg7[%swap3A_224, %swap3A_225], %gather3A_220 {strides = array<i32>} : memref<32x1024xf32, #tpu.memory_space<vmem>>, vector<16xf32>,
        %add3A_227 = arith.constant 16 : i32
        %add3A_228 = vector.broadcast %add3A_227 : i32 to vector<16xi32>
        %add3A_229 = arith.addi %add3A_68, %add3A_228 : vector<16xi32>
        %gather3A_230 = tpu.vector_load_idx %arg6[%add3A_229] : memref<32768xf32, #tpu.memory_space<vmem>>[vector<16xi32>], vector<16xf32>,
        %mul3A_231 = arith.constant 16 : i32
        %mul3A_232 = arith.muli %scan3A_64, %mul3A_231 : i32
        %swap3A_233 = arith.constant 16 : i32
        %swap3A_234 = arith.index_cast %swap3A_233 : i32 to index
        %swap3A_235 = arith.index_cast %mul3A_232 : i32 to index
        %swap3A_236 = tpu.vector_load %arg7[%swap3A_234, %swap3A_235] {strides = array<i32>} : memref<32x1024xf32, #tpu.memory_space<vmem>>, vector<16xf32>,
        tpu.vector_store %arg7[%swap3A_234, %swap3A_235], %gather3A_230 {strides = array<i32>} : memref<32x1024xf32, #tpu.memory_space<vmem>>, vector<16xf32>,
        %add3A_237 = arith.constant 17 : i32
        %add3A_238 = vector.broadcast %add3A_237 : i32 to vector<16xi32>
        %add3A_239 = arith.addi %add3A_68, %add3A_238 : vector<16xi32>
        %gather3A_240 = tpu.vector_load_idx %arg6[%add3A_239] : memref<32768xf32, #tpu.memory_space<vmem>>[vector<16xi32>], vector<16xf32>,
        %mul3A_241 = arith.constant 16 : i32
        %mul3A_242 = arith.muli %scan3A_64, %mul3A_241 : i32
        %swap3A_243 = arith.constant 17 : i32
        %swap3A_244 = arith.index_cast %swap3A_243 : i32 to index
        %swap3A_245 = arith.index_cast %mul3A_242 : i32 to index
        %swap3A_246 = tpu.vector_load %arg7[%swap3A_244, %swap3A_245] {strides = array<i32>} : memref<32x1024xf32, #tpu.memory_space<vmem>>, vector<16xf32>,
        tpu.vector_store %arg7[%swap3A_244, %swap3A_245], %gather3A_240 {strides = array<i32>} : memref<32x1024xf32, #tpu.memory_space<vmem>>, vector<16xf32>,
        %add3A_247 = arith.constant 18 : i32
        %add3A_248 = vector.broadcast %add3A_247 : i32 to vector<16xi32>
        %add3A_249 = arith.addi %add3A_68, %add3A_248 : vector<16xi32>
        %gather3A_250 = tpu.vector_load_idx %arg6[%add3A_249] : memref<32768xf32, #tpu.memory_space<vmem>>[vector<16xi32>], vector<16xf32>,
        %mul3A_251 = arith.constant 16 : i32
        %mul3A_252 = arith.muli %scan3A_64, %mul3A_251 : i32
        %swap3A_253 = arith.constant 18 : i32
        %swap3A_254 = arith.index_cast %swap3A_253 : i32 to index
        %swap3A_255 = arith.index_cast %mul3A_252 : i32 to index
        %swap3A_256 = tpu.vector_load %arg7[%swap3A_254, %swap3A_255] {strides = array<i32>} : memref<32x1024xf32, #tpu.memory_space<vmem>>, vector<16xf32>,
        tpu.vector_store %arg7[%swap3A_254, %swap3A_255], %gather3A_250 {strides = array<i32>} : memref<32x1024xf32, #tpu.memory_space<vmem>>, vector<16xf32>,
        %add3A_257 = arith.constant 19 : i32
        %add3A_258 = vector.broadcast %add3A_257 : i32 to vector<16xi32>
        %add3A_259 = arith.addi %add3A_68, %add3A_258 : vector<16xi32>
        %gather3A_260 = tpu.vector_load_idx %arg6[%add3A_259] : memref<32768xf32, #tpu.memory_space<vmem>>[vector<16xi32>], vector<16xf32>,
        %mul3A_261 = arith.constant 16 : i32
        %mul3A_262 = arith.muli %scan3A_64, %mul3A_261 : i32
        %swap3A_263 = arith.constant 19 : i32
        %swap3A_264 = arith.index_cast %swap3A_263 : i32 to index
        %swap3A_265 = arith.index_cast %mul3A_262 : i32 to index
        %swap3A_266 = tpu.vector_load %arg7[%swap3A_264, %swap3A_265] {strides = array<i32>} : memref<32x1024xf32, #tpu.memory_space<vmem>>, vector<16xf32>,
        tpu.vector_store %arg7[%swap3A_264, %swap3A_265], %gather3A_260 {strides = array<i32>} : memref<32x1024xf32, #tpu.memory_space<vmem>>, vector<16xf32>,
        %add3A_267 = arith.constant 20 : i32
        %add3A_268 = vector.broadcast %add3A_267 : i32 to vector<16xi32>
        %add3A_269 = arith.addi %add3A_68, %add3A_268 : vector<16xi32>
        %gather3A_270 = tpu.vector_load_idx %arg6[%add3A_269] : memref<32768xf32, #tpu.memory_space<vmem>>[vector<16xi32>], vector<16xf32>,
        %mul3A_271 = arith.constant 16 : i32
        %mul3A_272 = arith.muli %scan3A_64, %mul3A_271 : i32
        %swap3A_273 = arith.constant 20 : i32
        %swap3A_274 = arith.index_cast %swap3A_273 : i32 to index
        %swap3A_275 = arith.index_cast %mul3A_272 : i32 to index
        %swap3A_276 = tpu.vector_load %arg7[%swap3A_274, %swap3A_275] {strides = array<i32>} : memref<32x1024xf32, #tpu.memory_space<vmem>>, vector<16xf32>,
        tpu.vector_store %arg7[%swap3A_274, %swap3A_275], %gather3A_270 {strides = array<i32>} : memref<32x1024xf32, #tpu.memory_space<vmem>>, vector<16xf32>,
        %add3A_277 = arith.constant 21 : i32
        %add3A_278 = vector.broadcast %add3A_277 : i32 to vector<16xi32>
        %add3A_279 = arith.addi %add3A_68, %add3A_278 : vector<16xi32>
        %gather3A_280 = tpu.vector_load_idx %arg6[%add3A_279] : memref<32768xf32, #tpu.memory_space<vmem>>[vector<16xi32>], vector<16xf32>,
        %mul3A_281 = arith.constant 16 : i32
        %mul3A_282 = arith.muli %scan3A_64, %mul3A_281 : i32
        %swap3A_283 = arith.constant 21 : i32
        %swap3A_284 = arith.index_cast %swap3A_283 : i32 to index
        %swap3A_285 = arith.index_cast %mul3A_282 : i32 to index
        %swap3A_286 = tpu.vector_load %arg7[%swap3A_284, %swap3A_285] {strides = array<i32>} : memref<32x1024xf32, #tpu.memory_space<vmem>>, vector<16xf32>,
        tpu.vector_store %arg7[%swap3A_284, %swap3A_285], %gather3A_280 {strides = array<i32>} : memref<32x1024xf32, #tpu.memory_space<vmem>>, vector<16xf32>,
        %add3A_287 = arith.constant 22 : i32
        %add3A_288 = vector.broadcast %add3A_287 : i32 to vector<16xi32>
        %add3A_289 = arith.addi %add3A_68, %add3A_288 : vector<16xi32>
        %gather3A_290 = tpu.vector_load_idx %arg6[%add3A_289] : memref<32768xf32, #tpu.memory_space<vmem>>[vector<16xi32>], vector<16xf32>,
        %mul3A_291 = arith.constant 16 : i32
        %mul3A_292 = arith.muli %scan3A_64, %mul3A_291 : i32
        %swap3A_293 = arith.constant 22 : i32
        %swap3A_294 = arith.index_cast %swap3A_293 : i32 to index
        %swap3A_295 = arith.index_cast %mul3A_292 : i32 to index
        %swap3A_296 = tpu.vector_load %arg7[%swap3A_294, %swap3A_295] {strides = array<i32>} : memref<32x1024xf32, #tpu.memory_space<vmem>>, vector<16xf32>,
        tpu.vector_store %arg7[%swap3A_294, %swap3A_295], %gather3A_290 {strides = array<i32>} : memref<32x1024xf32, #tpu.memory_space<vmem>>, vector<16xf32>,
        %add3A_297 = arith.constant 23 : i32
        %add3A_298 = vector.broadcast %add3A_297 : i32 to vector<16xi32>
        %add3A_299 = arith.addi %add3A_68, %add3A_298 : vector<16xi32>
        %gather3A_300 = tpu.vector_load_idx %arg6[%add3A_299] : memref<32768xf32, #tpu.memory_space<vmem>>[vector<16xi32>], vector<16xf32>,
        %mul3A_301 = arith.constant 16 : i32
        %mul3A_302 = arith.muli %scan3A_64, %mul3A_301 : i32
        %swap3A_303 = arith.constant 23 : i32
        %swap3A_304 = arith.index_cast %swap3A_303 : i32 to index
        %swap3A_305 = arith.index_cast %mul3A_302 : i32 to index
        %swap3A_306 = tpu.vector_load %arg7[%swap3A_304, %swap3A_305] {strides = array<i32>} : memref<32x1024xf32, #tpu.memory_space<vmem>>, vector<16xf32>,
        tpu.vector_store %arg7[%swap3A_304, %swap3A_305], %gather3A_300 {strides = array<i32>} : memref<32x1024xf32, #tpu.memory_space<vmem>>, vector<16xf32>,
        %add3A_307 = arith.constant 24 : i32
        %add3A_308 = vector.broadcast %add3A_307 : i32 to vector<16xi32>
        %add3A_309 = arith.addi %add3A_68, %add3A_308 : vector<16xi32>
        %gather3A_310 = tpu.vector_load_idx %arg6[%add3A_309] : memref<32768xf32, #tpu.memory_space<vmem>>[vector<16xi32>], vector<16xf32>,
        %mul3A_311 = arith.constant 16 : i32
        %mul3A_312 = arith.muli %scan3A_64, %mul3A_311 : i32
        %swap3A_313 = arith.constant 24 : i32
        %swap3A_314 = arith.index_cast %swap3A_313 : i32 to index
        %swap3A_315 = arith.index_cast %mul3A_312 : i32 to index
        %swap3A_316 = tpu.vector_load %arg7[%swap3A_314, %swap3A_315] {strides = array<i32>} : memref<32x1024xf32, #tpu.memory_space<vmem>>, vector<16xf32>,
        tpu.vector_store %arg7[%swap3A_314, %swap3A_315], %gather3A_310 {strides = array<i32>} : memref<32x1024xf32, #tpu.memory_space<vmem>>, vector<16xf32>,
        %add3A_317 = arith.constant 25 : i32
        %add3A_318 = vector.broadcast %add3A_317 : i32 to vector<16xi32>
        %add3A_319 = arith.addi %add3A_68, %add3A_318 : vector<16xi32>
        %gather3A_320 = tpu.vector_load_idx %arg6[%add3A_319] : memref<32768xf32, #tpu.memory_space<vmem>>[vector<16xi32>], vector<16xf32>,
        %mul3A_321 = arith.constant 16 : i32
        %mul3A_322 = arith.muli %scan3A_64, %mul3A_321 : i32
        %swap3A_323 = arith.constant 25 : i32
        %swap3A_324 = arith.index_cast %swap3A_323 : i32 to index
        %swap3A_325 = arith.index_cast %mul3A_322 : i32 to index
        %swap3A_326 = tpu.vector_load %arg7[%swap3A_324, %swap3A_325] {strides = array<i32>} : memref<32x1024xf32, #tpu.memory_space<vmem>>, vector<16xf32>,
        tpu.vector_store %arg7[%swap3A_324, %swap3A_325], %gather3A_320 {strides = array<i32>} : memref<32x1024xf32, #tpu.memory_space<vmem>>, vector<16xf32>,
        %add3A_327 = arith.constant 26 : i32
        %add3A_328 = vector.broadcast %add3A_327 : i32 to vector<16xi32>
        %add3A_329 = arith.addi %add3A_68, %add3A_328 : vector<16xi32>
        %gather3A_330 = tpu.vector_load_idx %arg6[%add3A_329] : memref<32768xf32, #tpu.memory_space<vmem>>[vector<16xi32>], vector<16xf32>,
        %mul3A_331 = arith.constant 16 : i32
        %mul3A_332 = arith.muli %scan3A_64, %mul3A_331 : i32
        %swap3A_333 = arith.constant 26 : i32
        %swap3A_334 = arith.index_cast %swap3A_333 : i32 to index
        %swap3A_335 = arith.index_cast %mul3A_332 : i32 to index
        %swap3A_336 = tpu.vector_load %arg7[%swap3A_334, %swap3A_335] {strides = array<i32>} : memref<32x1024xf32, #tpu.memory_space<vmem>>, vector<16xf32>,
        tpu.vector_store %arg7[%swap3A_334, %swap3A_335], %gather3A_330 {strides = array<i32>} : memref<32x1024xf32, #tpu.memory_space<vmem>>, vector<16xf32>,
        %add3A_337 = arith.constant 27 : i32
        %add3A_338 = vector.broadcast %add3A_337 : i32 to vector<16xi32>
        %add3A_339 = arith.addi %add3A_68, %add3A_338 : vector<16xi32>
        %gather3A_340 = tpu.vector_load_idx %arg6[%add3A_339] : memref<32768xf32, #tpu.memory_space<vmem>>[vector<16xi32>], vector<16xf32>,
        %mul3A_341 = arith.constant 16 : i32
        %mul3A_342 = arith.muli %scan3A_64, %mul3A_341 : i32
        %swap3A_343 = arith.constant 27 : i32
        %swap3A_344 = arith.index_cast %swap3A_343 : i32 to index
        %swap3A_345 = arith.index_cast %mul3A_342 : i32 to index
        %swap3A_346 = tpu.vector_load %arg7[%swap3A_344, %swap3A_345] {strides = array<i32>} : memref<32x1024xf32, #tpu.memory_space<vmem>>, vector<16xf32>,
        tpu.vector_store %arg7[%swap3A_344, %swap3A_345], %gather3A_340 {strides = array<i32>} : memref<32x1024xf32, #tpu.memory_space<vmem>>, vector<16xf32>,
        %add3A_347 = arith.constant 28 : i32
        %add3A_348 = vector.broadcast %add3A_347 : i32 to vector<16xi32>
        %add3A_349 = arith.addi %add3A_68, %add3A_348 : vector<16xi32>
        %gather3A_350 = tpu.vector_load_idx %arg6[%add3A_349] : memref<32768xf32, #tpu.memory_space<vmem>>[vector<16xi32>], vector<16xf32>,
        %mul3A_351 = arith.constant 16 : i32
        %mul3A_352 = arith.muli %scan3A_64, %mul3A_351 : i32
        %swap3A_353 = arith.constant 28 : i32
        %swap3A_354 = arith.index_cast %swap3A_353 : i32 to index
        %swap3A_355 = arith.index_cast %mul3A_352 : i32 to index
        %swap3A_356 = tpu.vector_load %arg7[%swap3A_354, %swap3A_355] {strides = array<i32>} : memref<32x1024xf32, #tpu.memory_space<vmem>>, vector<16xf32>,
        tpu.vector_store %arg7[%swap3A_354, %swap3A_355], %gather3A_350 {strides = array<i32>} : memref<32x1024xf32, #tpu.memory_space<vmem>>, vector<16xf32>,
        %add3A_357 = arith.constant 29 : i32
        %add3A_358 = vector.broadcast %add3A_357 : i32 to vector<16xi32>
        %add3A_359 = arith.addi %add3A_68, %add3A_358 : vector<16xi32>
        %gather3A_360 = tpu.vector_load_idx %arg6[%add3A_359] : memref<32768xf32, #tpu.memory_space<vmem>>[vector<16xi32>], vector<16xf32>,
        %mul3A_361 = arith.constant 16 : i32
        %mul3A_362 = arith.muli %scan3A_64, %mul3A_361 : i32
        %swap3A_363 = arith.constant 29 : i32
        %swap3A_364 = arith.index_cast %swap3A_363 : i32 to index
        %swap3A_365 = arith.index_cast %mul3A_362 : i32 to index
        %swap3A_366 = tpu.vector_load %arg7[%swap3A_364, %swap3A_365] {strides = array<i32>} : memref<32x1024xf32, #tpu.memory_space<vmem>>, vector<16xf32>,
        tpu.vector_store %arg7[%swap3A_364, %swap3A_365], %gather3A_360 {strides = array<i32>} : memref<32x1024xf32, #tpu.memory_space<vmem>>, vector<16xf32>,
        %add3A_367 = arith.constant 30 : i32
        %add3A_368 = vector.broadcast %add3A_367 : i32 to vector<16xi32>
        %add3A_369 = arith.addi %add3A_68, %add3A_368 : vector<16xi32>
        %gather3A_370 = tpu.vector_load_idx %arg6[%add3A_369] : memref<32768xf32, #tpu.memory_space<vmem>>[vector<16xi32>], vector<16xf32>,
        %mul3A_371 = arith.constant 16 : i32
        %mul3A_372 = arith.muli %scan3A_64, %mul3A_371 : i32
        %swap3A_373 = arith.constant 30 : i32
        %swap3A_374 = arith.index_cast %swap3A_373 : i32 to index
        %swap3A_375 = arith.index_cast %mul3A_372 : i32 to index
        %swap3A_376 = tpu.vector_load %arg7[%swap3A_374, %swap3A_375] {strides = array<i32>} : memref<32x1024xf32, #tpu.memory_space<vmem>>, vector<16xf32>,
        tpu.vector_store %arg7[%swap3A_374, %swap3A_375], %gather3A_370 {strides = array<i32>} : memref<32x1024xf32, #tpu.memory_space<vmem>>, vector<16xf32>,
        %add3A_377 = arith.constant 31 : i32
        %add3A_378 = vector.broadcast %add3A_377 : i32 to vector<16xi32>
        %add3A_379 = arith.addi %add3A_68, %add3A_378 : vector<16xi32>
        %gather3A_380 = tpu.vector_load_idx %arg6[%add3A_379] : memref<32768xf32, #tpu.memory_space<vmem>>[vector<16xi32>], vector<16xf32>,
        %mul3A_381 = arith.constant 16 : i32
        %mul3A_382 = arith.muli %scan3A_64, %mul3A_381 : i32
        %swap3A_383 = arith.constant 31 : i32
        %swap3A_384 = arith.index_cast %swap3A_383 : i32 to index
        %swap3A_385 = arith.index_cast %mul3A_382 : i32 to index
        %swap3A_386 = tpu.vector_load %arg7[%swap3A_384, %swap3A_385] {strides = array<i32>} : memref<32x1024xf32, #tpu.memory_space<vmem>>, vector<16xf32>,
        tpu.vector_store %arg7[%swap3A_384, %swap3A_385], %gather3A_380 {strides = array<i32>} : memref<32x1024xf32, #tpu.memory_space<vmem>>, vector<16xf32>,
        %scan3A_387 = arith.constant 1 : i32
        %scan3A_388 = arith.addi %scan3A_64, %scan3A_387 : i32
        %mul3A_389 = arith.constant 512 : i32
        %mul3A_390 = arith.muli %scan3A_388, %mul3A_389 : i32
        %add3A_391 = vector.broadcast %mul3A_390 : i32 to vector<16xi32>
        %add3A_392 = arith.addi %mul3A_3, %add3A_391 : vector<16xi32>
        %add3A_393 = arith.constant 0 : i32
        %add3A_394 = vector.broadcast %add3A_393 : i32 to vector<16xi32>
        %add3A_395 = arith.addi %add3A_392, %add3A_394 : vector<16xi32>
        %gather3A_396 = tpu.vector_load_idx %arg6[%add3A_395] : memref<32768xf32, #tpu.memory_space<vmem>>[vector<16xi32>], vector<16xf32>,
        %mul3A_397 = arith.constant 16 : i32
        %mul3A_398 = arith.muli %scan3A_388, %mul3A_397 : i32
        %swap3A_399 = arith.constant 0 : i32
        %swap3A_400 = arith.index_cast %swap3A_399 : i32 to index
        %swap3A_401 = arith.index_cast %mul3A_398 : i32 to index
        %swap3A_402 = tpu.vector_load %arg7[%swap3A_400, %swap3A_401] {strides = array<i32>} : memref<32x1024xf32, #tpu.memory_space<vmem>>, vector<16xf32>,
        tpu.vector_store %arg7[%swap3A_400, %swap3A_401], %gather3A_396 {strides = array<i32>} : memref<32x1024xf32, #tpu.memory_space<vmem>>, vector<16xf32>,
        %add3A_403 = arith.constant 1 : i32
        %add3A_404 = vector.broadcast %add3A_403 : i32 to vector<16xi32>
        %add3A_405 = arith.addi %add3A_392, %add3A_404 : vector<16xi32>
        %gather3A_406 = tpu.vector_load_idx %arg6[%add3A_405] : memref<32768xf32, #tpu.memory_space<vmem>>[vector<16xi32>], vector<16xf32>,
        %mul3A_407 = arith.constant 16 : i32
        %mul3A_408 = arith.muli %scan3A_388, %mul3A_407 : i32
        %swap3A_409 = arith.constant 1 : i32
        %swap3A_410 = arith.index_cast %swap3A_409 : i32 to index
        %swap3A_411 = arith.index_cast %mul3A_408 : i32 to index
        %swap3A_412 = tpu.vector_load %arg7[%swap3A_410, %swap3A_411] {strides = array<i32>} : memref<32x1024xf32, #tpu.memory_space<vmem>>, vector<16xf32>,
        tpu.vector_store %arg7[%swap3A_410, %swap3A_411], %gather3A_406 {strides = array<i32>} : memref<32x1024xf32, #tpu.memory_space<vmem>>, vector<16xf32>,
        %add3A_413 = arith.constant 2 : i32
        %add3A_414 = vector.broadcast %add3A_413 : i32 to vector<16xi32>
        %add3A_415 = arith.addi %add3A_392, %add3A_414 : vector<16xi32>
        %gather3A_416 = tpu.vector_load_idx %arg6[%add3A_415] : memref<32768xf32, #tpu.memory_space<vmem>>[vector<16xi32>], vector<16xf32>,
        %mul3A_417 = arith.constant 16 : i32
        %mul3A_418 = arith.muli %scan3A_388, %mul3A_417 : i32
        %swap3A_419 = arith.constant 2 : i32
        %swap3A_420 = arith.index_cast %swap3A_419 : i32 to index
        %swap3A_421 = arith.index_cast %mul3A_418 : i32 to index
        %swap3A_422 = tpu.vector_load %arg7[%swap3A_420, %swap3A_421] {strides = array<i32>} : memref<32x1024xf32, #tpu.memory_space<vmem>>, vector<16xf32>,
        tpu.vector_store %arg7[%swap3A_420, %swap3A_421], %gather3A_416 {strides = array<i32>} : memref<32x1024xf32, #tpu.memory_space<vmem>>, vector<16xf32>,
        %add3A_423 = arith.constant 3 : i32
        %add3A_424 = vector.broadcast %add3A_423 : i32 to vector<16xi32>
        %add3A_425 = arith.addi %add3A_392, %add3A_424 : vector<16xi32>
        %gather3A_426 = tpu.vector_load_idx %arg6[%add3A_425] : memref<32768xf32, #tpu.memory_space<vmem>>[vector<16xi32>], vector<16xf32>,
        %mul3A_427 = arith.constant 16 : i32
        %mul3A_428 = arith.muli %scan3A_388, %mul3A_427 : i32
        %swap3A_429 = arith.constant 3 : i32
        %swap3A_430 = arith.index_cast %swap3A_429 : i32 to index
        %swap3A_431 = arith.index_cast %mul3A_428 : i32 to index
        %swap3A_432 = tpu.vector_load %arg7[%swap3A_430, %swap3A_431] {strides = array<i32>} : memref<32x1024xf32, #tpu.memory_space<vmem>>, vector<16xf32>,
        tpu.vector_store %arg7[%swap3A_430, %swap3A_431], %gather3A_426 {strides = array<i32>} : memref<32x1024xf32, #tpu.memory_space<vmem>>, vector<16xf32>,
        %add3A_433 = arith.constant 4 : i32
        %add3A_434 = vector.broadcast %add3A_433 : i32 to vector<16xi32>
        %add3A_435 = arith.addi %add3A_392, %add3A_434 : vector<16xi32>
        %gather3A_436 = tpu.vector_load_idx %arg6[%add3A_435] : memref<32768xf32, #tpu.memory_space<vmem>>[vector<16xi32>], vector<16xf32>,
        %mul3A_437 = arith.constant 16 : i32
        %mul3A_438 = arith.muli %scan3A_388, %mul3A_437 : i32
        %swap3A_439 = arith.constant 4 : i32
        %swap3A_440 = arith.index_cast %swap3A_439 : i32 to index
        %swap3A_441 = arith.index_cast %mul3A_438 : i32 to index
        %swap3A_442 = tpu.vector_load %arg7[%swap3A_440, %swap3A_441] {strides = array<i32>} : memref<32x1024xf32, #tpu.memory_space<vmem>>, vector<16xf32>,
        tpu.vector_store %arg7[%swap3A_440, %swap3A_441], %gather3A_436 {strides = array<i32>} : memref<32x1024xf32, #tpu.memory_space<vmem>>, vector<16xf32>,
        %add3A_443 = arith.constant 5 : i32
        %add3A_444 = vector.broadcast %add3A_443 : i32 to vector<16xi32>
        %add3A_445 = arith.addi %add3A_392, %add3A_444 : vector<16xi32>
        %gather3A_446 = tpu.vector_load_idx %arg6[%add3A_445] : memref<32768xf32, #tpu.memory_space<vmem>>[vector<16xi32>], vector<16xf32>,
        %mul3A_447 = arith.constant 16 : i32
        %mul3A_448 = arith.muli %scan3A_388, %mul3A_447 : i32
        %swap3A_449 = arith.constant 5 : i32
        %swap3A_450 = arith.index_cast %swap3A_449 : i32 to index
        %swap3A_451 = arith.index_cast %mul3A_448 : i32 to index
        %swap3A_452 = tpu.vector_load %arg7[%swap3A_450, %swap3A_451] {strides = array<i32>} : memref<32x1024xf32, #tpu.memory_space<vmem>>, vector<16xf32>,
        tpu.vector_store %arg7[%swap3A_450, %swap3A_451], %gather3A_446 {strides = array<i32>} : memref<32x1024xf32, #tpu.memory_space<vmem>>, vector<16xf32>,
        %add3A_453 = arith.constant 6 : i32
        %add3A_454 = vector.broadcast %add3A_453 : i32 to vector<16xi32>
        %add3A_455 = arith.addi %add3A_392, %add3A_454 : vector<16xi32>
        %gather3A_456 = tpu.vector_load_idx %arg6[%add3A_455] : memref<32768xf32, #tpu.memory_space<vmem>>[vector<16xi32>], vector<16xf32>,
        %mul3A_457 = arith.constant 16 : i32
        %mul3A_458 = arith.muli %scan3A_388, %mul3A_457 : i32
        %swap3A_459 = arith.constant 6 : i32
        %swap3A_460 = arith.index_cast %swap3A_459 : i32 to index
        %swap3A_461 = arith.index_cast %mul3A_458 : i32 to index
        %swap3A_462 = tpu.vector_load %arg7[%swap3A_460, %swap3A_461] {strides = array<i32>} : memref<32x1024xf32, #tpu.memory_space<vmem>>, vector<16xf32>,
        tpu.vector_store %arg7[%swap3A_460, %swap3A_461], %gather3A_456 {strides = array<i32>} : memref<32x1024xf32, #tpu.memory_space<vmem>>, vector<16xf32>,
        %add3A_463 = arith.constant 7 : i32
        %add3A_464 = vector.broadcast %add3A_463 : i32 to vector<16xi32>
        %add3A_465 = arith.addi %add3A_392, %add3A_464 : vector<16xi32>
        %gather3A_466 = tpu.vector_load_idx %arg6[%add3A_465] : memref<32768xf32, #tpu.memory_space<vmem>>[vector<16xi32>], vector<16xf32>,
        %mul3A_467 = arith.constant 16 : i32
        %mul3A_468 = arith.muli %scan3A_388, %mul3A_467 : i32
        %swap3A_469 = arith.constant 7 : i32
        %swap3A_470 = arith.index_cast %swap3A_469 : i32 to index
        %swap3A_471 = arith.index_cast %mul3A_468 : i32 to index
        %swap3A_472 = tpu.vector_load %arg7[%swap3A_470, %swap3A_471] {strides = array<i32>} : memref<32x1024xf32, #tpu.memory_space<vmem>>, vector<16xf32>,
        tpu.vector_store %arg7[%swap3A_470, %swap3A_471], %gather3A_466 {strides = array<i32>} : memref<32x1024xf32, #tpu.memory_space<vmem>>, vector<16xf32>,
        %add3A_473 = arith.constant 8 : i32
        %add3A_474 = vector.broadcast %add3A_473 : i32 to vector<16xi32>
        %add3A_475 = arith.addi %add3A_392, %add3A_474 : vector<16xi32>
        %gather3A_476 = tpu.vector_load_idx %arg6[%add3A_475] : memref<32768xf32, #tpu.memory_space<vmem>>[vector<16xi32>], vector<16xf32>,
        %mul3A_477 = arith.constant 16 : i32
        %mul3A_478 = arith.muli %scan3A_388, %mul3A_477 : i32
        %swap3A_479 = arith.constant 8 : i32
        %swap3A_480 = arith.index_cast %swap3A_479 : i32 to index
        %swap3A_481 = arith.index_cast %mul3A_478 : i32 to index
        %swap3A_482 = tpu.vector_load %arg7[%swap3A_480, %swap3A_481] {strides = array<i32>} : memref<32x1024xf32, #tpu.memory_space<vmem>>, vector<16xf32>,
        tpu.vector_store %arg7[%swap3A_480, %swap3A_481], %gather3A_476 {strides = array<i32>} : memref<32x1024xf32, #tpu.memory_space<vmem>>, vector<16xf32>,
        %add3A_483 = arith.constant 9 : i32
        %add3A_484 = vector.broadcast %add3A_483 : i32 to vector<16xi32>
        %add3A_485 = arith.addi %add3A_392, %add3A_484 : vector<16xi32>
        %gather3A_486 = tpu.vector_load_idx %arg6[%add3A_485] : memref<32768xf32, #tpu.memory_space<vmem>>[vector<16xi32>], vector<16xf32>,
        %mul3A_487 = arith.constant 16 : i32
        %mul3A_488 = arith.muli %scan3A_388, %mul3A_487 : i32
        %swap3A_489 = arith.constant 9 : i32
        %swap3A_490 = arith.index_cast %swap3A_489 : i32 to index
        %swap3A_491 = arith.index_cast %mul3A_488 : i32 to index
        %swap3A_492 = tpu.vector_load %arg7[%swap3A_490, %swap3A_491] {strides = array<i32>} : memref<32x1024xf32, #tpu.memory_space<vmem>>, vector<16xf32>,
        tpu.vector_store %arg7[%swap3A_490, %swap3A_491], %gather3A_486 {strides = array<i32>} : memref<32x1024xf32, #tpu.memory_space<vmem>>, vector<16xf32>,
        %add3A_493 = arith.constant 10 : i32
        %add3A_494 = vector.broadcast %add3A_493 : i32 to vector<16xi32>
        %add3A_495 = arith.addi %add3A_392, %add3A_494 : vector<16xi32>
        %gather3A_496 = tpu.vector_load_idx %arg6[%add3A_495] : memref<32768xf32, #tpu.memory_space<vmem>>[vector<16xi32>], vector<16xf32>,
        %mul3A_497 = arith.constant 16 : i32
        %mul3A_498 = arith.muli %scan3A_388, %mul3A_497 : i32
        %swap3A_499 = arith.constant 10 : i32
        %swap3A_500 = arith.index_cast %swap3A_499 : i32 to index
        %swap3A_501 = arith.index_cast %mul3A_498 : i32 to index
        %swap3A_502 = tpu.vector_load %arg7[%swap3A_500, %swap3A_501] {strides = array<i32>} : memref<32x1024xf32, #tpu.memory_space<vmem>>, vector<16xf32>,
        tpu.vector_store %arg7[%swap3A_500, %swap3A_501], %gather3A_496 {strides = array<i32>} : memref<32x1024xf32, #tpu.memory_space<vmem>>, vector<16xf32>,
        %add3A_503 = arith.constant 11 : i32
        %add3A_504 = vector.broadcast %add3A_503 : i32 to vector<16xi32>
        %add3A_505 = arith.addi %add3A_392, %add3A_504 : vector<16xi32>
        %gather3A_506 = tpu.vector_load_idx %arg6[%add3A_505] : memref<32768xf32, #tpu.memory_space<vmem>>[vector<16xi32>], vector<16xf32>,
        %mul3A_507 = arith.constant 16 : i32
        %mul3A_508 = arith.muli %scan3A_388, %mul3A_507 : i32
        %swap3A_509 = arith.constant 11 : i32
        %swap3A_510 = arith.index_cast %swap3A_509 : i32 to index
        %swap3A_511 = arith.index_cast %mul3A_508 : i32 to index
        %swap3A_512 = tpu.vector_load %arg7[%swap3A_510, %swap3A_511] {strides = array<i32>} : memref<32x1024xf32, #tpu.memory_space<vmem>>, vector<16xf32>,
        tpu.vector_store %arg7[%swap3A_510, %swap3A_511], %gather3A_506 {strides = array<i32>} : memref<32x1024xf32, #tpu.memory_space<vmem>>, vector<16xf32>,
        %add3A_513 = arith.constant 12 : i32
        %add3A_514 = vector.broadcast %add3A_513 : i32 to vector<16xi32>
        %add3A_515 = arith.addi %add3A_392, %add3A_514 : vector<16xi32>
        %gather3A_516 = tpu.vector_load_idx %arg6[%add3A_515] : memref<32768xf32, #tpu.memory_space<vmem>>[vector<16xi32>], vector<16xf32>,
        %mul3A_517 = arith.constant 16 : i32
        %mul3A_518 = arith.muli %scan3A_388, %mul3A_517 : i32
        %swap3A_519 = arith.constant 12 : i32
        %swap3A_520 = arith.index_cast %swap3A_519 : i32 to index
        %swap3A_521 = arith.index_cast %mul3A_518 : i32 to index
        %swap3A_522 = tpu.vector_load %arg7[%swap3A_520, %swap3A_521] {strides = array<i32>} : memref<32x1024xf32, #tpu.memory_space<vmem>>, vector<16xf32>,
        tpu.vector_store %arg7[%swap3A_520, %swap3A_521], %gather3A_516 {strides = array<i32>} : memref<32x1024xf32, #tpu.memory_space<vmem>>, vector<16xf32>,
        %add3A_523 = arith.constant 13 : i32
        %add3A_524 = vector.broadcast %add3A_523 : i32 to vector<16xi32>
        %add3A_525 = arith.addi %add3A_392, %add3A_524 : vector<16xi32>
        %gather3A_526 = tpu.vector_load_idx %arg6[%add3A_525] : memref<32768xf32, #tpu.memory_space<vmem>>[vector<16xi32>], vector<16xf32>,
        %mul3A_527 = arith.constant 16 : i32
        %mul3A_528 = arith.muli %scan3A_388, %mul3A_527 : i32
        %swap3A_529 = arith.constant 13 : i32
        %swap3A_530 = arith.index_cast %swap3A_529 : i32 to index
        %swap3A_531 = arith.index_cast %mul3A_528 : i32 to index
        %swap3A_532 = tpu.vector_load %arg7[%swap3A_530, %swap3A_531] {strides = array<i32>} : memref<32x1024xf32, #tpu.memory_space<vmem>>, vector<16xf32>,
        tpu.vector_store %arg7[%swap3A_530, %swap3A_531], %gather3A_526 {strides = array<i32>} : memref<32x1024xf32, #tpu.memory_space<vmem>>, vector<16xf32>,
        %add3A_533 = arith.constant 14 : i32
        %add3A_534 = vector.broadcast %add3A_533 : i32 to vector<16xi32>
        %add3A_535 = arith.addi %add3A_392, %add3A_534 : vector<16xi32>
        %gather3A_536 = tpu.vector_load_idx %arg6[%add3A_535] : memref<32768xf32, #tpu.memory_space<vmem>>[vector<16xi32>], vector<16xf32>,
        %mul3A_537 = arith.constant 16 : i32
        %mul3A_538 = arith.muli %scan3A_388, %mul3A_537 : i32
        %swap3A_539 = arith.constant 14 : i32
        %swap3A_540 = arith.index_cast %swap3A_539 : i32 to index
        %swap3A_541 = arith.index_cast %mul3A_538 : i32 to index
        %swap3A_542 = tpu.vector_load %arg7[%swap3A_540, %swap3A_541] {strides = array<i32>} : memref<32x1024xf32, #tpu.memory_space<vmem>>, vector<16xf32>,
        tpu.vector_store %arg7[%swap3A_540, %swap3A_541], %gather3A_536 {strides = array<i32>} : memref<32x1024xf32, #tpu.memory_space<vmem>>, vector<16xf32>,
        %add3A_543 = arith.constant 15 : i32
        %add3A_544 = vector.broadcast %add3A_543 : i32 to vector<16xi32>
        %add3A_545 = arith.addi %add3A_392, %add3A_544 : vector<16xi32>
        %gather3A_546 = tpu.vector_load_idx %arg6[%add3A_545] : memref<32768xf32, #tpu.memory_space<vmem>>[vector<16xi32>], vector<16xf32>,
        %mul3A_547 = arith.constant 16 : i32
        %mul3A_548 = arith.muli %scan3A_388, %mul3A_547 : i32
        %swap3A_549 = arith.constant 15 : i32
        %swap3A_550 = arith.index_cast %swap3A_549 : i32 to index
        %swap3A_551 = arith.index_cast %mul3A_548 : i32 to index
        %swap3A_552 = tpu.vector_load %arg7[%swap3A_550, %swap3A_551] {strides = array<i32>} : memref<32x1024xf32, #tpu.memory_space<vmem>>, vector<16xf32>,
        tpu.vector_store %arg7[%swap3A_550, %swap3A_551], %gather3A_546 {strides = array<i32>} : memref<32x1024xf32, #tpu.memory_space<vmem>>, vector<16xf32>,
        %add3A_553 = arith.constant 16 : i32
        %add3A_554 = vector.broadcast %add3A_553 : i32 to vector<16xi32>
        %add3A_555 = arith.addi %add3A_392, %add3A_554 : vector<16xi32>
        %gather3A_556 = tpu.vector_load_idx %arg6[%add3A_555] : memref<32768xf32, #tpu.memory_space<vmem>>[vector<16xi32>], vector<16xf32>,
        %mul3A_557 = arith.constant 16 : i32
        %mul3A_558 = arith.muli %scan3A_388, %mul3A_557 : i32
        %swap3A_559 = arith.constant 16 : i32
        %swap3A_560 = arith.index_cast %swap3A_559 : i32 to index
        %swap3A_561 = arith.index_cast %mul3A_558 : i32 to index
        %swap3A_562 = tpu.vector_load %arg7[%swap3A_560, %swap3A_561] {strides = array<i32>} : memref<32x1024xf32, #tpu.memory_space<vmem>>, vector<16xf32>,
        tpu.vector_store %arg7[%swap3A_560, %swap3A_561], %gather3A_556 {strides = array<i32>} : memref<32x1024xf32, #tpu.memory_space<vmem>>, vector<16xf32>,
        %add3A_563 = arith.constant 17 : i32
        %add3A_564 = vector.broadcast %add3A_563 : i32 to vector<16xi32>
        %add3A_565 = arith.addi %add3A_392, %add3A_564 : vector<16xi32>
        %gather3A_566 = tpu.vector_load_idx %arg6[%add3A_565] : memref<32768xf32, #tpu.memory_space<vmem>>[vector<16xi32>], vector<16xf32>,
        %mul3A_567 = arith.constant 16 : i32
        %mul3A_568 = arith.muli %scan3A_388, %mul3A_567 : i32
        %swap3A_569 = arith.constant 17 : i32
        %swap3A_570 = arith.index_cast %swap3A_569 : i32 to index
        %swap3A_571 = arith.index_cast %mul3A_568 : i32 to index
        %swap3A_572 = tpu.vector_load %arg7[%swap3A_570, %swap3A_571] {strides = array<i32>} : memref<32x1024xf32, #tpu.memory_space<vmem>>, vector<16xf32>,
        tpu.vector_store %arg7[%swap3A_570, %swap3A_571], %gather3A_566 {strides = array<i32>} : memref<32x1024xf32, #tpu.memory_space<vmem>>, vector<16xf32>,
        %add3A_573 = arith.constant 18 : i32
        %add3A_574 = vector.broadcast %add3A_573 : i32 to vector<16xi32>
        %add3A_575 = arith.addi %add3A_392, %add3A_574 : vector<16xi32>
        %gather3A_576 = tpu.vector_load_idx %arg6[%add3A_575] : memref<32768xf32, #tpu.memory_space<vmem>>[vector<16xi32>], vector<16xf32>,
        %mul3A_577 = arith.constant 16 : i32
        %mul3A_578 = arith.muli %scan3A_388, %mul3A_577 : i32
        %swap3A_579 = arith.constant 18 : i32
        %swap3A_580 = arith.index_cast %swap3A_579 : i32 to index
        %swap3A_581 = arith.index_cast %mul3A_578 : i32 to index
        %swap3A_582 = tpu.vector_load %arg7[%swap3A_580, %swap3A_581] {strides = array<i32>} : memref<32x1024xf32, #tpu.memory_space<vmem>>, vector<16xf32>,
        tpu.vector_store %arg7[%swap3A_580, %swap3A_581], %gather3A_576 {strides = array<i32>} : memref<32x1024xf32, #tpu.memory_space<vmem>>, vector<16xf32>,
        %add3A_583 = arith.constant 19 : i32
        %add3A_584 = vector.broadcast %add3A_583 : i32 to vector<16xi32>
        %add3A_585 = arith.addi %add3A_392, %add3A_584 : vector<16xi32>
        %gather3A_586 = tpu.vector_load_idx %arg6[%add3A_585] : memref<32768xf32, #tpu.memory_space<vmem>>[vector<16xi32>], vector<16xf32>,
        %mul3A_587 = arith.constant 16 : i32
        %mul3A_588 = arith.muli %scan3A_388, %mul3A_587 : i32
        %swap3A_589 = arith.constant 19 : i32
        %swap3A_590 = arith.index_cast %swap3A_589 : i32 to index
        %swap3A_591 = arith.index_cast %mul3A_588 : i32 to index
        %swap3A_592 = tpu.vector_load %arg7[%swap3A_590, %swap3A_591] {strides = array<i32>} : memref<32x1024xf32, #tpu.memory_space<vmem>>, vector<16xf32>,
        tpu.vector_store %arg7[%swap3A_590, %swap3A_591], %gather3A_586 {strides = array<i32>} : memref<32x1024xf32, #tpu.memory_space<vmem>>, vector<16xf32>,
        %add3A_593 = arith.constant 20 : i32
        %add3A_594 = vector.broadcast %add3A_593 : i32 to vector<16xi32>
        %add3A_595 = arith.addi %add3A_392, %add3A_594 : vector<16xi32>
        %gather3A_596 = tpu.vector_load_idx %arg6[%add3A_595] : memref<32768xf32, #tpu.memory_space<vmem>>[vector<16xi32>], vector<16xf32>,
        %mul3A_597 = arith.constant 16 : i32
        %mul3A_598 = arith.muli %scan3A_388, %mul3A_597 : i32
        %swap3A_599 = arith.constant 20 : i32
        %swap3A_600 = arith.index_cast %swap3A_599 : i32 to index
        %swap3A_601 = arith.index_cast %mul3A_598 : i32 to index
        %swap3A_602 = tpu.vector_load %arg7[%swap3A_600, %swap3A_601] {strides = array<i32>} : memref<32x1024xf32, #tpu.memory_space<vmem>>, vector<16xf32>,
        tpu.vector_store %arg7[%swap3A_600, %swap3A_601], %gather3A_596 {strides = array<i32>} : memref<32x1024xf32, #tpu.memory_space<vmem>>, vector<16xf32>,
        %add3A_603 = arith.constant 21 : i32
        %add3A_604 = vector.broadcast %add3A_603 : i32 to vector<16xi32>
        %add3A_605 = arith.addi %add3A_392, %add3A_604 : vector<16xi32>
        %gather3A_606 = tpu.vector_load_idx %arg6[%add3A_605] : memref<32768xf32, #tpu.memory_space<vmem>>[vector<16xi32>], vector<16xf32>,
        %mul3A_607 = arith.constant 16 : i32
        %mul3A_608 = arith.muli %scan3A_388, %mul3A_607 : i32
        %swap3A_609 = arith.constant 21 : i32
        %swap3A_610 = arith.index_cast %swap3A_609 : i32 to index
        %swap3A_611 = arith.index_cast %mul3A_608 : i32 to index
        %swap3A_612 = tpu.vector_load %arg7[%swap3A_610, %swap3A_611] {strides = array<i32>} : memref<32x1024xf32, #tpu.memory_space<vmem>>, vector<16xf32>,
        tpu.vector_store %arg7[%swap3A_610, %swap3A_611], %gather3A_606 {strides = array<i32>} : memref<32x1024xf32, #tpu.memory_space<vmem>>, vector<16xf32>,
        %add3A_613 = arith.constant 22 : i32
        %add3A_614 = vector.broadcast %add3A_613 : i32 to vector<16xi32>
        %add3A_615 = arith.addi %add3A_392, %add3A_614 : vector<16xi32>
        %gather3A_616 = tpu.vector_load_idx %arg6[%add3A_615] : memref<32768xf32, #tpu.memory_space<vmem>>[vector<16xi32>], vector<16xf32>,
        %mul3A_617 = arith.constant 16 : i32
        %mul3A_618 = arith.muli %scan3A_388, %mul3A_617 : i32
        %swap3A_619 = arith.constant 22 : i32
        %swap3A_620 = arith.index_cast %swap3A_619 : i32 to index
        %swap3A_621 = arith.index_cast %mul3A_618 : i32 to index
        %swap3A_622 = tpu.vector_load %arg7[%swap3A_620, %swap3A_621] {strides = array<i32>} : memref<32x1024xf32, #tpu.memory_space<vmem>>, vector<16xf32>,
        tpu.vector_store %arg7[%swap3A_620, %swap3A_621], %gather3A_616 {strides = array<i32>} : memref<32x1024xf32, #tpu.memory_space<vmem>>, vector<16xf32>,
        %add3A_623 = arith.constant 23 : i32
        %add3A_624 = vector.broadcast %add3A_623 : i32 to vector<16xi32>
        %add3A_625 = arith.addi %add3A_392, %add3A_624 : vector<16xi32>
        %gather3A_626 = tpu.vector_load_idx %arg6[%add3A_625] : memref<32768xf32, #tpu.memory_space<vmem>>[vector<16xi32>], vector<16xf32>,
        %mul3A_627 = arith.constant 16 : i32
        %mul3A_628 = arith.muli %scan3A_388, %mul3A_627 : i32
        %swap3A_629 = arith.constant 23 : i32
        %swap3A_630 = arith.index_cast %swap3A_629 : i32 to index
        %swap3A_631 = arith.index_cast %mul3A_628 : i32 to index
        %swap3A_632 = tpu.vector_load %arg7[%swap3A_630, %swap3A_631] {strides = array<i32>} : memref<32x1024xf32, #tpu.memory_space<vmem>>, vector<16xf32>,
        tpu.vector_store %arg7[%swap3A_630, %swap3A_631], %gather3A_626 {strides = array<i32>} : memref<32x1024xf32, #tpu.memory_space<vmem>>, vector<16xf32>,
        %add3A_633 = arith.constant 24 : i32
        %add3A_634 = vector.broadcast %add3A_633 : i32 to vector<16xi32>
        %add3A_635 = arith.addi %add3A_392, %add3A_634 : vector<16xi32>
        %gather3A_636 = tpu.vector_load_idx %arg6[%add3A_635] : memref<32768xf32, #tpu.memory_space<vmem>>[vector<16xi32>], vector<16xf32>,
        %mul3A_637 = arith.constant 16 : i32
        %mul3A_638 = arith.muli %scan3A_388, %mul3A_637 : i32
        %swap3A_639 = arith.constant 24 : i32
        %swap3A_640 = arith.index_cast %swap3A_639 : i32 to index
        %swap3A_641 = arith.index_cast %mul3A_638 : i32 to index
        %swap3A_642 = tpu.vector_load %arg7[%swap3A_640, %swap3A_641] {strides = array<i32>} : memref<32x1024xf32, #tpu.memory_space<vmem>>, vector<16xf32>,
        tpu.vector_store %arg7[%swap3A_640, %swap3A_641], %gather3A_636 {strides = array<i32>} : memref<32x1024xf32, #tpu.memory_space<vmem>>, vector<16xf32>,
        %add3A_643 = arith.constant 25 : i32
        %add3A_644 = vector.broadcast %add3A_643 : i32 to vector<16xi32>
        %add3A_645 = arith.addi %add3A_392, %add3A_644 : vector<16xi32>
        %gather3A_646 = tpu.vector_load_idx %arg6[%add3A_645] : memref<32768xf32, #tpu.memory_space<vmem>>[vector<16xi32>], vector<16xf32>,
        %mul3A_647 = arith.constant 16 : i32
        %mul3A_648 = arith.muli %scan3A_388, %mul3A_647 : i32
        %swap3A_649 = arith.constant 25 : i32
        %swap3A_650 = arith.index_cast %swap3A_649 : i32 to index
        %swap3A_651 = arith.index_cast %mul3A_648 : i32 to index
        %swap3A_652 = tpu.vector_load %arg7[%swap3A_650, %swap3A_651] {strides = array<i32>} : memref<32x1024xf32, #tpu.memory_space<vmem>>, vector<16xf32>,
        tpu.vector_store %arg7[%swap3A_650, %swap3A_651], %gather3A_646 {strides = array<i32>} : memref<32x1024xf32, #tpu.memory_space<vmem>>, vector<16xf32>,
        %add3A_653 = arith.constant 26 : i32
        %add3A_654 = vector.broadcast %add3A_653 : i32 to vector<16xi32>
        %add3A_655 = arith.addi %add3A_392, %add3A_654 : vector<16xi32>
        %gather3A_656 = tpu.vector_load_idx %arg6[%add3A_655] : memref<32768xf32, #tpu.memory_space<vmem>>[vector<16xi32>], vector<16xf32>,
        %mul3A_657 = arith.constant 16 : i32
        %mul3A_658 = arith.muli %scan3A_388, %mul3A_657 : i32
        %swap3A_659 = arith.constant 26 : i32
        %swap3A_660 = arith.index_cast %swap3A_659 : i32 to index
        %swap3A_661 = arith.index_cast %mul3A_658 : i32 to index
        %swap3A_662 = tpu.vector_load %arg7[%swap3A_660, %swap3A_661] {strides = array<i32>} : memref<32x1024xf32, #tpu.memory_space<vmem>>, vector<16xf32>,
        tpu.vector_store %arg7[%swap3A_660, %swap3A_661], %gather3A_656 {strides = array<i32>} : memref<32x1024xf32, #tpu.memory_space<vmem>>, vector<16xf32>,
        %add3A_663 = arith.constant 27 : i32
        %add3A_664 = vector.broadcast %add3A_663 : i32 to vector<16xi32>
        %add3A_665 = arith.addi %add3A_392, %add3A_664 : vector<16xi32>
        %gather3A_666 = tpu.vector_load_idx %arg6[%add3A_665] : memref<32768xf32, #tpu.memory_space<vmem>>[vector<16xi32>], vector<16xf32>,
        %mul3A_667 = arith.constant 16 : i32
        %mul3A_668 = arith.muli %scan3A_388, %mul3A_667 : i32
        %swap3A_669 = arith.constant 27 : i32
        %swap3A_670 = arith.index_cast %swap3A_669 : i32 to index
        %swap3A_671 = arith.index_cast %mul3A_668 : i32 to index
        %swap3A_672 = tpu.vector_load %arg7[%swap3A_670, %swap3A_671] {strides = array<i32>} : memref<32x1024xf32, #tpu.memory_space<vmem>>, vector<16xf32>,
        tpu.vector_store %arg7[%swap3A_670, %swap3A_671], %gather3A_666 {strides = array<i32>} : memref<32x1024xf32, #tpu.memory_space<vmem>>, vector<16xf32>,
        %add3A_673 = arith.constant 28 : i32
        %add3A_674 = vector.broadcast %add3A_673 : i32 to vector<16xi32>
        %add3A_675 = arith.addi %add3A_392, %add3A_674 : vector<16xi32>
        %gather3A_676 = tpu.vector_load_idx %arg6[%add3A_675] : memref<32768xf32, #tpu.memory_space<vmem>>[vector<16xi32>], vector<16xf32>,
        %mul3A_677 = arith.constant 16 : i32
        %mul3A_678 = arith.muli %scan3A_388, %mul3A_677 : i32
        %swap3A_679 = arith.constant 28 : i32
        %swap3A_680 = arith.index_cast %swap3A_679 : i32 to index
        %swap3A_681 = arith.index_cast %mul3A_678 : i32 to index
        %swap3A_682 = tpu.vector_load %arg7[%swap3A_680, %swap3A_681] {strides = array<i32>} : memref<32x1024xf32, #tpu.memory_space<vmem>>, vector<16xf32>,
        tpu.vector_store %arg7[%swap3A_680, %swap3A_681], %gather3A_676 {strides = array<i32>} : memref<32x1024xf32, #tpu.memory_space<vmem>>, vector<16xf32>,
        %add3A_683 = arith.constant 29 : i32
        %add3A_684 = vector.broadcast %add3A_683 : i32 to vector<16xi32>
        %add3A_685 = arith.addi %add3A_392, %add3A_684 : vector<16xi32>
        %gather3A_686 = tpu.vector_load_idx %arg6[%add3A_685] : memref<32768xf32, #tpu.memory_space<vmem>>[vector<16xi32>], vector<16xf32>,
        %mul3A_687 = arith.constant 16 : i32
        %mul3A_688 = arith.muli %scan3A_388, %mul3A_687 : i32
        %swap3A_689 = arith.constant 29 : i32
        %swap3A_690 = arith.index_cast %swap3A_689 : i32 to index
        %swap3A_691 = arith.index_cast %mul3A_688 : i32 to index
        %swap3A_692 = tpu.vector_load %arg7[%swap3A_690, %swap3A_691] {strides = array<i32>} : memref<32x1024xf32, #tpu.memory_space<vmem>>, vector<16xf32>,
        tpu.vector_store %arg7[%swap3A_690, %swap3A_691], %gather3A_686 {strides = array<i32>} : memref<32x1024xf32, #tpu.memory_space<vmem>>, vector<16xf32>,
        %add3A_693 = arith.constant 30 : i32
        %add3A_694 = vector.broadcast %add3A_693 : i32 to vector<16xi32>
        %add3A_695 = arith.addi %add3A_392, %add3A_694 : vector<16xi32>
        %gather3A_696 = tpu.vector_load_idx %arg6[%add3A_695] : memref<32768xf32, #tpu.memory_space<vmem>>[vector<16xi32>], vector<16xf32>,
        %mul3A_697 = arith.constant 16 : i32
        %mul3A_698 = arith.muli %scan3A_388, %mul3A_697 : i32
        %swap3A_699 = arith.constant 30 : i32
        %swap3A_700 = arith.index_cast %swap3A_699 : i32 to index
        %swap3A_701 = arith.index_cast %mul3A_698 : i32 to index
        %swap3A_702 = tpu.vector_load %arg7[%swap3A_700, %swap3A_701] {strides = array<i32>} : memref<32x1024xf32, #tpu.memory_space<vmem>>, vector<16xf32>,
        tpu.vector_store %arg7[%swap3A_700, %swap3A_701], %gather3A_696 {strides = array<i32>} : memref<32x1024xf32, #tpu.memory_space<vmem>>, vector<16xf32>,
        %add3A_703 = arith.constant 31 : i32
        %add3A_704 = vector.broadcast %add3A_703 : i32 to vector<16xi32>
        %add3A_705 = arith.addi %add3A_392, %add3A_704 : vector<16xi32>
        %gather3A_706 = tpu.vector_load_idx %arg6[%add3A_705] : memref<32768xf32, #tpu.memory_space<vmem>>[vector<16xi32>], vector<16xf32>,
        %mul3A_707 = arith.constant 16 : i32
        %mul3A_708 = arith.muli %scan3A_388, %mul3A_707 : i32
        %swap3A_709 = arith.constant 31 : i32
        %swap3A_710 = arith.index_cast %swap3A_709 : i32 to index
        %swap3A_711 = arith.index_cast %mul3A_708 : i32 to index
        %swap3A_712 = tpu.vector_load %arg7[%swap3A_710, %swap3A_711] {strides = array<i32>} : memref<32x1024xf32, #tpu.memory_space<vmem>>, vector<16xf32>,
        tpu.vector_store %arg7[%swap3A_710, %swap3A_711], %gather3A_706 {strides = array<i32>} : memref<32x1024xf32, #tpu.memory_space<vmem>>, vector<16xf32>,
        %scan3A_713 = arith.constant 2 : i32
        %scan3A_714 = arith.addi %scan3A_64, %scan3A_713 : i32
        %mul3A_715 = arith.constant 512 : i32
        %mul3A_716 = arith.muli %scan3A_714, %mul3A_715 : i32
        %add3A_717 = vector.broadcast %mul3A_716 : i32 to vector<16xi32>
        %add3A_718 = arith.addi %mul3A_3, %add3A_717 : vector<16xi32>
        %add3A_719 = arith.constant 0 : i32
        %add3A_720 = vector.broadcast %add3A_719 : i32 to vector<16xi32>
        %add3A_721 = arith.addi %add3A_718, %add3A_720 : vector<16xi32>
        %gather3A_722 = tpu.vector_load_idx %arg6[%add3A_721] : memref<32768xf32, #tpu.memory_space<vmem>>[vector<16xi32>], vector<16xf32>,
        %mul3A_723 = arith.constant 16 : i32
        %mul3A_724 = arith.muli %scan3A_714, %mul3A_723 : i32
        %swap3A_725 = arith.constant 0 : i32
        %swap3A_726 = arith.index_cast %swap3A_725 : i32 to index
        %swap3A_727 = arith.index_cast %mul3A_724 : i32 to index
        %swap3A_728 = tpu.vector_load %arg7[%swap3A_726, %swap3A_727] {strides = array<i32>} : memref<32x1024xf32, #tpu.memory_space<vmem>>, vector<16xf32>,
        tpu.vector_store %arg7[%swap3A_726, %swap3A_727], %gather3A_722 {strides = array<i32>} : memref<32x1024xf32, #tpu.memory_space<vmem>>, vector<16xf32>,
        %add3A_729 = arith.constant 1 : i32
        %add3A_730 = vector.broadcast %add3A_729 : i32 to vector<16xi32>
        %add3A_731 = arith.addi %add3A_718, %add3A_730 : vector<16xi32>
        %gather3A_732 = tpu.vector_load_idx %arg6[%add3A_731] : memref<32768xf32, #tpu.memory_space<vmem>>[vector<16xi32>], vector<16xf32>,
        %mul3A_733 = arith.constant 16 : i32
        %mul3A_734 = arith.muli %scan3A_714, %mul3A_733 : i32
        %swap3A_735 = arith.constant 1 : i32
        %swap3A_736 = arith.index_cast %swap3A_735 : i32 to index
        %swap3A_737 = arith.index_cast %mul3A_734 : i32 to index
        %swap3A_738 = tpu.vector_load %arg7[%swap3A_736, %swap3A_737] {strides = array<i32>} : memref<32x1024xf32, #tpu.memory_space<vmem>>, vector<16xf32>,
        tpu.vector_store %arg7[%swap3A_736, %swap3A_737], %gather3A_732 {strides = array<i32>} : memref<32x1024xf32, #tpu.memory_space<vmem>>, vector<16xf32>,
        %add3A_739 = arith.constant 2 : i32
        %add3A_740 = vector.broadcast %add3A_739 : i32 to vector<16xi32>
        %add3A_741 = arith.addi %add3A_718, %add3A_740 : vector<16xi32>
        %gather3A_742 = tpu.vector_load_idx %arg6[%add3A_741] : memref<32768xf32, #tpu.memory_space<vmem>>[vector<16xi32>], vector<16xf32>,
        %mul3A_743 = arith.constant 16 : i32
        %mul3A_744 = arith.muli %scan3A_714, %mul3A_743 : i32
        %swap3A_745 = arith.constant 2 : i32
        %swap3A_746 = arith.index_cast %swap3A_745 : i32 to index
        %swap3A_747 = arith.index_cast %mul3A_744 : i32 to index
        %swap3A_748 = tpu.vector_load %arg7[%swap3A_746, %swap3A_747] {strides = array<i32>} : memref<32x1024xf32, #tpu.memory_space<vmem>>, vector<16xf32>,
        tpu.vector_store %arg7[%swap3A_746, %swap3A_747], %gather3A_742 {strides = array<i32>} : memref<32x1024xf32, #tpu.memory_space<vmem>>, vector<16xf32>,
        %add3A_749 = arith.constant 3 : i32
        %add3A_750 = vector.broadcast %add3A_749 : i32 to vector<16xi32>
        %add3A_751 = arith.addi %add3A_718, %add3A_750 : vector<16xi32>
        %gather3A_752 = tpu.vector_load_idx %arg6[%add3A_751] : memref<32768xf32, #tpu.memory_space<vmem>>[vector<16xi32>], vector<16xf32>,
        %mul3A_753 = arith.constant 16 : i32
        %mul3A_754 = arith.muli %scan3A_714, %mul3A_753 : i32
        %swap3A_755 = arith.constant 3 : i32
        %swap3A_756 = arith.index_cast %swap3A_755 : i32 to index
        %swap3A_757 = arith.index_cast %mul3A_754 : i32 to index
        %swap3A_758 = tpu.vector_load %arg7[%swap3A_756, %swap3A_757] {strides = array<i32>} : memref<32x1024xf32, #tpu.memory_space<vmem>>, vector<16xf32>,
        tpu.vector_store %arg7[%swap3A_756, %swap3A_757], %gather3A_752 {strides = array<i32>} : memref<32x1024xf32, #tpu.memory_space<vmem>>, vector<16xf32>,
        %add3A_759 = arith.constant 4 : i32
        %add3A_760 = vector.broadcast %add3A_759 : i32 to vector<16xi32>
        %add3A_761 = arith.addi %add3A_718, %add3A_760 : vector<16xi32>
        %gather3A_762 = tpu.vector_load_idx %arg6[%add3A_761] : memref<32768xf32, #tpu.memory_space<vmem>>[vector<16xi32>], vector<16xf32>,
        %mul3A_763 = arith.constant 16 : i32
        %mul3A_764 = arith.muli %scan3A_714, %mul3A_763 : i32
        %swap3A_765 = arith.constant 4 : i32
        %swap3A_766 = arith.index_cast %swap3A_765 : i32 to index
        %swap3A_767 = arith.index_cast %mul3A_764 : i32 to index
        %swap3A_768 = tpu.vector_load %arg7[%swap3A_766, %swap3A_767] {strides = array<i32>} : memref<32x1024xf32, #tpu.memory_space<vmem>>, vector<16xf32>,
        tpu.vector_store %arg7[%swap3A_766, %swap3A_767], %gather3A_762 {strides = array<i32>} : memref<32x1024xf32, #tpu.memory_space<vmem>>, vector<16xf32>,
        %add3A_769 = arith.constant 5 : i32
        %add3A_770 = vector.broadcast %add3A_769 : i32 to vector<16xi32>
        %add3A_771 = arith.addi %add3A_718, %add3A_770 : vector<16xi32>
        %gather3A_772 = tpu.vector_load_idx %arg6[%add3A_771] : memref<32768xf32, #tpu.memory_space<vmem>>[vector<16xi32>], vector<16xf32>,
        %mul3A_773 = arith.constant 16 : i32
        %mul3A_774 = arith.muli %scan3A_714, %mul3A_773 : i32
        %swap3A_775 = arith.constant 5 : i32
        %swap3A_776 = arith.index_cast %swap3A_775 : i32 to index
        %swap3A_777 = arith.index_cast %mul3A_774 : i32 to index
        %swap3A_778 = tpu.vector_load %arg7[%swap3A_776, %swap3A_777] {strides = array<i32>} : memref<32x1024xf32, #tpu.memory_space<vmem>>, vector<16xf32>,
        tpu.vector_store %arg7[%swap3A_776, %swap3A_777], %gather3A_772 {strides = array<i32>} : memref<32x1024xf32, #tpu.memory_space<vmem>>, vector<16xf32>,
        %add3A_779 = arith.constant 6 : i32
        %add3A_780 = vector.broadcast %add3A_779 : i32 to vector<16xi32>
        %add3A_781 = arith.addi %add3A_718, %add3A_780 : vector<16xi32>
        %gather3A_782 = tpu.vector_load_idx %arg6[%add3A_781] : memref<32768xf32, #tpu.memory_space<vmem>>[vector<16xi32>], vector<16xf32>,
        %mul3A_783 = arith.constant 16 : i32
        %mul3A_784 = arith.muli %scan3A_714, %mul3A_783 : i32
        %swap3A_785 = arith.constant 6 : i32
        %swap3A_786 = arith.index_cast %swap3A_785 : i32 to index
        %swap3A_787 = arith.index_cast %mul3A_784 : i32 to index
        %swap3A_788 = tpu.vector_load %arg7[%swap3A_786, %swap3A_787] {strides = array<i32>} : memref<32x1024xf32, #tpu.memory_space<vmem>>, vector<16xf32>,
        tpu.vector_store %arg7[%swap3A_786, %swap3A_787], %gather3A_782 {strides = array<i32>} : memref<32x1024xf32, #tpu.memory_space<vmem>>, vector<16xf32>,
        %add3A_789 = arith.constant 7 : i32
        %add3A_790 = vector.broadcast %add3A_789 : i32 to vector<16xi32>
        %add3A_791 = arith.addi %add3A_718, %add3A_790 : vector<16xi32>
        %gather3A_792 = tpu.vector_load_idx %arg6[%add3A_791] : memref<32768xf32, #tpu.memory_space<vmem>>[vector<16xi32>], vector<16xf32>,
        %mul3A_793 = arith.constant 16 : i32
        %mul3A_794 = arith.muli %scan3A_714, %mul3A_793 : i32
        %swap3A_795 = arith.constant 7 : i32
        %swap3A_796 = arith.index_cast %swap3A_795 : i32 to index
        %swap3A_797 = arith.index_cast %mul3A_794 : i32 to index
        %swap3A_798 = tpu.vector_load %arg7[%swap3A_796, %swap3A_797] {strides = array<i32>} : memref<32x1024xf32, #tpu.memory_space<vmem>>, vector<16xf32>,
        tpu.vector_store %arg7[%swap3A_796, %swap3A_797], %gather3A_792 {strides = array<i32>} : memref<32x1024xf32, #tpu.memory_space<vmem>>, vector<16xf32>,
        %add3A_799 = arith.constant 8 : i32
        %add3A_800 = vector.broadcast %add3A_799 : i32 to vector<16xi32>
        %add3A_801 = arith.addi %add3A_718, %add3A_800 : vector<16xi32>
        %gather3A_802 = tpu.vector_load_idx %arg6[%add3A_801] : memref<32768xf32, #tpu.memory_space<vmem>>[vector<16xi32>], vector<16xf32>,
        %mul3A_803 = arith.constant 16 : i32
        %mul3A_804 = arith.muli %scan3A_714, %mul3A_803 : i32
        %swap3A_805 = arith.constant 8 : i32
        %swap3A_806 = arith.index_cast %swap3A_805 : i32 to index
        %swap3A_807 = arith.index_cast %mul3A_804 : i32 to index
        %swap3A_808 = tpu.vector_load %arg7[%swap3A_806, %swap3A_807] {strides = array<i32>} : memref<32x1024xf32, #tpu.memory_space<vmem>>, vector<16xf32>,
        tpu.vector_store %arg7[%swap3A_806, %swap3A_807], %gather3A_802 {strides = array<i32>} : memref<32x1024xf32, #tpu.memory_space<vmem>>, vector<16xf32>,
        %add3A_809 = arith.constant 9 : i32
        %add3A_810 = vector.broadcast %add3A_809 : i32 to vector<16xi32>
        %add3A_811 = arith.addi %add3A_718, %add3A_810 : vector<16xi32>
        %gather3A_812 = tpu.vector_load_idx %arg6[%add3A_811] : memref<32768xf32, #tpu.memory_space<vmem>>[vector<16xi32>], vector<16xf32>,
        %mul3A_813 = arith.constant 16 : i32
        %mul3A_814 = arith.muli %scan3A_714, %mul3A_813 : i32
        %swap3A_815 = arith.constant 9 : i32
        %swap3A_816 = arith.index_cast %swap3A_815 : i32 to index
        %swap3A_817 = arith.index_cast %mul3A_814 : i32 to index
        %swap3A_818 = tpu.vector_load %arg7[%swap3A_816, %swap3A_817] {strides = array<i32>} : memref<32x1024xf32, #tpu.memory_space<vmem>>, vector<16xf32>,
        tpu.vector_store %arg7[%swap3A_816, %swap3A_817], %gather3A_812 {strides = array<i32>} : memref<32x1024xf32, #tpu.memory_space<vmem>>, vector<16xf32>,
        %add3A_819 = arith.constant 10 : i32
        %add3A_820 = vector.broadcast %add3A_819 : i32 to vector<16xi32>
        %add3A_821 = arith.addi %add3A_718, %add3A_820 : vector<16xi32>
        %gather3A_822 = tpu.vector_load_idx %arg6[%add3A_821] : memref<32768xf32, #tpu.memory_space<vmem>>[vector<16xi32>], vector<16xf32>,
        %mul3A_823 = arith.constant 16 : i32
        %mul3A_824 = arith.muli %scan3A_714, %mul3A_823 : i32
        %swap3A_825 = arith.constant 10 : i32
        %swap3A_826 = arith.index_cast %swap3A_825 : i32 to index
        %swap3A_827 = arith.index_cast %mul3A_824 : i32 to index
        %swap3A_828 = tpu.vector_load %arg7[%swap3A_826, %swap3A_827] {strides = array<i32>} : memref<32x1024xf32, #tpu.memory_space<vmem>>, vector<16xf32>,
        tpu.vector_store %arg7[%swap3A_826, %swap3A_827], %gather3A_822 {strides = array<i32>} : memref<32x1024xf32, #tpu.memory_space<vmem>>, vector<16xf32>,
        %add3A_829 = arith.constant 11 : i32
        %add3A_830 = vector.broadcast %add3A_829 : i32 to vector<16xi32>
        %add3A_831 = arith.addi %add3A_718, %add3A_830 : vector<16xi32>
        %gather3A_832 = tpu.vector_load_idx %arg6[%add3A_831] : memref<32768xf32, #tpu.memory_space<vmem>>[vector<16xi32>], vector<16xf32>,
        %mul3A_833 = arith.constant 16 : i32
        %mul3A_834 = arith.muli %scan3A_714, %mul3A_833 : i32
        %swap3A_835 = arith.constant 11 : i32
        %swap3A_836 = arith.index_cast %swap3A_835 : i32 to index
        %swap3A_837 = arith.index_cast %mul3A_834 : i32 to index
        %swap3A_838 = tpu.vector_load %arg7[%swap3A_836, %swap3A_837] {strides = array<i32>} : memref<32x1024xf32, #tpu.memory_space<vmem>>, vector<16xf32>,
        tpu.vector_store %arg7[%swap3A_836, %swap3A_837], %gather3A_832 {strides = array<i32>} : memref<32x1024xf32, #tpu.memory_space<vmem>>, vector<16xf32>,
        %add3A_839 = arith.constant 12 : i32
        %add3A_840 = vector.broadcast %add3A_839 : i32 to vector<16xi32>
        %add3A_841 = arith.addi %add3A_718, %add3A_840 : vector<16xi32>
        %gather3A_842 = tpu.vector_load_idx %arg6[%add3A_841] : memref<32768xf32, #tpu.memory_space<vmem>>[vector<16xi32>], vector<16xf32>,
        %mul3A_843 = arith.constant 16 : i32
        %mul3A_844 = arith.muli %scan3A_714, %mul3A_843 : i32
        %swap3A_845 = arith.constant 12 : i32
        %swap3A_846 = arith.index_cast %swap3A_845 : i32 to index
        %swap3A_847 = arith.index_cast %mul3A_844 : i32 to index
        %swap3A_848 = tpu.vector_load %arg7[%swap3A_846, %swap3A_847] {strides = array<i32>} : memref<32x1024xf32, #tpu.memory_space<vmem>>, vector<16xf32>,
        tpu.vector_store %arg7[%swap3A_846, %swap3A_847], %gather3A_842 {strides = array<i32>} : memref<32x1024xf32, #tpu.memory_space<vmem>>, vector<16xf32>,
        %add3A_849 = arith.constant 13 : i32
        %add3A_850 = vector.broadcast %add3A_849 : i32 to vector<16xi32>
        %add3A_851 = arith.addi %add3A_718, %add3A_850 : vector<16xi32>
        %gather3A_852 = tpu.vector_load_idx %arg6[%add3A_851] : memref<32768xf32, #tpu.memory_space<vmem>>[vector<16xi32>], vector<16xf32>,
        %mul3A_853 = arith.constant 16 : i32
        %mul3A_854 = arith.muli %scan3A_714, %mul3A_853 : i32
        %swap3A_855 = arith.constant 13 : i32
        %swap3A_856 = arith.index_cast %swap3A_855 : i32 to index
        %swap3A_857 = arith.index_cast %mul3A_854 : i32 to index
        %swap3A_858 = tpu.vector_load %arg7[%swap3A_856, %swap3A_857] {strides = array<i32>} : memref<32x1024xf32, #tpu.memory_space<vmem>>, vector<16xf32>,
        tpu.vector_store %arg7[%swap3A_856, %swap3A_857], %gather3A_852 {strides = array<i32>} : memref<32x1024xf32, #tpu.memory_space<vmem>>, vector<16xf32>,
        %add3A_859 = arith.constant 14 : i32
        %add3A_860 = vector.broadcast %add3A_859 : i32 to vector<16xi32>
        %add3A_861 = arith.addi %add3A_718, %add3A_860 : vector<16xi32>
        %gather3A_862 = tpu.vector_load_idx %arg6[%add3A_861] : memref<32768xf32, #tpu.memory_space<vmem>>[vector<16xi32>], vector<16xf32>,
        %mul3A_863 = arith.constant 16 : i32
        %mul3A_864 = arith.muli %scan3A_714, %mul3A_863 : i32
        %swap3A_865 = arith.constant 14 : i32
        %swap3A_866 = arith.index_cast %swap3A_865 : i32 to index
        %swap3A_867 = arith.index_cast %mul3A_864 : i32 to index
        %swap3A_868 = tpu.vector_load %arg7[%swap3A_866, %swap3A_867] {strides = array<i32>} : memref<32x1024xf32, #tpu.memory_space<vmem>>, vector<16xf32>,
        tpu.vector_store %arg7[%swap3A_866, %swap3A_867], %gather3A_862 {strides = array<i32>} : memref<32x1024xf32, #tpu.memory_space<vmem>>, vector<16xf32>,
        %add3A_869 = arith.constant 15 : i32
        %add3A_870 = vector.broadcast %add3A_869 : i32 to vector<16xi32>
        %add3A_871 = arith.addi %add3A_718, %add3A_870 : vector<16xi32>
        %gather3A_872 = tpu.vector_load_idx %arg6[%add3A_871] : memref<32768xf32, #tpu.memory_space<vmem>>[vector<16xi32>], vector<16xf32>,
        %mul3A_873 = arith.constant 16 : i32
        %mul3A_874 = arith.muli %scan3A_714, %mul3A_873 : i32
        %swap3A_875 = arith.constant 15 : i32
        %swap3A_876 = arith.index_cast %swap3A_875 : i32 to index
        %swap3A_877 = arith.index_cast %mul3A_874 : i32 to index
        %swap3A_878 = tpu.vector_load %arg7[%swap3A_876, %swap3A_877] {strides = array<i32>} : memref<32x1024xf32, #tpu.memory_space<vmem>>, vector<16xf32>,
        tpu.vector_store %arg7[%swap3A_876, %swap3A_877], %gather3A_872 {strides = array<i32>} : memref<32x1024xf32, #tpu.memory_space<vmem>>, vector<16xf32>,
        %add3A_879 = arith.constant 16 : i32
        %add3A_880 = vector.broadcast %add3A_879 : i32 to vector<16xi32>
        %add3A_881 = arith.addi %add3A_718, %add3A_880 : vector<16xi32>
        %gather3A_882 = tpu.vector_load_idx %arg6[%add3A_881] : memref<32768xf32, #tpu.memory_space<vmem>>[vector<16xi32>], vector<16xf32>,
        %mul3A_883 = arith.constant 16 : i32
        %mul3A_884 = arith.muli %scan3A_714, %mul3A_883 : i32
        %swap3A_885 = arith.constant 16 : i32
        %swap3A_886 = arith.index_cast %swap3A_885 : i32 to index
        %swap3A_887 = arith.index_cast %mul3A_884 : i32 to index
        %swap3A_888 = tpu.vector_load %arg7[%swap3A_886, %swap3A_887] {strides = array<i32>} : memref<32x1024xf32, #tpu.memory_space<vmem>>, vector<16xf32>,
        tpu.vector_store %arg7[%swap3A_886, %swap3A_887], %gather3A_882 {strides = array<i32>} : memref<32x1024xf32, #tpu.memory_space<vmem>>, vector<16xf32>,
        %add3A_889 = arith.constant 17 : i32
        %add3A_890 = vector.broadcast %add3A_889 : i32 to vector<16xi32>
        %add3A_891 = arith.addi %add3A_718, %add3A_890 : vector<16xi32>
        %gather3A_892 = tpu.vector_load_idx %arg6[%add3A_891] : memref<32768xf32, #tpu.memory_space<vmem>>[vector<16xi32>], vector<16xf32>,
        %mul3A_893 = arith.constant 16 : i32
        %mul3A_894 = arith.muli %scan3A_714, %mul3A_893 : i32
        %swap3A_895 = arith.constant 17 : i32
        %swap3A_896 = arith.index_cast %swap3A_895 : i32 to index
        %swap3A_897 = arith.index_cast %mul3A_894 : i32 to index
        %swap3A_898 = tpu.vector_load %arg7[%swap3A_896, %swap3A_897] {strides = array<i32>} : memref<32x1024xf32, #tpu.memory_space<vmem>>, vector<16xf32>,
        tpu.vector_store %arg7[%swap3A_896, %swap3A_897], %gather3A_892 {strides = array<i32>} : memref<32x1024xf32, #tpu.memory_space<vmem>>, vector<16xf32>,
        %add3A_899 = arith.constant 18 : i32
        %add3A_900 = vector.broadcast %add3A_899 : i32 to vector<16xi32>
        %add3A_901 = arith.addi %add3A_718, %add3A_900 : vector<16xi32>
        %gather3A_902 = tpu.vector_load_idx %arg6[%add3A_901] : memref<32768xf32, #tpu.memory_space<vmem>>[vector<16xi32>], vector<16xf32>,
        %mul3A_903 = arith.constant 16 : i32
        %mul3A_904 = arith.muli %scan3A_714, %mul3A_903 : i32
        %swap3A_905 = arith.constant 18 : i32
        %swap3A_906 = arith.index_cast %swap3A_905 : i32 to index
        %swap3A_907 = arith.index_cast %mul3A_904 : i32 to index
        %swap3A_908 = tpu.vector_load %arg7[%swap3A_906, %swap3A_907] {strides = array<i32>} : memref<32x1024xf32, #tpu.memory_space<vmem>>, vector<16xf32>,
        tpu.vector_store %arg7[%swap3A_906, %swap3A_907], %gather3A_902 {strides = array<i32>} : memref<32x1024xf32, #tpu.memory_space<vmem>>, vector<16xf32>,
        %add3A_909 = arith.constant 19 : i32
        %add3A_910 = vector.broadcast %add3A_909 : i32 to vector<16xi32>
        %add3A_911 = arith.addi %add3A_718, %add3A_910 : vector<16xi32>
        %gather3A_912 = tpu.vector_load_idx %arg6[%add3A_911] : memref<32768xf32, #tpu.memory_space<vmem>>[vector<16xi32>], vector<16xf32>,
        %mul3A_913 = arith.constant 16 : i32
        %mul3A_914 = arith.muli %scan3A_714, %mul3A_913 : i32
        %swap3A_915 = arith.constant 19 : i32
        %swap3A_916 = arith.index_cast %swap3A_915 : i32 to index
        %swap3A_917 = arith.index_cast %mul3A_914 : i32 to index
        %swap3A_918 = tpu.vector_load %arg7[%swap3A_916, %swap3A_917] {strides = array<i32>} : memref<32x1024xf32, #tpu.memory_space<vmem>>, vector<16xf32>,
        tpu.vector_store %arg7[%swap3A_916, %swap3A_917], %gather3A_912 {strides = array<i32>} : memref<32x1024xf32, #tpu.memory_space<vmem>>, vector<16xf32>,
        %add3A_919 = arith.constant 20 : i32
        %add3A_920 = vector.broadcast %add3A_919 : i32 to vector<16xi32>
        %add3A_921 = arith.addi %add3A_718, %add3A_920 : vector<16xi32>
        %gather3A_922 = tpu.vector_load_idx %arg6[%add3A_921] : memref<32768xf32, #tpu.memory_space<vmem>>[vector<16xi32>], vector<16xf32>,
        %mul3A_923 = arith.constant 16 : i32
        %mul3A_924 = arith.muli %scan3A_714, %mul3A_923 : i32
        %swap3A_925 = arith.constant 20 : i32
        %swap3A_926 = arith.index_cast %swap3A_925 : i32 to index
        %swap3A_927 = arith.index_cast %mul3A_924 : i32 to index
        %swap3A_928 = tpu.vector_load %arg7[%swap3A_926, %swap3A_927] {strides = array<i32>} : memref<32x1024xf32, #tpu.memory_space<vmem>>, vector<16xf32>,
        tpu.vector_store %arg7[%swap3A_926, %swap3A_927], %gather3A_922 {strides = array<i32>} : memref<32x1024xf32, #tpu.memory_space<vmem>>, vector<16xf32>,
        %add3A_929 = arith.constant 21 : i32
        %add3A_930 = vector.broadcast %add3A_929 : i32 to vector<16xi32>
        %add3A_931 = arith.addi %add3A_718, %add3A_930 : vector<16xi32>
        %gather3A_932 = tpu.vector_load_idx %arg6[%add3A_931] : memref<32768xf32, #tpu.memory_space<vmem>>[vector<16xi32>], vector<16xf32>,
        %mul3A_933 = arith.constant 16 : i32
        %mul3A_934 = arith.muli %scan3A_714, %mul3A_933 : i32
        %swap3A_935 = arith.constant 21 : i32
        %swap3A_936 = arith.index_cast %swap3A_935 : i32 to index
        %swap3A_937 = arith.index_cast %mul3A_934 : i32 to index
        %swap3A_938 = tpu.vector_load %arg7[%swap3A_936, %swap3A_937] {strides = array<i32>} : memref<32x1024xf32, #tpu.memory_space<vmem>>, vector<16xf32>,
        tpu.vector_store %arg7[%swap3A_936, %swap3A_937], %gather3A_932 {strides = array<i32>} : memref<32x1024xf32, #tpu.memory_space<vmem>>, vector<16xf32>,
        %add3A_939 = arith.constant 22 : i32
        %add3A_940 = vector.broadcast %add3A_939 : i32 to vector<16xi32>
        %add3A_941 = arith.addi %add3A_718, %add3A_940 : vector<16xi32>
        %gather3A_942 = tpu.vector_load_idx %arg6[%add3A_941] : memref<32768xf32, #tpu.memory_space<vmem>>[vector<16xi32>], vector<16xf32>,
        %mul3A_943 = arith.constant 16 : i32
        %mul3A_944 = arith.muli %scan3A_714, %mul3A_943 : i32
        %swap3A_945 = arith.constant 22 : i32
        %swap3A_946 = arith.index_cast %swap3A_945 : i32 to index
        %swap3A_947 = arith.index_cast %mul3A_944 : i32 to index
        %swap3A_948 = tpu.vector_load %arg7[%swap3A_946, %swap3A_947] {strides = array<i32>} : memref<32x1024xf32, #tpu.memory_space<vmem>>, vector<16xf32>,
        tpu.vector_store %arg7[%swap3A_946, %swap3A_947], %gather3A_942 {strides = array<i32>} : memref<32x1024xf32, #tpu.memory_space<vmem>>, vector<16xf32>,
        %add3A_949 = arith.constant 23 : i32
        %add3A_950 = vector.broadcast %add3A_949 : i32 to vector<16xi32>
        %add3A_951 = arith.addi %add3A_718, %add3A_950 : vector<16xi32>
        %gather3A_952 = tpu.vector_load_idx %arg6[%add3A_951] : memref<32768xf32, #tpu.memory_space<vmem>>[vector<16xi32>], vector<16xf32>,
        %mul3A_953 = arith.constant 16 : i32
        %mul3A_954 = arith.muli %scan3A_714, %mul3A_953 : i32
        %swap3A_955 = arith.constant 23 : i32
        %swap3A_956 = arith.index_cast %swap3A_955 : i32 to index
        %swap3A_957 = arith.index_cast %mul3A_954 : i32 to index
        %swap3A_958 = tpu.vector_load %arg7[%swap3A_956, %swap3A_957] {strides = array<i32>} : memref<32x1024xf32, #tpu.memory_space<vmem>>, vector<16xf32>,
        tpu.vector_store %arg7[%swap3A_956, %swap3A_957], %gather3A_952 {strides = array<i32>} : memref<32x1024xf32, #tpu.memory_space<vmem>>, vector<16xf32>,
        %add3A_959 = arith.constant 24 : i32
        %add3A_960 = vector.broadcast %add3A_959 : i32 to vector<16xi32>
        %add3A_961 = arith.addi %add3A_718, %add3A_960 : vector<16xi32>
        %gather3A_962 = tpu.vector_load_idx %arg6[%add3A_961] : memref<32768xf32, #tpu.memory_space<vmem>>[vector<16xi32>], vector<16xf32>,
        %mul3A_963 = arith.constant 16 : i32
        %mul3A_964 = arith.muli %scan3A_714, %mul3A_963 : i32
        %swap3A_965 = arith.constant 24 : i32
        %swap3A_966 = arith.index_cast %swap3A_965 : i32 to index
        %swap3A_967 = arith.index_cast %mul3A_964 : i32 to index
        %swap3A_968 = tpu.vector_load %arg7[%swap3A_966, %swap3A_967] {strides = array<i32>} : memref<32x1024xf32, #tpu.memory_space<vmem>>, vector<16xf32>,
        tpu.vector_store %arg7[%swap3A_966, %swap3A_967], %gather3A_962 {strides = array<i32>} : memref<32x1024xf32, #tpu.memory_space<vmem>>, vector<16xf32>,
        %add3A_969 = arith.constant 25 : i32
        %add3A_970 = vector.broadcast %add3A_969 : i32 to vector<16xi32>
        %add3A_971 = arith.addi %add3A_718, %add3A_970 : vector<16xi32>
        %gather3A_972 = tpu.vector_load_idx %arg6[%add3A_971] : memref<32768xf32, #tpu.memory_space<vmem>>[vector<16xi32>], vector<16xf32>,
        %mul3A_973 = arith.constant 16 : i32
        %mul3A_974 = arith.muli %scan3A_714, %mul3A_973 : i32
        %swap3A_975 = arith.constant 25 : i32
        %swap3A_976 = arith.index_cast %swap3A_975 : i32 to index
        %swap3A_977 = arith.index_cast %mul3A_974 : i32 to index
        %swap3A_978 = tpu.vector_load %arg7[%swap3A_976, %swap3A_977] {strides = array<i32>} : memref<32x1024xf32, #tpu.memory_space<vmem>>, vector<16xf32>,
        tpu.vector_store %arg7[%swap3A_976, %swap3A_977], %gather3A_972 {strides = array<i32>} : memref<32x1024xf32, #tpu.memory_space<vmem>>, vector<16xf32>,
        %add3A_979 = arith.constant 26 : i32
        %add3A_980 = vector.broadcast %add3A_979 : i32 to vector<16xi32>
        %add3A_981 = arith.addi %add3A_718, %add3A_980 : vector<16xi32>
        %gather3A_982 = tpu.vector_load_idx %arg6[%add3A_981] : memref<32768xf32, #tpu.memory_space<vmem>>[vector<16xi32>], vector<16xf32>,
        %mul3A_983 = arith.constant 16 : i32
        %mul3A_984 = arith.muli %scan3A_714, %mul3A_983 : i32
        %swap3A_985 = arith.constant 26 : i32
        %swap3A_986 = arith.index_cast %swap3A_985 : i32 to index
        %swap3A_987 = arith.index_cast %mul3A_984 : i32 to index
        %swap3A_988 = tpu.vector_load %arg7[%swap3A_986, %swap3A_987] {strides = array<i32>} : memref<32x1024xf32, #tpu.memory_space<vmem>>, vector<16xf32>,
        tpu.vector_store %arg7[%swap3A_986, %swap3A_987], %gather3A_982 {strides = array<i32>} : memref<32x1024xf32, #tpu.memory_space<vmem>>, vector<16xf32>,
        %add3A_989 = arith.constant 27 : i32
        %add3A_990 = vector.broadcast %add3A_989 : i32 to vector<16xi32>
        %add3A_991 = arith.addi %add3A_718, %add3A_990 : vector<16xi32>
        %gather3A_992 = tpu.vector_load_idx %arg6[%add3A_991] : memref<32768xf32, #tpu.memory_space<vmem>>[vector<16xi32>], vector<16xf32>,
        %mul3A_993 = arith.constant 16 : i32
        %mul3A_994 = arith.muli %scan3A_714, %mul3A_993 : i32
        %swap3A_995 = arith.constant 27 : i32
        %swap3A_996 = arith.index_cast %swap3A_995 : i32 to index
        %swap3A_997 = arith.index_cast %mul3A_994 : i32 to index
        %swap3A_998 = tpu.vector_load %arg7[%swap3A_996, %swap3A_997] {strides = array<i32>} : memref<32x1024xf32, #tpu.memory_space<vmem>>, vector<16xf32>,
        tpu.vector_store %arg7[%swap3A_996, %swap3A_997], %gather3A_992 {strides = array<i32>} : memref<32x1024xf32, #tpu.memory_space<vmem>>, vector<16xf32>,
        %add3A_999 = arith.constant 28 : i32
        %add3A_1000 = vector.broadcast %add3A_999 : i32 to vector<16xi32>
        %add3A_1001 = arith.addi %add3A_718, %add3A_1000 : vector<16xi32>
        %gather3A_1002 = tpu.vector_load_idx %arg6[%add3A_1001] : memref<32768xf32, #tpu.memory_space<vmem>>[vector<16xi32>], vector<16xf32>,
        %mul3A_1003 = arith.constant 16 : i32
        %mul3A_1004 = arith.muli %scan3A_714, %mul3A_1003 : i32
        %swap3A_1005 = arith.constant 28 : i32
        %swap3A_1006 = arith.index_cast %swap3A_1005 : i32 to index
        %swap3A_1007 = arith.index_cast %mul3A_1004 : i32 to index
        %swap3A_1008 = tpu.vector_load %arg7[%swap3A_1006, %swap3A_1007] {strides = array<i32>} : memref<32x1024xf32, #tpu.memory_space<vmem>>, vector<16xf32>,
        tpu.vector_store %arg7[%swap3A_1006, %swap3A_1007], %gather3A_1002 {strides = array<i32>} : memref<32x1024xf32, #tpu.memory_space<vmem>>, vector<16xf32>,
        %add3A_1009 = arith.constant 29 : i32
        %add3A_1010 = vector.broadcast %add3A_1009 : i32 to vector<16xi32>
        %add3A_1011 = arith.addi %add3A_718, %add3A_1010 : vector<16xi32>
        %gather3A_1012 = tpu.vector_load_idx %arg6[%add3A_1011] : memref<32768xf32, #tpu.memory_space<vmem>>[vector<16xi32>], vector<16xf32>,
        %mul3A_1013 = arith.constant 16 : i32
        %mul3A_1014 = arith.muli %scan3A_714, %mul3A_1013 : i32
        %swap3A_1015 = arith.constant 29 : i32
        %swap3A_1016 = arith.index_cast %swap3A_1015 : i32 to index
        %swap3A_1017 = arith.index_cast %mul3A_1014 : i32 to index
        %swap3A_1018 = tpu.vector_load %arg7[%swap3A_1016, %swap3A_1017] {strides = array<i32>} : memref<32x1024xf32, #tpu.memory_space<vmem>>, vector<16xf32>,
        tpu.vector_store %arg7[%swap3A_1016, %swap3A_1017], %gather3A_1012 {strides = array<i32>} : memref<32x1024xf32, #tpu.memory_space<vmem>>, vector<16xf32>,
        %add3A_1019 = arith.constant 30 : i32
        %add3A_1020 = vector.broadcast %add3A_1019 : i32 to vector<16xi32>
        %add3A_1021 = arith.addi %add3A_718, %add3A_1020 : vector<16xi32>
        %gather3A_1022 = tpu.vector_load_idx %arg6[%add3A_1021] : memref<32768xf32, #tpu.memory_space<vmem>>[vector<16xi32>], vector<16xf32>,
        %mul3A_1023 = arith.constant 16 : i32
        %mul3A_1024 = arith.muli %scan3A_714, %mul3A_1023 : i32
        %swap3A_1025 = arith.constant 30 : i32
        %swap3A_1026 = arith.index_cast %swap3A_1025 : i32 to index
        %swap3A_1027 = arith.index_cast %mul3A_1024 : i32 to index
        %swap3A_1028 = tpu.vector_load %arg7[%swap3A_1026, %swap3A_1027] {strides = array<i32>} : memref<32x1024xf32, #tpu.memory_space<vmem>>, vector<16xf32>,
        tpu.vector_store %arg7[%swap3A_1026, %swap3A_1027], %gather3A_1022 {strides = array<i32>} : memref<32x1024xf32, #tpu.memory_space<vmem>>, vector<16xf32>,
        %add3A_1029 = arith.constant 31 : i32
        %add3A_1030 = vector.broadcast %add3A_1029 : i32 to vector<16xi32>
        %add3A_1031 = arith.addi %add3A_718, %add3A_1030 : vector<16xi32>
        %gather3A_1032 = tpu.vector_load_idx %arg6[%add3A_1031] : memref<32768xf32, #tpu.memory_space<vmem>>[vector<16xi32>], vector<16xf32>,
        %mul3A_1033 = arith.constant 16 : i32
        %mul3A_1034 = arith.muli %scan3A_714, %mul3A_1033 : i32
        %swap3A_1035 = arith.constant 31 : i32
        %swap3A_1036 = arith.index_cast %swap3A_1035 : i32 to index
        %swap3A_1037 = arith.index_cast %mul3A_1034 : i32 to index
        %swap3A_1038 = tpu.vector_load %arg7[%swap3A_1036, %swap3A_1037] {strides = array<i32>} : memref<32x1024xf32, #tpu.memory_space<vmem>>, vector<16xf32>,
        tpu.vector_store %arg7[%swap3A_1036, %swap3A_1037], %gather3A_1032 {strides = array<i32>} : memref<32x1024xf32, #tpu.memory_space<vmem>>, vector<16xf32>,
        %scan3A_1039 = arith.constant 3 : i32
        %scan3A_1040 = arith.addi %scan3A_64, %scan3A_1039 : i32
        %mul3A_1041 = arith.constant 512 : i32
        %mul3A_1042 = arith.muli %scan3A_1040, %mul3A_1041 : i32
        %add3A_1043 = vector.broadcast %mul3A_1042 : i32 to vector<16xi32>
        %add3A_1044 = arith.addi %mul3A_3, %add3A_1043 : vector<16xi32>
        %add3A_1045 = arith.constant 0 : i32
        %add3A_1046 = vector.broadcast %add3A_1045 : i32 to vector<16xi32>
        %add3A_1047 = arith.addi %add3A_1044, %add3A_1046 : vector<16xi32>
        %gather3A_1048 = tpu.vector_load_idx %arg6[%add3A_1047] : memref<32768xf32, #tpu.memory_space<vmem>>[vector<16xi32>], vector<16xf32>,
        %mul3A_1049 = arith.constant 16 : i32
        %mul3A_1050 = arith.muli %scan3A_1040, %mul3A_1049 : i32
        %swap3A_1051 = arith.constant 0 : i32
        %swap3A_1052 = arith.index_cast %swap3A_1051 : i32 to index
        %swap3A_1053 = arith.index_cast %mul3A_1050 : i32 to index
        %swap3A_1054 = tpu.vector_load %arg7[%swap3A_1052, %swap3A_1053] {strides = array<i32>} : memref<32x1024xf32, #tpu.memory_space<vmem>>, vector<16xf32>,
        tpu.vector_store %arg7[%swap3A_1052, %swap3A_1053], %gather3A_1048 {strides = array<i32>} : memref<32x1024xf32, #tpu.memory_space<vmem>>, vector<16xf32>,
        %add3A_1055 = arith.constant 1 : i32
        %add3A_1056 = vector.broadcast %add3A_1055 : i32 to vector<16xi32>
        %add3A_1057 = arith.addi %add3A_1044, %add3A_1056 : vector<16xi32>
        %gather3A_1058 = tpu.vector_load_idx %arg6[%add3A_1057] : memref<32768xf32, #tpu.memory_space<vmem>>[vector<16xi32>], vector<16xf32>,
        %mul3A_1059 = arith.constant 16 : i32
        %mul3A_1060 = arith.muli %scan3A_1040, %mul3A_1059 : i32
        %swap3A_1061 = arith.constant 1 : i32
        %swap3A_1062 = arith.index_cast %swap3A_1061 : i32 to index
        %swap3A_1063 = arith.index_cast %mul3A_1060 : i32 to index
        %swap3A_1064 = tpu.vector_load %arg7[%swap3A_1062, %swap3A_1063] {strides = array<i32>} : memref<32x1024xf32, #tpu.memory_space<vmem>>, vector<16xf32>,
        tpu.vector_store %arg7[%swap3A_1062, %swap3A_1063], %gather3A_1058 {strides = array<i32>} : memref<32x1024xf32, #tpu.memory_space<vmem>>, vector<16xf32>,
        %add3A_1065 = arith.constant 2 : i32
        %add3A_1066 = vector.broadcast %add3A_1065 : i32 to vector<16xi32>
        %add3A_1067 = arith.addi %add3A_1044, %add3A_1066 : vector<16xi32>
        %gather3A_1068 = tpu.vector_load_idx %arg6[%add3A_1067] : memref<32768xf32, #tpu.memory_space<vmem>>[vector<16xi32>], vector<16xf32>,
        %mul3A_1069 = arith.constant 16 : i32
        %mul3A_1070 = arith.muli %scan3A_1040, %mul3A_1069 : i32
        %swap3A_1071 = arith.constant 2 : i32
        %swap3A_1072 = arith.index_cast %swap3A_1071 : i32 to index
        %swap3A_1073 = arith.index_cast %mul3A_1070 : i32 to index
        %swap3A_1074 = tpu.vector_load %arg7[%swap3A_1072, %swap3A_1073] {strides = array<i32>} : memref<32x1024xf32, #tpu.memory_space<vmem>>, vector<16xf32>,
        tpu.vector_store %arg7[%swap3A_1072, %swap3A_1073], %gather3A_1068 {strides = array<i32>} : memref<32x1024xf32, #tpu.memory_space<vmem>>, vector<16xf32>,
        %add3A_1075 = arith.constant 3 : i32
        %add3A_1076 = vector.broadcast %add3A_1075 : i32 to vector<16xi32>
        %add3A_1077 = arith.addi %add3A_1044, %add3A_1076 : vector<16xi32>
        %gather3A_1078 = tpu.vector_load_idx %arg6[%add3A_1077] : memref<32768xf32, #tpu.memory_space<vmem>>[vector<16xi32>], vector<16xf32>,
        %mul3A_1079 = arith.constant 16 : i32
        %mul3A_1080 = arith.muli %scan3A_1040, %mul3A_1079 : i32
        %swap3A_1081 = arith.constant 3 : i32
        %swap3A_1082 = arith.index_cast %swap3A_1081 : i32 to index
        %swap3A_1083 = arith.index_cast %mul3A_1080 : i32 to index
        %swap3A_1084 = tpu.vector_load %arg7[%swap3A_1082, %swap3A_1083] {strides = array<i32>} : memref<32x1024xf32, #tpu.memory_space<vmem>>, vector<16xf32>,
        tpu.vector_store %arg7[%swap3A_1082, %swap3A_1083], %gather3A_1078 {strides = array<i32>} : memref<32x1024xf32, #tpu.memory_space<vmem>>, vector<16xf32>,
        %add3A_1085 = arith.constant 4 : i32
        %add3A_1086 = vector.broadcast %add3A_1085 : i32 to vector<16xi32>
        %add3A_1087 = arith.addi %add3A_1044, %add3A_1086 : vector<16xi32>
        %gather3A_1088 = tpu.vector_load_idx %arg6[%add3A_1087] : memref<32768xf32, #tpu.memory_space<vmem>>[vector<16xi32>], vector<16xf32>,
        %mul3A_1089 = arith.constant 16 : i32
        %mul3A_1090 = arith.muli %scan3A_1040, %mul3A_1089 : i32
        %swap3A_1091 = arith.constant 4 : i32
        %swap3A_1092 = arith.index_cast %swap3A_1091 : i32 to index
        %swap3A_1093 = arith.index_cast %mul3A_1090 : i32 to index
        %swap3A_1094 = tpu.vector_load %arg7[%swap3A_1092, %swap3A_1093] {strides = array<i32>} : memref<32x1024xf32, #tpu.memory_space<vmem>>, vector<16xf32>,
        tpu.vector_store %arg7[%swap3A_1092, %swap3A_1093], %gather3A_1088 {strides = array<i32>} : memref<32x1024xf32, #tpu.memory_space<vmem>>, vector<16xf32>,
        %add3A_1095 = arith.constant 5 : i32
        %add3A_1096 = vector.broadcast %add3A_1095 : i32 to vector<16xi32>
        %add3A_1097 = arith.addi %add3A_1044, %add3A_1096 : vector<16xi32>
        %gather3A_1098 = tpu.vector_load_idx %arg6[%add3A_1097] : memref<32768xf32, #tpu.memory_space<vmem>>[vector<16xi32>], vector<16xf32>,
        %mul3A_1099 = arith.constant 16 : i32
        %mul3A_1100 = arith.muli %scan3A_1040, %mul3A_1099 : i32
        %swap3A_1101 = arith.constant 5 : i32
        %swap3A_1102 = arith.index_cast %swap3A_1101 : i32 to index
        %swap3A_1103 = arith.index_cast %mul3A_1100 : i32 to index
        %swap3A_1104 = tpu.vector_load %arg7[%swap3A_1102, %swap3A_1103] {strides = array<i32>} : memref<32x1024xf32, #tpu.memory_space<vmem>>, vector<16xf32>,
        tpu.vector_store %arg7[%swap3A_1102, %swap3A_1103], %gather3A_1098 {strides = array<i32>} : memref<32x1024xf32, #tpu.memory_space<vmem>>, vector<16xf32>,
        %add3A_1105 = arith.constant 6 : i32
        %add3A_1106 = vector.broadcast %add3A_1105 : i32 to vector<16xi32>
        %add3A_1107 = arith.addi %add3A_1044, %add3A_1106 : vector<16xi32>
        %gather3A_1108 = tpu.vector_load_idx %arg6[%add3A_1107] : memref<32768xf32, #tpu.memory_space<vmem>>[vector<16xi32>], vector<16xf32>,
        %mul3A_1109 = arith.constant 16 : i32
        %mul3A_1110 = arith.muli %scan3A_1040, %mul3A_1109 : i32
        %swap3A_1111 = arith.constant 6 : i32
        %swap3A_1112 = arith.index_cast %swap3A_1111 : i32 to index
        %swap3A_1113 = arith.index_cast %mul3A_1110 : i32 to index
        %swap3A_1114 = tpu.vector_load %arg7[%swap3A_1112, %swap3A_1113] {strides = array<i32>} : memref<32x1024xf32, #tpu.memory_space<vmem>>, vector<16xf32>,
        tpu.vector_store %arg7[%swap3A_1112, %swap3A_1113], %gather3A_1108 {strides = array<i32>} : memref<32x1024xf32, #tpu.memory_space<vmem>>, vector<16xf32>,
        %add3A_1115 = arith.constant 7 : i32
        %add3A_1116 = vector.broadcast %add3A_1115 : i32 to vector<16xi32>
        %add3A_1117 = arith.addi %add3A_1044, %add3A_1116 : vector<16xi32>
        %gather3A_1118 = tpu.vector_load_idx %arg6[%add3A_1117] : memref<32768xf32, #tpu.memory_space<vmem>>[vector<16xi32>], vector<16xf32>,
        %mul3A_1119 = arith.constant 16 : i32
        %mul3A_1120 = arith.muli %scan3A_1040, %mul3A_1119 : i32
        %swap3A_1121 = arith.constant 7 : i32
        %swap3A_1122 = arith.index_cast %swap3A_1121 : i32 to index
        %swap3A_1123 = arith.index_cast %mul3A_1120 : i32 to index
        %swap3A_1124 = tpu.vector_load %arg7[%swap3A_1122, %swap3A_1123] {strides = array<i32>} : memref<32x1024xf32, #tpu.memory_space<vmem>>, vector<16xf32>,
        tpu.vector_store %arg7[%swap3A_1122, %swap3A_1123], %gather3A_1118 {strides = array<i32>} : memref<32x1024xf32, #tpu.memory_space<vmem>>, vector<16xf32>,
        %add3A_1125 = arith.constant 8 : i32
        %add3A_1126 = vector.broadcast %add3A_1125 : i32 to vector<16xi32>
        %add3A_1127 = arith.addi %add3A_1044, %add3A_1126 : vector<16xi32>
        %gather3A_1128 = tpu.vector_load_idx %arg6[%add3A_1127] : memref<32768xf32, #tpu.memory_space<vmem>>[vector<16xi32>], vector<16xf32>,
        %mul3A_1129 = arith.constant 16 : i32
        %mul3A_1130 = arith.muli %scan3A_1040, %mul3A_1129 : i32
        %swap3A_1131 = arith.constant 8 : i32
        %swap3A_1132 = arith.index_cast %swap3A_1131 : i32 to index
        %swap3A_1133 = arith.index_cast %mul3A_1130 : i32 to index
        %swap3A_1134 = tpu.vector_load %arg7[%swap3A_1132, %swap3A_1133] {strides = array<i32>} : memref<32x1024xf32, #tpu.memory_space<vmem>>, vector<16xf32>,
        tpu.vector_store %arg7[%swap3A_1132, %swap3A_1133], %gather3A_1128 {strides = array<i32>} : memref<32x1024xf32, #tpu.memory_space<vmem>>, vector<16xf32>,
        %add3A_1135 = arith.constant 9 : i32
        %add3A_1136 = vector.broadcast %add3A_1135 : i32 to vector<16xi32>
        %add3A_1137 = arith.addi %add3A_1044, %add3A_1136 : vector<16xi32>
        %gather3A_1138 = tpu.vector_load_idx %arg6[%add3A_1137] : memref<32768xf32, #tpu.memory_space<vmem>>[vector<16xi32>], vector<16xf32>,
        %mul3A_1139 = arith.constant 16 : i32
        %mul3A_1140 = arith.muli %scan3A_1040, %mul3A_1139 : i32
        %swap3A_1141 = arith.constant 9 : i32
        %swap3A_1142 = arith.index_cast %swap3A_1141 : i32 to index
        %swap3A_1143 = arith.index_cast %mul3A_1140 : i32 to index
        %swap3A_1144 = tpu.vector_load %arg7[%swap3A_1142, %swap3A_1143] {strides = array<i32>} : memref<32x1024xf32, #tpu.memory_space<vmem>>, vector<16xf32>,
        tpu.vector_store %arg7[%swap3A_1142, %swap3A_1143], %gather3A_1138 {strides = array<i32>} : memref<32x1024xf32, #tpu.memory_space<vmem>>, vector<16xf32>,
        %add3A_1145 = arith.constant 10 : i32
        %add3A_1146 = vector.broadcast %add3A_1145 : i32 to vector<16xi32>
        %add3A_1147 = arith.addi %add3A_1044, %add3A_1146 : vector<16xi32>
        %gather3A_1148 = tpu.vector_load_idx %arg6[%add3A_1147] : memref<32768xf32, #tpu.memory_space<vmem>>[vector<16xi32>], vector<16xf32>,
        %mul3A_1149 = arith.constant 16 : i32
        %mul3A_1150 = arith.muli %scan3A_1040, %mul3A_1149 : i32
        %swap3A_1151 = arith.constant 10 : i32
        %swap3A_1152 = arith.index_cast %swap3A_1151 : i32 to index
        %swap3A_1153 = arith.index_cast %mul3A_1150 : i32 to index
        %swap3A_1154 = tpu.vector_load %arg7[%swap3A_1152, %swap3A_1153] {strides = array<i32>} : memref<32x1024xf32, #tpu.memory_space<vmem>>, vector<16xf32>,
        tpu.vector_store %arg7[%swap3A_1152, %swap3A_1153], %gather3A_1148 {strides = array<i32>} : memref<32x1024xf32, #tpu.memory_space<vmem>>, vector<16xf32>,
        %add3A_1155 = arith.constant 11 : i32
        %add3A_1156 = vector.broadcast %add3A_1155 : i32 to vector<16xi32>
        %add3A_1157 = arith.addi %add3A_1044, %add3A_1156 : vector<16xi32>
        %gather3A_1158 = tpu.vector_load_idx %arg6[%add3A_1157] : memref<32768xf32, #tpu.memory_space<vmem>>[vector<16xi32>], vector<16xf32>,
        %mul3A_1159 = arith.constant 16 : i32
        %mul3A_1160 = arith.muli %scan3A_1040, %mul3A_1159 : i32
        %swap3A_1161 = arith.constant 11 : i32
        %swap3A_1162 = arith.index_cast %swap3A_1161 : i32 to index
        %swap3A_1163 = arith.index_cast %mul3A_1160 : i32 to index
        %swap3A_1164 = tpu.vector_load %arg7[%swap3A_1162, %swap3A_1163] {strides = array<i32>} : memref<32x1024xf32, #tpu.memory_space<vmem>>, vector<16xf32>,
        tpu.vector_store %arg7[%swap3A_1162, %swap3A_1163], %gather3A_1158 {strides = array<i32>} : memref<32x1024xf32, #tpu.memory_space<vmem>>, vector<16xf32>,
        %add3A_1165 = arith.constant 12 : i32
        %add3A_1166 = vector.broadcast %add3A_1165 : i32 to vector<16xi32>
        %add3A_1167 = arith.addi %add3A_1044, %add3A_1166 : vector<16xi32>
        %gather3A_1168 = tpu.vector_load_idx %arg6[%add3A_1167] : memref<32768xf32, #tpu.memory_space<vmem>>[vector<16xi32>], vector<16xf32>,
        %mul3A_1169 = arith.constant 16 : i32
        %mul3A_1170 = arith.muli %scan3A_1040, %mul3A_1169 : i32
        %swap3A_1171 = arith.constant 12 : i32
        %swap3A_1172 = arith.index_cast %swap3A_1171 : i32 to index
        %swap3A_1173 = arith.index_cast %mul3A_1170 : i32 to index
        %swap3A_1174 = tpu.vector_load %arg7[%swap3A_1172, %swap3A_1173] {strides = array<i32>} : memref<32x1024xf32, #tpu.memory_space<vmem>>, vector<16xf32>,
        tpu.vector_store %arg7[%swap3A_1172, %swap3A_1173], %gather3A_1168 {strides = array<i32>} : memref<32x1024xf32, #tpu.memory_space<vmem>>, vector<16xf32>,
        %add3A_1175 = arith.constant 13 : i32
        %add3A_1176 = vector.broadcast %add3A_1175 : i32 to vector<16xi32>
        %add3A_1177 = arith.addi %add3A_1044, %add3A_1176 : vector<16xi32>
        %gather3A_1178 = tpu.vector_load_idx %arg6[%add3A_1177] : memref<32768xf32, #tpu.memory_space<vmem>>[vector<16xi32>], vector<16xf32>,
        %mul3A_1179 = arith.constant 16 : i32
        %mul3A_1180 = arith.muli %scan3A_1040, %mul3A_1179 : i32
        %swap3A_1181 = arith.constant 13 : i32
        %swap3A_1182 = arith.index_cast %swap3A_1181 : i32 to index
        %swap3A_1183 = arith.index_cast %mul3A_1180 : i32 to index
        %swap3A_1184 = tpu.vector_load %arg7[%swap3A_1182, %swap3A_1183] {strides = array<i32>} : memref<32x1024xf32, #tpu.memory_space<vmem>>, vector<16xf32>,
        tpu.vector_store %arg7[%swap3A_1182, %swap3A_1183], %gather3A_1178 {strides = array<i32>} : memref<32x1024xf32, #tpu.memory_space<vmem>>, vector<16xf32>,
        %add3A_1185 = arith.constant 14 : i32
        %add3A_1186 = vector.broadcast %add3A_1185 : i32 to vector<16xi32>
        %add3A_1187 = arith.addi %add3A_1044, %add3A_1186 : vector<16xi32>
        %gather3A_1188 = tpu.vector_load_idx %arg6[%add3A_1187] : memref<32768xf32, #tpu.memory_space<vmem>>[vector<16xi32>], vector<16xf32>,
        %mul3A_1189 = arith.constant 16 : i32
        %mul3A_1190 = arith.muli %scan3A_1040, %mul3A_1189 : i32
        %swap3A_1191 = arith.constant 14 : i32
        %swap3A_1192 = arith.index_cast %swap3A_1191 : i32 to index
        %swap3A_1193 = arith.index_cast %mul3A_1190 : i32 to index
        %swap3A_1194 = tpu.vector_load %arg7[%swap3A_1192, %swap3A_1193] {strides = array<i32>} : memref<32x1024xf32, #tpu.memory_space<vmem>>, vector<16xf32>,
        tpu.vector_store %arg7[%swap3A_1192, %swap3A_1193], %gather3A_1188 {strides = array<i32>} : memref<32x1024xf32, #tpu.memory_space<vmem>>, vector<16xf32>,
        %add3A_1195 = arith.constant 15 : i32
        %add3A_1196 = vector.broadcast %add3A_1195 : i32 to vector<16xi32>
        %add3A_1197 = arith.addi %add3A_1044, %add3A_1196 : vector<16xi32>
        %gather3A_1198 = tpu.vector_load_idx %arg6[%add3A_1197] : memref<32768xf32, #tpu.memory_space<vmem>>[vector<16xi32>], vector<16xf32>,
        %mul3A_1199 = arith.constant 16 : i32
        %mul3A_1200 = arith.muli %scan3A_1040, %mul3A_1199 : i32
        %swap3A_1201 = arith.constant 15 : i32
        %swap3A_1202 = arith.index_cast %swap3A_1201 : i32 to index
        %swap3A_1203 = arith.index_cast %mul3A_1200 : i32 to index
        %swap3A_1204 = tpu.vector_load %arg7[%swap3A_1202, %swap3A_1203] {strides = array<i32>} : memref<32x1024xf32, #tpu.memory_space<vmem>>, vector<16xf32>,
        tpu.vector_store %arg7[%swap3A_1202, %swap3A_1203], %gather3A_1198 {strides = array<i32>} : memref<32x1024xf32, #tpu.memory_space<vmem>>, vector<16xf32>,
        %add3A_1205 = arith.constant 16 : i32
        %add3A_1206 = vector.broadcast %add3A_1205 : i32 to vector<16xi32>
        %add3A_1207 = arith.addi %add3A_1044, %add3A_1206 : vector<16xi32>
        %gather3A_1208 = tpu.vector_load_idx %arg6[%add3A_1207] : memref<32768xf32, #tpu.memory_space<vmem>>[vector<16xi32>], vector<16xf32>,
        %mul3A_1209 = arith.constant 16 : i32
        %mul3A_1210 = arith.muli %scan3A_1040, %mul3A_1209 : i32
        %swap3A_1211 = arith.constant 16 : i32
        %swap3A_1212 = arith.index_cast %swap3A_1211 : i32 to index
        %swap3A_1213 = arith.index_cast %mul3A_1210 : i32 to index
        %swap3A_1214 = tpu.vector_load %arg7[%swap3A_1212, %swap3A_1213] {strides = array<i32>} : memref<32x1024xf32, #tpu.memory_space<vmem>>, vector<16xf32>,
        tpu.vector_store %arg7[%swap3A_1212, %swap3A_1213], %gather3A_1208 {strides = array<i32>} : memref<32x1024xf32, #tpu.memory_space<vmem>>, vector<16xf32>,
        %add3A_1215 = arith.constant 17 : i32
        %add3A_1216 = vector.broadcast %add3A_1215 : i32 to vector<16xi32>
        %add3A_1217 = arith.addi %add3A_1044, %add3A_1216 : vector<16xi32>
        %gather3A_1218 = tpu.vector_load_idx %arg6[%add3A_1217] : memref<32768xf32, #tpu.memory_space<vmem>>[vector<16xi32>], vector<16xf32>,
        %mul3A_1219 = arith.constant 16 : i32
        %mul3A_1220 = arith.muli %scan3A_1040, %mul3A_1219 : i32
        %swap3A_1221 = arith.constant 17 : i32
        %swap3A_1222 = arith.index_cast %swap3A_1221 : i32 to index
        %swap3A_1223 = arith.index_cast %mul3A_1220 : i32 to index
        %swap3A_1224 = tpu.vector_load %arg7[%swap3A_1222, %swap3A_1223] {strides = array<i32>} : memref<32x1024xf32, #tpu.memory_space<vmem>>, vector<16xf32>,
        tpu.vector_store %arg7[%swap3A_1222, %swap3A_1223], %gather3A_1218 {strides = array<i32>} : memref<32x1024xf32, #tpu.memory_space<vmem>>, vector<16xf32>,
        %add3A_1225 = arith.constant 18 : i32
        %add3A_1226 = vector.broadcast %add3A_1225 : i32 to vector<16xi32>
        %add3A_1227 = arith.addi %add3A_1044, %add3A_1226 : vector<16xi32>
        %gather3A_1228 = tpu.vector_load_idx %arg6[%add3A_1227] : memref<32768xf32, #tpu.memory_space<vmem>>[vector<16xi32>], vector<16xf32>,
        %mul3A_1229 = arith.constant 16 : i32
        %mul3A_1230 = arith.muli %scan3A_1040, %mul3A_1229 : i32
        %swap3A_1231 = arith.constant 18 : i32
        %swap3A_1232 = arith.index_cast %swap3A_1231 : i32 to index
        %swap3A_1233 = arith.index_cast %mul3A_1230 : i32 to index
        %swap3A_1234 = tpu.vector_load %arg7[%swap3A_1232, %swap3A_1233] {strides = array<i32>} : memref<32x1024xf32, #tpu.memory_space<vmem>>, vector<16xf32>,
        tpu.vector_store %arg7[%swap3A_1232, %swap3A_1233], %gather3A_1228 {strides = array<i32>} : memref<32x1024xf32, #tpu.memory_space<vmem>>, vector<16xf32>,
        %add3A_1235 = arith.constant 19 : i32
        %add3A_1236 = vector.broadcast %add3A_1235 : i32 to vector<16xi32>
        %add3A_1237 = arith.addi %add3A_1044, %add3A_1236 : vector<16xi32>
        %gather3A_1238 = tpu.vector_load_idx %arg6[%add3A_1237] : memref<32768xf32, #tpu.memory_space<vmem>>[vector<16xi32>], vector<16xf32>,
        %mul3A_1239 = arith.constant 16 : i32
        %mul3A_1240 = arith.muli %scan3A_1040, %mul3A_1239 : i32
        %swap3A_1241 = arith.constant 19 : i32
        %swap3A_1242 = arith.index_cast %swap3A_1241 : i32 to index
        %swap3A_1243 = arith.index_cast %mul3A_1240 : i32 to index
        %swap3A_1244 = tpu.vector_load %arg7[%swap3A_1242, %swap3A_1243] {strides = array<i32>} : memref<32x1024xf32, #tpu.memory_space<vmem>>, vector<16xf32>,
        tpu.vector_store %arg7[%swap3A_1242, %swap3A_1243], %gather3A_1238 {strides = array<i32>} : memref<32x1024xf32, #tpu.memory_space<vmem>>, vector<16xf32>,
        %add3A_1245 = arith.constant 20 : i32
        %add3A_1246 = vector.broadcast %add3A_1245 : i32 to vector<16xi32>
        %add3A_1247 = arith.addi %add3A_1044, %add3A_1246 : vector<16xi32>
        %gather3A_1248 = tpu.vector_load_idx %arg6[%add3A_1247] : memref<32768xf32, #tpu.memory_space<vmem>>[vector<16xi32>], vector<16xf32>,
        %mul3A_1249 = arith.constant 16 : i32
        %mul3A_1250 = arith.muli %scan3A_1040, %mul3A_1249 : i32
        %swap3A_1251 = arith.constant 20 : i32
        %swap3A_1252 = arith.index_cast %swap3A_1251 : i32 to index
        %swap3A_1253 = arith.index_cast %mul3A_1250 : i32 to index
        %swap3A_1254 = tpu.vector_load %arg7[%swap3A_1252, %swap3A_1253] {strides = array<i32>} : memref<32x1024xf32, #tpu.memory_space<vmem>>, vector<16xf32>,
        tpu.vector_store %arg7[%swap3A_1252, %swap3A_1253], %gather3A_1248 {strides = array<i32>} : memref<32x1024xf32, #tpu.memory_space<vmem>>, vector<16xf32>,
        %add3A_1255 = arith.constant 21 : i32
        %add3A_1256 = vector.broadcast %add3A_1255 : i32 to vector<16xi32>
        %add3A_1257 = arith.addi %add3A_1044, %add3A_1256 : vector<16xi32>
        %gather3A_1258 = tpu.vector_load_idx %arg6[%add3A_1257] : memref<32768xf32, #tpu.memory_space<vmem>>[vector<16xi32>], vector<16xf32>,
        %mul3A_1259 = arith.constant 16 : i32
        %mul3A_1260 = arith.muli %scan3A_1040, %mul3A_1259 : i32
        %swap3A_1261 = arith.constant 21 : i32
        %swap3A_1262 = arith.index_cast %swap3A_1261 : i32 to index
        %swap3A_1263 = arith.index_cast %mul3A_1260 : i32 to index
        %swap3A_1264 = tpu.vector_load %arg7[%swap3A_1262, %swap3A_1263] {strides = array<i32>} : memref<32x1024xf32, #tpu.memory_space<vmem>>, vector<16xf32>,
        tpu.vector_store %arg7[%swap3A_1262, %swap3A_1263], %gather3A_1258 {strides = array<i32>} : memref<32x1024xf32, #tpu.memory_space<vmem>>, vector<16xf32>,
        %add3A_1265 = arith.constant 22 : i32
        %add3A_1266 = vector.broadcast %add3A_1265 : i32 to vector<16xi32>
        %add3A_1267 = arith.addi %add3A_1044, %add3A_1266 : vector<16xi32>
        %gather3A_1268 = tpu.vector_load_idx %arg6[%add3A_1267] : memref<32768xf32, #tpu.memory_space<vmem>>[vector<16xi32>], vector<16xf32>,
        %mul3A_1269 = arith.constant 16 : i32
        %mul3A_1270 = arith.muli %scan3A_1040, %mul3A_1269 : i32
        %swap3A_1271 = arith.constant 22 : i32
        %swap3A_1272 = arith.index_cast %swap3A_1271 : i32 to index
        %swap3A_1273 = arith.index_cast %mul3A_1270 : i32 to index
        %swap3A_1274 = tpu.vector_load %arg7[%swap3A_1272, %swap3A_1273] {strides = array<i32>} : memref<32x1024xf32, #tpu.memory_space<vmem>>, vector<16xf32>,
        tpu.vector_store %arg7[%swap3A_1272, %swap3A_1273], %gather3A_1268 {strides = array<i32>} : memref<32x1024xf32, #tpu.memory_space<vmem>>, vector<16xf32>,
        %add3A_1275 = arith.constant 23 : i32
        %add3A_1276 = vector.broadcast %add3A_1275 : i32 to vector<16xi32>
        %add3A_1277 = arith.addi %add3A_1044, %add3A_1276 : vector<16xi32>
        %gather3A_1278 = tpu.vector_load_idx %arg6[%add3A_1277] : memref<32768xf32, #tpu.memory_space<vmem>>[vector<16xi32>], vector<16xf32>,
        %mul3A_1279 = arith.constant 16 : i32
        %mul3A_1280 = arith.muli %scan3A_1040, %mul3A_1279 : i32
        %swap3A_1281 = arith.constant 23 : i32
        %swap3A_1282 = arith.index_cast %swap3A_1281 : i32 to index
        %swap3A_1283 = arith.index_cast %mul3A_1280 : i32 to index
        %swap3A_1284 = tpu.vector_load %arg7[%swap3A_1282, %swap3A_1283] {strides = array<i32>} : memref<32x1024xf32, #tpu.memory_space<vmem>>, vector<16xf32>,
        tpu.vector_store %arg7[%swap3A_1282, %swap3A_1283], %gather3A_1278 {strides = array<i32>} : memref<32x1024xf32, #tpu.memory_space<vmem>>, vector<16xf32>,
        %add3A_1285 = arith.constant 24 : i32
        %add3A_1286 = vector.broadcast %add3A_1285 : i32 to vector<16xi32>
        %add3A_1287 = arith.addi %add3A_1044, %add3A_1286 : vector<16xi32>
        %gather3A_1288 = tpu.vector_load_idx %arg6[%add3A_1287] : memref<32768xf32, #tpu.memory_space<vmem>>[vector<16xi32>], vector<16xf32>,
        %mul3A_1289 = arith.constant 16 : i32
        %mul3A_1290 = arith.muli %scan3A_1040, %mul3A_1289 : i32
        %swap3A_1291 = arith.constant 24 : i32
        %swap3A_1292 = arith.index_cast %swap3A_1291 : i32 to index
        %swap3A_1293 = arith.index_cast %mul3A_1290 : i32 to index
        %swap3A_1294 = tpu.vector_load %arg7[%swap3A_1292, %swap3A_1293] {strides = array<i32>} : memref<32x1024xf32, #tpu.memory_space<vmem>>, vector<16xf32>,
        tpu.vector_store %arg7[%swap3A_1292, %swap3A_1293], %gather3A_1288 {strides = array<i32>} : memref<32x1024xf32, #tpu.memory_space<vmem>>, vector<16xf32>,
        %add3A_1295 = arith.constant 25 : i32
        %add3A_1296 = vector.broadcast %add3A_1295 : i32 to vector<16xi32>
        %add3A_1297 = arith.addi %add3A_1044, %add3A_1296 : vector<16xi32>
        %gather3A_1298 = tpu.vector_load_idx %arg6[%add3A_1297] : memref<32768xf32, #tpu.memory_space<vmem>>[vector<16xi32>], vector<16xf32>,
        %mul3A_1299 = arith.constant 16 : i32
        %mul3A_1300 = arith.muli %scan3A_1040, %mul3A_1299 : i32
        %swap3A_1301 = arith.constant 25 : i32
        %swap3A_1302 = arith.index_cast %swap3A_1301 : i32 to index
        %swap3A_1303 = arith.index_cast %mul3A_1300 : i32 to index
        %swap3A_1304 = tpu.vector_load %arg7[%swap3A_1302, %swap3A_1303] {strides = array<i32>} : memref<32x1024xf32, #tpu.memory_space<vmem>>, vector<16xf32>,
        tpu.vector_store %arg7[%swap3A_1302, %swap3A_1303], %gather3A_1298 {strides = array<i32>} : memref<32x1024xf32, #tpu.memory_space<vmem>>, vector<16xf32>,
        %add3A_1305 = arith.constant 26 : i32
        %add3A_1306 = vector.broadcast %add3A_1305 : i32 to vector<16xi32>
        %add3A_1307 = arith.addi %add3A_1044, %add3A_1306 : vector<16xi32>
        %gather3A_1308 = tpu.vector_load_idx %arg6[%add3A_1307] : memref<32768xf32, #tpu.memory_space<vmem>>[vector<16xi32>], vector<16xf32>,
        %mul3A_1309 = arith.constant 16 : i32
        %mul3A_1310 = arith.muli %scan3A_1040, %mul3A_1309 : i32
        %swap3A_1311 = arith.constant 26 : i32
        %swap3A_1312 = arith.index_cast %swap3A_1311 : i32 to index
        %swap3A_1313 = arith.index_cast %mul3A_1310 : i32 to index
        %swap3A_1314 = tpu.vector_load %arg7[%swap3A_1312, %swap3A_1313] {strides = array<i32>} : memref<32x1024xf32, #tpu.memory_space<vmem>>, vector<16xf32>,
        tpu.vector_store %arg7[%swap3A_1312, %swap3A_1313], %gather3A_1308 {strides = array<i32>} : memref<32x1024xf32, #tpu.memory_space<vmem>>, vector<16xf32>,
        %add3A_1315 = arith.constant 27 : i32
        %add3A_1316 = vector.broadcast %add3A_1315 : i32 to vector<16xi32>
        %add3A_1317 = arith.addi %add3A_1044, %add3A_1316 : vector<16xi32>
        %gather3A_1318 = tpu.vector_load_idx %arg6[%add3A_1317] : memref<32768xf32, #tpu.memory_space<vmem>>[vector<16xi32>], vector<16xf32>,
        %mul3A_1319 = arith.constant 16 : i32
        %mul3A_1320 = arith.muli %scan3A_1040, %mul3A_1319 : i32
        %swap3A_1321 = arith.constant 27 : i32
        %swap3A_1322 = arith.index_cast %swap3A_1321 : i32 to index
        %swap3A_1323 = arith.index_cast %mul3A_1320 : i32 to index
        %swap3A_1324 = tpu.vector_load %arg7[%swap3A_1322, %swap3A_1323] {strides = array<i32>} : memref<32x1024xf32, #tpu.memory_space<vmem>>, vector<16xf32>,
        tpu.vector_store %arg7[%swap3A_1322, %swap3A_1323], %gather3A_1318 {strides = array<i32>} : memref<32x1024xf32, #tpu.memory_space<vmem>>, vector<16xf32>,
        %add3A_1325 = arith.constant 28 : i32
        %add3A_1326 = vector.broadcast %add3A_1325 : i32 to vector<16xi32>
        %add3A_1327 = arith.addi %add3A_1044, %add3A_1326 : vector<16xi32>
        %gather3A_1328 = tpu.vector_load_idx %arg6[%add3A_1327] : memref<32768xf32, #tpu.memory_space<vmem>>[vector<16xi32>], vector<16xf32>,
        %mul3A_1329 = arith.constant 16 : i32
        %mul3A_1330 = arith.muli %scan3A_1040, %mul3A_1329 : i32
        %swap3A_1331 = arith.constant 28 : i32
        %swap3A_1332 = arith.index_cast %swap3A_1331 : i32 to index
        %swap3A_1333 = arith.index_cast %mul3A_1330 : i32 to index
        %swap3A_1334 = tpu.vector_load %arg7[%swap3A_1332, %swap3A_1333] {strides = array<i32>} : memref<32x1024xf32, #tpu.memory_space<vmem>>, vector<16xf32>,
        tpu.vector_store %arg7[%swap3A_1332, %swap3A_1333], %gather3A_1328 {strides = array<i32>} : memref<32x1024xf32, #tpu.memory_space<vmem>>, vector<16xf32>,
        %add3A_1335 = arith.constant 29 : i32
        %add3A_1336 = vector.broadcast %add3A_1335 : i32 to vector<16xi32>
        %add3A_1337 = arith.addi %add3A_1044, %add3A_1336 : vector<16xi32>
        %gather3A_1338 = tpu.vector_load_idx %arg6[%add3A_1337] : memref<32768xf32, #tpu.memory_space<vmem>>[vector<16xi32>], vector<16xf32>,
        %mul3A_1339 = arith.constant 16 : i32
        %mul3A_1340 = arith.muli %scan3A_1040, %mul3A_1339 : i32
        %swap3A_1341 = arith.constant 29 : i32
        %swap3A_1342 = arith.index_cast %swap3A_1341 : i32 to index
        %swap3A_1343 = arith.index_cast %mul3A_1340 : i32 to index
        %swap3A_1344 = tpu.vector_load %arg7[%swap3A_1342, %swap3A_1343] {strides = array<i32>} : memref<32x1024xf32, #tpu.memory_space<vmem>>, vector<16xf32>,
        tpu.vector_store %arg7[%swap3A_1342, %swap3A_1343], %gather3A_1338 {strides = array<i32>} : memref<32x1024xf32, #tpu.memory_space<vmem>>, vector<16xf32>,
        %add3A_1345 = arith.constant 30 : i32
        %add3A_1346 = vector.broadcast %add3A_1345 : i32 to vector<16xi32>
        %add3A_1347 = arith.addi %add3A_1044, %add3A_1346 : vector<16xi32>
        %gather3A_1348 = tpu.vector_load_idx %arg6[%add3A_1347] : memref<32768xf32, #tpu.memory_space<vmem>>[vector<16xi32>], vector<16xf32>,
        %mul3A_1349 = arith.constant 16 : i32
        %mul3A_1350 = arith.muli %scan3A_1040, %mul3A_1349 : i32
        %swap3A_1351 = arith.constant 30 : i32
        %swap3A_1352 = arith.index_cast %swap3A_1351 : i32 to index
        %swap3A_1353 = arith.index_cast %mul3A_1350 : i32 to index
        %swap3A_1354 = tpu.vector_load %arg7[%swap3A_1352, %swap3A_1353] {strides = array<i32>} : memref<32x1024xf32, #tpu.memory_space<vmem>>, vector<16xf32>,
        tpu.vector_store %arg7[%swap3A_1352, %swap3A_1353], %gather3A_1348 {strides = array<i32>} : memref<32x1024xf32, #tpu.memory_space<vmem>>, vector<16xf32>,
        %add3A_1355 = arith.constant 31 : i32
        %add3A_1356 = vector.broadcast %add3A_1355 : i32 to vector<16xi32>
        %add3A_1357 = arith.addi %add3A_1044, %add3A_1356 : vector<16xi32>
        %gather3A_1358 = tpu.vector_load_idx %arg6[%add3A_1357] : memref<32768xf32, #tpu.memory_space<vmem>>[vector<16xi32>], vector<16xf32>,
        %mul3A_1359 = arith.constant 16 : i32
        %mul3A_1360 = arith.muli %scan3A_1040, %mul3A_1359 : i32
        %swap3A_1361 = arith.constant 31 : i32
        %swap3A_1362 = arith.index_cast %swap3A_1361 : i32 to index
        %swap3A_1363 = arith.index_cast %mul3A_1360 : i32 to index
        %swap3A_1364 = tpu.vector_load %arg7[%swap3A_1362, %swap3A_1363] {strides = array<i32>} : memref<32x1024xf32, #tpu.memory_space<vmem>>, vector<16xf32>,
        tpu.vector_store %arg7[%swap3A_1362, %swap3A_1363], %gather3A_1358 {strides = array<i32>} : memref<32x1024xf32, #tpu.memory_space<vmem>>, vector<16xf32>,
      }
      %scan3A_63 = arith.constant 64 : i32
      "tpu.region"() ({
        %run_scoped3A = tpu.sem_alloc : memref<!tpu.dma_semaphore, #tpu.memory_space<semaphore_mem>>
        %dma_start3A = arith.constant 0 : i32
        %dma_start3A_64 = tpu.memref_slice %arg5[%select_n3A, %dma_start3A, %mul3A_43] : memref<50x32x16384xf32, #tpu.memory_space<hbm>> -> memref<1x32x1024xf32, #tpu.memory_space<hbm>>
        %dma_start3A_65 = tpu.memref_squeeze %dma_start3A_64 : memref<1x32x1024xf32, #tpu.memory_space<hbm>> -> memref<32x1024xf32, #tpu.memory_space<hbm>>
        %dma_start3A_66 = arith.constant 0 : i32
        %dma_start3A_67 = tpu.memref_slice %arg5[%select_n3A, %dma_start3A_66, %mul3A_43] : memref<50x32x16384xf32, #tpu.memory_space<hbm>> -> memref<1x32x1024xf32, #tpu.memory_space<hbm>>
        %dma_start3A_68 = tpu.memref_squeeze %dma_start3A_67 : memref<1x32x1024xf32, #tpu.memory_space<hbm>> -> memref<32x1024xf32, #tpu.memory_space<hbm>>
        tpu.enqueue_dma source(%arg7 : memref<32x1024xf32, #tpu.memory_space<vmem>>) target(%dma_start3A_68 : memref<32x1024xf32, #tpu.memory_space<hbm>>) target_semaphore(%run_scoped3A : memref<!tpu.dma_semaphore, #tpu.memory_space<semaphore_mem>>)
        %dma_wait3A = arith.constant 0 : i32
        %dma_wait3A_69 = tpu.memref_slice %arg5[%select_n3A, %dma_wait3A, %mul3A_43] : memref<50x32x16384xf32, #tpu.memory_space<hbm>> -> memref<1x32x1024xf32, #tpu.memory_space<hbm>>
        %dma_wait3A_70 = tpu.memref_squeeze %dma_wait3A_69 : memref<1x32x1024xf32, #tpu.memory_space<hbm>> -> memref<32x1024xf32, #tpu.memory_space<hbm>>
        %dma_wait3A_71 = arith.constant 0 : i32
        %dma_wait3A_72 = tpu.memref_slice %arg5[%select_n3A, %dma_wait3A_71, %mul3A_43] : memref<50x32x16384xf32, #tpu.memory_space<hbm>> -> memref<1x32x1024xf32, #tpu.memory_space<hbm>>
        %dma_wait3A_73 = tpu.memref_squeeze %dma_wait3A_72 : memref<1x32x1024xf32, #tpu.memory_space<hbm>> -> memref<32x1024xf32, #tpu.memory_space<hbm>>
        tpu.wait_dma2 semaphore(%run_scoped3A : memref<!tpu.dma_semaphore, #tpu.memory_space<semaphore_mem>>) src(%arg7 : memref<32x1024xf32, #tpu.memory_space<vmem>>) dst(%dma_wait3A_73 : memref<32x1024xf32, #tpu.memory_space<hbm>>)
        tpu.yield
      }) : () -> ()
    }
    %scan3A_7 = arith.constant 25 : i32
    return
  }
}

</mosaic_0001>

<sc_bundles>
// kernel: _sc_pipeline.4.cloned.1.call-start
scs
__scs_entry_jumppad:
0x0: {  	(pc) =	sbr.rel $0x88, $3  }
0x1: {  	(tag) =	ssettag $0x0;
	lr =	simm.s32 $0x1  }
0x2: {  	[smem:$0x3F9E] =	sst lr;
	_ =	strace $0xD0000000  }
0x3: {  	_ = 	snop  }
0x4: {  	_ = 	snop  }
0x5: {  	_ = 	snop  }
0x6: {  	_ = 	snop  }
0x7: {  	_ = 	snop  }
__scs_overlays_trampoline_lowered:
0x8: {  	[smem:$0x3FAD] =	sst s0  }
0x9: {  	[smem:$0x3FAE] =	sst s1  }
0xa: {  	[smem:$0x3FAF] =	sst s2  }
0xb: {  	[smem:$0x3FB0] =	sst s3  }
0xc: {  	[smem:$0x3FB1] =	sst s4  }
0xd: {  	[smem:$0x3FB2] =	sst s5  }
0xe: {  	[smem:$0x3FB3] =	sst s6  }
0xf: {  	[smem:$0x3FB4] =	sst s7  }
0x10: {  	[smem:$0x3FB5] =	sst s8  }
0x11: {  	[smem:$0x3FB6] =	sst s9;
	s0 =	simm.s32 @!p0 $0x0  }
0x12: {  	s1 =	sld [smem:$0x3F9C];
	s0 =	simm.s32 @p0 $0x1  }
0x13: {  	[smem:$0x3FB7] =	sst s0;
	s0 =	simm.s32 @!p1 $0x0  }
0x14: {  	s2 =	sld [smem:$0x3F9B];
	s0 =	simm.s32 @p1 $0x1  }
0x15: {  	[smem:$0x3FB8] =	sst s0;
	s0 =	simm.s32 @!p2 $0x0  }
0x16: {  	s3 =	sld [smem:$0x3FDB];
	s0 =	simm.s32 @p2 $0x1  }
0x17: {  	s4 =	simm.s32 $0x1BF5;
	[smem:$0x3FBA] =	sst s0  }
0x18: {  	s0 =	sld [smem:$0x3F9D];
	_ =	swait.ge [sflag:s4], $0x0  }
0x19: {  	s7 =	sld [smem:$0x3F9E]  }
0x1a: {  	s8 =	sadd.s32 $0xFFFFE003, lr  }
0x1b: {  	s9 =	sadd.s32 $0xFFFFFEF7, lr;
	s5 =	simm.s32 $0xFFFFFFFF;
	p2 =	slt.u32 s8, $0xFFFFF086  }
0x1c: {  	p1 =	slt.u32 s9, $0xF7A;
	s5 =	simm.s32 @!p2 $0x0  }
0x1d: {  	s5 =	simm.s32 @p1 $0x1;
	p0 =	seq.s32 s7, s2  }
0x1e: {  	s7 =	smul.u32 @!p0 $0xF7A, s2;
	p2 =	seq.s32 @!p0 s5, $0x0  }
0x1f: {  	s9 =	smul.u32 $0xF7A, s1;
	s8 =	simm.s32 @!p0 $0x1BF5;
	p2 =	por !p2, p0  }
0x20: {  	[sflag:s8] =	ssyncset.s32 @!p0 $0xFFFFF086;
	s6 =	sadd.s32 @!p0 s3, s7;
	s7 =	simm.s32 @!p0 $0x108  }
0x21: {  	s3 =	sadd.s32 s3, s9;
	s6 =	sadd.s32 @!p0 $0x88, s6;
	s7 =	simm.s32 @p2 $0x1082  }
0x22: {  	[simem:s7], [sflag:s8] =	dma.local @!p0 [hbm:s6], $0xF7A  }
0x23: {  	s9 =	sor.u32 $0xD0000000, s2;
	s6 =	simm.s32 $0x108;
	_ =	swait.ge @!p0 [sflag:s8], $0x0  }
0x24: {  	s3 =	sadd.s32 $0x88, s3;
	s6 =	simm.s32 @!p1 $0x1082;
	[sflag:s4] =	ssyncset.s32 $0xFFFFF086  }
0x25: {  	[simem:s6], [sflag:s4] =	dma.local [hbm:s3], $0xF7A  }
0x26: {  	[smem:$0x3F9E] =	sst s1;
	(tag) =	ssettag s2;
	_ =	strace s9  }
0x27: {  	s1 =	sld [smem:$0x3FAE]  }
0x28: {  	s2 =	sld [smem:$0x3FAF]  }
0x29: {  	s4 =	sld [smem:$0x3FB1]  }
0x2a: {  	p0 =	seq.s32 s5, $0x0;
	s5 =	sld [smem:$0x3FB2]  }
0x2b: {  	s6 =	sld [smem:$0x3FB3]  }
0x2c: {  	s7 =	sld [smem:$0x3FB4]  }
0x2d: {  	s3 =	simm.s32 $0x108;
	s8 =	sld [smem:$0x3FB5]  }
0x2e: {  	s3 =	simm.s32 @!p0 $0x1082;
	s9 =	sld [smem:$0x3FB6]  }
0x2f: {  	lr =	sadd.s32 s0, s3;
	s0 =	sld [smem:$0x3FAD]  }
0x30: {  	s3 =	sld [smem:$0x3FB0]  }
0x31: {  	[smem:$0x3FB9] =	sst s10  }
0x32: {  	s10 =	sld [smem:$0x3FB7];
	_ =	sdelay $0x3  }
0x33: {  	p0 =	seq.s32 s10, $0x1;
	s10 =	sld [smem:$0x3FB9];
	_ =	sdelay $0x3  }
0x34: {  	[smem:$0x3FB9] =	sst s10  }
0x35: {  	s10 =	sld [smem:$0x3FB8];
	_ =	sdelay $0x3  }
0x36: {  	p1 =	seq.s32 s10, $0x1;
	s10 =	sld [smem:$0x3FB9];
	_ =	sdelay $0x3  }
0x37: {  	[smem:$0x3FB9] =	sst s10  }
0x38: {  	s10 =	sld [smem:$0x3FBA]  }
0x39: {  	_ = 	snop;
	(pc) =	sbr.ind lr, $3  }
0x3a: {  	_ = 	snop  }
0x3b: {  	_ = 	snop  }
0x3c: {  	p2 =	seq.s32 s10, $0x1;
	s10 =	sld [smem:$0x3FB9]  }
0x3d: {  	_ =	shalt  }
0x3e: {  	_ =	shalt  }
0x3f: {  	_ =	shalt  }
0x40: {  	_ =	shalt  }
0x41: {  	_ =	shalt  }
0x42: {  	_ =	shalt  }
0x43: {  	_ =	shalt  }
0x44: {  	_ =	shalt  }
0x45: {  	_ =	shalt  }
0x46: {  	_ =	shalt  }
0x47: {  	_ =	shalt  }
0x48: {  	_ =	shalt  }
0x49: {  	_ =	shalt  }
0x4a: {  	_ =	shalt  }
0x4b: {  	_ =	shalt  }
0x4c: {  	_ =	shalt  }
0x4d: {  	_ =	shalt  }
0x4e: {  	_ =	shalt  }
0x4f: {  	_ =	shalt  }
0x50: {  	_ =	shalt  }
0x51: {  	_ =	shalt  }
0x52: {  	_ =	shalt  }
0x53: {  	_ =	shalt  }
0x54: {  	_ =	shalt  }
0x55: {  	_ =	shalt  }
0x56: {  	_ =	shalt  }
0x57: {  	_ =	shalt  }
0x58: {  	_ =	shalt  }
0x59: {  	_ =	shalt  }
0x5a: {  	_ =	shalt  }
0x5b: {  	_ =	shalt  }
0x5c: {  	_ =	shalt  }
0x5d: {  	_ =	shalt  }
0x5e: {  	_ =	shalt  }
0x5f: {  	_ =	shalt  }
0x60: {  	_ =	shalt  }
0x61: {  	_ =	shalt  }
0x62: {  	_ =	shalt  }
0x63: {  	_ =	shalt  }
0x64: {  	_ =	shalt  }
0x65: {  	_ =	shalt  }
0x66: {  	_ =	shalt  }
0x67: {  	_ =	shalt  }
0x68: {  	_ =	shalt  }
0x69: {  	_ =	shalt  }
0x6a: {  	_ =	shalt  }
0x6b: {  	_ =	shalt  }
0x6c: {  	_ =	shalt  }
0x6d: {  	_ =	shalt  }
0x6e: {  	_ =	shalt  }
0x6f: {  	_ =	shalt  }
0x70: {  	_ =	shalt  }
0x71: {  	_ =	shalt  }
0x72: {  	_ =	shalt  }
0x73: {  	_ =	shalt  }
0x74: {  	_ =	shalt  }
0x75: {  	_ =	shalt  }
0x76: {  	_ =	shalt  }
0x77: {  	_ =	shalt  }
0x78: {  	_ =	shalt  }
0x79: {  	_ =	shalt  }
0x7a: {  	_ =	shalt  }
0x7b: {  	_ =	shalt  }
0x7c: {  	_ =	shalt  }
0x7d: {  	_ =	shalt  }
0x7e: {  	_ =	shalt  }
0x7f: {  	_ =	shalt  }
0x80: {  	_ =	shalt  }
0x81: {  	_ =	shalt  }
0x82: {  	_ =	shalt  }
0x83: {  	_ =	shalt  }
0x84: {  	_ =	shalt  }
0x85: {  	_ =	shalt  }
0x86: {  	_ =	shalt  }
0x87: {  	_ =	shalt  }
.Lfunc_end0:
.L_simem_size_0:
called_computation_lowered:
.L_overlay_start_0:
0x88: {  	s2 =	sld [smem:$0x3FD9]  }
0x89: {  	s3 =	sld [smem:$0x3FFE];
	_ =	sdelay $0x1  }
0x8a: {  	s1 =	srdreg.scid  }
0x8b: {  	s0 =	sand.u32 $0x1, s1  }
0x8c: {  	s17 =	sshll.u32 s0, $0xA;
	s2 =	sadd.s32 s3, s2  }
0x8d: {  	s2 =	sadd.s32 s2, s17  }
0x8e: {  	[smem:$0x3FC5] =	sst s2  }
0x8f: {  	_ = 	snop  }
0x90: {  	s2 =	sld [smem:$0x3FC9];
	(tm) =	ssettm $0x1  }
0x91: {  	s18 =	sld [smem:$0x3FFB];
	_ =	sdelay $0x3  }
0x92: {  	_ =	strace s18  }
0x93: {  	s3 =	sld [smem:$0x3FFC];
	_ =	sdelay $0x3  }
0x94: {  	_ =	strace s3  }
0x95: {  	s3 =	sld [smem:$0x3FFD];
	_ =	sdelay $0x3  }
0x96: {  	_ =	strace s3  }
0x97: {  	_ =	strace $0x8FFFFFFF  }
0x98: {  	s19 =	sld [smem:$0x3FDB];
	_ =	sdelay $0x1  }
0x99: {  	s4 =	simm.s32 $_scs_section_size  }
0x9a: {  	s5 =	simm.s32 $_size__tile_overlayer_lowered;
	s6 =	simm.s32 $_tile_overlayer_lowered  }
0x9b: {  	s22 =	simm.s32 $0x1BFF;
	s21 =	sshll.u32 s6, $0x1;
	s3 =	sadd.s32 s4, s19  }
0x9c: {  	s7 =	simm.s32 $0x0;
	s20 =	sshll.u32 s5, $0x1;
	s5 =	sadd.s32 s21, s3  }
0x9d: {  	[timem:s7], [sflag:s22] =	dma.local [hbm:s5], s20  }
0x9e: {  	_ =	swait.ge [sflag:s22], s20  }
0x9f: {  	s4 =	ssub.s32 $0x0, s20;
	[sflag:s22] =	ssyncset.done $0x0  }
0xa0: {  	[sflag:s22] =	ssyncadd.s32 s4;
	_ =	sdelay $0x1  }
0xa1: {  	s23 =	simm.s32 $0x1B8B  }
0xa2: {  	_ =	swait.ge [sflag:s23], $0x1  }
0xa3: {  	[sflag:s23] =	ssyncset.done $0x0  }
0xa4: {  	s25 =	simm.s32 $0x1B8E;
	s24 =	sld [smem:$0x3FFE];
	[sflag:s23] =	ssyncadd.s32 $0xFFFFFFFF  }
0xa5: {  	s26 =	simm.s32 $execute0_lowered;
	[smem:$0x3FD2] =	sst s25  }
0xa6: {  	s5 =	sshll.u32 s26, $0x1;
	_ =	strace $0x80000046;
	[dreg:$0x1] =	wrdreg $0xFFFFFFFF  }
0xa7: {  	s28 =	simm.s32 $_size_execute0_lowered;
	s3 =	sadd.s32 s3, s5;
	[dreg:$0x0] =	wrdreg $0x0  }
0xa8: {  	s5 =	sshll.u32 s28, $0x1;
	[dreg:$0x2] =	wrdreg s3  }
0xa9: {  	[dreg:$0x3] =	wrdreg s5  }
0xaa: {  	[dreg:$0x4] =	wrdreg $0xC0  }
0xab: {  	_ =	task [dreg:s7], $0x5FFFF  }
0xac: {  	[dreg:$0x1] =	wrdreg $0xFFFFFFFF  }
0xad: {  	[dreg:$0x0] =	wrdreg $0x60  }
0xae: {  	[dreg:$0x2] =	wrdreg s2  }
0xaf: {  	[dreg:$0x3] =	wrdreg s24  }
0xb0: {  	[dreg:$0x4] =	wrdreg $0x9  }
0xb1: {  	_ =	task.clear_ibuf [dreg:s7], $0x5FFFF;
	_ =	strace $0x90000046  }
0xb2: {  	s29 =	simm.s32 $0x9;
	_ =	strace $0x80000048  }
0xb3: {  	_ =	swait.ge [sflag:s29], $0x1  }
0xb4: {  	[sflag:s29] =	ssyncadd.s32 $0xFFFFFFFF  }
0xb5: {  	_ =	strace $0x90000048  }
0xb6: {  	_ =	sfence  }
0xb7: {  	s30 =	sld [smem:$0x0];
	_ =	sdelay $0x2  }
0xb8: {  	s31 =	sshll.u32 s1, $0xD;
	s1 =	sshrl.u32 s1, $0x2  }
0xb9: {  	s3 =	sand.u32 $0x4000, s31;
	s1 =	sadd.s32 s1, s30  }
0xba: {  	s0 =	sor.u32 s3, s0;
	s1 =	sshll.u32 s1, $0x11  }
0xbb: {  	s0 =	sor.u32 s1, s0  }
0xbc: {  	s0 =	sadd.s32 $0x8F2B, s0  }
0xbd: {  	[sflag:s0] =	ssyncadd.remote.s32 $0x1  }
0xbe: {  	_ =	sfence.sel $0xFFFF  }
0xbf: {  	[dreg:$0x0] =	wrdreg $0xFFFFFFFF;
	(pc) =	sbr.abs _section_cstart, $3  }
0xc0: {  	[dreg:$0x1] =	wrdreg $0xFFFFFFFF  }
0xc1: {  	_ =	task.clear_ibuf [dreg:s7], $0x2FFFF;
	_ =	strace $0x9FFFFFFF  }
0xc2: {  	(tm) =	ssettm $0x7FFFFFFF  }
0xc3: {  	_ =	shalt  }
tec
execute0_lowered:
.L_overlay_start_1:
0x0: {  	(tag) =	ssettag $0x1  }
0x1: {  	s8 =	rddreg [dreg:$0x0]  }
0x2: {  	s5 =	rddreg [dreg:$0x1]  }
0x3: {  	s0 =	rddreg [dreg:$0x2];
	s2 =	simm.s32 $0x0;
	s1 =	stileid.u32  }
0x4: {  	s3 =	srdreg.scid;
	s13 =	simm.s32 $0x2;
	s6 =	smul.u32 $0x32000, s1  }
0x5: {  	s14 =	simm.s32 $0x0;
	s7 =	sand.u32 $0x1, s3;
	s9 =	smul.u32 $0xC800, s1  }
0x6: {  	[smem:$0x7FF] =	sst s2;
	s3 =	sadd.s32 $0xF43200, s5;
	s11 =	smul.u32 $0x6400, s7  }
0x7: {  	s4 =	sadd.s32 $0x1313C00, s5;
	s10 =	ssub.s32 $0x2, s7;
	s7 =	smul.u32 $0x19000, s7  }
0x8: {  	_ =	strace $0x80000047;
	s12 =	sshrl.u32 s10, $0x1;
	s6 =	sadd.s32 s6, s5  }
0x9: {  	s31 =	ssub.s32 s10, s12;
	s9 =	sadd.s32 s11, s9;
	s7 =	sadd.s32 s7, s6  }
0xa: {  	s10 =	simm.s32 $0x400;
	s11 =	simm.s32 $0x8400;
	s12 =	simm.s32 $0x1  }
0xb: {  	s5 =	smax.u32 s31, $0x1;
	s9 =	sshrl.u32 s9, $0x3;
	s6 =	sadd.s32 $0x320E00, s7  }
0xc: {  	s7 =	sadd.s32 $0xE00, s7;
	s8 =	sadd.s32 s9, s8;
	s9 =	simm.s32 $0x3  }
.LBB2_1:
0xd: {  	[tilespmem:s2], [sflag:$0x3] =	stream.linear.gather [hbm4b:s8+s2], $0x400, $0x38;
	[tilespmem:$0x10400] =	vst v63  }
0xe: {  	_ =	swait.ge [sflag:s9], $0x400  }
0xf: {  	[sflag:s9] =	ssyncset.done $0x0  }
0x10: {  	[sflag:s9] =	ssyncadd.s32 $0xFFFFFC00  }
0x11: {  	[tilespmem:s10], [sflag:$0x1] =	stream.indirect.gather [hbm4b:s3+s10], $0x20, s2, s10, $0xb8;
	[tilespmem:$0x10400] =	vst v63  }
0x12: {  	_ = 	snop  }
0x13: {  	[tilespmem:s11], [sflag:$0x2] =	stream.indirect.gather [hbm4b:s4+s10], $0x20, s2, s10, $0xb8;
	[tilespmem:$0x10400] =	vst v63  }
0x14: {  	_ =	swait.ge [sflag:s12], $0x8000  }
0x15: {  	[sflag:s12] =	ssyncset.done $0x0  }
0x16: {  	[sflag:s12] =	ssyncadd.s32 $0xFFFF8000  }
0x17: {  	_ =	swait.ge [sflag:s13], $0x8000  }
0x18: {  	[sflag:s13] =	ssyncset.done $0x0  }
0x19: {  	s15 =	sadd.s32 $0x0, s7;
	[sflag:s13] =	ssyncadd.s32 $0xFFFF8000  }
0x1a: {  	[hbm4b:s15+s2] =	stream.linear.scatter [tilespmem:s10], [sflag:$0x3], $0x8000, $0x38;
	[tilespmem:$0x10400] =	vst v63  }
0x1b: {  	_ =	swait.ge [sflag:s9], $0x8000  }
0x1c: {  	[sflag:s9] =	ssyncset.done $0x0  }
0x1d: {  	s31 =	sadd.s32 $0x0, s6;
	[sflag:s9] =	ssyncadd.s32 $0xFFFF8000  }
0x1e: {  	[hbm4b:s31+s2] =	stream.linear.scatter [tilespmem:s11], [sflag:$0x3], $0x8000, $0x38;
	[tilespmem:$0x10400] =	vst v63  }
0x1f: {  	_ =	swait.ge [sflag:s9], $0x8000  }
0x20: {  	s16 =	smov.u32 s8;
	s15 =	simm.s32 $0x1000;
	[sflag:s9] =	ssyncset.done $0x0  }
.LBB2_2:
0x21: {  	p0 =	sne.s32 s15, $0x18000;
	[sflag:s9] =	ssyncadd.s32 $0xFFFF8000;
	s16 =	sadd.s32 $0x80, s16  }
0x22: {  	[tilespmem:s2], [sflag:$0x3] =	stream.linear.gather [hbm4b:s16+s2], $0x400, $0x38;
	[tilespmem:$0x10400] =	vst v63  }
0x23: {  	s17 =	smov.u32 s15;
	s15 =	sadd.s32 $0x1000, s15;
	_ =	swait.ge [sflag:s9], $0x400  }
0x24: {  	[sflag:s9] =	ssyncset.done $0x0  }
0x25: {  	[sflag:s9] =	ssyncadd.s32 $0xFFFFFC00  }
0x26: {  	[tilespmem:s10], [sflag:$0x1] =	stream.indirect.gather [hbm4b:s3+s10], $0x20, s2, s10, $0xb8;
	[tilespmem:$0x10400] =	vst v63  }
0x27: {  	_ = 	snop  }
0x28: {  	[tilespmem:s11], [sflag:$0x2] =	stream.indirect.gather [hbm4b:s4+s10], $0x20, s2, s10, $0xb8;
	[tilespmem:$0x10400] =	vst v63  }
0x29: {  	_ =	swait.ge [sflag:s12], $0x8000  }
0x2a: {  	[sflag:s12] =	ssyncset.done $0x0  }
0x2b: {  	[sflag:s12] =	ssyncadd.s32 $0xFFFF8000  }
0x2c: {  	_ =	swait.ge [sflag:s13], $0x8000  }
0x2d: {  	[sflag:s13] =	ssyncset.done $0x0  }
0x2e: {  	s18 =	sadd.s32 s17, s7;
	[sflag:s13] =	ssyncadd.s32 $0xFFFF8000  }
0x2f: {  	[hbm4b:s18+s2] =	stream.linear.scatter [tilespmem:s10], [sflag:$0x3], $0x8000, $0x38;
	[tilespmem:$0x10400] =	vst v63  }
0x30: {  	_ =	swait.ge [sflag:s9], $0x8000  }
.Ltmp0:
0x31: {  	[sflag:s9] =	ssyncset.done $0x0;
	(pc) =	sbr.rel @p0 .LBB2_2-.Ltmp0, $4  }
0x32: {  	s17 =	sadd.s32 s17, s6;
	[sflag:s9] =	ssyncadd.s32 $0xFFFF8000  }
0x33: {  	[hbm4b:s17+s2] =	stream.linear.scatter [tilespmem:s11], [sflag:$0x3], $0x8000, $0x38;
	[tilespmem:$0x10400] =	vst v63  }
0x34: {  	_ =	swait.ge [sflag:s9], $0x8000  }
0x35: {  	[sflag:s9] =	ssyncset.done $0x0  }
0x36: {  	s14 =	sadd.s32 $0x1, s14  }
0x37: {  	p0 =	sne.s32 s14, s5  }
.Ltmp1:
0x38: {  	_ = 	snop;
	(pc) =	sbr.rel @p0 .LBB2_1-.Ltmp1, $2  }
0x39: {  	_ =	sdelay $0x2  }
0x3a: {  	[sflag:s9] =	ssyncadd.s32 $0xFFFF8000  }
0x3b: {  	_ =	sfence.sel $0x180000  }
0x3c: {  	[bflag:$0x0] =	sbarrier.arrive $0xFFFF  }
0x3d: {  	p0 =	sne.s32 s1, $0x0;
	_ =	strace $0x90000047  }
0x3e: {  	s0 =	sadd.s32 @!p0 $0x100000, s0;
	[bflag:$0x2] =	sbarrier.arrive $0xFFFF  }
0x3f: {  	[sflag:s0] =	ssyncadd.tile.s32 @!p0 $0x1;
	_ =	shalt  }
.Lfunc_end2:
_tile_overlayer_lowered:
.L_overlay_start_2:
0x40: {  	(tag) =	ssettag $0x2  }
0x41: {  	s0 =	rddreg [dreg:$0x0];
	s2 =	stileid.u32  }
0x42: {  	s1 =	rddreg [dreg:$0x1];
	p0 =	sne.s32 s2, $0x0  }
0x43: {  	s3 =	rddreg [dreg:$0x2];
	[bflag:$0x3] =	sbarrier.arrive $0xFFFF;
	s2 =	simm.s32 @!p0 $0x1C03  }
0x44: {  	[timem:s3], [sflag:s2] =	dma.local @!p0 [hbm:s0], s1  }
0x45: {  	s0 =	simm.s32 @!p0 $0x3  }
0x46: {  	_ =	swait.ge @!p0 [sflag:s0], s1  }
0x47: {  	s1 =	ssub.s32 @!p0 $0x0, s1;
	[sflag:s0] =	ssyncset.done @!p0 $0x0  }
0x48: {  	[sflag:s0] =	ssyncadd.s32 @!p0 s1  }
0x49: {  	[bflag:$0x3] =	sbarrier.arrive $0xFFFF  }
0x4a: {  	_ =	shalt  }

// kernel: _sc_pipeline.7.cloned.1.call-start
scs
__scs_entry_jumppad:
0x0: {  	(pc) =	sbr.rel $0x88, $3  }
0x1: {  	(tag) =	ssettag $0x0;
	lr =	simm.s32 $0x1  }
0x2: {  	[smem:$0x3F9E] =	sst lr;
	_ =	strace $0xD0000000  }
0x3: {  	_ = 	snop  }
0x4: {  	_ = 	snop  }
0x5: {  	_ = 	snop  }
0x6: {  	_ = 	snop  }
0x7: {  	_ = 	snop  }
__scs_overlays_trampoline_lowered:
0x8: {  	[smem:$0x3FAD] =	sst s0  }
0x9: {  	[smem:$0x3FAE] =	sst s1  }
0xa: {  	[smem:$0x3FAF] =	sst s2  }
0xb: {  	[smem:$0x3FB0] =	sst s3  }
0xc: {  	[smem:$0x3FB1] =	sst s4  }
0xd: {  	[smem:$0x3FB2] =	sst s5  }
0xe: {  	[smem:$0x3FB3] =	sst s6  }
0xf: {  	[smem:$0x3FB4] =	sst s7  }
0x10: {  	[smem:$0x3FB5] =	sst s8  }
0x11: {  	[smem:$0x3FB6] =	sst s9;
	s0 =	simm.s32 @!p0 $0x0  }
0x12: {  	s1 =	sld [smem:$0x3F9C];
	s0 =	simm.s32 @p0 $0x1  }
0x13: {  	[smem:$0x3FB7] =	sst s0;
	s0 =	simm.s32 @!p1 $0x0  }
0x14: {  	s2 =	sld [smem:$0x3F9B];
	s0 =	simm.s32 @p1 $0x1  }
0x15: {  	[smem:$0x3FB8] =	sst s0;
	s0 =	simm.s32 @!p2 $0x0  }
0x16: {  	s3 =	sld [smem:$0x3FDB];
	s0 =	simm.s32 @p2 $0x1  }
0x17: {  	s4 =	simm.s32 $0x1BF5;
	[smem:$0x3FBA] =	sst s0  }
0x18: {  	s0 =	sld [smem:$0x3F9D];
	_ =	swait.ge [sflag:s4], $0x0  }
0x19: {  	s7 =	sld [smem:$0x3F9E]  }
0x1a: {  	s8 =	sadd.s32 $0xFFFFE003, lr  }
0x1b: {  	s9 =	sadd.s32 $0xFFFFFEF7, lr;
	s5 =	simm.s32 $0xFFFFFFFF;
	p2 =	slt.u32 s8, $0xFFFFF086  }
0x1c: {  	p1 =	slt.u32 s9, $0xF7A;
	s5 =	simm.s32 @!p2 $0x0  }
0x1d: {  	s5 =	simm.s32 @p1 $0x1;
	p0 =	seq.s32 s7, s2  }
0x1e: {  	s7 =	smul.u32 @!p0 $0xF7A, s2;
	p2 =	seq.s32 @!p0 s5, $0x0  }
0x1f: {  	s9 =	smul.u32 $0xF7A, s1;
	s8 =	simm.s32 @!p0 $0x1BF5;
	p2 =	por !p2, p0  }
0x20: {  	[sflag:s8] =	ssyncset.s32 @!p0 $0xFFFFF086;
	s6 =	sadd.s32 @!p0 s3, s7;
	s7 =	simm.s32 @!p0 $0x108  }
0x21: {  	s3 =	sadd.s32 s3, s9;
	s6 =	sadd.s32 @!p0 $0x88, s6;
	s7 =	simm.s32 @p2 $0x1082  }
0x22: {  	[simem:s7], [sflag:s8] =	dma.local @!p0 [hbm:s6], $0xF7A  }
0x23: {  	s9 =	sor.u32 $0xD0000000, s2;
	s6 =	simm.s32 $0x108;
	_ =	swait.ge @!p0 [sflag:s8], $0x0  }
0x24: {  	s3 =	sadd.s32 $0x88, s3;
	s6 =	simm.s32 @!p1 $0x1082;
	[sflag:s4] =	ssyncset.s32 $0xFFFFF086  }
0x25: {  	[simem:s6], [sflag:s4] =	dma.local [hbm:s3], $0xF7A  }
0x26: {  	[smem:$0x3F9E] =	sst s1;
	(tag) =	ssettag s2;
	_ =	strace s9  }
0x27: {  	s1 =	sld [smem:$0x3FAE]  }
0x28: {  	s2 =	sld [smem:$0x3FAF]  }
0x29: {  	s4 =	sld [smem:$0x3FB1]  }
0x2a: {  	p0 =	seq.s32 s5, $0x0;
	s5 =	sld [smem:$0x3FB2]  }
0x2b: {  	s6 =	sld [smem:$0x3FB3]  }
0x2c: {  	s7 =	sld [smem:$0x3FB4]  }
0x2d: {  	s3 =	simm.s32 $0x108;
	s8 =	sld [smem:$0x3FB5]  }
0x2e: {  	s3 =	simm.s32 @!p0 $0x1082;
	s9 =	sld [smem:$0x3FB6]  }
0x2f: {  	lr =	sadd.s32 s0, s3;
	s0 =	sld [smem:$0x3FAD]  }
0x30: {  	s3 =	sld [smem:$0x3FB0]  }
0x31: {  	[smem:$0x3FB9] =	sst s10  }
0x32: {  	s10 =	sld [smem:$0x3FB7];
	_ =	sdelay $0x3  }
0x33: {  	p0 =	seq.s32 s10, $0x1;
	s10 =	sld [smem:$0x3FB9];
	_ =	sdelay $0x3  }
0x34: {  	[smem:$0x3FB9] =	sst s10  }
0x35: {  	s10 =	sld [smem:$0x3FB8];
	_ =	sdelay $0x3  }
0x36: {  	p1 =	seq.s32 s10, $0x1;
	s10 =	sld [smem:$0x3FB9];
	_ =	sdelay $0x3  }
0x37: {  	[smem:$0x3FB9] =	sst s10  }
0x38: {  	s10 =	sld [smem:$0x3FBA]  }
0x39: {  	_ = 	snop;
	(pc) =	sbr.ind lr, $3  }
0x3a: {  	_ = 	snop  }
0x3b: {  	_ = 	snop  }
0x3c: {  	p2 =	seq.s32 s10, $0x1;
	s10 =	sld [smem:$0x3FB9]  }
0x3d: {  	_ =	shalt  }
0x3e: {  	_ =	shalt  }
0x3f: {  	_ =	shalt  }
0x40: {  	_ =	shalt  }
0x41: {  	_ =	shalt  }
0x42: {  	_ =	shalt  }
0x43: {  	_ =	shalt  }
0x44: {  	_ =	shalt  }
0x45: {  	_ =	shalt  }
0x46: {  	_ =	shalt  }
0x47: {  	_ =	shalt  }
0x48: {  	_ =	shalt  }
0x49: {  	_ =	shalt  }
0x4a: {  	_ =	shalt  }
0x4b: {  	_ =	shalt  }
0x4c: {  	_ =	shalt  }
0x4d: {  	_ =	shalt  }
0x4e: {  	_ =	shalt  }
0x4f: {  	_ =	shalt  }
0x50: {  	_ =	shalt  }
0x51: {  	_ =	shalt  }
0x52: {  	_ =	shalt  }
0x53: {  	_ =	shalt  }
0x54: {  	_ =	shalt  }
0x55: {  	_ =	shalt  }
0x56: {  	_ =	shalt  }
0x57: {  	_ =	shalt  }
0x58: {  	_ =	shalt  }
0x59: {  	_ =	shalt  }
0x5a: {  	_ =	shalt  }
0x5b: {  	_ =	shalt  }
0x5c: {  	_ =	shalt  }
0x5d: {  	_ =	shalt  }
0x5e: {  	_ =	shalt  }
0x5f: {  	_ =	shalt  }
0x60: {  	_ =	shalt  }
0x61: {  	_ =	shalt  }
0x62: {  	_ =	shalt  }
0x63: {  	_ =	shalt  }
0x64: {  	_ =	shalt  }
0x65: {  	_ =	shalt  }
0x66: {  	_ =	shalt  }
0x67: {  	_ =	shalt  }
0x68: {  	_ =	shalt  }
0x69: {  	_ =	shalt  }
0x6a: {  	_ =	shalt  }
0x6b: {  	_ =	shalt  }
0x6c: {  	_ =	shalt  }
0x6d: {  	_ =	shalt  }
0x6e: {  	_ =	shalt  }
0x6f: {  	_ =	shalt  }
0x70: {  	_ =	shalt  }
0x71: {  	_ =	shalt  }
0x72: {  	_ =	shalt  }
0x73: {  	_ =	shalt  }
0x74: {  	_ =	shalt  }
0x75: {  	_ =	shalt  }
0x76: {  	_ =	shalt  }
0x77: {  	_ =	shalt  }
0x78: {  	_ =	shalt  }
0x79: {  	_ =	shalt  }
0x7a: {  	_ =	shalt  }
0x7b: {  	_ =	shalt  }
0x7c: {  	_ =	shalt  }
0x7d: {  	_ =	shalt  }
0x7e: {  	_ =	shalt  }
0x7f: {  	_ =	shalt  }
0x80: {  	_ =	shalt  }
0x81: {  	_ =	shalt  }
0x82: {  	_ =	shalt  }
0x83: {  	_ =	shalt  }
0x84: {  	_ =	shalt  }
0x85: {  	_ =	shalt  }
0x86: {  	_ =	shalt  }
0x87: {  	_ =	shalt  }
.Lfunc_end0:
.L_simem_size_0:
called_computation.1_lowered:
.L_overlay_start_0:
0x88: {  	s2 =	sld [smem:$0x3FD9]  }
0x89: {  	s3 =	sld [smem:$0x3FFE];
	_ =	sdelay $0x1  }
0x8a: {  	s1 =	srdreg.scid  }
0x8b: {  	s0 =	sand.u32 $0x1, s1  }
0x8c: {  	s14 =	sshll.u32 s0, $0xA;
	s2 =	sadd.s32 s3, s2  }
0x8d: {  	s2 =	sadd.s32 s2, s14  }
0x8e: {  	[smem:$0x3FC5] =	sst s2  }
0x8f: {  	_ = 	snop  }
0x90: {  	s2 =	sld [smem:$0x3FD0];
	_ =	sdelay $0x2  }
0x91: {  	s15 =	simm.s32 $0xA;
	s4 =	simm.s32 $0x10  }
0x92: {  	[smem:s4], [sflag:s15] =	dma.local [hbm:s2], $0x1  }
0x93: {  	_ =	swait.eq [sflag:s15], $0x1  }
0x94: {  	[sflag:s15] =	ssyncset.done $0x0  }
0x95: {  	s16 =	sld [smem:$0x10];
	[sflag:s15] =	ssyncadd.s32 $0xFFFFFFFF  }
0x96: {  	s17 =	sld [smem:$0x11];
	(tm) =	ssettm $0x1  }
0x97: {  	s18 =	sld [smem:$0x3FFB];
	_ =	sdelay $0x3  }
0x98: {  	_ =	strace s18  }
0x99: {  	s4 =	sld [smem:$0x3FFC];
	_ =	sdelay $0x3  }
0x9a: {  	_ =	strace s4  }
0x9b: {  	s4 =	sld [smem:$0x3FFD];
	_ =	sdelay $0x3  }
0x9c: {  	_ =	strace s4  }
0x9d: {  	_ =	strace $0x8FFFFFFF  }
0x9e: {  	s19 =	sld [smem:$0x3FDB];
	_ =	sdelay $0x1  }
0x9f: {  	s5 =	simm.s32 $_scs_section_size  }
0xa0: {  	s6 =	simm.s32 $_size__tile_overlayer_lowered;
	s7 =	simm.s32 $_tile_overlayer_lowered  }
0xa1: {  	s22 =	simm.s32 $0x1BFF;
	s21 =	sshll.u32 s7, $0x1;
	s4 =	sadd.s32 s5, s19  }
0xa2: {  	s8 =	simm.s32 $0x0;
	s20 =	sshll.u32 s6, $0x1;
	s6 =	sadd.s32 s21, s4  }
0xa3: {  	[timem:s8], [sflag:s22] =	dma.local [hbm:s6], s20  }
0xa4: {  	_ =	swait.ge [sflag:s22], s20  }
0xa5: {  	s5 =	ssub.s32 $0x0, s20;
	[sflag:s22] =	ssyncset.done $0x0  }
0xa6: {  	[sflag:s22] =	ssyncadd.s32 s5;
	_ =	sdelay $0x1  }
0xa7: {  	s23 =	simm.s32 $0x1B8B  }
0xa8: {  	_ =	swait.ge [sflag:s23], $0x1  }
0xa9: {  	[sflag:s23] =	ssyncset.done $0x0  }
0xaa: {  	s25 =	simm.s32 $0x1B8E;
	s24 =	sld [smem:$0x3FFE];
	[sflag:s23] =	ssyncadd.s32 $0xFFFFFFFF  }
0xab: {  	s26 =	simm.s32 $execute0_lowered;
	[smem:$0x3FD2] =	sst s25  }
0xac: {  	s6 =	sshll.u32 s26, $0x1;
	_ =	strace $0x80000049;
	[dreg:$0x1] =	wrdreg $0xFFFFFFFF  }
0xad: {  	s28 =	simm.s32 $_size_execute0_lowered;
	s4 =	sadd.s32 s4, s6;
	[dreg:$0x0] =	wrdreg $0x0  }
0xae: {  	s6 =	sshll.u32 s28, $0x1;
	[dreg:$0x2] =	wrdreg s4  }
0xaf: {  	[dreg:$0x3] =	wrdreg s6  }
0xb0: {  	[dreg:$0x4] =	wrdreg $0xC0  }
0xb1: {  	_ =	task [dreg:s8], $0x5FFFF  }
0xb2: {  	[dreg:$0x1] =	wrdreg $0xFFFFFFFF  }
0xb3: {  	[dreg:$0x0] =	wrdreg $0x60  }
0xb4: {  	[dreg:$0x2] =	wrdreg s24  }
0xb5: {  	[dreg:$0x3] =	wrdreg s16  }
0xb6: {  	[dreg:$0x4] =	wrdreg s17  }
0xb7: {  	[dreg:$0x5] =	wrdreg $0x9  }
0xb8: {  	_ =	task.clear_ibuf [dreg:s8], $0x6FFFF;
	_ =	strace $0x90000049  }
0xb9: {  	s29 =	simm.s32 $0x9;
	_ =	strace $0x8000004B  }
0xba: {  	_ =	swait.ge [sflag:s29], $0x1  }
0xbb: {  	[sflag:s29] =	ssyncadd.s32 $0xFFFFFFFF  }
0xbc: {  	_ =	strace $0x9000004B  }
0xbd: {  	_ =	sfence  }
0xbe: {  	s30 =	sld [smem:$0x0];
	_ =	sdelay $0x2  }
0xbf: {  	s31 =	sshll.u32 s1, $0xD;
	s1 =	sshrl.u32 s1, $0x2  }
0xc0: {  	s3 =	sand.u32 $0x4000, s31;
	s1 =	sadd.s32 s1, s30  }
0xc1: {  	s0 =	sor.u32 s3, s0;
	s1 =	sshll.u32 s1, $0x11  }
0xc2: {  	s0 =	sor.u32 s1, s0  }
0xc3: {  	s0 =	sadd.s32 $0x8F2B, s0  }
0xc4: {  	[sflag:s0] =	ssyncadd.remote.s32 $0x1  }
0xc5: {  	_ =	sfence.sel $0xFFFF  }
0xc6: {  	[dreg:$0x0] =	wrdreg $0xFFFFFFFF;
	(pc) =	sbr.abs _section_cstart, $3  }
0xc7: {  	[dreg:$0x1] =	wrdreg $0xFFFFFFFF  }
0xc8: {  	_ =	task.clear_ibuf [dreg:s8], $0x2FFFF;
	_ =	strace $0x9FFFFFFF  }
0xc9: {  	(tm) =	ssettm $0x7FFFFFFF  }
tec
execute0_lowered:
.L_overlay_start_1:
0x0: {  	(tag) =	ssettag $0x1  }
0x1: {  	v0 =	vlaneseq.u32  }
0x2: {  	v1 =	vand.u32 $0x3, v0;
	v0 =	vmul.u32 $0x20, v0;
	_ =	sdelay $0x1  }
0x3: {  	v35 =	vmul.u32 $0x20, v1;
	v2 =	vor.u32 $0x1, v0;
	v3 =	vor.u32 $0x2, v0  }
0x4: {  	v4 =	vor.u32 $0x3, v0;
	v5 =	vor.u32 $0x4, v0;
	v6 =	vor.u32 $0x5, v0  }
0x5: {  	v7 =	vor.u32 $0x6, v0;
	v8 =	vor.u32 $0x7, v0;
	v9 =	vor.u32 $0x8, v0  }
0x6: {  	v10 =	vor.u32 $0x9, v0;
	v11 =	vor.u32 $0xA, v0;
	v12 =	vor.u32 $0xB, v0  }
0x7: {  	s0 =	rddreg [dreg:$0x0];
	s3 =	simm.s32 $0x0;
	s1 =	srdreg.scid;
	v13 =	vor.u32 $0xC, v0;
	v14 =	vor.u32 $0xD, v0;
	v15 =	vor.u32 $0xE, v0  }
0x8: {  	s4 =	stileid.u32;
	[smem:$0x7FF] =	sst s3;
	s1 =	sand.u32 $0x1, s1;
	v16 =	vor.u32 $0xF, v0;
	v17 =	vor.u32 $0x10, v0;
	v18 =	vor.u32 $0x11, v0  }
0x9: {  	s4 =	sshll.u32 s4, $0x1;
	s5 =	sadd.s32 $0xE00, s0;
	s0 =	sadd.s32 $0x320E00, s0;
	v19 =	vor.u32 $0x12, v0;
	v20 =	vor.u32 $0x13, v0;
	v21 =	vor.u32 $0x14, v0  }
0xa: {  	_ =	strace $0x8000004A;
	s2 =	ssub.s32 $0x2, s1;
	s1 =	sor.u32 s1, s4;
	v22 =	vor.u32 $0x15, v0;
	v23 =	vor.u32 $0x16, v0;
	v24 =	vor.u32 $0x17, v0  }
0xb: {  	[dreg:$0x4] =	wrdreg s5;
	s30 =	sshrl.u32 s2, $0x1;
	v25 =	vor.u32 $0x18, v0;
	v26 =	vor.u32 $0x19, v0;
	s1 =	smul.u32 $0x19, s1;
	v27 =	vor.u32 $0x1A, v0  }
0xc: {  	[dreg:$0x5] =	wrdreg s0;
	v28 =	vor.u32 $0x1B, v0;
	v29 =	vor.u32 $0x1C, v0;
	v30 =	vor.u32 $0x1D, v0;
	s31 =	ssub.s32 s2, s30  }
0xd: {  	v31 =	vor.u32 $0x1E, v0;
	v32 =	vor.u32 $0x1F, v0;
	v1 =	vor.u32 $0xFFFFF980, v35;
	[dreg:$0x6] =	wrdreg s1;
	s0 =	smax.u32 s31, $0x1  }
0xe: {  	s2 =	simm.s32 $0x1;
	v33 =	vor.u32 $0xFFFFFB80, v35;
	v34 =	vor.u32 $0xFFFFFD80, v35;
	v35 =	vor.u32 $0xFFFFFF80, v35;
	s1 =	simm.s32 $0x0;
	[dreg:$0x7] =	wrdreg s0  }
.LBB2_1:
0xf: {  	[dreg:$0x8] =	wrdreg s1;
	s1 =	simm.s32 $0x0  }
.LBB2_2:
0x10: {  	s0 =	rddreg [dreg:$0x6]  }
0x11: {  	s0 =	sadd.s32 s0, s1  }
0x12: {  	[dreg:$0x9] =	wrdreg s1;
	s1 =	sshll.u32 s0, $0xA;
	s0 =	sshll.u32 s0, $0xC  }
0x13: {  	s1 =	sand.u32 $0x3C00, s1;
	[dreg:$0xd] =	wrdreg s0  }
0x14: {  	s0 =	sand.u32 $0x7FFF0000, s0;
	[dreg:$0xb] =	wrdreg s1;
	s1 =	sshll.u32 s1, $0x2  }
0x15: {  	s31 =	rddreg [dreg:$0x4];
	s1 =	sor.u32 s0, s1  }
0x16: {  	s12 =	simm.s32 $0x0;
	[dreg:$0xa] =	wrdreg s1;
	s0 =	sadd.s32 s31, s1  }
0x17: {  	[tilespmem:s12], [sflag:$0x1] =	stream.linear.gather [hbm4b:s0+s12], $0x8000, $0x38;
	[tilespmem:$0x10000] =	vst v63  }
0x18: {  	s21 =	simm.s32 $0x600;
	p0 =	por $0x0, $0x0;
	_ =	swait.ge [sflag:s2], $0x8000  }
0x19: {  	s29 =	simm.s32 $0x0;
	s23 =	simm.s32 $0x0;
	[sflag:s2] =	ssyncset.done $0x0  }
0x1a: {  	s1 =	simm.s32 $0xFFFFFFFC;
	[sflag:s2] =	ssyncadd.s32 $0xFFFF8000;
	s2 =	simm.s32 $0x30  }
.LBB2_3:
0x1b: {  	s14 =	sadd.s32 $0xFFFFFA00, s21  }
0x1c: {  	v36 =	vor.u32 s14, v0  }
0x1d: {  	v36 =	vand.u32 v1, v36;
	_ =	sdelay $0x4  }
0x1e: {  	v36 =	vld.idx.msk [tilespmem:v36+s3+$0x0], $0xffff  }
0x1f: {  	v37 =	vor.u32 s14, v2  }
0x20: {  	s16 =	sadd.s32 $0xFFFFFFD0, s2;
	s0 =	sand.u32 $0x1C00, s23  }
0x21: {  	s18 =	sand.u32 $0x40, s16;
	s28 =	sor.u32 $0x8000, s0  }
0x22: {  	s17 =	sor.u32 s18, s28  }
0x23: {  	[tilespmem:s17+$0x0] =	vst v36  }
0x24: {  	v36 =	vld.idx.msk [tilespmem:v37+s3+$0x0], $0xffff  }
0x25: {  	v58 =	vor.u32 s14, v3;
	_ =	sdelay $0x3  }
0x26: {  	[tilespmem:s17+$0x80] =	vst v36  }
0x27: {  	v36 =	vld.idx.msk [tilespmem:v58+s3+$0x0], $0xffff  }
0x28: {  	v59 =	vor.u32 s14, v4;
	_ =	sdelay $0x3  }
0x29: {  	[tilespmem:s17+$0x100] =	vst v36  }
0x2a: {  	v36 =	vld.idx.msk [tilespmem:v59+s3+$0x0], $0xffff  }
0x2b: {  	v60 =	vor.u32 s14, v5;
	_ =	sdelay $0x3  }
0x2c: {  	[tilespmem:s17+$0x180] =	vst v36  }
0x2d: {  	[dreg:$0x14] =	wrdreg s2;
	s2 =	simm.s32 $0x1;
	v36 =	vld.idx.msk [tilespmem:v60+s3+$0x0], $0xffff  }
0x2e: {  	s2 =	simm.s32 @!p0 $0x0;
	v61 =	vor.u32 s14, v6  }
0x2f: {  	s2 =	sshll.u32 s2, $0x6  }
0x30: {  	s2 =	sadd.s32 s2, s23  }
0x31: {  	s4 =	sor.u32 $0x200, s2  }
0x32: {  	[tilespmem:s4+$0x8000] =	vst v36  }
0x33: {  	v36 =	vld.idx.msk [tilespmem:v61+s3+$0x0], $0xffff  }
0x34: {  	v62 =	vor.u32 s14, v7;
	_ =	sdelay $0x2  }
0x35: {  	s19 =	sor.u32 $0x280, s2  }
0x36: {  	[tilespmem:s19+$0x8000] =	vst v36  }
0x37: {  	v36 =	vld.idx.msk [tilespmem:v62+s3+$0x0], $0xffff  }
0x38: {  	v63 =	vor.u32 s14, v8;
	_ =	sdelay $0x2  }
0x39: {  	s2 =	sor.u32 $0x300, s2  }
0x3a: {  	[tilespmem:s2+$0x8000] =	vst v36  }
0x3b: {  	v36 =	vld.idx.msk [tilespmem:v63+s3+$0x0], $0xffff  }
0x3c: {  	v40 =	vor.u32 s14, v9;
	_ =	sdelay $0x1  }
0x3d: {  	[dreg:$0xe] =	wrdreg s1;
	s1 =	sor.u32 s16, s23  }
0x3e: {  	s1 =	sor.u32 $0x380, s1  }
0x3f: {  	[tilespmem:s1+$0x8000] =	vst v36  }
0x40: {  	v36 =	vld.idx.msk [tilespmem:v40+s3+$0x0], $0xffff  }
0x41: {  	v41 =	vor.u32 s14, v10;
	_ =	sdelay $0x1  }
0x42: {  	s31 =	sor.u32 $0xA000, s0  }
0x43: {  	s20 =	sor.u32 s18, s31  }
0x44: {  	[tilespmem:s20+$0x0] =	vst v36  }
0x45: {  	v36 =	vld.idx.msk [tilespmem:v41+s3+$0x0], $0xffff  }
0x46: {  	v42 =	vor.u32 s14, v11;
	_ =	sdelay $0x1  }
0x47: {  	s4 =	sor.u32 $0xA080, s0  }
0x48: {  	s22 =	sor.u32 s18, s4  }
0x49: {  	[tilespmem:s22+$0x0] =	vst v36  }
0x4a: {  	v36 =	vld.idx.msk [tilespmem:v42+s3+$0x0], $0xffff  }
0x4b: {  	v43 =	vor.u32 s14, v12;
	_ =	sdelay $0x1  }
0x4c: {  	s19 =	sor.u32 $0xA100, s0  }
0x4d: {  	s24 =	sor.u32 s18, s19  }
0x4e: {  	[tilespmem:s24+$0x0] =	vst v36  }
0x4f: {  	v36 =	vld.idx.msk [tilespmem:v43+s3+$0x0], $0xffff  }
0x50: {  	v44 =	vor.u32 s14, v13;
	_ =	sdelay $0x1  }
0x51: {  	s25 =	sor.u32 $0xA180, s0  }
0x52: {  	s1 =	sor.u32 s18, s25  }
0x53: {  	[tilespmem:s1+$0x0] =	vst v36  }
0x54: {  	v36 =	vld.idx.msk [tilespmem:v44+s3+$0x0], $0xffff  }
0x55: {  	v45 =	vor.u32 s14, v14;
	_ =	sdelay $0x1  }
0x56: {  	s26 =	sor.u32 $0xA200, s0  }
0x57: {  	s1 =	sor.u32 s18, s26  }
0x58: {  	[tilespmem:s1+$0x0] =	vst v36  }
0x59: {  	v36 =	vld.idx.msk [tilespmem:v45+s3+$0x0], $0xffff  }
0x5a: {  	v46 =	vor.u32 s14, v15;
	_ =	sdelay $0x1  }
0x5b: {  	s13 =	sor.u32 $0xA280, s0  }
0x5c: {  	s30 =	sor.u32 s18, s13  }
0x5d: {  	[tilespmem:s30+$0x0] =	vst v36  }
0x5e: {  	v36 =	vld.idx.msk [tilespmem:v46+s3+$0x0], $0xffff  }
0x5f: {  	v47 =	vor.u32 s14, v16;
	_ =	sdelay $0x1  }
0x60: {  	s2 =	sor.u32 $0xA300, s0  }
0x61: {  	s1 =	sor.u32 s18, s2  }
0x62: {  	[tilespmem:s1+$0x0] =	vst v36  }
0x63: {  	v36 =	vld.idx.msk [tilespmem:v47+s3+$0x0], $0xffff  }
0x64: {  	v48 =	vor.u32 s14, v17;
	_ =	sdelay $0x1  }
0x65: {  	s10 =	sor.u32 $0xA380, s0  }
0x66: {  	s5 =	sor.u32 s18, s10  }
0x67: {  	[tilespmem:s5+$0x0] =	vst v36  }
0x68: {  	v36 =	vld.idx.msk [tilespmem:v48+s3+$0x0], $0xffff  }
0x69: {  	v49 =	vor.u32 s14, v18;
	_ =	sdelay $0x1  }
0x6a: {  	s11 =	sor.u32 $0xC000, s0  }
0x6b: {  	s6 =	sor.u32 s18, s11  }
0x6c: {  	[tilespmem:s6+$0x0] =	vst v36  }
0x6d: {  	v36 =	vld.idx.msk [tilespmem:v49+s3+$0x0], $0xffff  }
0x6e: {  	v50 =	vor.u32 s14, v19;
	_ =	sdelay $0x1  }
0x6f: {  	s8 =	sor.u32 $0xC080, s0  }
0x70: {  	s7 =	sor.u32 s18, s8  }
0x71: {  	[tilespmem:s7+$0x0] =	vst v36  }
0x72: {  	v36 =	vld.idx.msk [tilespmem:v50+s3+$0x0], $0xffff  }
0x73: {  	v51 =	vor.u32 s14, v20;
	_ =	sdelay $0x1  }
0x74: {  	s20 =	sor.u32 $0xC100, s0  }
0x75: {  	s9 =	sor.u32 s18, s20  }
0x76: {  	[tilespmem:s9+$0x0] =	vst v36  }
0x77: {  	v36 =	vld.idx.msk [tilespmem:v51+s3+$0x0], $0xffff  }
0x78: {  	v52 =	vor.u32 s14, v21;
	_ =	sdelay $0x1  }
0x79: {  	s1 =	sor.u32 $0xC180, s0  }
0x7a: {  	s5 =	sor.u32 s18, s1  }
0x7b: {  	[tilespmem:s5+$0x0] =	vst v36  }
0x7c: {  	v36 =	vld.idx.msk [tilespmem:v52+s3+$0x0], $0xffff  }
0x7d: {  	v53 =	vor.u32 s14, v22;
	_ =	sdelay $0x1  }
0x7e: {  	s5 =	sor.u32 $0xC200, s0  }
0x7f: {  	s6 =	sor.u32 s18, s5  }
0x80: {  	[tilespmem:s6+$0x0] =	vst v36  }
0x81: {  	v36 =	vld.idx.msk [tilespmem:v53+s3+$0x0], $0xffff  }
0x82: {  	v54 =	vor.u32 s14, v23;
	_ =	sdelay $0x1  }
0x83: {  	s6 =	sor.u32 $0xC280, s0  }
0x84: {  	s7 =	sor.u32 s18, s6  }
0x85: {  	[tilespmem:s7+$0x0] =	vst v36  }
0x86: {  	v36 =	vld.idx.msk [tilespmem:v54+s3+$0x0], $0xffff  }
0x87: {  	v55 =	vor.u32 s14, v24;
	_ =	sdelay $0x1  }
0x88: {  	s7 =	sor.u32 $0xC300, s0  }
0x89: {  	s9 =	sor.u32 s18, s7  }
0x8a: {  	[tilespmem:s9+$0x0] =	vst v36  }
0x8b: {  	v36 =	vld.idx.msk [tilespmem:v55+s3+$0x0], $0xffff  }
0x8c: {  	v56 =	vor.u32 s14, v25;
	_ =	sdelay $0x1  }
0x8d: {  	s22 =	sor.u32 $0xC380, s0  }
0x8e: {  	s15 =	sor.u32 s18, s22  }
0x8f: {  	[tilespmem:s15+$0x0] =	vst v36  }
0x90: {  	v36 =	vld.idx.msk [tilespmem:v56+s3+$0x0], $0xffff  }
0x91: {  	v57 =	vor.u32 s14, v26;
	_ =	sdelay $0x1  }
0x92: {  	[dreg:$0x1c] =	wrdreg s2;
	s2 =	sor.u32 $0xE000, s0  }
0x93: {  	s16 =	sor.u32 s18, s2  }
0x94: {  	[tilespmem:s16+$0x0] =	vst v36  }
0x95: {  	v36 =	vld.idx.msk [tilespmem:v57+s3+$0x0], $0xffff  }
0x96: {  	v58 =	vor.u32 s14, v27;
	_ =	sdelay $0x1  }
0x97: {  	s24 =	sor.u32 $0xE080, s0  }
0x98: {  	s17 =	sor.u32 s18, s24  }
0x99: {  	[tilespmem:s17+$0x0] =	vst v36  }
0x9a: {  	v36 =	vld.idx.msk [tilespmem:v58+s3+$0x0], $0xffff  }
0x9b: {  	v59 =	vor.u32 s14, v28;
	_ =	sdelay $0x1  }
0x9c: {  	[dreg:$0x18] =	wrdreg s25;
	s25 =	sor.u32 $0xE100, s0  }
0x9d: {  	s15 =	sor.u32 s18, s25  }
0x9e: {  	[tilespmem:s15+$0x0] =	vst v36  }
0x9f: {  	v36 =	vld.idx.msk [tilespmem:v59+s3+$0x0], $0xffff  }
0xa0: {  	v60 =	vor.u32 s14, v29;
	_ =	sdelay $0x1  }
0xa1: {  	s15 =	sor.u32 $0xE180, s0  }
0xa2: {  	s16 =	sor.u32 s18, s15  }
0xa3: {  	[tilespmem:s16+$0x0] =	vst v36  }
0xa4: {  	v36 =	vld.idx.msk [tilespmem:v60+s3+$0x0], $0xffff  }
0xa5: {  	v61 =	vor.u32 s14, v30;
	_ =	sdelay $0x1  }
0xa6: {  	s16 =	sor.u32 $0xE200, s0  }
0xa7: {  	s17 =	sor.u32 s18, s16  }
0xa8: {  	[tilespmem:s17+$0x0] =	vst v36  }
0xa9: {  	v36 =	vld.idx.msk [tilespmem:v61+s3+$0x0], $0xffff  }
0xaa: {  	v62 =	vor.u32 s14, v31;
	_ =	sdelay $0x1  }
0xab: {  	s17 =	sor.u32 $0xE280, s0  }
0xac: {  	[dreg:$0x1e] =	wrdreg s25;
	s25 =	sor.u32 s18, s17  }
0xad: {  	[tilespmem:s25+$0x0] =	vst v36  }
0xae: {  	v36 =	vld.idx.msk [tilespmem:v62+s3+$0x0], $0xffff  }
0xaf: {  	v63 =	vor.u32 s14, v32;
	_ =	sdelay $0x1  }
0xb0: {  	s14 =	sor.u32 $0xE300, s0  }
0xb1: {  	[dreg:$0x1a] =	wrdreg s26;
	s26 =	sor.u32 s18, s14  }
0xb2: {  	s25 =	sadd.s32 $0xFFFFFC00, s21;
	[tilespmem:s26+$0x0] =	vst v36  }
0xb3: {  	v40 =	vor.u32 s25, v0;
	v36 =	vld.idx.msk [tilespmem:v63+s3+$0x0], $0xffff  }
0xb4: {  	v37 =	vand.u32 v33, v40;
	_ =	sdelay $0x1  }
0xb5: {  	s0 =	sor.u32 $0xE380, s0  }
0xb6: {  	s18 =	sor.u32 s18, s0  }
0xb7: {  	[tilespmem:s18+$0x0] =	vst v36  }
0xb8: {  	v36 =	vld.idx.msk [tilespmem:v37+s3+$0x0], $0xffff  }
0xb9: {  	s30 =	rddreg [dreg:$0x14];
	v41 =	vor.u32 s25, v2  }
0xba: {  	s18 =	sadd.s32 $0xFFFFFFE0, s30  }
0xbb: {  	s26 =	sand.u32 $0x50, s18  }
0xbc: {  	[smem:$0x7F9] =	sst s28;
	s28 =	sor.u32 s26, s28  }
0xbd: {  	[tilespmem:s28+$0x0] =	vst v36  }
0xbe: {  	v36 =	vld.idx.msk [tilespmem:v41+s3+$0x0], $0xffff  }
0xbf: {  	v42 =	vor.u32 s25, v3;
	_ =	sdelay $0x3  }
0xc0: {  	[tilespmem:s28+$0x80] =	vst v36  }
0xc1: {  	v36 =	vld.idx.msk [tilespmem:v42+s3+$0x0], $0xffff  }
0xc2: {  	v43 =	vor.u32 s25, v4;
	_ =	sdelay $0x3  }
0xc3: {  	[tilespmem:s28+$0x100] =	vst v36  }
0xc4: {  	v36 =	vld.idx.msk [tilespmem:v43+s3+$0x0], $0xffff  }
0xc5: {  	v44 =	vor.u32 s25, v5;
	_ =	sdelay $0x3  }
0xc6: {  	[tilespmem:s28+$0x180] =	vst v36  }
0xc7: {  	s9 =	sand.u32 $0x7, s29;
	v36 =	vld.idx.msk [tilespmem:v44+s3+$0x0], $0xffff  }
0xc8: {  	v45 =	vor.u32 s25, v6;
	s28 =	sshll.u32 s9, $0x4  }
0xc9: {  	s30 =	sadd.s32 s23, s28  }
0xca: {  	s28 =	sadd.s32 $0x10, s30  }
0xcb: {  	[dreg:$0x16] =	wrdreg s30;
	s30 =	sor.u32 $0x200, s28  }
0xcc: {  	[tilespmem:s30+$0x8000] =	vst v36  }
0xcd: {  	v36 =	vld.idx.msk [tilespmem:v45+s3+$0x0], $0xffff  }
0xce: {  	v46 =	vor.u32 s25, v7;
	_ =	sdelay $0x2  }
0xcf: {  	s9 =	sor.u32 $0x280, s28  }
0xd0: {  	[tilespmem:s9+$0x8000] =	vst v36  }
0xd1: {  	v36 =	vld.idx.msk [tilespmem:v46+s3+$0x0], $0xffff  }
0xd2: {  	v47 =	vor.u32 s25, v8;
	_ =	sdelay $0x2  }
0xd3: {  	s28 =	sor.u32 $0x300, s28  }
0xd4: {  	[tilespmem:s28+$0x8000] =	vst v36  }
0xd5: {  	v36 =	vld.idx.msk [tilespmem:v47+s3+$0x0], $0xffff  }
0xd6: {  	v48 =	vor.u32 s25, v9;
	_ =	sdelay $0x1  }
0xd7: {  	s18 =	sor.u32 s18, s23  }
0xd8: {  	s18 =	sor.u32 $0x380, s18  }
0xd9: {  	[tilespmem:s18+$0x8000] =	vst v36  }
0xda: {  	v36 =	vld.idx.msk [tilespmem:v48+s3+$0x0], $0xffff  }
0xdb: {  	v49 =	vor.u32 s25, v10;
	_ =	sdelay $0x2  }
0xdc: {  	[dreg:$0x1f] =	wrdreg s0;
	s0 =	sor.u32 s26, s31  }
0xdd: {  	[tilespmem:s0+$0x0] =	vst v36  }
0xde: {  	v36 =	vld.idx.msk [tilespmem:v49+s3+$0x0], $0xffff  }
0xdf: {  	v50 =	vor.u32 s25, v11;
	_ =	sdelay $0x2  }
0xe0: {  	s9 =	sor.u32 s26, s4  }
0xe1: {  	[tilespmem:s9+$0x0] =	vst v36  }
0xe2: {  	v36 =	vld.idx.msk [tilespmem:v50+s3+$0x0], $0xffff  }
0xe3: {  	v51 =	vor.u32 s25, v12;
	_ =	sdelay $0x2  }
0xe4: {  	[dreg:$0xf] =	wrdreg s29;
	s29 =	smov.u32 s19;
	s19 =	sor.u32 s26, s19  }
0xe5: {  	[tilespmem:s19+$0x0] =	vst v36  }
0xe6: {  	v36 =	vld.idx.msk [tilespmem:v51+s3+$0x0], $0xffff  }
0xe7: {  	v52 =	vor.u32 s25, v13  }
0xe8: {  	[smem:$0x7FA] =	sst s31  }
0xe9: {  	s31 =	rddreg [dreg:$0x18]  }
0xea: {  	s28 =	sor.u32 s26, s31  }
0xeb: {  	[tilespmem:s28+$0x0] =	vst v36  }
0xec: {  	v36 =	vld.idx.msk [tilespmem:v52+s3+$0x0], $0xffff  }
0xed: {  	v53 =	vor.u32 s25, v14  }
0xee: {  	[smem:$0x7FB] =	sst s4  }
0xef: {  	s4 =	rddreg [dreg:$0x1a]  }
0xf0: {  	s30 =	sor.u32 s26, s4  }
0xf1: {  	[tilespmem:s30+$0x0] =	vst v36  }
0xf2: {  	v36 =	vld.idx.msk [tilespmem:v53+s3+$0x0], $0xffff  }
0xf3: {  	v54 =	vor.u32 s25, v15;
	_ =	sdelay $0x2  }
0xf4: {  	s0 =	sor.u32 s26, s13  }
0xf5: {  	[tilespmem:s0+$0x0] =	vst v36  }
0xf6: {  	v36 =	vld.idx.msk [tilespmem:v54+s3+$0x0], $0xffff  }
0xf7: {  	v55 =	vor.u32 s25, v16;
	_ =	sdelay $0x1  }
0xf8: {  	s0 =	rddreg [dreg:$0x1c]  }
0xf9: {  	s9 =	sor.u32 s26, s0  }
0xfa: {  	[tilespmem:s9+$0x0] =	vst v36  }
0xfb: {  	v36 =	vld.idx.msk [tilespmem:v55+s3+$0x0], $0xffff  }
0xfc: {  	v56 =	vor.u32 s25, v17;
	_ =	sdelay $0x2  }
0xfd: {  	s19 =	sor.u32 s26, s10  }
0xfe: {  	[tilespmem:s19+$0x0] =	vst v36  }
0xff: {  	v36 =	vld.idx.msk [tilespmem:v56+s3+$0x0], $0xffff  }
0x100: {  	v57 =	vor.u32 s25, v18;
	_ =	sdelay $0x2  }
0x101: {  	s28 =	sor.u32 s26, s11  }
0x102: {  	[tilespmem:s28+$0x0] =	vst v36  }
0x103: {  	v36 =	vld.idx.msk [tilespmem:v57+s3+$0x0], $0xffff  }
0x104: {  	v58 =	vor.u32 s25, v19;
	_ =	sdelay $0x2  }
0x105: {  	s30 =	sor.u32 s26, s8  }
0x106: {  	[tilespmem:s30+$0x0] =	vst v36  }
0x107: {  	v36 =	vld.idx.msk [tilespmem:v58+s3+$0x0], $0xffff  }
0x108: {  	v59 =	vor.u32 s25, v20;
	_ =	sdelay $0x2  }
0x109: {  	s9 =	sor.u32 s26, s20  }
0x10a: {  	[tilespmem:s9+$0x0] =	vst v36  }
0x10b: {  	v36 =	vld.idx.msk [tilespmem:v59+s3+$0x0], $0xffff  }
0x10c: {  	v60 =	vor.u32 s25, v21;
	_ =	sdelay $0x2  }
0x10d: {  	s28 =	sor.u32 s26, s1  }
0x10e: {  	[tilespmem:s28+$0x0] =	vst v36  }
0x10f: {  	v36 =	vld.idx.msk [tilespmem:v60+s3+$0x0], $0xffff  }
0x110: {  	v61 =	vor.u32 s25, v22;
	_ =	sdelay $0x2  }
0x111: {  	s30 =	sor.u32 s26, s5  }
0x112: {  	[tilespmem:s30+$0x0] =	vst v36  }
0x113: {  	v36 =	vld.idx.msk [tilespmem:v61+s3+$0x0], $0xffff  }
0x114: {  	v62 =	vor.u32 s25, v23;
	_ =	sdelay $0x2  }
0x115: {  	s9 =	sor.u32 s26, s6  }
0x116: {  	[tilespmem:s9+$0x0] =	vst v36  }
0x117: {  	v36 =	vld.idx.msk [tilespmem:v62+s3+$0x0], $0xffff  }
0x118: {  	v63 =	vor.u32 s25, v24;
	_ =	sdelay $0x2  }
0x119: {  	s19 =	smov.u32 s20;
	s20 =	sor.u32 s26, s7  }
0x11a: {  	[tilespmem:s20+$0x0] =	vst v36  }
0x11b: {  	v36 =	vld.idx.msk [tilespmem:v63+s3+$0x0], $0xffff  }
0x11c: {  	v40 =	vor.u32 s25, v25;
	_ =	sdelay $0x2  }
0x11d: {  	s28 =	sor.u32 s26, s22  }
0x11e: {  	[tilespmem:s28+$0x0] =	vst v36  }
0x11f: {  	v36 =	vld.idx.msk [tilespmem:v40+s3+$0x0], $0xffff  }
0x120: {  	v41 =	vor.u32 s25, v26;
	_ =	sdelay $0x2  }
0x121: {  	s30 =	sor.u32 s26, s2  }
0x122: {  	[tilespmem:s30+$0x0] =	vst v36  }
0x123: {  	v36 =	vld.idx.msk [tilespmem:v41+s3+$0x0], $0xffff  }
0x124: {  	v42 =	vor.u32 s25, v27;
	_ =	sdelay $0x2  }
0x125: {  	s9 =	sor.u32 s26, s24  }
0x126: {  	[tilespmem:s9+$0x0] =	vst v36  }
0x127: {  	v36 =	vld.idx.msk [tilespmem:v42+s3+$0x0], $0xffff  }
0x128: {  	v43 =	vor.u32 s25, v28;
	_ =	sdelay $0x1  }
0x129: {  	s9 =	rddreg [dreg:$0x1e]  }
0x12a: {  	s20 =	sor.u32 s26, s9  }
0x12b: {  	[tilespmem:s20+$0x0] =	vst v36  }
0x12c: {  	v36 =	vld.idx.msk [tilespmem:v43+s3+$0x0], $0xffff  }
0x12d: {  	v44 =	vor.u32 s25, v29;
	_ =	sdelay $0x2  }
0x12e: {  	s28 =	sor.u32 s26, s15  }
0x12f: {  	[tilespmem:s28+$0x0] =	vst v36  }
0x130: {  	v36 =	vld.idx.msk [tilespmem:v44+s3+$0x0], $0xffff  }
0x131: {  	v45 =	vor.u32 s25, v30;
	_ =	sdelay $0x2  }
0x132: {  	s30 =	sor.u32 s26, s16  }
0x133: {  	[tilespmem:s30+$0x0] =	vst v36  }
0x134: {  	v36 =	vld.idx.msk [tilespmem:v45+s3+$0x0], $0xffff  }
0x135: {  	v46 =	vor.u32 s25, v31;
	_ =	sdelay $0x2  }
0x136: {  	s20 =	sor.u32 s26, s17  }
0x137: {  	[tilespmem:s20+$0x0] =	vst v36  }
0x138: {  	v36 =	vld.idx.msk [tilespmem:v46+s3+$0x0], $0xffff  }
0x139: {  	v47 =	vor.u32 s25, v32;
	_ =	sdelay $0x2  }
0x13a: {  	s25 =	sor.u32 s26, s14  }
0x13b: {  	s18 =	sadd.s32 $0xFFFFFE00, s21;
	[tilespmem:s25+$0x0] =	vst v36  }
0x13c: {  	v48 =	vor.u32 s18, v0;
	v36 =	vld.idx.msk [tilespmem:v47+s3+$0x0], $0xffff  }
0x13d: {  	v37 =	vand.u32 v34, v48;
	_ =	sdelay $0x1  }
0x13e: {  	s20 =	rddreg [dreg:$0x1f]  }
0x13f: {  	s26 =	sor.u32 s26, s20  }
0x140: {  	[smem:$0x7FC] =	sst s14;
	[tilespmem:s26+$0x0] =	vst v36  }
0x141: {  	s14 =	sld [smem:$0x7F9];
	v36 =	vld.idx.msk [tilespmem:v37+s3+$0x0], $0xffff  }
0x142: {  	v49 =	vor.u32 s18, v2;
	s28 =	rddreg [dreg:$0x14]  }
0x143: {  	s26 =	sadd.s32 $0xFFFFFFF0, s28  }
0x144: {  	s25 =	sand.u32 $0x60, s26  }
0x145: {  	s30 =	sor.u32 s25, s14  }
0x146: {  	[tilespmem:s30+$0x0] =	vst v36  }
0x147: {  	v36 =	vld.idx.msk [tilespmem:v49+s3+$0x0], $0xffff  }
0x148: {  	v50 =	vor.u32 s18, v3;
	_ =	sdelay $0x3  }
0x149: {  	[tilespmem:s30+$0x80] =	vst v36  }
0x14a: {  	v36 =	vld.idx.msk [tilespmem:v50+s3+$0x0], $0xffff  }
0x14b: {  	v51 =	vor.u32 s18, v4;
	_ =	sdelay $0x3  }
0x14c: {  	[tilespmem:s30+$0x100] =	vst v36  }
0x14d: {  	v36 =	vld.idx.msk [tilespmem:v51+s3+$0x0], $0xffff  }
0x14e: {  	v52 =	vor.u32 s18, v5;
	_ =	sdelay $0x3  }
0x14f: {  	[tilespmem:s30+$0x180] =	vst v36  }
0x150: {  	s30 =	sand.u32 $0x3, s12;
	v36 =	vld.idx.msk [tilespmem:v52+s3+$0x0], $0xffff  }
0x151: {  	v53 =	vor.u32 s18, v6;
	s28 =	sshll.u32 s30, $0x5  }
0x152: {  	s28 =	sadd.s32 s23, s28  }
0x153: {  	s28 =	sadd.s32 $0x20, s28  }
0x154: {  	[dreg:$0x12] =	wrdreg s12;
	s12 =	sor.u32 $0x200, s28  }
0x155: {  	[tilespmem:s12+$0x8000] =	vst v36  }
0x156: {  	v36 =	vld.idx.msk [tilespmem:v53+s3+$0x0], $0xffff  }
0x157: {  	v54 =	vor.u32 s18, v7;
	_ =	sdelay $0x2  }
0x158: {  	s12 =	sor.u32 $0x280, s28  }
0x159: {  	[tilespmem:s12+$0x8000] =	vst v36  }
0x15a: {  	v36 =	vld.idx.msk [tilespmem:v54+s3+$0x0], $0xffff  }
0x15b: {  	v55 =	vor.u32 s18, v8;
	_ =	sdelay $0x2  }
0x15c: {  	s28 =	sor.u32 $0x300, s28  }
0x15d: {  	[tilespmem:s28+$0x8000] =	vst v36  }
0x15e: {  	v36 =	vld.idx.msk [tilespmem:v55+s3+$0x0], $0xffff  }
0x15f: {  	v56 =	vor.u32 s18, v9;
	_ =	sdelay $0x1  }
0x160: {  	s26 =	sor.u32 s26, s23  }
0x161: {  	s26 =	sor.u32 $0x380, s26  }
0x162: {  	[tilespmem:s26+$0x8000] =	vst v36  }
0x163: {  	v36 =	vld.idx.msk [tilespmem:v56+s3+$0x0], $0xffff  }
0x164: {  	v57 =	vor.u32 s18, v10;
	s28 =	sld [smem:$0x7FA];
	_ =	sdelay $0x2  }
0x165: {  	s30 =	sor.u32 s25, s28  }
0x166: {  	[tilespmem:s30+$0x0] =	vst v36  }
0x167: {  	v36 =	vld.idx.msk [tilespmem:v57+s3+$0x0], $0xffff  }
0x168: {  	v58 =	vor.u32 s18, v11;
	s30 =	sld [smem:$0x7FB];
	_ =	sdelay $0x2  }
0x169: {  	s12 =	sor.u32 s25, s30  }
0x16a: {  	[tilespmem:s12+$0x0] =	vst v36  }
0x16b: {  	v36 =	vld.idx.msk [tilespmem:v58+s3+$0x0], $0xffff  }
0x16c: {  	v59 =	vor.u32 s18, v12;
	_ =	sdelay $0x2  }
0x16d: {  	s12 =	sor.u32 s25, s29  }
0x16e: {  	[tilespmem:s12+$0x0] =	vst v36  }
0x16f: {  	v36 =	vld.idx.msk [tilespmem:v59+s3+$0x0], $0xffff  }
0x170: {  	v60 =	vor.u32 s18, v13;
	_ =	sdelay $0x2  }
0x171: {  	s12 =	sor.u32 s25, s31  }
0x172: {  	[tilespmem:s12+$0x0] =	vst v36  }
0x173: {  	v36 =	vld.idx.msk [tilespmem:v60+s3+$0x0], $0xffff  }
0x174: {  	v61 =	vor.u32 s18, v14;
	_ =	sdelay $0x2  }
0x175: {  	s12 =	sor.u32 s25, s4  }
0x176: {  	[tilespmem:s12+$0x0] =	vst v36  }
0x177: {  	v36 =	vld.idx.msk [tilespmem:v61+s3+$0x0], $0xffff  }
0x178: {  	v62 =	vor.u32 s18, v15;
	_ =	sdelay $0x2  }
0x179: {  	s12 =	sor.u32 s25, s13  }
0x17a: {  	[tilespmem:s12+$0x0] =	vst v36  }
0x17b: {  	v36 =	vld.idx.msk [tilespmem:v62+s3+$0x0], $0xffff  }
0x17c: {  	v63 =	vor.u32 s18, v16;
	_ =	sdelay $0x2  }
0x17d: {  	s12 =	sor.u32 s25, s0  }
0x17e: {  	[tilespmem:s12+$0x0] =	vst v36  }
0x17f: {  	v36 =	vld.idx.msk [tilespmem:v63+s3+$0x0], $0xffff  }
0x180: {  	v40 =	vor.u32 s18, v17;
	_ =	sdelay $0x2  }
0x181: {  	s0 =	sor.u32 s25, s10  }
0x182: {  	[tilespmem:s0+$0x0] =	vst v36  }
0x183: {  	v36 =	vld.idx.msk [tilespmem:v40+s3+$0x0], $0xffff  }
0x184: {  	v41 =	vor.u32 s18, v18;
	_ =	sdelay $0x2  }
0x185: {  	s12 =	sor.u32 s25, s11  }
0x186: {  	[tilespmem:s12+$0x0] =	vst v36  }
0x187: {  	v36 =	vld.idx.msk [tilespmem:v41+s3+$0x0], $0xffff  }
0x188: {  	v42 =	vor.u32 s18, v19;
	_ =	sdelay $0x2  }
0x189: {  	s0 =	sor.u32 s25, s8  }
0x18a: {  	[tilespmem:s0+$0x0] =	vst v36  }
0x18b: {  	v36 =	vld.idx.msk [tilespmem:v42+s3+$0x0], $0xffff  }
0x18c: {  	v43 =	vor.u32 s18, v20;
	_ =	sdelay $0x2  }
0x18d: {  	s12 =	sor.u32 s25, s19  }
0x18e: {  	[tilespmem:s12+$0x0] =	vst v36  }
0x18f: {  	v36 =	vld.idx.msk [tilespmem:v43+s3+$0x0], $0xffff  }
0x190: {  	v44 =	vor.u32 s18, v21;
	_ =	sdelay $0x2  }
0x191: {  	s0 =	smov.u32 s19;
	s19 =	sor.u32 s25, s1  }
0x192: {  	[tilespmem:s19+$0x0] =	vst v36  }
0x193: {  	v36 =	vld.idx.msk [tilespmem:v44+s3+$0x0], $0xffff  }
0x194: {  	v45 =	vor.u32 s18, v22;
	_ =	sdelay $0x2  }
0x195: {  	s12 =	smov.u32 s1;
	s1 =	sor.u32 s25, s5  }
0x196: {  	[tilespmem:s1+$0x0] =	vst v36  }
0x197: {  	v36 =	vld.idx.msk [tilespmem:v45+s3+$0x0], $0xffff  }
0x198: {  	v46 =	vor.u32 s18, v23;
	_ =	sdelay $0x2  }
0x199: {  	s19 =	sor.u32 s25, s6  }
0x19a: {  	[tilespmem:s19+$0x0] =	vst v36  }
0x19b: {  	v36 =	vld.idx.msk [tilespmem:v46+s3+$0x0], $0xffff  }
0x19c: {  	v47 =	vor.u32 s18, v24;
	_ =	sdelay $0x2  }
0x19d: {  	s1 =	sor.u32 s25, s7  }
0x19e: {  	[tilespmem:s1+$0x0] =	vst v36  }
0x19f: {  	v36 =	vld.idx.msk [tilespmem:v47+s3+$0x0], $0xffff  }
0x1a0: {  	v48 =	vor.u32 s18, v25;
	_ =	sdelay $0x2  }
0x1a1: {  	s19 =	sor.u32 s25, s22  }
0x1a2: {  	[tilespmem:s19+$0x0] =	vst v36  }
0x1a3: {  	v36 =	vld.idx.msk [tilespmem:v48+s3+$0x0], $0xffff  }
0x1a4: {  	v49 =	vor.u32 s18, v26;
	_ =	sdelay $0x2  }
0x1a5: {  	s1 =	sor.u32 s25, s2  }
0x1a6: {  	[tilespmem:s1+$0x0] =	vst v36  }
0x1a7: {  	v36 =	vld.idx.msk [tilespmem:v49+s3+$0x0], $0xffff  }
0x1a8: {  	v50 =	vor.u32 s18, v27;
	_ =	sdelay $0x2  }
0x1a9: {  	s19 =	sor.u32 s25, s24  }
0x1aa: {  	[tilespmem:s19+$0x0] =	vst v36  }
0x1ab: {  	v36 =	vld.idx.msk [tilespmem:v50+s3+$0x0], $0xffff  }
0x1ac: {  	v51 =	vor.u32 s18, v28;
	_ =	sdelay $0x2  }
0x1ad: {  	[smem:$0x7FD] =	sst s24;
	s24 =	sor.u32 s25, s9  }
0x1ae: {  	[tilespmem:s24+$0x0] =	vst v36  }
0x1af: {  	v36 =	vld.idx.msk [tilespmem:v51+s3+$0x0], $0xffff  }
0x1b0: {  	v52 =	vor.u32 s18, v29;
	_ =	sdelay $0x2  }
0x1b1: {  	s1 =	sor.u32 s25, s15  }
0x1b2: {  	[tilespmem:s1+$0x0] =	vst v36  }
0x1b3: {  	v36 =	vld.idx.msk [tilespmem:v52+s3+$0x0], $0xffff  }
0x1b4: {  	v53 =	vor.u32 s18, v30;
	_ =	sdelay $0x2  }
0x1b5: {  	s19 =	sor.u32 s25, s16  }
0x1b6: {  	[tilespmem:s19+$0x0] =	vst v36  }
0x1b7: {  	v36 =	vld.idx.msk [tilespmem:v53+s3+$0x0], $0xffff  }
0x1b8: {  	v54 =	vor.u32 s18, v31;
	_ =	sdelay $0x2  }
0x1b9: {  	s24 =	sor.u32 s25, s17  }
0x1ba: {  	[tilespmem:s24+$0x0] =	vst v36  }
0x1bb: {  	v36 =	vld.idx.msk [tilespmem:v54+s3+$0x0], $0xffff  }
0x1bc: {  	v55 =	vor.u32 s18, v32;
	s19 =	sld [smem:$0x7FC];
	_ =	sdelay $0x2  }
0x1bd: {  	s26 =	sor.u32 s25, s19  }
0x1be: {  	[tilespmem:s26+$0x0] =	vst v36  }
0x1bf: {  	v56 =	vor.u32 s21, v0;
	v36 =	vld.idx.msk [tilespmem:v55+s3+$0x0], $0xffff  }
0x1c0: {  	v37 =	vand.u32 v35, v56;
	_ =	sdelay $0x2  }
0x1c1: {  	s1 =	sor.u32 s25, s20  }
0x1c2: {  	[tilespmem:s1+$0x0] =	vst v36  }
0x1c3: {  	v36 =	vld.idx.msk [tilespmem:v37+s3+$0x0], $0xffff  }
0x1c4: {  	v57 =	vor.u32 s21, v2  }
0x1c5: {  	s18 =	rddreg [dreg:$0x14]  }
0x1c6: {  	s18 =	sand.u32 $0x70, s18  }
0x1c7: {  	s24 =	sor.u32 s18, s14  }
0x1c8: {  	[tilespmem:s24+$0x0] =	vst v36  }
0x1c9: {  	v36 =	vld.idx.msk [tilespmem:v57+s3+$0x0], $0xffff  }
0x1ca: {  	v58 =	vor.u32 s21, v3;
	_ =	sdelay $0x3  }
0x1cb: {  	[tilespmem:s24+$0x80] =	vst v36  }
0x1cc: {  	v36 =	vld.idx.msk [tilespmem:v58+s3+$0x0], $0xffff  }
0x1cd: {  	v59 =	vor.u32 s21, v4;
	_ =	sdelay $0x3  }
0x1ce: {  	[tilespmem:s24+$0x100] =	vst v36  }
0x1cf: {  	v36 =	vld.idx.msk [tilespmem:v59+s3+$0x0], $0xffff  }
0x1d0: {  	v60 =	vor.u32 s21, v5;
	_ =	sdelay $0x3  }
0x1d1: {  	[tilespmem:s24+$0x180] =	vst v36  }
0x1d2: {  	v36 =	vld.idx.msk [tilespmem:v60+s3+$0x0], $0xffff  }
0x1d3: {  	v61 =	vor.u32 s21, v6  }
0x1d4: {  	s26 =	rddreg [dreg:$0x16]  }
0x1d5: {  	s14 =	sadd.s32 $0x30, s26  }
0x1d6: {  	s24 =	sor.u32 $0x200, s14  }
0x1d7: {  	[tilespmem:s24+$0x8000] =	vst v36  }
0x1d8: {  	v36 =	vld.idx.msk [tilespmem:v61+s3+$0x0], $0xffff  }
0x1d9: {  	v62 =	vor.u32 s21, v7;
	_ =	sdelay $0x2  }
0x1da: {  	s1 =	sor.u32 $0x280, s14  }
0x1db: {  	[tilespmem:s1+$0x8000] =	vst v36  }
0x1dc: {  	v36 =	vld.idx.msk [tilespmem:v62+s3+$0x0], $0xffff  }
0x1dd: {  	v63 =	vor.u32 s21, v8;
	_ =	sdelay $0x2  }
0x1de: {  	s25 =	sor.u32 $0x300, s14  }
0x1df: {  	[tilespmem:s25+$0x8000] =	vst v36  }
0x1e0: {  	v36 =	vld.idx.msk [tilespmem:v63+s3+$0x0], $0xffff  }
0x1e1: {  	v40 =	vor.u32 s21, v9  }
0x1e2: {  	s14 =	rddreg [dreg:$0x14]  }
0x1e3: {  	s24 =	sor.u32 s14, s23  }
0x1e4: {  	s25 =	sor.u32 $0x380, s24  }
0x1e5: {  	[tilespmem:s25+$0x8000] =	vst v36  }
0x1e6: {  	v36 =	vld.idx.msk [tilespmem:v40+s3+$0x0], $0xffff  }
0x1e7: {  	v41 =	vor.u32 s21, v10;
	_ =	sdelay $0x2  }
0x1e8: {  	s26 =	sor.u32 s18, s28  }
0x1e9: {  	[tilespmem:s26+$0x0] =	vst v36  }
0x1ea: {  	v36 =	vld.idx.msk [tilespmem:v41+s3+$0x0], $0xffff  }
0x1eb: {  	v42 =	vor.u32 s21, v11;
	_ =	sdelay $0x2  }
0x1ec: {  	s28 =	sor.u32 s18, s30  }
0x1ed: {  	[tilespmem:s28+$0x0] =	vst v36  }
0x1ee: {  	v36 =	vld.idx.msk [tilespmem:v42+s3+$0x0], $0xffff  }
0x1ef: {  	v43 =	vor.u32 s21, v12;
	_ =	sdelay $0x2  }
0x1f0: {  	s30 =	sor.u32 s18, s29  }
0x1f1: {  	[tilespmem:s30+$0x0] =	vst v36  }
0x1f2: {  	v36 =	vld.idx.msk [tilespmem:v43+s3+$0x0], $0xffff  }
0x1f3: {  	v44 =	vor.u32 s21, v13;
	_ =	sdelay $0x2  }
0x1f4: {  	s1 =	sor.u32 s18, s31  }
0x1f5: {  	[tilespmem:s1+$0x0] =	vst v36  }
0x1f6: {  	v36 =	vld.idx.msk [tilespmem:v44+s3+$0x0], $0xffff  }
0x1f7: {  	v45 =	vor.u32 s21, v14;
	_ =	sdelay $0x2  }
0x1f8: {  	s4 =	sor.u32 s18, s4  }
0x1f9: {  	[tilespmem:s4+$0x0] =	vst v36  }
0x1fa: {  	v36 =	vld.idx.msk [tilespmem:v45+s3+$0x0], $0xffff  }
0x1fb: {  	v46 =	vor.u32 s21, v15;
	_ =	sdelay $0x2  }
0x1fc: {  	s14 =	sor.u32 s18, s13  }
0x1fd: {  	[tilespmem:s14+$0x0] =	vst v36  }
0x1fe: {  	v36 =	vld.idx.msk [tilespmem:v46+s3+$0x0], $0xffff  }
0x1ff: {  	v47 =	vor.u32 s21, v16;
	_ =	sdelay $0x1  }
0x200: {  	s24 =	rddreg [dreg:$0x1c]  }
0x201: {  	s25 =	sor.u32 s18, s24  }
0x202: {  	[tilespmem:s25+$0x0] =	vst v36  }
0x203: {  	v36 =	vld.idx.msk [tilespmem:v47+s3+$0x0], $0xffff  }
0x204: {  	v48 =	vor.u32 s21, v17;
	_ =	sdelay $0x2  }
0x205: {  	s26 =	sor.u32 s18, s10  }
0x206: {  	[tilespmem:s26+$0x0] =	vst v36  }
0x207: {  	v36 =	vld.idx.msk [tilespmem:v48+s3+$0x0], $0xffff  }
0x208: {  	v49 =	vor.u32 s21, v18;
	_ =	sdelay $0x2  }
0x209: {  	s28 =	sor.u32 s18, s11  }
0x20a: {  	[tilespmem:s28+$0x0] =	vst v36  }
0x20b: {  	v36 =	vld.idx.msk [tilespmem:v49+s3+$0x0], $0xffff  }
0x20c: {  	v50 =	vor.u32 s21, v19;
	_ =	sdelay $0x2  }
0x20d: {  	s30 =	sor.u32 s18, s8  }
0x20e: {  	[tilespmem:s30+$0x0] =	vst v36  }
0x20f: {  	v36 =	vld.idx.msk [tilespmem:v50+s3+$0x0], $0xffff  }
0x210: {  	v51 =	vor.u32 s21, v20;
	_ =	sdelay $0x2  }
0x211: {  	s31 =	sor.u32 s18, s0  }
0x212: {  	[tilespmem:s31+$0x0] =	vst v36  }
0x213: {  	v36 =	vld.idx.msk [tilespmem:v51+s3+$0x0], $0xffff  }
0x214: {  	v52 =	vor.u32 s21, v21;
	_ =	sdelay $0x2  }
0x215: {  	s0 =	sor.u32 s18, s12  }
0x216: {  	[tilespmem:s0+$0x0] =	vst v36  }
0x217: {  	v36 =	vld.idx.msk [tilespmem:v52+s3+$0x0], $0xffff  }
0x218: {  	v53 =	vor.u32 s21, v22;
	_ =	sdelay $0x2  }
0x219: {  	s5 =	sor.u32 s18, s5  }
0x21a: {  	[tilespmem:s5+$0x0] =	vst v36  }
0x21b: {  	v36 =	vld.idx.msk [tilespmem:v53+s3+$0x0], $0xffff  }
0x21c: {  	v54 =	vor.u32 s21, v23;
	_ =	sdelay $0x2  }
0x21d: {  	s6 =	sor.u32 s18, s6  }
0x21e: {  	[tilespmem:s6+$0x0] =	vst v36  }
0x21f: {  	v36 =	vld.idx.msk [tilespmem:v54+s3+$0x0], $0xffff  }
0x220: {  	v55 =	vor.u32 s21, v24;
	_ =	sdelay $0x2  }
0x221: {  	s7 =	sor.u32 s18, s7  }
0x222: {  	[tilespmem:s7+$0x0] =	vst v36  }
0x223: {  	v36 =	vld.idx.msk [tilespmem:v55+s3+$0x0], $0xffff  }
0x224: {  	v56 =	vor.u32 s21, v25;
	_ =	sdelay $0x2  }
0x225: {  	s8 =	sor.u32 s18, s22  }
0x226: {  	[tilespmem:s8+$0x0] =	vst v36  }
0x227: {  	v36 =	vld.idx.msk [tilespmem:v56+s3+$0x0], $0xffff  }
0x228: {  	v57 =	vor.u32 s21, v26;
	_ =	sdelay $0x2  }
0x229: {  	s10 =	sor.u32 s18, s2  }
0x22a: {  	[tilespmem:s10+$0x0] =	vst v36  }
0x22b: {  	v36 =	vld.idx.msk [tilespmem:v57+s3+$0x0], $0xffff  }
0x22c: {  	v58 =	vor.u32 s21, v27;
	s13 =	sld [smem:$0x7FD];
	_ =	sdelay $0x2  }
0x22d: {  	s14 =	sor.u32 s18, s13  }
0x22e: {  	[tilespmem:s14+$0x0] =	vst v36  }
0x22f: {  	v36 =	vld.idx.msk [tilespmem:v58+s3+$0x0], $0xffff  }
0x230: {  	v59 =	vor.u32 s21, v28;
	_ =	sdelay $0x2  }
0x231: {  	s22 =	sor.u32 s18, s9  }
0x232: {  	[tilespmem:s22+$0x0] =	vst v36  }
0x233: {  	v36 =	vld.idx.msk [tilespmem:v59+s3+$0x0], $0xffff  }
0x234: {  	v60 =	vor.u32 s21, v29;
	_ =	sdelay $0x2  }
0x235: {  	s24 =	sor.u32 s18, s15  }
0x236: {  	[tilespmem:s24+$0x0] =	vst v36  }
0x237: {  	v36 =	vld.idx.msk [tilespmem:v60+s3+$0x0], $0xffff  }
0x238: {  	v61 =	vor.u32 s21, v30;
	_ =	sdelay $0x2  }
0x239: {  	s25 =	sor.u32 s18, s16  }
0x23a: {  	[tilespmem:s25+$0x0] =	vst v36  }
0x23b: {  	v36 =	vld.idx.msk [tilespmem:v61+s3+$0x0], $0xffff  }
0x23c: {  	v62 =	vor.u32 s21, v31;
	_ =	sdelay $0x2  }
0x23d: {  	s26 =	sor.u32 s18, s17  }
0x23e: {  	[tilespmem:s26+$0x0] =	vst v36  }
0x23f: {  	v36 =	vld.idx.msk [tilespmem:v62+s3+$0x0], $0xffff  }
0x240: {  	v63 =	vor.u32 s21, v32;
	_ =	sdelay $0x2  }
0x241: {  	s28 =	sor.u32 s18, s19;
	s30 =	rddreg [dreg:$0xe]  }
0x242: {  	s1 =	sadd.s32 $0x4, s30;
	[tilespmem:s28+$0x0] =	vst v36  }
0x243: {  	p1 =	slt.u32 s1, $0x3C;
	v36 =	vld.idx.msk [tilespmem:v63+s3+$0x0], $0xffff  }
.Ltmp0:
0x244: {  	_ = 	snop;
	(pc) =	sbr.rel @p1 .LBB2_3-.Ltmp0, $4  }
0x245: {  	s29 =	rddreg [dreg:$0xf]  }
0x246: {  	p0 =	por !p0, !p0;
	s29 =	sadd.s32 $0x4, s29;
	s11 =	rddreg [dreg:$0x14]  }
0x247: {  	s23 =	sadd.s32 $0x200, s23;
	s4 =	rddreg [dreg:$0x12];
	s31 =	sor.u32 s18, s20  }
0x248: {  	s21 =	sadd.s32 $0x800, s21;
	s2 =	sadd.s32 $0x40, s11;
	s12 =	sadd.s32 $0x2, s4;
	[tilespmem:s31+$0x0] =	vst v36  }
0x249: {  	s0 =	rddreg [dreg:$0xd]  }
0x24a: {  	s1 =	rddreg [dreg:$0xb]  }
0x24b: {  	s26 =	rddreg [dreg:$0x1];
	s28 =	simm.s32 $0x2000;
	s0 =	sand.u32 $0x1FFF0000, s0  }
0x24c: {  	s2 =	simm.s32 $0x20000;
	s4 =	simm.s32 $0x8000;
	s1 =	sor.u32 s1, s0  }
0x24d: {  	s29 =	simm.s32 $0x1;
	[dreg:$0xc] =	wrdreg s1;
	s0 =	sadd.s32 s26, s1  }
0x24e: {  	[hbm4b:s0+s28] =	stream.strided.scatter [tilespmem:s4], [sflag:$0x1], $0x8000, s2, s28, $0x38;
	[tilespmem:$0x10000] =	vst v63  }
0x24f: {  	_ =	swait.ge [sflag:s29], $0x8000  }
0x250: {  	s30 =	rddreg [dreg:$0x5]  }
0x251: {  	[sflag:s29] =	ssyncset.done $0x0;
	s31 =	rddreg [dreg:$0xa]  }
0x252: {  	s12 =	simm.s32 $0x0;
	[sflag:s29] =	ssyncadd.s32 $0xFFFF8000;
	s0 =	sadd.s32 s30, s31  }
0x253: {  	[tilespmem:s12], [sflag:$0x1] =	stream.linear.gather [hbm4b:s0+s12], $0x8000, $0x38;
	[tilespmem:$0x10000] =	vst v63  }
0x254: {  	s19 =	simm.s32 $0x600;
	p0 =	por $0x0, $0x0;
	_ =	swait.ge [sflag:s29], $0x8000  }
0x255: {  	s21 =	simm.s32 $0x0;
	s1 =	simm.s32 $0xFFFFFFFC;
	[sflag:s29] =	ssyncset.done $0x0  }
0x256: {  	s26 =	simm.s32 $0x0;
	s2 =	simm.s32 $0x30;
	[sflag:s29] =	ssyncadd.s32 $0xFFFF8000  }
.LBB2_5:
0x257: {  	s14 =	sadd.s32 $0xFFFFFA00, s19  }
0x258: {  	v36 =	vor.u32 s14, v0  }
0x259: {  	v36 =	vand.u32 v1, v36;
	_ =	sdelay $0x4  }
0x25a: {  	v36 =	vld.idx.msk [tilespmem:v36+s3+$0x0], $0xffff  }
0x25b: {  	v37 =	vor.u32 s14, v2  }
0x25c: {  	s7 =	sadd.s32 $0xFFFFFFD0, s2;
	s0 =	sand.u32 $0x1C00, s21  }
0x25d: {  	s15 =	sand.u32 $0x40, s7;
	s25 =	sor.u32 $0x8000, s0  }
0x25e: {  	s8 =	sor.u32 s15, s25  }
0x25f: {  	[tilespmem:s8+$0x0] =	vst v36  }
0x260: {  	v36 =	vld.idx.msk [tilespmem:v37+s3+$0x0], $0xffff  }
0x261: {  	v58 =	vor.u32 s14, v3;
	_ =	sdelay $0x3  }
0x262: {  	[tilespmem:s8+$0x80] =	vst v36  }
0x263: {  	v36 =	vld.idx.msk [tilespmem:v58+s3+$0x0], $0xffff  }
0x264: {  	v59 =	vor.u32 s14, v4;
	_ =	sdelay $0x3  }
0x265: {  	[tilespmem:s8+$0x100] =	vst v36  }
0x266: {  	v36 =	vld.idx.msk [tilespmem:v59+s3+$0x0], $0xffff  }
0x267: {  	v60 =	vor.u32 s14, v5;
	_ =	sdelay $0x3  }
0x268: {  	[tilespmem:s8+$0x180] =	vst v36  }
0x269: {  	[dreg:$0x15] =	wrdreg s2;
	s2 =	simm.s32 $0x1;
	v36 =	vld.idx.msk [tilespmem:v60+s3+$0x0], $0xffff  }
0x26a: {  	s2 =	simm.s32 @!p0 $0x0;
	v61 =	vor.u32 s14, v6  }
0x26b: {  	s2 =	sshll.u32 s2, $0x6  }
0x26c: {  	s2 =	sadd.s32 s2, s21  }
0x26d: {  	s4 =	sor.u32 $0x200, s2  }
0x26e: {  	[tilespmem:s4+$0x8000] =	vst v36  }
0x26f: {  	v36 =	vld.idx.msk [tilespmem:v61+s3+$0x0], $0xffff  }
0x270: {  	v62 =	vor.u32 s14, v7;
	_ =	sdelay $0x2  }
0x271: {  	s9 =	sor.u32 $0x280, s2  }
0x272: {  	[tilespmem:s9+$0x8000] =	vst v36  }
0x273: {  	v36 =	vld.idx.msk [tilespmem:v62+s3+$0x0], $0xffff  }
0x274: {  	v63 =	vor.u32 s14, v8;
	_ =	sdelay $0x2  }
0x275: {  	s2 =	sor.u32 $0x300, s2  }
0x276: {  	[tilespmem:s2+$0x8000] =	vst v36  }
0x277: {  	v36 =	vld.idx.msk [tilespmem:v63+s3+$0x0], $0xffff  }
0x278: {  	v40 =	vor.u32 s14, v9;
	_ =	sdelay $0x1  }
0x279: {  	[dreg:$0x10] =	wrdreg s1;
	s1 =	sor.u32 s7, s21  }
0x27a: {  	s1 =	sor.u32 $0x380, s1  }
0x27b: {  	[tilespmem:s1+$0x8000] =	vst v36  }
0x27c: {  	v36 =	vld.idx.msk [tilespmem:v40+s3+$0x0], $0xffff  }
0x27d: {  	v41 =	vor.u32 s14, v10;
	_ =	sdelay $0x1  }
0x27e: {  	s29 =	sor.u32 $0xA000, s0  }
0x27f: {  	s10 =	sor.u32 s15, s29  }
0x280: {  	[tilespmem:s10+$0x0] =	vst v36  }
0x281: {  	v36 =	vld.idx.msk [tilespmem:v41+s3+$0x0], $0xffff  }
0x282: {  	v42 =	vor.u32 s14, v11;
	_ =	sdelay $0x1  }
0x283: {  	s4 =	sor.u32 $0xA080, s0  }
0x284: {  	s11 =	sor.u32 s15, s4  }
0x285: {  	[tilespmem:s11+$0x0] =	vst v36  }
0x286: {  	v36 =	vld.idx.msk [tilespmem:v42+s3+$0x0], $0xffff  }
0x287: {  	v43 =	vor.u32 s14, v12;
	_ =	sdelay $0x1  }
0x288: {  	s17 =	sor.u32 $0xA100, s0  }
0x289: {  	s13 =	sor.u32 s15, s17  }
0x28a: {  	[tilespmem:s13+$0x0] =	vst v36  }
0x28b: {  	v36 =	vld.idx.msk [tilespmem:v43+s3+$0x0], $0xffff  }
0x28c: {  	v44 =	vor.u32 s14, v13;
	_ =	sdelay $0x1  }
0x28d: {  	s16 =	sor.u32 $0xA180, s0  }
0x28e: {  	s1 =	sor.u32 s15, s16  }
0x28f: {  	[tilespmem:s1+$0x0] =	vst v36  }
0x290: {  	v36 =	vld.idx.msk [tilespmem:v44+s3+$0x0], $0xffff  }
0x291: {  	v45 =	vor.u32 s14, v14;
	_ =	sdelay $0x1  }
0x292: {  	s18 =	sor.u32 $0xA200, s0  }
0x293: {  	s1 =	sor.u32 s15, s18  }
0x294: {  	[tilespmem:s1+$0x0] =	vst v36  }
0x295: {  	v36 =	vld.idx.msk [tilespmem:v45+s3+$0x0], $0xffff  }
0x296: {  	v46 =	vor.u32 s14, v15;
	_ =	sdelay $0x1  }
0x297: {  	s13 =	sor.u32 $0xA280, s0  }
0x298: {  	s20 =	sor.u32 s15, s13  }
0x299: {  	[tilespmem:s20+$0x0] =	vst v36  }
0x29a: {  	v36 =	vld.idx.msk [tilespmem:v46+s3+$0x0], $0xffff  }
0x29b: {  	v47 =	vor.u32 s14, v16;
	_ =	sdelay $0x1  }
0x29c: {  	s22 =	sor.u32 $0xA300, s0  }
0x29d: {  	s1 =	sor.u32 s15, s22  }
0x29e: {  	[tilespmem:s1+$0x0] =	vst v36  }
0x29f: {  	v36 =	vld.idx.msk [tilespmem:v47+s3+$0x0], $0xffff  }
0x2a0: {  	v48 =	vor.u32 s14, v17;
	_ =	sdelay $0x1  }
0x2a1: {  	s10 =	sor.u32 $0xA380, s0  }
0x2a2: {  	s23 =	sor.u32 s15, s10  }
0x2a3: {  	[tilespmem:s23+$0x0] =	vst v36  }
0x2a4: {  	v36 =	vld.idx.msk [tilespmem:v48+s3+$0x0], $0xffff  }
0x2a5: {  	v49 =	vor.u32 s14, v18;
	_ =	sdelay $0x1  }
0x2a6: {  	s11 =	sor.u32 $0xC000, s0  }
0x2a7: {  	s24 =	sor.u32 s15, s11  }
0x2a8: {  	[tilespmem:s24+$0x0] =	vst v36  }
0x2a9: {  	v36 =	vld.idx.msk [tilespmem:v49+s3+$0x0], $0xffff  }
0x2aa: {  	v50 =	vor.u32 s14, v19;
	_ =	sdelay $0x1  }
0x2ab: {  	s8 =	sor.u32 $0xC080, s0  }
0x2ac: {  	s28 =	sor.u32 s15, s8  }
0x2ad: {  	[tilespmem:s28+$0x0] =	vst v36  }
0x2ae: {  	v36 =	vld.idx.msk [tilespmem:v50+s3+$0x0], $0xffff  }
0x2af: {  	v51 =	vor.u32 s14, v20;
	_ =	sdelay $0x1  }
0x2b0: {  	[dreg:$0x1b] =	wrdreg s18;
	s18 =	sor.u32 $0xC100, s0  }
0x2b1: {  	s30 =	sor.u32 s15, s18  }
0x2b2: {  	[tilespmem:s30+$0x0] =	vst v36  }
0x2b3: {  	v36 =	vld.idx.msk [tilespmem:v51+s3+$0x0], $0xffff  }
0x2b4: {  	v52 =	vor.u32 s14, v21;
	_ =	sdelay $0x1  }
0x2b5: {  	s1 =	sor.u32 $0xC180, s0  }
0x2b6: {  	s5 =	sor.u32 s15, s1  }
0x2b7: {  	[tilespmem:s5+$0x0] =	vst v36  }
0x2b8: {  	v36 =	vld.idx.msk [tilespmem:v52+s3+$0x0], $0xffff  }
0x2b9: {  	v53 =	vor.u32 s14, v22;
	_ =	sdelay $0x1  }
0x2ba: {  	s5 =	sor.u32 $0xC200, s0  }
0x2bb: {  	s6 =	sor.u32 s15, s5  }
0x2bc: {  	[tilespmem:s6+$0x0] =	vst v36  }
0x2bd: {  	v36 =	vld.idx.msk [tilespmem:v53+s3+$0x0], $0xffff  }
0x2be: {  	v54 =	vor.u32 s14, v23;
	_ =	sdelay $0x1  }
0x2bf: {  	s6 =	sor.u32 $0xC280, s0  }
0x2c0: {  	s7 =	sor.u32 s15, s6  }
0x2c1: {  	[tilespmem:s7+$0x0] =	vst v36  }
0x2c2: {  	v36 =	vld.idx.msk [tilespmem:v54+s3+$0x0], $0xffff  }
0x2c3: {  	v55 =	vor.u32 s14, v24;
	_ =	sdelay $0x1  }
0x2c4: {  	s7 =	sor.u32 $0xC300, s0  }
0x2c5: {  	s9 =	sor.u32 s15, s7  }
0x2c6: {  	[tilespmem:s9+$0x0] =	vst v36  }
0x2c7: {  	v36 =	vld.idx.msk [tilespmem:v55+s3+$0x0], $0xffff  }
0x2c8: {  	v56 =	vor.u32 s14, v25;
	_ =	sdelay $0x1  }
0x2c9: {  	s30 =	sor.u32 $0xC380, s0  }
0x2ca: {  	s31 =	sor.u32 s15, s30  }
0x2cb: {  	[tilespmem:s31+$0x0] =	vst v36  }
0x2cc: {  	v36 =	vld.idx.msk [tilespmem:v56+s3+$0x0], $0xffff  }
0x2cd: {  	v57 =	vor.u32 s14, v26;
	_ =	sdelay $0x1  }
0x2ce: {  	s31 =	sor.u32 $0xE000, s0  }
0x2cf: {  	s2 =	sor.u32 s15, s31  }
0x2d0: {  	[tilespmem:s2+$0x0] =	vst v36  }
0x2d1: {  	v36 =	vld.idx.msk [tilespmem:v57+s3+$0x0], $0xffff  }
0x2d2: {  	v58 =	vor.u32 s14, v27;
	_ =	sdelay $0x1  }
0x2d3: {  	s20 =	sor.u32 $0xE080, s0  }
0x2d4: {  	[dreg:$0x19] =	wrdreg s16;
	s16 =	sor.u32 s15, s20  }
0x2d5: {  	[tilespmem:s16+$0x0] =	vst v36  }
0x2d6: {  	v36 =	vld.idx.msk [tilespmem:v58+s3+$0x0], $0xffff  }
0x2d7: {  	v59 =	vor.u32 s14, v28;
	_ =	sdelay $0x1  }
0x2d8: {  	s2 =	sor.u32 $0xE100, s0  }
0x2d9: {  	s16 =	sor.u32 s15, s2  }
0x2da: {  	[tilespmem:s16+$0x0] =	vst v36  }
0x2db: {  	v36 =	vld.idx.msk [tilespmem:v59+s3+$0x0], $0xffff  }
0x2dc: {  	v60 =	vor.u32 s14, v29;
	_ =	sdelay $0x1  }
0x2dd: {  	s9 =	sor.u32 $0xE180, s0  }
0x2de: {  	[dreg:$0x1d] =	wrdreg s22;
	s22 =	sor.u32 s15, s9  }
0x2df: {  	[tilespmem:s22+$0x0] =	vst v36  }
0x2e0: {  	v36 =	vld.idx.msk [tilespmem:v60+s3+$0x0], $0xffff  }
0x2e1: {  	v61 =	vor.u32 s14, v30;
	_ =	sdelay $0x1  }
0x2e2: {  	s22 =	sor.u32 $0xE200, s0  }
0x2e3: {  	s23 =	sor.u32 s15, s22  }
0x2e4: {  	[tilespmem:s23+$0x0] =	vst v36  }
0x2e5: {  	v36 =	vld.idx.msk [tilespmem:v61+s3+$0x0], $0xffff  }
0x2e6: {  	v62 =	vor.u32 s14, v31;
	_ =	sdelay $0x1  }
0x2e7: {  	s16 =	sor.u32 $0xE280, s0  }
0x2e8: {  	s23 =	sor.u32 s15, s16  }
0x2e9: {  	[tilespmem:s23+$0x0] =	vst v36  }
0x2ea: {  	v36 =	vld.idx.msk [tilespmem:v62+s3+$0x0], $0xffff  }
0x2eb: {  	v63 =	vor.u32 s14, v32;
	_ =	sdelay $0x1  }
0x2ec: {  	s14 =	sor.u32 $0xE300, s0  }
0x2ed: {  	s24 =	sor.u32 s15, s14  }
0x2ee: {  	s23 =	sadd.s32 $0xFFFFFC00, s19;
	[tilespmem:s24+$0x0] =	vst v36  }
0x2ef: {  	v40 =	vor.u32 s23, v0;
	v36 =	vld.idx.msk [tilespmem:v63+s3+$0x0], $0xffff  }
0x2f0: {  	v37 =	vand.u32 v33, v40;
	_ =	sdelay $0x1  }
0x2f1: {  	s0 =	sor.u32 $0xE380, s0  }
0x2f2: {  	s15 =	sor.u32 s15, s0  }
0x2f3: {  	[tilespmem:s15+$0x0] =	vst v36  }
0x2f4: {  	v36 =	vld.idx.msk [tilespmem:v37+s3+$0x0], $0xffff  }
0x2f5: {  	s28 =	rddreg [dreg:$0x15];
	v41 =	vor.u32 s23, v2  }
0x2f6: {  	s15 =	sadd.s32 $0xFFFFFFE0, s28  }
0x2f7: {  	s24 =	sand.u32 $0x50, s15  }
0x2f8: {  	[smem:$0x7F4] =	sst s25;
	s25 =	sor.u32 s24, s25  }
0x2f9: {  	[tilespmem:s25+$0x0] =	vst v36  }
0x2fa: {  	v36 =	vld.idx.msk [tilespmem:v41+s3+$0x0], $0xffff  }
0x2fb: {  	v42 =	vor.u32 s23, v3;
	_ =	sdelay $0x3  }
0x2fc: {  	[tilespmem:s25+$0x80] =	vst v36  }
0x2fd: {  	v36 =	vld.idx.msk [tilespmem:v42+s3+$0x0], $0xffff  }
0x2fe: {  	v43 =	vor.u32 s23, v4;
	_ =	sdelay $0x3  }
0x2ff: {  	[tilespmem:s25+$0x100] =	vst v36  }
0x300: {  	v36 =	vld.idx.msk [tilespmem:v43+s3+$0x0], $0xffff  }
0x301: {  	v44 =	vor.u32 s23, v5;
	_ =	sdelay $0x3  }
0x302: {  	[tilespmem:s25+$0x180] =	vst v36  }
0x303: {  	[smem:$0x7F3] =	sst s0;
	s0 =	sand.u32 $0x7, s26;
	v36 =	vld.idx.msk [tilespmem:v44+s3+$0x0], $0xffff  }
0x304: {  	v45 =	vor.u32 s23, v6;
	s25 =	sshll.u32 s0, $0x4  }
0x305: {  	s25 =	sadd.s32 s21, s25  }
0x306: {  	[dreg:$0x17] =	wrdreg s25;
	s25 =	sadd.s32 $0x10, s25  }
0x307: {  	s28 =	sor.u32 $0x200, s25  }
0x308: {  	[tilespmem:s28+$0x8000] =	vst v36  }
0x309: {  	v36 =	vld.idx.msk [tilespmem:v45+s3+$0x0], $0xffff  }
0x30a: {  	v46 =	vor.u32 s23, v7;
	_ =	sdelay $0x2  }
0x30b: {  	[dreg:$0x11] =	wrdreg s26;
	s26 =	sor.u32 $0x280, s25  }
0x30c: {  	[tilespmem:s26+$0x8000] =	vst v36  }
0x30d: {  	v36 =	vld.idx.msk [tilespmem:v46+s3+$0x0], $0xffff  }
0x30e: {  	v47 =	vor.u32 s23, v8;
	_ =	sdelay $0x2  }
0x30f: {  	s25 =	sor.u32 $0x300, s25  }
0x310: {  	[tilespmem:s25+$0x8000] =	vst v36  }
0x311: {  	v36 =	vld.idx.msk [tilespmem:v47+s3+$0x0], $0xffff  }
0x312: {  	v48 =	vor.u32 s23, v9;
	_ =	sdelay $0x1  }
0x313: {  	s15 =	sor.u32 s15, s21  }
0x314: {  	s15 =	sor.u32 $0x380, s15  }
0x315: {  	[tilespmem:s15+$0x8000] =	vst v36  }
0x316: {  	v36 =	vld.idx.msk [tilespmem:v48+s3+$0x0], $0xffff  }
0x317: {  	v49 =	vor.u32 s23, v10;
	_ =	sdelay $0x2  }
0x318: {  	s0 =	sor.u32 s24, s29  }
0x319: {  	[tilespmem:s0+$0x0] =	vst v36  }
0x31a: {  	v36 =	vld.idx.msk [tilespmem:v49+s3+$0x0], $0xffff  }
0x31b: {  	v50 =	vor.u32 s23, v11;
	_ =	sdelay $0x2  }
0x31c: {  	[smem:$0x7F6] =	sst s4;
	s4 =	sor.u32 s24, s4  }
0x31d: {  	[tilespmem:s4+$0x0] =	vst v36  }
0x31e: {  	v36 =	vld.idx.msk [tilespmem:v50+s3+$0x0], $0xffff  }
0x31f: {  	v51 =	vor.u32 s23, v12;
	_ =	sdelay $0x2  }
0x320: {  	s26 =	smov.u32 s17;
	s17 =	sor.u32 s24, s17  }
0x321: {  	[tilespmem:s17+$0x0] =	vst v36  }
0x322: {  	v36 =	vld.idx.msk [tilespmem:v51+s3+$0x0], $0xffff  }
0x323: {  	v52 =	vor.u32 s23, v13  }
0x324: {  	[smem:$0x7F5] =	sst s29  }
0x325: {  	s29 =	rddreg [dreg:$0x19]  }
0x326: {  	s25 =	sor.u32 s24, s29  }
0x327: {  	[tilespmem:s25+$0x0] =	vst v36  }
0x328: {  	v36 =	vld.idx.msk [tilespmem:v52+s3+$0x0], $0xffff  }
0x329: {  	v53 =	vor.u32 s23, v14;
	_ =	sdelay $0x1  }
0x32a: {  	s4 =	rddreg [dreg:$0x1b]  }
0x32b: {  	s28 =	sor.u32 s24, s4  }
0x32c: {  	[tilespmem:s28+$0x0] =	vst v36  }
0x32d: {  	v36 =	vld.idx.msk [tilespmem:v53+s3+$0x0], $0xffff  }
0x32e: {  	v54 =	vor.u32 s23, v15;
	_ =	sdelay $0x2  }
0x32f: {  	s0 =	sor.u32 s24, s13  }
0x330: {  	[tilespmem:s0+$0x0] =	vst v36  }
0x331: {  	v36 =	vld.idx.msk [tilespmem:v54+s3+$0x0], $0xffff  }
0x332: {  	v55 =	vor.u32 s23, v16;
	_ =	sdelay $0x1  }
0x333: {  	s0 =	rddreg [dreg:$0x1d]  }
0x334: {  	s17 =	sor.u32 s24, s0  }
0x335: {  	[tilespmem:s17+$0x0] =	vst v36  }
0x336: {  	v36 =	vld.idx.msk [tilespmem:v55+s3+$0x0], $0xffff  }
0x337: {  	v56 =	vor.u32 s23, v17;
	_ =	sdelay $0x2  }
0x338: {  	s25 =	sor.u32 s24, s10  }
0x339: {  	[tilespmem:s25+$0x0] =	vst v36  }
0x33a: {  	v36 =	vld.idx.msk [tilespmem:v56+s3+$0x0], $0xffff  }
0x33b: {  	v57 =	vor.u32 s23, v18;
	_ =	sdelay $0x2  }
0x33c: {  	s28 =	sor.u32 s24, s11  }
0x33d: {  	[tilespmem:s28+$0x0] =	vst v36  }
0x33e: {  	v36 =	vld.idx.msk [tilespmem:v57+s3+$0x0], $0xffff  }
0x33f: {  	v58 =	vor.u32 s23, v19;
	_ =	sdelay $0x2  }
0x340: {  	s17 =	sor.u32 s24, s8  }
0x341: {  	[tilespmem:s17+$0x0] =	vst v36  }
0x342: {  	v36 =	vld.idx.msk [tilespmem:v58+s3+$0x0], $0xffff  }
0x343: {  	v59 =	vor.u32 s23, v20;
	_ =	sdelay $0x2  }
0x344: {  	s25 =	sor.u32 s24, s18  }
0x345: {  	[tilespmem:s25+$0x0] =	vst v36  }
0x346: {  	v36 =	vld.idx.msk [tilespmem:v59+s3+$0x0], $0xffff  }
0x347: {  	v60 =	vor.u32 s23, v21;
	_ =	sdelay $0x2  }
0x348: {  	s28 =	sor.u32 s24, s1  }
0x349: {  	[tilespmem:s28+$0x0] =	vst v36  }
0x34a: {  	v36 =	vld.idx.msk [tilespmem:v60+s3+$0x0], $0xffff  }
0x34b: {  	v61 =	vor.u32 s23, v22;
	_ =	sdelay $0x2  }
0x34c: {  	s17 =	smov.u32 s18;
	s18 =	sor.u32 s24, s5  }
0x34d: {  	[tilespmem:s18+$0x0] =	vst v36  }
0x34e: {  	v36 =	vld.idx.msk [tilespmem:v61+s3+$0x0], $0xffff  }
0x34f: {  	v62 =	vor.u32 s23, v23;
	_ =	sdelay $0x2  }
0x350: {  	s25 =	sor.u32 s24, s6  }
0x351: {  	[tilespmem:s25+$0x0] =	vst v36  }
0x352: {  	v36 =	vld.idx.msk [tilespmem:v62+s3+$0x0], $0xffff  }
0x353: {  	v63 =	vor.u32 s23, v24;
	_ =	sdelay $0x2  }
0x354: {  	s28 =	sor.u32 s24, s7  }
0x355: {  	[tilespmem:s28+$0x0] =	vst v36  }
0x356: {  	v36 =	vld.idx.msk [tilespmem:v63+s3+$0x0], $0xffff  }
0x357: {  	v40 =	vor.u32 s23, v25;
	_ =	sdelay $0x2  }
0x358: {  	s18 =	sor.u32 s24, s30  }
0x359: {  	[tilespmem:s18+$0x0] =	vst v36  }
0x35a: {  	v36 =	vld.idx.msk [tilespmem:v40+s3+$0x0], $0xffff  }
0x35b: {  	v41 =	vor.u32 s23, v26;
	_ =	sdelay $0x2  }
0x35c: {  	s25 =	sor.u32 s24, s31  }
0x35d: {  	[tilespmem:s25+$0x0] =	vst v36  }
0x35e: {  	v36 =	vld.idx.msk [tilespmem:v41+s3+$0x0], $0xffff  }
0x35f: {  	v42 =	vor.u32 s23, v27;
	_ =	sdelay $0x2  }
0x360: {  	s28 =	sor.u32 s24, s20  }
0x361: {  	[tilespmem:s28+$0x0] =	vst v36  }
0x362: {  	v36 =	vld.idx.msk [tilespmem:v42+s3+$0x0], $0xffff  }
0x363: {  	v43 =	vor.u32 s23, v28;
	_ =	sdelay $0x2  }
0x364: {  	s18 =	sor.u32 s24, s2  }
0x365: {  	[tilespmem:s18+$0x0] =	vst v36  }
0x366: {  	v36 =	vld.idx.msk [tilespmem:v43+s3+$0x0], $0xffff  }
0x367: {  	v44 =	vor.u32 s23, v29;
	_ =	sdelay $0x2  }
0x368: {  	s25 =	sor.u32 s24, s9  }
0x369: {  	[tilespmem:s25+$0x0] =	vst v36  }
0x36a: {  	v36 =	vld.idx.msk [tilespmem:v44+s3+$0x0], $0xffff  }
0x36b: {  	v45 =	vor.u32 s23, v30;
	_ =	sdelay $0x2  }
0x36c: {  	s28 =	sor.u32 s24, s22  }
0x36d: {  	[tilespmem:s28+$0x0] =	vst v36  }
0x36e: {  	v36 =	vld.idx.msk [tilespmem:v45+s3+$0x0], $0xffff  }
0x36f: {  	v46 =	vor.u32 s23, v31;
	_ =	sdelay $0x2  }
0x370: {  	s18 =	sor.u32 s24, s16  }
0x371: {  	[tilespmem:s18+$0x0] =	vst v36  }
0x372: {  	v36 =	vld.idx.msk [tilespmem:v46+s3+$0x0], $0xffff  }
0x373: {  	v47 =	vor.u32 s23, v32;
	_ =	sdelay $0x2  }
0x374: {  	s23 =	sor.u32 s24, s14  }
0x375: {  	s15 =	sadd.s32 $0xFFFFFE00, s19;
	[tilespmem:s23+$0x0] =	vst v36  }
0x376: {  	v48 =	vor.u32 s15, v0;
	v36 =	vld.idx.msk [tilespmem:v47+s3+$0x0], $0xffff  }
0x377: {  	v37 =	vand.u32 v34, v48;
	s18 =	sld [smem:$0x7F3];
	_ =	sdelay $0x2  }
0x378: {  	s24 =	sor.u32 s24, s18  }
0x379: {  	[smem:$0x7F7] =	sst s14;
	[tilespmem:s24+$0x0] =	vst v36  }
0x37a: {  	s14 =	sld [smem:$0x7F4];
	v36 =	vld.idx.msk [tilespmem:v37+s3+$0x0], $0xffff  }
0x37b: {  	v49 =	vor.u32 s15, v2;
	s25 =	rddreg [dreg:$0x15]  }
0x37c: {  	s24 =	sadd.s32 $0xFFFFFFF0, s25  }
0x37d: {  	s23 =	sand.u32 $0x60, s24  }
0x37e: {  	s28 =	sor.u32 s23, s14  }
0x37f: {  	[tilespmem:s28+$0x0] =	vst v36  }
0x380: {  	v36 =	vld.idx.msk [tilespmem:v49+s3+$0x0], $0xffff  }
0x381: {  	v50 =	vor.u32 s15, v3;
	_ =	sdelay $0x3  }
0x382: {  	[tilespmem:s28+$0x80] =	vst v36  }
0x383: {  	v36 =	vld.idx.msk [tilespmem:v50+s3+$0x0], $0xffff  }
0x384: {  	v51 =	vor.u32 s15, v4;
	_ =	sdelay $0x3  }
0x385: {  	[tilespmem:s28+$0x100] =	vst v36  }
0x386: {  	v36 =	vld.idx.msk [tilespmem:v51+s3+$0x0], $0xffff  }
0x387: {  	v52 =	vor.u32 s15, v5;
	_ =	sdelay $0x3  }
0x388: {  	[tilespmem:s28+$0x180] =	vst v36  }
0x389: {  	s28 =	sand.u32 $0x3, s12;
	v36 =	vld.idx.msk [tilespmem:v52+s3+$0x0], $0xffff  }
0x38a: {  	v53 =	vor.u32 s15, v6;
	s25 =	sshll.u32 s28, $0x5  }
0x38b: {  	s25 =	sadd.s32 s21, s25  }
0x38c: {  	s25 =	sadd.s32 $0x20, s25  }
0x38d: {  	[dreg:$0x13] =	wrdreg s12;
	s12 =	sor.u32 $0x200, s25  }
0x38e: {  	[tilespmem:s12+$0x8000] =	vst v36  }
0x38f: {  	v36 =	vld.idx.msk [tilespmem:v53+s3+$0x0], $0xffff  }
0x390: {  	v54 =	vor.u32 s15, v7;
	_ =	sdelay $0x2  }
0x391: {  	s12 =	sor.u32 $0x280, s25  }
0x392: {  	[tilespmem:s12+$0x8000] =	vst v36  }
0x393: {  	v36 =	vld.idx.msk [tilespmem:v54+s3+$0x0], $0xffff  }
0x394: {  	v55 =	vor.u32 s15, v8;
	_ =	sdelay $0x2  }
0x395: {  	s25 =	sor.u32 $0x300, s25  }
0x396: {  	[tilespmem:s25+$0x8000] =	vst v36  }
0x397: {  	v36 =	vld.idx.msk [tilespmem:v55+s3+$0x0], $0xffff  }
0x398: {  	v56 =	vor.u32 s15, v9;
	_ =	sdelay $0x1  }
0x399: {  	s24 =	sor.u32 s24, s21  }
0x39a: {  	s24 =	sor.u32 $0x380, s24  }
0x39b: {  	[tilespmem:s24+$0x8000] =	vst v36  }
0x39c: {  	v36 =	vld.idx.msk [tilespmem:v56+s3+$0x0], $0xffff  }
0x39d: {  	v57 =	vor.u32 s15, v10;
	s25 =	sld [smem:$0x7F5];
	_ =	sdelay $0x2  }
0x39e: {  	s28 =	sor.u32 s23, s25  }
0x39f: {  	[tilespmem:s28+$0x0] =	vst v36  }
0x3a0: {  	v36 =	vld.idx.msk [tilespmem:v57+s3+$0x0], $0xffff  }
0x3a1: {  	v58 =	vor.u32 s15, v11;
	s28 =	sld [smem:$0x7F6];
	_ =	sdelay $0x2  }
0x3a2: {  	s12 =	sor.u32 s23, s28  }
0x3a3: {  	[tilespmem:s12+$0x0] =	vst v36  }
0x3a4: {  	v36 =	vld.idx.msk [tilespmem:v58+s3+$0x0], $0xffff  }
0x3a5: {  	v59 =	vor.u32 s15, v12;
	_ =	sdelay $0x2  }
0x3a6: {  	s12 =	sor.u32 s23, s26  }
0x3a7: {  	[tilespmem:s12+$0x0] =	vst v36  }
0x3a8: {  	v36 =	vld.idx.msk [tilespmem:v59+s3+$0x0], $0xffff  }
0x3a9: {  	v60 =	vor.u32 s15, v13;
	_ =	sdelay $0x2  }
0x3aa: {  	s12 =	sor.u32 s23, s29  }
0x3ab: {  	[tilespmem:s12+$0x0] =	vst v36  }
0x3ac: {  	v36 =	vld.idx.msk [tilespmem:v60+s3+$0x0], $0xffff  }
0x3ad: {  	v61 =	vor.u32 s15, v14;
	_ =	sdelay $0x2  }
0x3ae: {  	s12 =	sor.u32 s23, s4  }
0x3af: {  	[tilespmem:s12+$0x0] =	vst v36  }
0x3b0: {  	v36 =	vld.idx.msk [tilespmem:v61+s3+$0x0], $0xffff  }
0x3b1: {  	v62 =	vor.u32 s15, v15;
	_ =	sdelay $0x2  }
0x3b2: {  	s12 =	sor.u32 s23, s13  }
0x3b3: {  	[tilespmem:s12+$0x0] =	vst v36  }
0x3b4: {  	v36 =	vld.idx.msk [tilespmem:v62+s3+$0x0], $0xffff  }
0x3b5: {  	v63 =	vor.u32 s15, v16;
	_ =	sdelay $0x2  }
0x3b6: {  	s12 =	sor.u32 s23, s0  }
0x3b7: {  	[tilespmem:s12+$0x0] =	vst v36  }
0x3b8: {  	v36 =	vld.idx.msk [tilespmem:v63+s3+$0x0], $0xffff  }
0x3b9: {  	v40 =	vor.u32 s15, v17;
	_ =	sdelay $0x2  }
0x3ba: {  	s0 =	sor.u32 s23, s10  }
0x3bb: {  	[tilespmem:s0+$0x0] =	vst v36  }
0x3bc: {  	v36 =	vld.idx.msk [tilespmem:v40+s3+$0x0], $0xffff  }
0x3bd: {  	v41 =	vor.u32 s15, v18;
	_ =	sdelay $0x2  }
0x3be: {  	s12 =	sor.u32 s23, s11  }
0x3bf: {  	[tilespmem:s12+$0x0] =	vst v36  }
0x3c0: {  	v36 =	vld.idx.msk [tilespmem:v41+s3+$0x0], $0xffff  }
0x3c1: {  	v42 =	vor.u32 s15, v19;
	_ =	sdelay $0x2  }
0x3c2: {  	s0 =	sor.u32 s23, s8  }
0x3c3: {  	[tilespmem:s0+$0x0] =	vst v36  }
0x3c4: {  	v36 =	vld.idx.msk [tilespmem:v42+s3+$0x0], $0xffff  }
0x3c5: {  	v43 =	vor.u32 s15, v20;
	_ =	sdelay $0x2  }
0x3c6: {  	s12 =	sor.u32 s23, s17  }
0x3c7: {  	[tilespmem:s12+$0x0] =	vst v36  }
0x3c8: {  	v36 =	vld.idx.msk [tilespmem:v43+s3+$0x0], $0xffff  }
0x3c9: {  	v44 =	vor.u32 s15, v21;
	_ =	sdelay $0x2  }
0x3ca: {  	s0 =	smov.u32 s17;
	s17 =	sor.u32 s23, s1  }
0x3cb: {  	[tilespmem:s17+$0x0] =	vst v36  }
0x3cc: {  	v36 =	vld.idx.msk [tilespmem:v44+s3+$0x0], $0xffff  }
0x3cd: {  	v45 =	vor.u32 s15, v22;
	_ =	sdelay $0x2  }
0x3ce: {  	s17 =	sor.u32 s23, s5  }
0x3cf: {  	[tilespmem:s17+$0x0] =	vst v36  }
0x3d0: {  	v36 =	vld.idx.msk [tilespmem:v45+s3+$0x0], $0xffff  }
0x3d1: {  	v46 =	vor.u32 s15, v23;
	_ =	sdelay $0x2  }
0x3d2: {  	s12 =	smov.u32 s1;
	s1 =	sor.u32 s23, s6  }
0x3d3: {  	[tilespmem:s1+$0x0] =	vst v36  }
0x3d4: {  	v36 =	vld.idx.msk [tilespmem:v46+s3+$0x0], $0xffff  }
0x3d5: {  	v47 =	vor.u32 s15, v24;
	_ =	sdelay $0x2  }
0x3d6: {  	s17 =	sor.u32 s23, s7  }
0x3d7: {  	[tilespmem:s17+$0x0] =	vst v36  }
0x3d8: {  	v36 =	vld.idx.msk [tilespmem:v47+s3+$0x0], $0xffff  }
0x3d9: {  	v48 =	vor.u32 s15, v25;
	_ =	sdelay $0x2  }
0x3da: {  	s1 =	sor.u32 s23, s30  }
0x3db: {  	[tilespmem:s1+$0x0] =	vst v36  }
0x3dc: {  	v36 =	vld.idx.msk [tilespmem:v48+s3+$0x0], $0xffff  }
0x3dd: {  	v49 =	vor.u32 s15, v26;
	_ =	sdelay $0x2  }
0x3de: {  	s17 =	sor.u32 s23, s31  }
0x3df: {  	[tilespmem:s17+$0x0] =	vst v36  }
0x3e0: {  	v36 =	vld.idx.msk [tilespmem:v49+s3+$0x0], $0xffff  }
0x3e1: {  	v50 =	vor.u32 s15, v27;
	_ =	sdelay $0x2  }
0x3e2: {  	s1 =	sor.u32 s23, s20  }
0x3e3: {  	[tilespmem:s1+$0x0] =	vst v36  }
0x3e4: {  	v36 =	vld.idx.msk [tilespmem:v50+s3+$0x0], $0xffff  }
0x3e5: {  	v51 =	vor.u32 s15, v28;
	_ =	sdelay $0x2  }
0x3e6: {  	s17 =	sor.u32 s23, s2  }
0x3e7: {  	[tilespmem:s17+$0x0] =	vst v36  }
0x3e8: {  	v36 =	vld.idx.msk [tilespmem:v51+s3+$0x0], $0xffff  }
0x3e9: {  	v52 =	vor.u32 s15, v29;
	_ =	sdelay $0x2  }
0x3ea: {  	s1 =	sor.u32 s23, s9  }
0x3eb: {  	[tilespmem:s1+$0x0] =	vst v36  }
0x3ec: {  	v36 =	vld.idx.msk [tilespmem:v52+s3+$0x0], $0xffff  }
0x3ed: {  	v53 =	vor.u32 s15, v30;
	_ =	sdelay $0x2  }
0x3ee: {  	s17 =	sor.u32 s23, s22  }
0x3ef: {  	[tilespmem:s17+$0x0] =	vst v36  }
0x3f0: {  	v36 =	vld.idx.msk [tilespmem:v53+s3+$0x0], $0xffff  }
0x3f1: {  	v54 =	vor.u32 s15, v31;
	_ =	sdelay $0x2  }
0x3f2: {  	[smem:$0x7F8] =	sst s22;
	s22 =	sor.u32 s23, s16  }
0x3f3: {  	[tilespmem:s22+$0x0] =	vst v36  }
0x3f4: {  	v36 =	vld.idx.msk [tilespmem:v54+s3+$0x0], $0xffff  }
0x3f5: {  	v55 =	vor.u32 s15, v32;
	s17 =	sld [smem:$0x7F7];
	_ =	sdelay $0x2  }
0x3f6: {  	s24 =	sor.u32 s23, s17  }
0x3f7: {  	[tilespmem:s24+$0x0] =	vst v36  }
0x3f8: {  	v56 =	vor.u32 s19, v0;
	v36 =	vld.idx.msk [tilespmem:v55+s3+$0x0], $0xffff  }
0x3f9: {  	v37 =	vand.u32 v35, v56;
	_ =	sdelay $0x2  }
0x3fa: {  	s1 =	sor.u32 s23, s18  }
0x3fb: {  	[tilespmem:s1+$0x0] =	vst v36  }
0x3fc: {  	v36 =	vld.idx.msk [tilespmem:v37+s3+$0x0], $0xffff  }
0x3fd: {  	v57 =	vor.u32 s19, v2  }
0x3fe: {  	s15 =	rddreg [dreg:$0x15]  }
0x3ff: {  	s15 =	sand.u32 $0x70, s15  }
0x400: {  	s22 =	sor.u32 s15, s14  }
0x401: {  	[tilespmem:s22+$0x0] =	vst v36  }
0x402: {  	v36 =	vld.idx.msk [tilespmem:v57+s3+$0x0], $0xffff  }
0x403: {  	v58 =	vor.u32 s19, v3;
	_ =	sdelay $0x3  }
0x404: {  	[tilespmem:s22+$0x80] =	vst v36  }
0x405: {  	v36 =	vld.idx.msk [tilespmem:v58+s3+$0x0], $0xffff  }
0x406: {  	v59 =	vor.u32 s19, v4;
	_ =	sdelay $0x3  }
0x407: {  	[tilespmem:s22+$0x100] =	vst v36  }
0x408: {  	v36 =	vld.idx.msk [tilespmem:v59+s3+$0x0], $0xffff  }
0x409: {  	v60 =	vor.u32 s19, v5;
	_ =	sdelay $0x3  }
0x40a: {  	[tilespmem:s22+$0x180] =	vst v36  }
0x40b: {  	v36 =	vld.idx.msk [tilespmem:v60+s3+$0x0], $0xffff  }
0x40c: {  	v61 =	vor.u32 s19, v6  }
0x40d: {  	s24 =	rddreg [dreg:$0x17]  }
0x40e: {  	s14 =	sadd.s32 $0x30, s24  }
0x40f: {  	s22 =	sor.u32 $0x200, s14  }
0x410: {  	[tilespmem:s22+$0x8000] =	vst v36  }
0x411: {  	v36 =	vld.idx.msk [tilespmem:v61+s3+$0x0], $0xffff  }
0x412: {  	v62 =	vor.u32 s19, v7;
	_ =	sdelay $0x2  }
0x413: {  	s1 =	sor.u32 $0x280, s14  }
0x414: {  	[tilespmem:s1+$0x8000] =	vst v36  }
0x415: {  	v36 =	vld.idx.msk [tilespmem:v62+s3+$0x0], $0xffff  }
0x416: {  	v63 =	vor.u32 s19, v8;
	_ =	sdelay $0x2  }
0x417: {  	s23 =	sor.u32 $0x300, s14  }
0x418: {  	[tilespmem:s23+$0x8000] =	vst v36  }
0x419: {  	v36 =	vld.idx.msk [tilespmem:v63+s3+$0x0], $0xffff  }
0x41a: {  	v40 =	vor.u32 s19, v9  }
0x41b: {  	s14 =	rddreg [dreg:$0x15]  }
0x41c: {  	s22 =	sor.u32 s14, s21  }
0x41d: {  	s23 =	sor.u32 $0x380, s22  }
0x41e: {  	[tilespmem:s23+$0x8000] =	vst v36  }
0x41f: {  	v36 =	vld.idx.msk [tilespmem:v40+s3+$0x0], $0xffff  }
0x420: {  	v41 =	vor.u32 s19, v10;
	_ =	sdelay $0x2  }
0x421: {  	s24 =	sor.u32 s15, s25  }
0x422: {  	[tilespmem:s24+$0x0] =	vst v36  }
0x423: {  	v36 =	vld.idx.msk [tilespmem:v41+s3+$0x0], $0xffff  }
0x424: {  	v42 =	vor.u32 s19, v11;
	_ =	sdelay $0x2  }
0x425: {  	s25 =	sor.u32 s15, s28  }
0x426: {  	[tilespmem:s25+$0x0] =	vst v36  }
0x427: {  	v36 =	vld.idx.msk [tilespmem:v42+s3+$0x0], $0xffff  }
0x428: {  	v43 =	vor.u32 s19, v12;
	_ =	sdelay $0x2  }
0x429: {  	s28 =	sor.u32 s15, s26  }
0x42a: {  	[tilespmem:s28+$0x0] =	vst v36  }
0x42b: {  	v36 =	vld.idx.msk [tilespmem:v43+s3+$0x0], $0xffff  }
0x42c: {  	v44 =	vor.u32 s19, v13;
	_ =	sdelay $0x2  }
0x42d: {  	s1 =	sor.u32 s15, s29  }
0x42e: {  	[tilespmem:s1+$0x0] =	vst v36  }
0x42f: {  	v36 =	vld.idx.msk [tilespmem:v44+s3+$0x0], $0xffff  }
0x430: {  	v45 =	vor.u32 s19, v14;
	_ =	sdelay $0x2  }
0x431: {  	s4 =	sor.u32 s15, s4  }
0x432: {  	[tilespmem:s4+$0x0] =	vst v36  }
0x433: {  	v36 =	vld.idx.msk [tilespmem:v45+s3+$0x0], $0xffff  }
0x434: {  	v46 =	vor.u32 s19, v15;
	_ =	sdelay $0x2  }
0x435: {  	s14 =	sor.u32 s15, s13  }
0x436: {  	[tilespmem:s14+$0x0] =	vst v36  }
0x437: {  	v36 =	vld.idx.msk [tilespmem:v46+s3+$0x0], $0xffff  }
0x438: {  	v47 =	vor.u32 s19, v16;
	_ =	sdelay $0x1  }
0x439: {  	s22 =	rddreg [dreg:$0x1d]  }
0x43a: {  	s23 =	sor.u32 s15, s22  }
0x43b: {  	[tilespmem:s23+$0x0] =	vst v36  }
0x43c: {  	v36 =	vld.idx.msk [tilespmem:v47+s3+$0x0], $0xffff  }
0x43d: {  	v48 =	vor.u32 s19, v17;
	_ =	sdelay $0x2  }
0x43e: {  	s24 =	sor.u32 s15, s10  }
0x43f: {  	[tilespmem:s24+$0x0] =	vst v36  }
0x440: {  	v36 =	vld.idx.msk [tilespmem:v48+s3+$0x0], $0xffff  }
0x441: {  	v49 =	vor.u32 s19, v18;
	_ =	sdelay $0x2  }
0x442: {  	s25 =	sor.u32 s15, s11  }
0x443: {  	[tilespmem:s25+$0x0] =	vst v36  }
0x444: {  	v36 =	vld.idx.msk [tilespmem:v49+s3+$0x0], $0xffff  }
0x445: {  	v50 =	vor.u32 s19, v19;
	_ =	sdelay $0x2  }
0x446: {  	s28 =	sor.u32 s15, s8  }
0x447: {  	[tilespmem:s28+$0x0] =	vst v36  }
0x448: {  	v36 =	vld.idx.msk [tilespmem:v50+s3+$0x0], $0xffff  }
0x449: {  	v51 =	vor.u32 s19, v20;
	_ =	sdelay $0x2  }
0x44a: {  	s29 =	sor.u32 s15, s0  }
0x44b: {  	[tilespmem:s29+$0x0] =	vst v36  }
0x44c: {  	v36 =	vld.idx.msk [tilespmem:v51+s3+$0x0], $0xffff  }
0x44d: {  	v52 =	vor.u32 s19, v21;
	_ =	sdelay $0x2  }
0x44e: {  	s0 =	sor.u32 s15, s12  }
0x44f: {  	[tilespmem:s0+$0x0] =	vst v36  }
0x450: {  	v36 =	vld.idx.msk [tilespmem:v52+s3+$0x0], $0xffff  }
0x451: {  	v53 =	vor.u32 s19, v22;
	_ =	sdelay $0x2  }
0x452: {  	s5 =	sor.u32 s15, s5  }
0x453: {  	[tilespmem:s5+$0x0] =	vst v36  }
0x454: {  	v36 =	vld.idx.msk [tilespmem:v53+s3+$0x0], $0xffff  }
0x455: {  	v54 =	vor.u32 s19, v23;
	_ =	sdelay $0x2  }
0x456: {  	s8 =	sor.u32 s15, s6  }
0x457: {  	[tilespmem:s8+$0x0] =	vst v36  }
0x458: {  	v36 =	vld.idx.msk [tilespmem:v54+s3+$0x0], $0xffff  }
0x459: {  	v55 =	vor.u32 s19, v24;
	_ =	sdelay $0x2  }
0x45a: {  	s10 =	sor.u32 s15, s7  }
0x45b: {  	[tilespmem:s10+$0x0] =	vst v36  }
0x45c: {  	v36 =	vld.idx.msk [tilespmem:v55+s3+$0x0], $0xffff  }
0x45d: {  	v56 =	vor.u32 s19, v25;
	_ =	sdelay $0x2  }
0x45e: {  	s11 =	sor.u32 s15, s30  }
0x45f: {  	[tilespmem:s11+$0x0] =	vst v36  }
0x460: {  	v36 =	vld.idx.msk [tilespmem:v56+s3+$0x0], $0xffff  }
0x461: {  	v57 =	vor.u32 s19, v26;
	_ =	sdelay $0x2  }
0x462: {  	s13 =	sor.u32 s15, s31  }
0x463: {  	[tilespmem:s13+$0x0] =	vst v36  }
0x464: {  	v36 =	vld.idx.msk [tilespmem:v57+s3+$0x0], $0xffff  }
0x465: {  	v58 =	vor.u32 s19, v27;
	_ =	sdelay $0x2  }
0x466: {  	s14 =	sor.u32 s15, s20  }
0x467: {  	[tilespmem:s14+$0x0] =	vst v36  }
0x468: {  	v36 =	vld.idx.msk [tilespmem:v58+s3+$0x0], $0xffff  }
0x469: {  	v59 =	vor.u32 s19, v28;
	_ =	sdelay $0x2  }
0x46a: {  	s20 =	sor.u32 s15, s2  }
0x46b: {  	[tilespmem:s20+$0x0] =	vst v36  }
0x46c: {  	v36 =	vld.idx.msk [tilespmem:v59+s3+$0x0], $0xffff  }
0x46d: {  	v60 =	vor.u32 s19, v29;
	_ =	sdelay $0x2  }
0x46e: {  	s23 =	sor.u32 s15, s9  }
0x46f: {  	[tilespmem:s23+$0x0] =	vst v36  }
0x470: {  	v36 =	vld.idx.msk [tilespmem:v60+s3+$0x0], $0xffff  }
0x471: {  	v61 =	vor.u32 s19, v30;
	s24 =	sld [smem:$0x7F8];
	_ =	sdelay $0x2  }
0x472: {  	s25 =	sor.u32 s15, s24  }
0x473: {  	[tilespmem:s25+$0x0] =	vst v36  }
0x474: {  	v36 =	vld.idx.msk [tilespmem:v61+s3+$0x0], $0xffff  }
0x475: {  	v62 =	vor.u32 s19, v31;
	_ =	sdelay $0x2  }
0x476: {  	s28 =	sor.u32 s15, s16  }
0x477: {  	[tilespmem:s28+$0x0] =	vst v36  }
0x478: {  	v36 =	vld.idx.msk [tilespmem:v62+s3+$0x0], $0xffff  }
0x479: {  	v63 =	vor.u32 s19, v32;
	_ =	sdelay $0x2  }
0x47a: {  	s30 =	rddreg [dreg:$0x10];
	s29 =	sor.u32 s15, s17  }
0x47b: {  	s1 =	sadd.s32 $0x4, s30;
	[tilespmem:s29+$0x0] =	vst v36  }
0x47c: {  	p1 =	slt.u32 s1, $0x3C;
	v36 =	vld.idx.msk [tilespmem:v63+s3+$0x0], $0xffff  }
.Ltmp1:
0x47d: {  	_ = 	snop;
	(pc) =	sbr.rel @p1 .LBB2_5-.Ltmp1, $4  }
0x47e: {  	s26 =	rddreg [dreg:$0x11]  }
0x47f: {  	p0 =	por !p0, !p0;
	s26 =	sadd.s32 $0x4, s26;
	s22 =	rddreg [dreg:$0x15]  }
0x480: {  	s31 =	sor.u32 s15, s18;
	s21 =	sadd.s32 $0x200, s21;
	s4 =	rddreg [dreg:$0x13]  }
0x481: {  	s19 =	sadd.s32 $0x800, s19;
	s12 =	sadd.s32 $0x2, s4;
	s2 =	sadd.s32 $0x40, s22;
	[tilespmem:s31+$0x0] =	vst v36  }
0x482: {  	s0 =	rddreg [dreg:$0x2]  }
0x483: {  	s1 =	rddreg [dreg:$0xc];
	s30 =	simm.s32 $0x2000  }
0x484: {  	s2 =	simm.s32 $0x20000;
	s4 =	simm.s32 $0x8000;
	s0 =	sadd.s32 s0, s1  }
0x485: {  	[hbm4b:s0+s30] =	stream.strided.scatter [tilespmem:s4], [sflag:$0x1], $0x8000, s2, s30, $0x38;
	[tilespmem:$0x10000] =	vst v63  }
0x486: {  	s2 =	simm.s32 $0x1  }
0x487: {  	_ =	swait.ge [sflag:s2], $0x8000  }
0x488: {  	s31 =	rddreg [dreg:$0x9]  }
0x489: {  	s1 =	sadd.s32 $0x1, s31  }
0x48a: {  	p0 =	sne.s32 s1, $0x19  }
.Ltmp2:
0x48b: {  	_ = 	snop;
	(pc) =	sbr.rel @p0 .LBB2_2-.Ltmp2, $3  }
0x48c: {  	_ =	sdelay $0x1  }
0x48d: {  	[sflag:s2] =	ssyncset.done $0x0  }
0x48e: {  	[sflag:s2] =	ssyncadd.s32 $0xFFFF8000  }
0x48f: {  	s1 =	rddreg [dreg:$0x8]  }
0x490: {  	s0 =	rddreg [dreg:$0x7];
	s1 =	sadd.s32 $0x1, s1  }
0x491: {  	p0 =	sne.s32 s1, s0  }
.Ltmp3:
0x492: {  	_ = 	snop;
	(pc) =	sbr.rel @p0 .LBB2_1-.Ltmp3, $1  }
0x493: {  	_ =	sdelay $0x3  }
0x494: {  	_ =	sfence.sel $0x180000  }
0x495: {  	[bflag:$0x0] =	sbarrier.arrive $0xFFFF  }
0x496: {  	_ =	strace $0x9000004A  }
0x497: {  	s0 =	stileid.u32;
	[bflag:$0x2] =	sbarrier.arrive $0xFFFF  }
0x498: {  	p0 =	sne.s32 s0, $0x0;
	s0 =	rddreg [dreg:$0x3]  }
0x499: {  	s0 =	sadd.s32 @!p0 $0x100000, s0  }
0x49a: {  	[sflag:s0] =	ssyncadd.tile.s32 @!p0 $0x1;
	_ =	shalt  }
.Lfunc_end2:
_tile_overlayer_lowered:
.L_overlay_start_2:
0x49b: {  	(tag) =	ssettag $0x2  }
0x49c: {  	s0 =	rddreg [dreg:$0x0];
	s2 =	stileid.u32  }
0x49d: {  	s1 =	rddreg [dreg:$0x1];
	p0 =	sne.s32 s2, $0x0  }
0x49e: {  	s3 =	rddreg [dreg:$0x2];
	[bflag:$0x3] =	sbarrier.arrive $0xFFFF;
	s2 =	simm.s32 @!p0 $0x1C01  }
0x49f: {  	[timem:s3], [sflag:s2] =	dma.local @!p0 [hbm:s0], s1  }
0x4a0: {  	s0 =	simm.s32 @!p0 $0x1  }
0x4a1: {  	_ =	swait.ge @!p0 [sflag:s0], s1  }
0x4a2: {  	s1 =	ssub.s32 @!p0 $0x0, s1;
	[sflag:s0] =	ssyncset.done @!p0 $0x0  }
0x4a3: {  	[sflag:s0] =	ssyncadd.s32 @!p0 s1  }
0x4a4: {  	[bflag:$0x3] =	sbarrier.arrive $0xFFFF  }
0x4a5: {  	_ =	shalt  }

</sc_bundles>
